<compile_context>
chip_gen: v7x
topology: tpu7x:2x2x1
jax: 0.10.2.dev20260603
libtpu: 0.0.44.dev20260713+nightly
codegen_flags: <defaults>
</compile_context>

<pallas_src>
import functools

import jax
import jax.numpy as jnp
from jax import lax
from jax.experimental import pallas as pl
from jax.experimental.pallas import tpu as pltpu
from jax.experimental.pallas import tpu_sc as plsc

N = 10000
N_PAD = 10240
E = 320000
D = 128
NCLS = 40

NC = 2
NS = 16
NW = NC * NS
_CPW0 = -(-E // (NW * 128))
CPW_P = _CPW0 + (-_CPW0) % 4
CH_P = 128
EPW = CPW_P * CH_P
E_PAD = NW * EPW
HCH = CPW_P // 2
ROWS_PER_TILE = N_PAD // NS

_MESH = plsc.VectorSubcoreMesh(core_axis_name="c", subcore_axis_name="s")


def _zero_vmem(buf, rows, cols):
    zv = jnp.zeros((16,), jnp.float32)

    def body(t, _):
        i = t // (cols // 16)
        j = t % (cols // 16)
        buf[i, pl.ds(j * 16, 16)] = zv
        return 0

    lax.fori_loop(0, rows * (cols // 16), body, 0)


@functools.partial(
    pl.kernel,
    out_type=jax.ShapeDtypeStruct((NC, N_PAD, D), jnp.float32),
    mesh=_MESH,
    scratch_types=[
        pltpu.VMEM((HCH, CH_P), jnp.int32),
        pltpu.VMEM((HCH, CH_P), jnp.int32),
        pltpu.VMEM((CH_P, D), jnp.float32),
        pltpu.VMEM((CH_P, D), jnp.float32),
        pltpu.VMEM_SHARED((N_PAD, D), jnp.float32),
        pltpu.SemaphoreType.DMA,
        pltpu.SemaphoreType.DMA,
    ],
)
def _sc_propagate(y_hbm, src_hbm, dst_hbm, out_hbm,
                  src_v, dst_v, rows0, rows1, acc_sh, sg0, sg1):
    cid = lax.axis_index("c")
    sid = lax.axis_index("s")
    wid = cid * NS + sid

    pltpu.async_copy(src_hbm.at[wid, pl.ds(0, HCH)], src_v, sg0)
    pltpu.async_copy(dst_hbm.at[wid, pl.ds(0, HCH)], dst_v, sg1)

    _zero_vmem(rows1, CH_P, D)

    def zero_acc(t, _):
        pltpu.sync_copy(rows1,
                        acc_sh.at[pl.ds(sid * ROWS_PER_TILE + t * CH_P, CH_P)])
        return 0

    lax.fori_loop(0, ROWS_PER_TILE // CH_P, zero_acc, 0)

    pltpu.make_async_copy(src_hbm.at[wid, pl.ds(0, HCH)], src_v, sg0).wait()
    pltpu.make_async_copy(dst_hbm.at[wid, pl.ds(0, HCH)], dst_v, sg1).wait()
    pltpu.async_copy(y_hbm.at[src_v.at[0]], rows0, sg0)
    plsc.subcore_barrier()

    for h in range(2):
        if h == 1:
            pltpu.sync_copy(src_hbm.at[wid, pl.ds(HCH, HCH)], src_v)
            pltpu.sync_copy(dst_hbm.at[wid, pl.ds(HCH, HCH)], dst_v)
            pltpu.async_copy(y_hbm.at[src_v.at[0]], rows0, sg0)

        def chunk2(jj, _):
            j = jj * 2
            pltpu.async_copy(y_hbm.at[src_v.at[j + 1]], rows1, sg1)
            pltpu.make_async_copy(y_hbm.at[src_v.at[j]], rows0, sg0).wait()
            pltpu.sync_copy(rows0, acc_sh.at[dst_v.at[j]], add=True)
            j2 = jnp.minimum(j + 2, HCH - 1)
            pltpu.async_copy(y_hbm.at[src_v.at[j2]], rows0, sg0)
            pltpu.make_async_copy(y_hbm.at[src_v.at[j + 1]], rows1, sg1).wait()
            pltpu.sync_copy(rows1, acc_sh.at[dst_v.at[j + 1]], add=True)
            return 0

        lax.fori_loop(0, HCH // 2, chunk2, 0)
        pltpu.make_async_copy(y_hbm.at[src_v.at[0]], rows0, sg0).wait()
    plsc.subcore_barrier()

    pltpu.sync_copy(acc_sh.at[pl.ds(sid * ROWS_PER_TILE, ROWS_PER_TILE)],
                    out_hbm.at[cid, pl.ds(sid * ROWS_PER_TILE, ROWS_PER_TILE)])


@functools.partial(
    pl.kernel,
    out_type=jax.ShapeDtypeStruct((NC, N_PAD, D), jnp.float32),
    mesh=_MESH,
    scratch_types=[
        pltpu.VMEM((CPW_P, CH_P), jnp.int32),
        pltpu.VMEM((CH_P, D), jnp.float32),
        pltpu.VMEM((CH_P, D), jnp.float32),
        pltpu.VMEM_SHARED((N_PAD, D), jnp.float32),
        pltpu.SemaphoreType.DMA,
        pltpu.SemaphoreType.DMA,
    ],
)
def _sc_degree(dst_hbm, out_hbm, dst_v, ones_v, zbuf, acc_sh, sem0, sem1):
    cid = lax.axis_index("c")
    sid = lax.axis_index("s")
    wid = cid * NS + sid

    pltpu.async_copy(dst_hbm.at[wid], dst_v, sem0)

    _zero_vmem(zbuf, CH_P, D)
    ov = jnp.ones((16,), jnp.float32)

    def fill_ones(t, _):
        ones_v[t // (D // 16), pl.ds((t % (D // 16)) * 16, 16)] = ov
        return 0

    lax.fori_loop(0, CH_P * (D // 16), fill_ones, 0)

    def zero_acc(t, _):
        pltpu.sync_copy(zbuf,
                        acc_sh.at[pl.ds(sid * ROWS_PER_TILE + t * CH_P, CH_P)])
        return 0

    lax.fori_loop(0, ROWS_PER_TILE // CH_P, zero_acc, 0)

    pltpu.make_async_copy(dst_hbm.at[wid], dst_v, sem0).wait()
    plsc.subcore_barrier()

    pltpu.async_copy(ones_v, acc_sh.at[dst_v.at[0]], sem0, add=True)

    def chunk2(jj, _):
        j = jj * 2
        pltpu.async_copy(ones_v, acc_sh.at[dst_v.at[j + 1]], sem1, add=True)
        pltpu.make_async_copy(ones_v, acc_sh.at[dst_v.at[j]], sem0).wait()
        pltpu.async_copy(ones_v, acc_sh.at[dst_v.at[j + 2]], sem0, add=True)
        pltpu.make_async_copy(ones_v, acc_sh.at[dst_v.at[j + 1]], sem1).wait()
        return 0

    lax.fori_loop(0, CPW_P // 2 - 1, chunk2, 0)
    pltpu.async_copy(ones_v, acc_sh.at[dst_v.at[CPW_P - 1]], sem1, add=True)
    pltpu.make_async_copy(ones_v, acc_sh.at[dst_v.at[0]], sem0).wait()
    pltpu.make_async_copy(ones_v, acc_sh.at[dst_v.at[0]], sem1).wait()
    plsc.subcore_barrier()

    pltpu.sync_copy(acc_sh.at[pl.ds(sid * ROWS_PER_TILE, ROWS_PER_TILE)],
                    out_hbm.at[cid, pl.ds(sid * ROWS_PER_TILE, ROWS_PER_TILE)])



_BR = 400
_GRID = (N // _BR,)


def _dinv(d_ref):
    return lax.rsqrt(d_ref[0, :, 0:1] + d_ref[1, :, 0:1] + 1.0)


def _first_body(x_ref, w_ref, d_ref, o_ref):
    xw = jnp.dot(x_ref[...], w_ref[...], preferred_element_type=jnp.float32)
    o_ref[...] = xw * _dinv(d_ref)


def _mid_body(z_ref, y_ref, d_ref, b_ref, w_ref, o_ref):
    dinv = _dinv(d_ref)
    h = (z_ref[0] + z_ref[1] + y_ref[...]) * dinv + b_ref[...]
    h = jnp.maximum(h, 0.0)
    o_ref[...] = jnp.dot(h, w_ref[...], preferred_element_type=jnp.float32) * dinv


def _pre_last_body(z_ref, y_ref, d_ref, b_ref, o_ref):
    dinv = _dinv(d_ref)
    h = (z_ref[0] + z_ref[1] + y_ref[...]) * dinv + b_ref[...]
    o_ref[...] = jnp.maximum(h, 0.0) * dinv


def _final_body(z_ref, y_ref, d_ref, w_ref, b_ref, o_ref):
    dinv = _dinv(d_ref)
    o = (z_ref[0] + z_ref[1] + y_ref[...]) * dinv
    logits = jnp.dot(o, w_ref[...], preferred_element_type=jnp.float32) + b_ref[...]
    m = jnp.max(logits, axis=-1, keepdims=True)
    s = logits - m
    lse = jnp.log(jnp.sum(jnp.exp(s), axis=-1, keepdims=True))
    o_ref[...] = s - lse


def _row_spec(cols):
    return pl.BlockSpec((_BR, cols), lambda i: (i, 0))


_Z_SPEC = pl.BlockSpec((NC, _BR, D), lambda i: (0, i, 0))
_D_SPEC = pl.BlockSpec((NC, _BR, D), lambda i: (0, i, 0))


def _full_spec(r, c):
    return pl.BlockSpec((r, c), lambda i: (0, 0))


def _tc_first(x, w1, degp):
    return pl.pallas_call(
        _first_body,
        grid=_GRID,
        in_specs=[_row_spec(D), _full_spec(D, D), _D_SPEC],
        out_specs=_row_spec(D),
        out_shape=jax.ShapeDtypeStruct((N_PAD, D), jnp.float32),
    )(x, w1, degp)


def _tc_mid(z, y, degp, b, w):
    return pl.pallas_call(
        _mid_body,
        grid=_GRID,
        in_specs=[_Z_SPEC, _row_spec(D), _D_SPEC, _full_spec(1, D),
                  _full_spec(D, D)],
        out_specs=_row_spec(D),
        out_shape=jax.ShapeDtypeStruct((N_PAD, D), jnp.float32),
    )(z, y, degp, b.reshape(1, D), w)


def _tc_pre_last(z, y, degp, b):
    return pl.pallas_call(
        _pre_last_body,
        grid=_GRID,
        in_specs=[_Z_SPEC, _row_spec(D), _D_SPEC, _full_spec(1, D)],
        out_specs=_row_spec(D),
        out_shape=jax.ShapeDtypeStruct((N_PAD, D), jnp.float32),
    )(z, y, degp, b.reshape(1, D))


def _tc_final(z, y, degp, w, b):
    return pl.pallas_call(
        _final_body,
        grid=_GRID,
        in_specs=[_Z_SPEC, _row_spec(D), _D_SPEC, _full_spec(D, NCLS),
                  _full_spec(1, NCLS)],
        out_specs=_row_spec(NCLS),
        out_shape=jax.ShapeDtypeStruct((N, NCLS), jnp.float32),
    )(z, y, degp, w, b.reshape(1, NCLS))


def kernel(x, edge_index, W1, b1, W2, b2, W3, b3, W4, b4, W5, b5, W6, b6):
    src, dst = edge_index[0], edge_index[1]
    pad = E_PAD - E
    pad_idx = (N + jnp.arange(pad, dtype=jnp.int32) % (N_PAD - N))
    srcp = jnp.concatenate([src, pad_idx]).reshape(NW, CPW_P, CH_P)
    dstp = jnp.concatenate([dst, pad_idx]).reshape(NW, CPW_P, CH_P)

    degp = _sc_degree(dstp)

    y = _tc_first(x, W1, degp)
    for b, w in ((b1, W2), (b2, W3), (b3, W4), (b4, W5)):
        z = _sc_propagate(y, srcp, dstp)
        y = _tc_mid(z, y, degp, b, w)
    z = _sc_propagate(y, srcp, dstp)
    p = _tc_pre_last(z, y, degp, b5)
    z = _sc_propagate(p, srcp, dstp)
    return _tc_final(z, p, degp, W6, b6)

# --- scband reference (transcript-rebuilt; emitter-appended) ---
"""Pipeline reference for scband-gcn-30846455120743 (READ-ONLY COPY).

The authoritative reference and input builder live on the scoring server;
editing this copy changes nothing except your own understanding.
"""

import jax, jax.numpy as jnp
import numpy as np

N = 10000
E = 320000
D_IN = 128
HID = 128
N_CLS = 40


def _init_w(key, fan_in, fan_out):
    # Glorot-uniform like PyG GCNConv default
    limit = jnp.sqrt(6.0 / (fan_in + fan_out))
    return jax.random.uniform(key, (fan_in, fan_out), dtype=jnp.float32, minval=-limit, maxval=limit)


def setup_inputs(seed: int = 0) -> dict:
    key = jax.random.key(seed)
    ks = jax.random.split(key, 16)
    x = jax.random.normal(ks[0], (N, D_IN), dtype=jnp.float32)
    edge_index = jax.random.randint(ks[1], (2, E), 0, N, dtype=jnp.int32)
    dims = [(D_IN, HID), (HID, HID), (HID, HID), (HID, HID), (HID, HID), (HID, N_CLS)]
    inp = {"x": x, "edge_index": edge_index}
    for i, (fi, fo) in enumerate(dims):
        inp[f"W{i+1}"] = _init_w(ks[2 + i], fi, fo)
        inp[f"b{i+1}"] = jnp.zeros((fo,), dtype=jnp.float32)
    return inp


def _gcn_conv(x, edge_index, W, b):
    n = x.shape[0]
    loop = jnp.arange(n, dtype=edge_index.dtype)
    src = jnp.concatenate([edge_index[0], loop])
    dst = jnp.concatenate([edge_index[1], loop])
    deg = jnp.zeros((n,), dtype=jnp.float32).at[dst].add(1.0)
    dinv = jnp.where(deg > 0, deg ** -0.5, 0.0)
    norm = dinv[src] * dinv[dst]
    xw = x @ W
    msg = jnp.take(xw, src, axis=0) * norm[:, None]
    out = jnp.zeros((n, W.shape[1]), dtype=jnp.float32).at[dst].add(msg)
    return out + b


def reference(x, edge_index, W1, b1, W2, b2, W3, b3, W4, b4, W5, b5, W6, b6):
    # eval mode: F.dropout(training=False) is identity
    h = _gcn_conv(x, edge_index, W1, b1)
    h = jax.nn.relu(h)
    h = _gcn_conv(h, edge_index, W2, b2)
    h = jax.nn.relu(h)
    h = _gcn_conv(h, edge_index, W3, b3)
    h = jax.nn.relu(h)
    h = _gcn_conv(h, edge_index, W4, b4)
    h = jax.nn.relu(h)
    h = _gcn_conv(h, edge_index, W5, b5)
    h = jax.nn.relu(h)
    h = _gcn_conv(h, edge_index, W6, b6)
    return jax.nn.log_softmax(h, axis=-1)

if __name__ == "__main__":
    import jax
    _d = setup_inputs()
    print(jax.jit(kernel)(*tuple(_d.values())))

</pallas_src>

<mosaic_0001>
#map = affine_map<(d0, d1) -> (0, 0)>
#map1 = affine_map<(d0, d1) -> (0, 0, 0)>
module attributes {stable_mosaic.version = 14 : i64} {
  func.func @_sc_propagate(%arg0: i32, %arg1: i32, %arg2: memref<10240x128xf32, #tpu.memory_space<hbm>>, %arg3: memref<32x80x128xi32, #tpu.memory_space<hbm>>, %arg4: memref<32x80x128xi32, #tpu.memory_space<hbm>>, %arg5: memref<2x10240x128xf32, #tpu.memory_space<hbm>>, %arg6: memref<40x128xi32, #tpu.memory_space<vmem>>, %arg7: memref<40x128xi32, #tpu.memory_space<vmem>>, %arg8: memref<128x128xf32, #tpu.memory_space<vmem>>, %arg9: memref<128x128xf32, #tpu.memory_space<vmem>>, %arg10: memref<10240x128xf32, #tpu.memory_space<vmem_shared>>, %arg11: memref<!tpu.dma_semaphore, #tpu.memory_space<semaphore_mem>>, %arg12: memref<!tpu.dma_semaphore, #tpu.memory_space<semaphore_mem>>) attributes {dimension_semantics = [#tpu.dimension_semantics<core_parallel>, #tpu.dimension_semantics<subcore_parallel>], iteration_bounds = array<i64: 2, 16>, scalar_prefetch = 0 : i64, scratch_operands = 7 : i64, tpu.core_type = #tpu.core_type<sc_vector_subcore>, window_params = [{transform_indices = #map}, {transform_indices = #map1}, {transform_indices = #map1}, {transform_indices = #map1}]} {
    %mul3A = arith.constant 16 : i32
    %mul3A_0 = arith.muli %arg0, %mul3A : i32
    %add3A = arith.addi %mul3A_0, %arg1 : i32
    %dma_start3A = arith.constant 0 : i32
    %dma_start3A_1 = arith.constant 0 : i32
    %dma_start3A_2 = tpu.memref_slice %arg3[%add3A, %dma_start3A, %dma_start3A_1] : memref<32x80x128xi32, #tpu.memory_space<hbm>> -> memref<1x40x128xi32, #tpu.memory_space<hbm>>
    %dma_start3A_3 = tpu.memref_squeeze %dma_start3A_2 : memref<1x40x128xi32, #tpu.memory_space<hbm>> -> memref<40x128xi32, #tpu.memory_space<hbm>>
    %dma_start3A_4 = arith.constant 0 : i32
    %dma_start3A_5 = arith.constant 0 : i32
    %dma_start3A_6 = tpu.memref_slice %arg3[%add3A, %dma_start3A_4, %dma_start3A_5] : memref<32x80x128xi32, #tpu.memory_space<hbm>> -> memref<1x40x128xi32, #tpu.memory_space<hbm>>
    %dma_start3A_7 = tpu.memref_squeeze %dma_start3A_6 : memref<1x40x128xi32, #tpu.memory_space<hbm>> -> memref<40x128xi32, #tpu.memory_space<hbm>>
    tpu.enqueue_dma source(%dma_start3A_7 : memref<40x128xi32, #tpu.memory_space<hbm>>) target(%arg6 : memref<40x128xi32, #tpu.memory_space<vmem>>) target_semaphore(%arg11 : memref<!tpu.dma_semaphore, #tpu.memory_space<semaphore_mem>>)
    %dma_start3A_8 = arith.constant 0 : i32
    %dma_start3A_9 = arith.constant 0 : i32
    %dma_start3A_10 = tpu.memref_slice %arg4[%add3A, %dma_start3A_8, %dma_start3A_9] : memref<32x80x128xi32, #tpu.memory_space<hbm>> -> memref<1x40x128xi32, #tpu.memory_space<hbm>>
    %dma_start3A_11 = tpu.memref_squeeze %dma_start3A_10 : memref<1x40x128xi32, #tpu.memory_space<hbm>> -> memref<40x128xi32, #tpu.memory_space<hbm>>
    %dma_start3A_12 = arith.constant 0 : i32
    %dma_start3A_13 = arith.constant 0 : i32
    %dma_start3A_14 = tpu.memref_slice %arg4[%add3A, %dma_start3A_12, %dma_start3A_13] : memref<32x80x128xi32, #tpu.memory_space<hbm>> -> memref<1x40x128xi32, #tpu.memory_space<hbm>>
    %dma_start3A_15 = tpu.memref_squeeze %dma_start3A_14 : memref<1x40x128xi32, #tpu.memory_space<hbm>> -> memref<40x128xi32, #tpu.memory_space<hbm>>
    tpu.enqueue_dma source(%dma_start3A_15 : memref<40x128xi32, #tpu.memory_space<hbm>>) target(%arg7 : memref<40x128xi32, #tpu.memory_space<vmem>>) target_semaphore(%arg12 : memref<!tpu.dma_semaphore, #tpu.memory_space<semaphore_mem>>)
    %broadcast_in_dim3A = arith.constant 0.000000e+00 : f32
    %broadcast_in_dim3A_16 = vector.broadcast %broadcast_in_dim3A : f32 to vector<16xf32>
    %scan3A = arith.constant 0 : i32
    %scan3A_17 = arith.constant 0 : i32
    %scan3A_18 = arith.constant 1024 : i32
    %scan3A_19 = arith.addi %scan3A_17, %scan3A_18 : i32
    %scan3A_20 = arith.constant 1 : i32
    %scan3A_21 = scf.for %scan3A_92 = %scan3A_17 to %scan3A_19 step %scan3A_20 iter_args(%scan3A_93 = %scan3A) -> (i32)  : i32 {
      %jit3A = arith.constant 8 : i32
      %div3A = arith.divsi %scan3A_92, %jit3A : i32
      %sign3A = arith.constant 0 : i32
      %sign3A_94 = arith.cmpi sgt, %scan3A_92, %sign3A : i32
      %sign3A_95 = arith.extui %sign3A_94 : i1 to i32
      %sign3A_96 = arith.constant 0 : i32
      %sign3A_97 = arith.cmpi slt, %scan3A_92, %sign3A_96 : i32
      %sign3A_98 = arith.extui %sign3A_97 : i1 to i32
      %sign3A_99 = arith.subi %sign3A_95, %sign3A_98 : i32
      %sign3A_100 = arith.constant 0 : i32
      %sign3A_101 = arith.cmpi sgt, %jit3A, %sign3A_100 : i32
      %sign3A_102 = arith.extui %sign3A_101 : i1 to i32
      %sign3A_103 = arith.constant 0 : i32
      %sign3A_104 = arith.cmpi slt, %jit3A, %sign3A_103 : i32
      %sign3A_105 = arith.extui %sign3A_104 : i1 to i32
      %sign3A_106 = arith.subi %sign3A_102, %sign3A_105 : i32
      %ne3A = arith.cmpi ne, %sign3A_99, %sign3A_106 : i32
      %rem3A = arith.remsi %scan3A_92, %jit3A : i32
      %ne3A_107 = arith.constant 0 : i32
      %ne3A_108 = arith.cmpi ne, %rem3A, %ne3A_107 : i32
      %and3A = arith.andi %ne3A, %ne3A_108 : i1
      %sub3A = arith.constant 1 : i32
      %sub3A_109 = arith.subi %div3A, %sub3A : i32
      %select_n3A = arith.select %and3A, %sub3A_109, %div3A : i32
      %jit3A_110 = arith.constant 8 : i32
      %eq3A = arith.constant 0 : i32
      %eq3A_111 = arith.cmpi eq, %jit3A_110, %eq3A : i32
      %jit3A_112 = arith.constant 1 : i32
      %select_n3A_113 = arith.select %eq3A_111, %jit3A_112, %jit3A_110 : i32
      %rem3A_114 = arith.remsi %scan3A_92, %select_n3A_113 : i32
      %ne3A_115 = arith.constant 0 : i32
      %ne3A_116 = arith.cmpi ne, %rem3A_114, %ne3A_115 : i32
      %lt3A = arith.constant 0 : i32
      %lt3A_117 = arith.cmpi slt, %rem3A_114, %lt3A : i32
      %lt3A_118 = arith.constant 0 : i32
      %lt3A_119 = arith.cmpi slt, %select_n3A_113, %lt3A_118 : i32
      %ne3A_120 = arith.xori %lt3A_117, %lt3A_119 : i1
      %and3A_121 = arith.andi %ne3A_120, %ne3A_116 : i1
      %add3A_122 = arith.addi %rem3A_114, %select_n3A_113 : i32
      %select_n3A_123 = arith.select %and3A_121, %add3A_122, %rem3A_114 : i32
      %mul3A_124 = arith.constant 16 : i32
      %mul3A_125 = arith.muli %select_n3A_123, %mul3A_124 : i32
      %swap3A = arith.index_cast %select_n3A : i32 to index
      %swap3A_126 = arith.index_cast %mul3A_125 : i32 to index
      %swap3A_127 = tpu.vector_load %arg9[%swap3A, %swap3A_126] {strides = array<i32>} : memref<128x128xf32, #tpu.memory_space<vmem>>, vector<1x16xf32>,
      %swap3A_128 = vector.shape_cast %swap3A_127 : vector<1x16xf32> to vector<16xf32>
      %swap3A_129 = vector.shape_cast %broadcast_in_dim3A_16 : vector<16xf32> to vector<1x16xf32>
      tpu.vector_store %arg9[%swap3A, %swap3A_126], %swap3A_129 {strides = array<i32>} : memref<128x128xf32, #tpu.memory_space<vmem>>, vector<1x16xf32>,
      %scan3A_130 = arith.constant 0 : i32
      scf.yield %scan3A_130 : i32
    }
    %scan3A_22 = arith.constant 1024 : i32
    %scan3A_23 = arith.constant 0 : i32
    %scan3A_24 = arith.constant 0 : i32
    %scan3A_25 = arith.constant 5 : i32
    %scan3A_26 = arith.addi %scan3A_24, %scan3A_25 : i32
    %scan3A_27 = arith.constant 1 : i32
    %scan3A_28 = scf.for %scan3A_92 = %scan3A_24 to %scan3A_26 step %scan3A_27 iter_args(%scan3A_93 = %scan3A_23) -> (i32)  : i32 {
      %mul3A_94 = arith.constant 640 : i32
      %mul3A_95 = arith.muli %arg1, %mul3A_94 : i32
      %mul3A_96 = arith.constant 128 : i32
      %mul3A_97 = arith.muli %scan3A_92, %mul3A_96 : i32
      %add3A_98 = arith.addi %mul3A_95, %mul3A_97 : i32
      "tpu.region"() ({
        %run_scoped3A = tpu.sem_alloc : memref<!tpu.dma_semaphore, #tpu.memory_space<semaphore_mem>>
        %dma_start3A_100 = arith.constant 0 : i32
        %dma_start3A_101 = tpu.memref_slice %arg10[%add3A_98, %dma_start3A_100] : memref<10240x128xf32, #tpu.memory_space<vmem_shared>> -> memref<128x128xf32, #tpu.memory_space<vmem_shared>>
        %dma_start3A_102 = arith.constant 0 : i32
        %dma_start3A_103 = tpu.memref_slice %arg10[%add3A_98, %dma_start3A_102] : memref<10240x128xf32, #tpu.memory_space<vmem_shared>> -> memref<128x128xf32, #tpu.memory_space<vmem_shared>>
        tpu.enqueue_dma source(%arg9 : memref<128x128xf32, #tpu.memory_space<vmem>>) target(%dma_start3A_103 : memref<128x128xf32, #tpu.memory_space<vmem_shared>>) target_semaphore(%run_scoped3A : memref<!tpu.dma_semaphore, #tpu.memory_space<semaphore_mem>>)
        %dma_wait3A_104 = arith.constant 0 : i32
        %dma_wait3A_105 = tpu.memref_slice %arg10[%add3A_98, %dma_wait3A_104] : memref<10240x128xf32, #tpu.memory_space<vmem_shared>> -> memref<128x128xf32, #tpu.memory_space<vmem_shared>>
        %dma_wait3A_106 = arith.constant 0 : i32
        %dma_wait3A_107 = tpu.memref_slice %arg10[%add3A_98, %dma_wait3A_106] : memref<10240x128xf32, #tpu.memory_space<vmem_shared>> -> memref<128x128xf32, #tpu.memory_space<vmem_shared>>
        tpu.wait_dma2 semaphore(%run_scoped3A : memref<!tpu.dma_semaphore, #tpu.memory_space<semaphore_mem>>) src(%arg9 : memref<128x128xf32, #tpu.memory_space<vmem>>) dst(%dma_wait3A_107 : memref<128x128xf32, #tpu.memory_space<vmem_shared>>)
        tpu.yield
      }) : () -> ()
      %scan3A_99 = arith.constant 0 : i32
      scf.yield %scan3A_99 : i32
    }
    %scan3A_29 = arith.constant 5 : i32
    %dma_wait3A = arith.constant 0 : i32
    %dma_wait3A_30 = arith.constant 0 : i32
    %dma_wait3A_31 = tpu.memref_slice %arg3[%add3A, %dma_wait3A, %dma_wait3A_30] : memref<32x80x128xi32, #tpu.memory_space<hbm>> -> memref<1x40x128xi32, #tpu.memory_space<hbm>>
    %dma_wait3A_32 = tpu.memref_squeeze %dma_wait3A_31 : memref<1x40x128xi32, #tpu.memory_space<hbm>> -> memref<40x128xi32, #tpu.memory_space<hbm>>
    %dma_wait3A_33 = arith.constant 0 : i32
    %dma_wait3A_34 = arith.constant 0 : i32
    %dma_wait3A_35 = tpu.memref_slice %arg3[%add3A, %dma_wait3A_33, %dma_wait3A_34] : memref<32x80x128xi32, #tpu.memory_space<hbm>> -> memref<1x40x128xi32, #tpu.memory_space<hbm>>
    %dma_wait3A_36 = tpu.memref_squeeze %dma_wait3A_35 : memref<1x40x128xi32, #tpu.memory_space<hbm>> -> memref<40x128xi32, #tpu.memory_space<hbm>>
    tpu.wait_dma2 semaphore(%arg11 : memref<!tpu.dma_semaphore, #tpu.memory_space<semaphore_mem>>) src(%dma_wait3A_36 : memref<40x128xi32, #tpu.memory_space<hbm>>) dst(%arg6 : memref<40x128xi32, #tpu.memory_space<vmem>>)
    %dma_wait3A_37 = arith.constant 0 : i32
    %dma_wait3A_38 = arith.constant 0 : i32
    %dma_wait3A_39 = tpu.memref_slice %arg4[%add3A, %dma_wait3A_37, %dma_wait3A_38] : memref<32x80x128xi32, #tpu.memory_space<hbm>> -> memref<1x40x128xi32, #tpu.memory_space<hbm>>
    %dma_wait3A_40 = tpu.memref_squeeze %dma_wait3A_39 : memref<1x40x128xi32, #tpu.memory_space<hbm>> -> memref<40x128xi32, #tpu.memory_space<hbm>>
    %dma_wait3A_41 = arith.constant 0 : i32
    %dma_wait3A_42 = arith.constant 0 : i32
    %dma_wait3A_43 = tpu.memref_slice %arg4[%add3A, %dma_wait3A_41, %dma_wait3A_42] : memref<32x80x128xi32, #tpu.memory_space<hbm>> -> memref<1x40x128xi32, #tpu.memory_space<hbm>>
    %dma_wait3A_44 = tpu.memref_squeeze %dma_wait3A_43 : memref<1x40x128xi32, #tpu.memory_space<hbm>> -> memref<40x128xi32, #tpu.memory_space<hbm>>
    tpu.wait_dma2 semaphore(%arg12 : memref<!tpu.dma_semaphore, #tpu.memory_space<semaphore_mem>>) src(%dma_wait3A_44 : memref<40x128xi32, #tpu.memory_space<hbm>>) dst(%arg7 : memref<40x128xi32, #tpu.memory_space<vmem>>)
    %dma_start3A_45 = arith.constant 0 : i32
    %dma_start3A_46 = arith.constant 0 : i32
    %dma_start3A_47 = tpu.memref_slice %arg6[%dma_start3A_45, %dma_start3A_46] : memref<40x128xi32, #tpu.memory_space<vmem>> -> memref<1x128xi32, #tpu.memory_space<vmem>>
    %dma_start3A_48 = tpu.memref_squeeze %dma_start3A_47 : memref<1x128xi32, #tpu.memory_space<vmem>> -> memref<128xi32, #tpu.memory_space<vmem>>
    %dma_start3A_49 = arith.constant 0 : i32
    %dma_start3A_50 = arith.constant 0 : i32
    %dma_start3A_51 = tpu.memref_slice %arg2[%dma_start3A_49, %dma_start3A_50] : memref<10240x128xf32, #tpu.memory_space<hbm>> -> memref<10240x128xf32, #tpu.memory_space<hbm>>
    tpu.enqueue_indirect_dma source(%dma_start3A_51 : memref<10240x128xf32, #tpu.memory_space<hbm>>) target(%arg8 : memref<128x128xf32, #tpu.memory_space<vmem>>) offsets(%dma_start3A_48 : memref<128xi32, #tpu.memory_space<vmem>>) semaphore(%arg11 : memref<!tpu.dma_semaphore, #tpu.memory_space<semaphore_mem>>)
    %barrier3A = arith.constant 0 : index
    tpu.barrier barrier_id(%barrier3A)
    %scan3A_52 = arith.constant 0 : i32
    %scan3A_53 = arith.constant 0 : i32
    %scan3A_54 = arith.constant 20 : i32
    %scan3A_55 = arith.addi %scan3A_53, %scan3A_54 : i32
    %scan3A_56 = arith.constant 1 : i32
    %scan3A_57 = scf.for %scan3A_92 = %scan3A_53 to %scan3A_55 step %scan3A_56 iter_args(%scan3A_93 = %scan3A_52) -> (i32)  : i32 {
      %mul3A_94 = arith.constant 2 : i32
      %mul3A_95 = arith.muli %scan3A_92, %mul3A_94 : i32
      %add3A_96 = arith.constant 1 : i32
      %add3A_97 = arith.addi %mul3A_95, %add3A_96 : i32
      %dma_start3A_98 = arith.constant 0 : i32
      %dma_start3A_99 = tpu.memref_slice %arg6[%add3A_97, %dma_start3A_98] : memref<40x128xi32, #tpu.memory_space<vmem>> -> memref<1x128xi32, #tpu.memory_space<vmem>>
      %dma_start3A_100 = tpu.memref_squeeze %dma_start3A_99 : memref<1x128xi32, #tpu.memory_space<vmem>> -> memref<128xi32, #tpu.memory_space<vmem>>
      %dma_start3A_101 = arith.constant 0 : i32
      %dma_start3A_102 = arith.constant 0 : i32
      %dma_start3A_103 = tpu.memref_slice %arg2[%dma_start3A_101, %dma_start3A_102] : memref<10240x128xf32, #tpu.memory_space<hbm>> -> memref<10240x128xf32, #tpu.memory_space<hbm>>
      tpu.enqueue_indirect_dma source(%dma_start3A_103 : memref<10240x128xf32, #tpu.memory_space<hbm>>) target(%arg9 : memref<128x128xf32, #tpu.memory_space<vmem>>) offsets(%dma_start3A_100 : memref<128xi32, #tpu.memory_space<vmem>>) semaphore(%arg12 : memref<!tpu.dma_semaphore, #tpu.memory_space<semaphore_mem>>)
      %dma_wait3A_104 = arith.constant 0 : i32
      %dma_wait3A_105 = tpu.memref_slice %arg6[%mul3A_95, %dma_wait3A_104] : memref<40x128xi32, #tpu.memory_space<vmem>> -> memref<1x128xi32, #tpu.memory_space<vmem>>
      %dma_wait3A_106 = tpu.memref_squeeze %dma_wait3A_105 : memref<1x128xi32, #tpu.memory_space<vmem>> -> memref<128xi32, #tpu.memory_space<vmem>>
      %dma_wait3A_107 = arith.constant 0 : i32
      %dma_wait3A_108 = arith.constant 0 : i32
      %dma_wait3A_109 = tpu.memref_slice %arg2[%dma_wait3A_107, %dma_wait3A_108] : memref<10240x128xf32, #tpu.memory_space<hbm>> -> memref<10240x128xf32, #tpu.memory_space<hbm>>
      tpu.wait_indirect_dma semaphore(%arg11 : memref<!tpu.dma_semaphore, #tpu.memory_space<semaphore_mem>>) src(%dma_wait3A_109 : memref<10240x128xf32, #tpu.memory_space<hbm>>) dst(%arg8 : memref<128x128xf32, #tpu.memory_space<vmem>>)
      "tpu.region"() ({
        %run_scoped3A = tpu.sem_alloc : memref<!tpu.dma_semaphore, #tpu.memory_space<semaphore_mem>>
        %dma_start3A_130 = arith.constant 0 : i32
        %dma_start3A_131 = tpu.memref_slice %arg7[%mul3A_95, %dma_start3A_130] : memref<40x128xi32, #tpu.memory_space<vmem>> -> memref<1x128xi32, #tpu.memory_space<vmem>>
        %dma_start3A_132 = tpu.memref_squeeze %dma_start3A_131 : memref<1x128xi32, #tpu.memory_space<vmem>> -> memref<128xi32, #tpu.memory_space<vmem>>
        %dma_start3A_133 = arith.constant 0 : i32
        %dma_start3A_134 = arith.constant 0 : i32
        %dma_start3A_135 = tpu.memref_slice %arg10[%dma_start3A_133, %dma_start3A_134] : memref<10240x128xf32, #tpu.memory_space<vmem_shared>> -> memref<10240x128xf32, #tpu.memory_space<vmem_shared>>
        tpu.enqueue_indirect_dma source(%arg8 : memref<128x128xf32, #tpu.memory_space<vmem>>) target(%dma_start3A_135 : memref<10240x128xf32, #tpu.memory_space<vmem_shared>>) offsets(%dma_start3A_132 : memref<128xi32, #tpu.memory_space<vmem>>) semaphore(%run_scoped3A : memref<!tpu.dma_semaphore, #tpu.memory_space<semaphore_mem>>) {add = true}
        %dma_wait3A_136 = arith.constant 0 : i32
        %dma_wait3A_137 = tpu.memref_slice %arg7[%mul3A_95, %dma_wait3A_136] : memref<40x128xi32, #tpu.memory_space<vmem>> -> memref<1x128xi32, #tpu.memory_space<vmem>>
        %dma_wait3A_138 = tpu.memref_squeeze %dma_wait3A_137 : memref<1x128xi32, #tpu.memory_space<vmem>> -> memref<128xi32, #tpu.memory_space<vmem>>
        %dma_wait3A_139 = arith.constant 0 : i32
        %dma_wait3A_140 = arith.constant 0 : i32
        %dma_wait3A_141 = tpu.memref_slice %arg10[%dma_wait3A_139, %dma_wait3A_140] : memref<10240x128xf32, #tpu.memory_space<vmem_shared>> -> memref<10240x128xf32, #tpu.memory_space<vmem_shared>>
        tpu.wait_indirect_dma semaphore(%run_scoped3A : memref<!tpu.dma_semaphore, #tpu.memory_space<semaphore_mem>>) src(%arg8 : memref<128x128xf32, #tpu.memory_space<vmem>>) dst(%dma_wait3A_141 : memref<10240x128xf32, #tpu.memory_space<vmem_shared>>)
        tpu.yield
      }) : () -> ()
      %add3A_110 = arith.constant 2 : i32
      %add3A_111 = arith.addi %mul3A_95, %add3A_110 : i32
      %min3A = arith.constant 39 : i32
      %min3A_112 = arith.minsi %add3A_111, %min3A : i32
      %dma_start3A_113 = arith.constant 0 : i32
      %dma_start3A_114 = tpu.memref_slice %arg6[%min3A_112, %dma_start3A_113] : memref<40x128xi32, #tpu.memory_space<vmem>> -> memref<1x128xi32, #tpu.memory_space<vmem>>
      %dma_start3A_115 = tpu.memref_squeeze %dma_start3A_114 : memref<1x128xi32, #tpu.memory_space<vmem>> -> memref<128xi32, #tpu.memory_space<vmem>>
      %dma_start3A_116 = arith.constant 0 : i32
      %dma_start3A_117 = arith.constant 0 : i32
      %dma_start3A_118 = tpu.memref_slice %arg2[%dma_start3A_116, %dma_start3A_117] : memref<10240x128xf32, #tpu.memory_space<hbm>> -> memref<10240x128xf32, #tpu.memory_space<hbm>>
      tpu.enqueue_indirect_dma source(%dma_start3A_118 : memref<10240x128xf32, #tpu.memory_space<hbm>>) target(%arg8 : memref<128x128xf32, #tpu.memory_space<vmem>>) offsets(%dma_start3A_115 : memref<128xi32, #tpu.memory_space<vmem>>) semaphore(%arg11 : memref<!tpu.dma_semaphore, #tpu.memory_space<semaphore_mem>>)
      %add3A_119 = arith.constant 1 : i32
      %add3A_120 = arith.addi %mul3A_95, %add3A_119 : i32
      %dma_wait3A_121 = arith.constant 0 : i32
      %dma_wait3A_122 = tpu.memref_slice %arg6[%add3A_120, %dma_wait3A_121] : memref<40x128xi32, #tpu.memory_space<vmem>> -> memref<1x128xi32, #tpu.memory_space<vmem>>
      %dma_wait3A_123 = tpu.memref_squeeze %dma_wait3A_122 : memref<1x128xi32, #tpu.memory_space<vmem>> -> memref<128xi32, #tpu.memory_space<vmem>>
      %dma_wait3A_124 = arith.constant 0 : i32
      %dma_wait3A_125 = arith.constant 0 : i32
      %dma_wait3A_126 = tpu.memref_slice %arg2[%dma_wait3A_124, %dma_wait3A_125] : memref<10240x128xf32, #tpu.memory_space<hbm>> -> memref<10240x128xf32, #tpu.memory_space<hbm>>
      tpu.wait_indirect_dma semaphore(%arg12 : memref<!tpu.dma_semaphore, #tpu.memory_space<semaphore_mem>>) src(%dma_wait3A_126 : memref<10240x128xf32, #tpu.memory_space<hbm>>) dst(%arg9 : memref<128x128xf32, #tpu.memory_space<vmem>>)
      %add3A_127 = arith.constant 1 : i32
      %add3A_128 = arith.addi %mul3A_95, %add3A_127 : i32
      "tpu.region"() ({
        %run_scoped3A = tpu.sem_alloc : memref<!tpu.dma_semaphore, #tpu.memory_space<semaphore_mem>>
        %dma_start3A_130 = arith.constant 0 : i32
        %dma_start3A_131 = tpu.memref_slice %arg7[%add3A_128, %dma_start3A_130] : memref<40x128xi32, #tpu.memory_space<vmem>> -> memref<1x128xi32, #tpu.memory_space<vmem>>
        %dma_start3A_132 = tpu.memref_squeeze %dma_start3A_131 : memref<1x128xi32, #tpu.memory_space<vmem>> -> memref<128xi32, #tpu.memory_space<vmem>>
        %dma_start3A_133 = arith.constant 0 : i32
        %dma_start3A_134 = arith.constant 0 : i32
        %dma_start3A_135 = tpu.memref_slice %arg10[%dma_start3A_133, %dma_start3A_134] : memref<10240x128xf32, #tpu.memory_space<vmem_shared>> -> memref<10240x128xf32, #tpu.memory_space<vmem_shared>>
        tpu.enqueue_indirect_dma source(%arg9 : memref<128x128xf32, #tpu.memory_space<vmem>>) target(%dma_start3A_135 : memref<10240x128xf32, #tpu.memory_space<vmem_shared>>) offsets(%dma_start3A_132 : memref<128xi32, #tpu.memory_space<vmem>>) semaphore(%run_scoped3A : memref<!tpu.dma_semaphore, #tpu.memory_space<semaphore_mem>>) {add = true}
        %dma_wait3A_136 = arith.constant 0 : i32
        %dma_wait3A_137 = tpu.memref_slice %arg7[%add3A_128, %dma_wait3A_136] : memref<40x128xi32, #tpu.memory_space<vmem>> -> memref<1x128xi32, #tpu.memory_space<vmem>>
        %dma_wait3A_138 = tpu.memref_squeeze %dma_wait3A_137 : memref<1x128xi32, #tpu.memory_space<vmem>> -> memref<128xi32, #tpu.memory_space<vmem>>
        %dma_wait3A_139 = arith.constant 0 : i32
        %dma_wait3A_140 = arith.constant 0 : i32
        %dma_wait3A_141 = tpu.memref_slice %arg10[%dma_wait3A_139, %dma_wait3A_140] : memref<10240x128xf32, #tpu.memory_space<vmem_shared>> -> memref<10240x128xf32, #tpu.memory_space<vmem_shared>>
        tpu.wait_indirect_dma semaphore(%run_scoped3A : memref<!tpu.dma_semaphore, #tpu.memory_space<semaphore_mem>>) src(%arg9 : memref<128x128xf32, #tpu.memory_space<vmem>>) dst(%dma_wait3A_141 : memref<10240x128xf32, #tpu.memory_space<vmem_shared>>)
        tpu.yield
      }) : () -> ()
      %scan3A_129 = arith.constant 0 : i32
      scf.yield %scan3A_129 : i32
    }
    %scan3A_58 = arith.constant 20 : i32
    %dma_wait3A_59 = arith.constant 0 : i32
    %dma_wait3A_60 = arith.constant 0 : i32
    %dma_wait3A_61 = tpu.memref_slice %arg6[%dma_wait3A_59, %dma_wait3A_60] : memref<40x128xi32, #tpu.memory_space<vmem>> -> memref<1x128xi32, #tpu.memory_space<vmem>>
    %dma_wait3A_62 = tpu.memref_squeeze %dma_wait3A_61 : memref<1x128xi32, #tpu.memory_space<vmem>> -> memref<128xi32, #tpu.memory_space<vmem>>
    %dma_wait3A_63 = arith.constant 0 : i32
    %dma_wait3A_64 = arith.constant 0 : i32
    %dma_wait3A_65 = tpu.memref_slice %arg2[%dma_wait3A_63, %dma_wait3A_64] : memref<10240x128xf32, #tpu.memory_space<hbm>> -> memref<10240x128xf32, #tpu.memory_space<hbm>>
    tpu.wait_indirect_dma semaphore(%arg11 : memref<!tpu.dma_semaphore, #tpu.memory_space<semaphore_mem>>) src(%dma_wait3A_65 : memref<10240x128xf32, #tpu.memory_space<hbm>>) dst(%arg8 : memref<128x128xf32, #tpu.memory_space<vmem>>)
    "tpu.region"() ({
      %run_scoped3A = tpu.sem_alloc : memref<!tpu.dma_semaphore, #tpu.memory_space<semaphore_mem>>
      %dma_start3A_92 = arith.constant 40 : i32
      %dma_start3A_93 = arith.constant 0 : i32
      %dma_start3A_94 = tpu.memref_slice %arg3[%add3A, %dma_start3A_92, %dma_start3A_93] : memref<32x80x128xi32, #tpu.memory_space<hbm>> -> memref<1x40x128xi32, #tpu.memory_space<hbm>>
      %dma_start3A_95 = tpu.memref_squeeze %dma_start3A_94 : memref<1x40x128xi32, #tpu.memory_space<hbm>> -> memref<40x128xi32, #tpu.memory_space<hbm>>
      %dma_start3A_96 = arith.constant 40 : i32
      %dma_start3A_97 = arith.constant 0 : i32
      %dma_start3A_98 = tpu.memref_slice %arg3[%add3A, %dma_start3A_96, %dma_start3A_97] : memref<32x80x128xi32, #tpu.memory_space<hbm>> -> memref<1x40x128xi32, #tpu.memory_space<hbm>>
      %dma_start3A_99 = tpu.memref_squeeze %dma_start3A_98 : memref<1x40x128xi32, #tpu.memory_space<hbm>> -> memref<40x128xi32, #tpu.memory_space<hbm>>
      tpu.enqueue_dma source(%dma_start3A_99 : memref<40x128xi32, #tpu.memory_space<hbm>>) target(%arg6 : memref<40x128xi32, #tpu.memory_space<vmem>>) target_semaphore(%run_scoped3A : memref<!tpu.dma_semaphore, #tpu.memory_space<semaphore_mem>>)
      %dma_wait3A_100 = arith.constant 40 : i32
      %dma_wait3A_101 = arith.constant 0 : i32
      %dma_wait3A_102 = tpu.memref_slice %arg3[%add3A, %dma_wait3A_100, %dma_wait3A_101] : memref<32x80x128xi32, #tpu.memory_space<hbm>> -> memref<1x40x128xi32, #tpu.memory_space<hbm>>
      %dma_wait3A_103 = tpu.memref_squeeze %dma_wait3A_102 : memref<1x40x128xi32, #tpu.memory_space<hbm>> -> memref<40x128xi32, #tpu.memory_space<hbm>>
      %dma_wait3A_104 = arith.constant 40 : i32
      %dma_wait3A_105 = arith.constant 0 : i32
      %dma_wait3A_106 = tpu.memref_slice %arg3[%add3A, %dma_wait3A_104, %dma_wait3A_105] : memref<32x80x128xi32, #tpu.memory_space<hbm>> -> memref<1x40x128xi32, #tpu.memory_space<hbm>>
      %dma_wait3A_107 = tpu.memref_squeeze %dma_wait3A_106 : memref<1x40x128xi32, #tpu.memory_space<hbm>> -> memref<40x128xi32, #tpu.memory_space<hbm>>
      tpu.wait_dma2 semaphore(%run_scoped3A : memref<!tpu.dma_semaphore, #tpu.memory_space<semaphore_mem>>) src(%dma_wait3A_107 : memref<40x128xi32, #tpu.memory_space<hbm>>) dst(%arg6 : memref<40x128xi32, #tpu.memory_space<vmem>>)
      tpu.yield
    }) : () -> ()
    "tpu.region"() ({
      %run_scoped3A = tpu.sem_alloc : memref<!tpu.dma_semaphore, #tpu.memory_space<semaphore_mem>>
      %dma_start3A_92 = arith.constant 40 : i32
      %dma_start3A_93 = arith.constant 0 : i32
      %dma_start3A_94 = tpu.memref_slice %arg4[%add3A, %dma_start3A_92, %dma_start3A_93] : memref<32x80x128xi32, #tpu.memory_space<hbm>> -> memref<1x40x128xi32, #tpu.memory_space<hbm>>
      %dma_start3A_95 = tpu.memref_squeeze %dma_start3A_94 : memref<1x40x128xi32, #tpu.memory_space<hbm>> -> memref<40x128xi32, #tpu.memory_space<hbm>>
      %dma_start3A_96 = arith.constant 40 : i32
      %dma_start3A_97 = arith.constant 0 : i32
      %dma_start3A_98 = tpu.memref_slice %arg4[%add3A, %dma_start3A_96, %dma_start3A_97] : memref<32x80x128xi32, #tpu.memory_space<hbm>> -> memref<1x40x128xi32, #tpu.memory_space<hbm>>
      %dma_start3A_99 = tpu.memref_squeeze %dma_start3A_98 : memref<1x40x128xi32, #tpu.memory_space<hbm>> -> memref<40x128xi32, #tpu.memory_space<hbm>>
      tpu.enqueue_dma source(%dma_start3A_99 : memref<40x128xi32, #tpu.memory_space<hbm>>) target(%arg7 : memref<40x128xi32, #tpu.memory_space<vmem>>) target_semaphore(%run_scoped3A : memref<!tpu.dma_semaphore, #tpu.memory_space<semaphore_mem>>)
      %dma_wait3A_100 = arith.constant 40 : i32
      %dma_wait3A_101 = arith.constant 0 : i32
      %dma_wait3A_102 = tpu.memref_slice %arg4[%add3A, %dma_wait3A_100, %dma_wait3A_101] : memref<32x80x128xi32, #tpu.memory_space<hbm>> -> memref<1x40x128xi32, #tpu.memory_space<hbm>>
      %dma_wait3A_103 = tpu.memref_squeeze %dma_wait3A_102 : memref<1x40x128xi32, #tpu.memory_space<hbm>> -> memref<40x128xi32, #tpu.memory_space<hbm>>
      %dma_wait3A_104 = arith.constant 40 : i32
      %dma_wait3A_105 = arith.constant 0 : i32
      %dma_wait3A_106 = tpu.memref_slice %arg4[%add3A, %dma_wait3A_104, %dma_wait3A_105] : memref<32x80x128xi32, #tpu.memory_space<hbm>> -> memref<1x40x128xi32, #tpu.memory_space<hbm>>
      %dma_wait3A_107 = tpu.memref_squeeze %dma_wait3A_106 : memref<1x40x128xi32, #tpu.memory_space<hbm>> -> memref<40x128xi32, #tpu.memory_space<hbm>>
      tpu.wait_dma2 semaphore(%run_scoped3A : memref<!tpu.dma_semaphore, #tpu.memory_space<semaphore_mem>>) src(%dma_wait3A_107 : memref<40x128xi32, #tpu.memory_space<hbm>>) dst(%arg7 : memref<40x128xi32, #tpu.memory_space<vmem>>)
      tpu.yield
    }) : () -> ()
    %dma_start3A_66 = arith.constant 0 : i32
    %dma_start3A_67 = arith.constant 0 : i32
    %dma_start3A_68 = tpu.memref_slice %arg6[%dma_start3A_66, %dma_start3A_67] : memref<40x128xi32, #tpu.memory_space<vmem>> -> memref<1x128xi32, #tpu.memory_space<vmem>>
    %dma_start3A_69 = tpu.memref_squeeze %dma_start3A_68 : memref<1x128xi32, #tpu.memory_space<vmem>> -> memref<128xi32, #tpu.memory_space<vmem>>
    %dma_start3A_70 = arith.constant 0 : i32
    %dma_start3A_71 = arith.constant 0 : i32
    %dma_start3A_72 = tpu.memref_slice %arg2[%dma_start3A_70, %dma_start3A_71] : memref<10240x128xf32, #tpu.memory_space<hbm>> -> memref<10240x128xf32, #tpu.memory_space<hbm>>
    tpu.enqueue_indirect_dma source(%dma_start3A_72 : memref<10240x128xf32, #tpu.memory_space<hbm>>) target(%arg8 : memref<128x128xf32, #tpu.memory_space<vmem>>) offsets(%dma_start3A_69 : memref<128xi32, #tpu.memory_space<vmem>>) semaphore(%arg11 : memref<!tpu.dma_semaphore, #tpu.memory_space<semaphore_mem>>)
    %scan3A_73 = arith.constant 0 : i32
    %scan3A_74 = arith.constant 0 : i32
    %scan3A_75 = arith.constant 20 : i32
    %scan3A_76 = arith.addi %scan3A_74, %scan3A_75 : i32
    %scan3A_77 = arith.constant 1 : i32
    %scan3A_78 = scf.for %scan3A_92 = %scan3A_74 to %scan3A_76 step %scan3A_77 iter_args(%scan3A_93 = %scan3A_73) -> (i32)  : i32 {
      %mul3A_94 = arith.constant 2 : i32
      %mul3A_95 = arith.muli %scan3A_92, %mul3A_94 : i32
      %add3A_96 = arith.constant 1 : i32
      %add3A_97 = arith.addi %mul3A_95, %add3A_96 : i32
      %dma_start3A_98 = arith.constant 0 : i32
      %dma_start3A_99 = tpu.memref_slice %arg6[%add3A_97, %dma_start3A_98] : memref<40x128xi32, #tpu.memory_space<vmem>> -> memref<1x128xi32, #tpu.memory_space<vmem>>
      %dma_start3A_100 = tpu.memref_squeeze %dma_start3A_99 : memref<1x128xi32, #tpu.memory_space<vmem>> -> memref<128xi32, #tpu.memory_space<vmem>>
      %dma_start3A_101 = arith.constant 0 : i32
      %dma_start3A_102 = arith.constant 0 : i32
      %dma_start3A_103 = tpu.memref_slice %arg2[%dma_start3A_101, %dma_start3A_102] : memref<10240x128xf32, #tpu.memory_space<hbm>> -> memref<10240x128xf32, #tpu.memory_space<hbm>>
      tpu.enqueue_indirect_dma source(%dma_start3A_103 : memref<10240x128xf32, #tpu.memory_space<hbm>>) target(%arg9 : memref<128x128xf32, #tpu.memory_space<vmem>>) offsets(%dma_start3A_100 : memref<128xi32, #tpu.memory_space<vmem>>) semaphore(%arg12 : memref<!tpu.dma_semaphore, #tpu.memory_space<semaphore_mem>>)
      %dma_wait3A_104 = arith.constant 0 : i32
      %dma_wait3A_105 = tpu.memref_slice %arg6[%mul3A_95, %dma_wait3A_104] : memref<40x128xi32, #tpu.memory_space<vmem>> -> memref<1x128xi32, #tpu.memory_space<vmem>>
      %dma_wait3A_106 = tpu.memref_squeeze %dma_wait3A_105 : memref<1x128xi32, #tpu.memory_space<vmem>> -> memref<128xi32, #tpu.memory_space<vmem>>
      %dma_wait3A_107 = arith.constant 0 : i32
      %dma_wait3A_108 = arith.constant 0 : i32
      %dma_wait3A_109 = tpu.memref_slice %arg2[%dma_wait3A_107, %dma_wait3A_108] : memref<10240x128xf32, #tpu.memory_space<hbm>> -> memref<10240x128xf32, #tpu.memory_space<hbm>>
      tpu.wait_indirect_dma semaphore(%arg11 : memref<!tpu.dma_semaphore, #tpu.memory_space<semaphore_mem>>) src(%dma_wait3A_109 : memref<10240x128xf32, #tpu.memory_space<hbm>>) dst(%arg8 : memref<128x128xf32, #tpu.memory_space<vmem>>)
      "tpu.region"() ({
        %run_scoped3A = tpu.sem_alloc : memref<!tpu.dma_semaphore, #tpu.memory_space<semaphore_mem>>
        %dma_start3A_130 = arith.constant 0 : i32
        %dma_start3A_131 = tpu.memref_slice %arg7[%mul3A_95, %dma_start3A_130] : memref<40x128xi32, #tpu.memory_space<vmem>> -> memref<1x128xi32, #tpu.memory_space<vmem>>
        %dma_start3A_132 = tpu.memref_squeeze %dma_start3A_131 : memref<1x128xi32, #tpu.memory_space<vmem>> -> memref<128xi32, #tpu.memory_space<vmem>>
        %dma_start3A_133 = arith.constant 0 : i32
        %dma_start3A_134 = arith.constant 0 : i32
        %dma_start3A_135 = tpu.memref_slice %arg10[%dma_start3A_133, %dma_start3A_134] : memref<10240x128xf32, #tpu.memory_space<vmem_shared>> -> memref<10240x128xf32, #tpu.memory_space<vmem_shared>>
        tpu.enqueue_indirect_dma source(%arg8 : memref<128x128xf32, #tpu.memory_space<vmem>>) target(%dma_start3A_135 : memref<10240x128xf32, #tpu.memory_space<vmem_shared>>) offsets(%dma_start3A_132 : memref<128xi32, #tpu.memory_space<vmem>>) semaphore(%run_scoped3A : memref<!tpu.dma_semaphore, #tpu.memory_space<semaphore_mem>>) {add = true}
        %dma_wait3A_136 = arith.constant 0 : i32
        %dma_wait3A_137 = tpu.memref_slice %arg7[%mul3A_95, %dma_wait3A_136] : memref<40x128xi32, #tpu.memory_space<vmem>> -> memref<1x128xi32, #tpu.memory_space<vmem>>
        %dma_wait3A_138 = tpu.memref_squeeze %dma_wait3A_137 : memref<1x128xi32, #tpu.memory_space<vmem>> -> memref<128xi32, #tpu.memory_space<vmem>>
        %dma_wait3A_139 = arith.constant 0 : i32
        %dma_wait3A_140 = arith.constant 0 : i32
        %dma_wait3A_141 = tpu.memref_slice %arg10[%dma_wait3A_139, %dma_wait3A_140] : memref<10240x128xf32, #tpu.memory_space<vmem_shared>> -> memref<10240x128xf32, #tpu.memory_space<vmem_shared>>
        tpu.wait_indirect_dma semaphore(%run_scoped3A : memref<!tpu.dma_semaphore, #tpu.memory_space<semaphore_mem>>) src(%arg8 : memref<128x128xf32, #tpu.memory_space<vmem>>) dst(%dma_wait3A_141 : memref<10240x128xf32, #tpu.memory_space<vmem_shared>>)
        tpu.yield
      }) : () -> ()
      %add3A_110 = arith.constant 2 : i32
      %add3A_111 = arith.addi %mul3A_95, %add3A_110 : i32
      %min3A = arith.constant 39 : i32
      %min3A_112 = arith.minsi %add3A_111, %min3A : i32
      %dma_start3A_113 = arith.constant 0 : i32
      %dma_start3A_114 = tpu.memref_slice %arg6[%min3A_112, %dma_start3A_113] : memref<40x128xi32, #tpu.memory_space<vmem>> -> memref<1x128xi32, #tpu.memory_space<vmem>>
      %dma_start3A_115 = tpu.memref_squeeze %dma_start3A_114 : memref<1x128xi32, #tpu.memory_space<vmem>> -> memref<128xi32, #tpu.memory_space<vmem>>
      %dma_start3A_116 = arith.constant 0 : i32
      %dma_start3A_117 = arith.constant 0 : i32
      %dma_start3A_118 = tpu.memref_slice %arg2[%dma_start3A_116, %dma_start3A_117] : memref<10240x128xf32, #tpu.memory_space<hbm>> -> memref<10240x128xf32, #tpu.memory_space<hbm>>
      tpu.enqueue_indirect_dma source(%dma_start3A_118 : memref<10240x128xf32, #tpu.memory_space<hbm>>) target(%arg8 : memref<128x128xf32, #tpu.memory_space<vmem>>) offsets(%dma_start3A_115 : memref<128xi32, #tpu.memory_space<vmem>>) semaphore(%arg11 : memref<!tpu.dma_semaphore, #tpu.memory_space<semaphore_mem>>)
      %add3A_119 = arith.constant 1 : i32
      %add3A_120 = arith.addi %mul3A_95, %add3A_119 : i32
      %dma_wait3A_121 = arith.constant 0 : i32
      %dma_wait3A_122 = tpu.memref_slice %arg6[%add3A_120, %dma_wait3A_121] : memref<40x128xi32, #tpu.memory_space<vmem>> -> memref<1x128xi32, #tpu.memory_space<vmem>>
      %dma_wait3A_123 = tpu.memref_squeeze %dma_wait3A_122 : memref<1x128xi32, #tpu.memory_space<vmem>> -> memref<128xi32, #tpu.memory_space<vmem>>
      %dma_wait3A_124 = arith.constant 0 : i32
      %dma_wait3A_125 = arith.constant 0 : i32
      %dma_wait3A_126 = tpu.memref_slice %arg2[%dma_wait3A_124, %dma_wait3A_125] : memref<10240x128xf32, #tpu.memory_space<hbm>> -> memref<10240x128xf32, #tpu.memory_space<hbm>>
      tpu.wait_indirect_dma semaphore(%arg12 : memref<!tpu.dma_semaphore, #tpu.memory_space<semaphore_mem>>) src(%dma_wait3A_126 : memref<10240x128xf32, #tpu.memory_space<hbm>>) dst(%arg9 : memref<128x128xf32, #tpu.memory_space<vmem>>)
      %add3A_127 = arith.constant 1 : i32
      %add3A_128 = arith.addi %mul3A_95, %add3A_127 : i32
      "tpu.region"() ({
        %run_scoped3A = tpu.sem_alloc : memref<!tpu.dma_semaphore, #tpu.memory_space<semaphore_mem>>
        %dma_start3A_130 = arith.constant 0 : i32
        %dma_start3A_131 = tpu.memref_slice %arg7[%add3A_128, %dma_start3A_130] : memref<40x128xi32, #tpu.memory_space<vmem>> -> memref<1x128xi32, #tpu.memory_space<vmem>>
        %dma_start3A_132 = tpu.memref_squeeze %dma_start3A_131 : memref<1x128xi32, #tpu.memory_space<vmem>> -> memref<128xi32, #tpu.memory_space<vmem>>
        %dma_start3A_133 = arith.constant 0 : i32
        %dma_start3A_134 = arith.constant 0 : i32
        %dma_start3A_135 = tpu.memref_slice %arg10[%dma_start3A_133, %dma_start3A_134] : memref<10240x128xf32, #tpu.memory_space<vmem_shared>> -> memref<10240x128xf32, #tpu.memory_space<vmem_shared>>
        tpu.enqueue_indirect_dma source(%arg9 : memref<128x128xf32, #tpu.memory_space<vmem>>) target(%dma_start3A_135 : memref<10240x128xf32, #tpu.memory_space<vmem_shared>>) offsets(%dma_start3A_132 : memref<128xi32, #tpu.memory_space<vmem>>) semaphore(%run_scoped3A : memref<!tpu.dma_semaphore, #tpu.memory_space<semaphore_mem>>) {add = true}
        %dma_wait3A_136 = arith.constant 0 : i32
        %dma_wait3A_137 = tpu.memref_slice %arg7[%add3A_128, %dma_wait3A_136] : memref<40x128xi32, #tpu.memory_space<vmem>> -> memref<1x128xi32, #tpu.memory_space<vmem>>
        %dma_wait3A_138 = tpu.memref_squeeze %dma_wait3A_137 : memref<1x128xi32, #tpu.memory_space<vmem>> -> memref<128xi32, #tpu.memory_space<vmem>>
        %dma_wait3A_139 = arith.constant 0 : i32
        %dma_wait3A_140 = arith.constant 0 : i32
        %dma_wait3A_141 = tpu.memref_slice %arg10[%dma_wait3A_139, %dma_wait3A_140] : memref<10240x128xf32, #tpu.memory_space<vmem_shared>> -> memref<10240x128xf32, #tpu.memory_space<vmem_shared>>
        tpu.wait_indirect_dma semaphore(%run_scoped3A : memref<!tpu.dma_semaphore, #tpu.memory_space<semaphore_mem>>) src(%arg9 : memref<128x128xf32, #tpu.memory_space<vmem>>) dst(%dma_wait3A_141 : memref<10240x128xf32, #tpu.memory_space<vmem_shared>>)
        tpu.yield
      }) : () -> ()
      %scan3A_129 = arith.constant 0 : i32
      scf.yield %scan3A_129 : i32
    }
    %scan3A_79 = arith.constant 20 : i32
    %dma_wait3A_80 = arith.constant 0 : i32
    %dma_wait3A_81 = arith.constant 0 : i32
    %dma_wait3A_82 = tpu.memref_slice %arg6[%dma_wait3A_80, %dma_wait3A_81] : memref<40x128xi32, #tpu.memory_space<vmem>> -> memref<1x128xi32, #tpu.memory_space<vmem>>
    %dma_wait3A_83 = tpu.memref_squeeze %dma_wait3A_82 : memref<1x128xi32, #tpu.memory_space<vmem>> -> memref<128xi32, #tpu.memory_space<vmem>>
    %dma_wait3A_84 = arith.constant 0 : i32
    %dma_wait3A_85 = arith.constant 0 : i32
    %dma_wait3A_86 = tpu.memref_slice %arg2[%dma_wait3A_84, %dma_wait3A_85] : memref<10240x128xf32, #tpu.memory_space<hbm>> -> memref<10240x128xf32, #tpu.memory_space<hbm>>
    tpu.wait_indirect_dma semaphore(%arg11 : memref<!tpu.dma_semaphore, #tpu.memory_space<semaphore_mem>>) src(%dma_wait3A_86 : memref<10240x128xf32, #tpu.memory_space<hbm>>) dst(%arg8 : memref<128x128xf32, #tpu.memory_space<vmem>>)
    %barrier3A_87 = arith.constant 0 : index
    tpu.barrier barrier_id(%barrier3A_87)
    %mul3A_88 = arith.constant 640 : i32
    %mul3A_89 = arith.muli %arg1, %mul3A_88 : i32
    %mul3A_90 = arith.constant 640 : i32
    %mul3A_91 = arith.muli %arg1, %mul3A_90 : i32
    "tpu.region"() ({
      %run_scoped3A = tpu.sem_alloc : memref<!tpu.dma_semaphore, #tpu.memory_space<semaphore_mem>>
      %dma_start3A_92 = arith.constant 0 : i32
      %dma_start3A_93 = tpu.memref_slice %arg5[%arg0, %mul3A_91, %dma_start3A_92] : memref<2x10240x128xf32, #tpu.memory_space<hbm>> -> memref<1x640x128xf32, #tpu.memory_space<hbm>>
      %dma_start3A_94 = tpu.memref_squeeze %dma_start3A_93 : memref<1x640x128xf32, #tpu.memory_space<hbm>> -> memref<640x128xf32, #tpu.memory_space<hbm>>
      %dma_start3A_95 = arith.constant 0 : i32
      %dma_start3A_96 = tpu.memref_slice %arg10[%mul3A_89, %dma_start3A_95] : memref<10240x128xf32, #tpu.memory_space<vmem_shared>> -> memref<640x128xf32, #tpu.memory_space<vmem_shared>>
      tpu.enqueue_dma source(%dma_start3A_96 : memref<640x128xf32, #tpu.memory_space<vmem_shared>>) target(%dma_start3A_94 : memref<640x128xf32, #tpu.memory_space<hbm>>) target_semaphore(%run_scoped3A : memref<!tpu.dma_semaphore, #tpu.memory_space<semaphore_mem>>)
      %dma_wait3A_97 = arith.constant 0 : i32
      %dma_wait3A_98 = tpu.memref_slice %arg5[%arg0, %mul3A_91, %dma_wait3A_97] : memref<2x10240x128xf32, #tpu.memory_space<hbm>> -> memref<1x640x128xf32, #tpu.memory_space<hbm>>
      %dma_wait3A_99 = tpu.memref_squeeze %dma_wait3A_98 : memref<1x640x128xf32, #tpu.memory_space<hbm>> -> memref<640x128xf32, #tpu.memory_space<hbm>>
      %dma_wait3A_100 = arith.constant 0 : i32
      %dma_wait3A_101 = tpu.memref_slice %arg10[%mul3A_89, %dma_wait3A_100] : memref<10240x128xf32, #tpu.memory_space<vmem_shared>> -> memref<640x128xf32, #tpu.memory_space<vmem_shared>>
      tpu.wait_dma2 semaphore(%run_scoped3A : memref<!tpu.dma_semaphore, #tpu.memory_space<semaphore_mem>>) src(%dma_wait3A_101 : memref<640x128xf32, #tpu.memory_space<vmem_shared>>) dst(%dma_wait3A_99 : memref<640x128xf32, #tpu.memory_space<hbm>>)
      tpu.yield
    }) : () -> ()
    return
  }
}

#map = affine_map<(d0, d1) -> (0, 0, 0)>
module attributes {stable_mosaic.version = 14 : i64} {
  func.func @_sc_degree(%arg0: i32, %arg1: i32, %arg2: memref<32x80x128xi32, #tpu.memory_space<hbm>>, %arg3: memref<2x10240x128xf32, #tpu.memory_space<hbm>>, %arg4: memref<80x128xi32, #tpu.memory_space<vmem>>, %arg5: memref<128x128xf32, #tpu.memory_space<vmem>>, %arg6: memref<128x128xf32, #tpu.memory_space<vmem>>, %arg7: memref<10240x128xf32, #tpu.memory_space<vmem_shared>>, %arg8: memref<!tpu.dma_semaphore, #tpu.memory_space<semaphore_mem>>, %arg9: memref<!tpu.dma_semaphore, #tpu.memory_space<semaphore_mem>>) attributes {dimension_semantics = [#tpu.dimension_semantics<core_parallel>, #tpu.dimension_semantics<subcore_parallel>], iteration_bounds = array<i64: 2, 16>, scalar_prefetch = 0 : i64, scratch_operands = 6 : i64, tpu.core_type = #tpu.core_type<sc_vector_subcore>, window_params = [{transform_indices = #map}, {transform_indices = #map}]} {
    %mul3A = arith.constant 16 : i32
    %mul3A_0 = arith.muli %arg0, %mul3A : i32
    %add3A = arith.addi %mul3A_0, %arg1 : i32
    %dma_start3A = arith.constant 0 : i32
    %dma_start3A_1 = arith.constant 0 : i32
    %dma_start3A_2 = tpu.memref_slice %arg2[%add3A, %dma_start3A, %dma_start3A_1] : memref<32x80x128xi32, #tpu.memory_space<hbm>> -> memref<1x80x128xi32, #tpu.memory_space<hbm>>
    %dma_start3A_3 = tpu.memref_squeeze %dma_start3A_2 : memref<1x80x128xi32, #tpu.memory_space<hbm>> -> memref<80x128xi32, #tpu.memory_space<hbm>>
    %dma_start3A_4 = arith.constant 0 : i32
    %dma_start3A_5 = arith.constant 0 : i32
    %dma_start3A_6 = tpu.memref_slice %arg2[%add3A, %dma_start3A_4, %dma_start3A_5] : memref<32x80x128xi32, #tpu.memory_space<hbm>> -> memref<1x80x128xi32, #tpu.memory_space<hbm>>
    %dma_start3A_7 = tpu.memref_squeeze %dma_start3A_6 : memref<1x80x128xi32, #tpu.memory_space<hbm>> -> memref<80x128xi32, #tpu.memory_space<hbm>>
    tpu.enqueue_dma source(%dma_start3A_7 : memref<80x128xi32, #tpu.memory_space<hbm>>) target(%arg4 : memref<80x128xi32, #tpu.memory_space<vmem>>) target_semaphore(%arg8 : memref<!tpu.dma_semaphore, #tpu.memory_space<semaphore_mem>>)
    %broadcast_in_dim3A = arith.constant 0.000000e+00 : f32
    %broadcast_in_dim3A_8 = vector.broadcast %broadcast_in_dim3A : f32 to vector<16xf32>
    %scan3A = arith.constant 0 : i32
    %scan3A_9 = arith.constant 0 : i32
    %scan3A_10 = arith.constant 1024 : i32
    %scan3A_11 = arith.addi %scan3A_9, %scan3A_10 : i32
    %scan3A_12 = arith.constant 1 : i32
    %scan3A_13 = scf.for %scan3A_78 = %scan3A_9 to %scan3A_11 step %scan3A_12 iter_args(%scan3A_79 = %scan3A) -> (i32)  : i32 {
      %jit3A = arith.constant 8 : i32
      %div3A = arith.divsi %scan3A_78, %jit3A : i32
      %sign3A = arith.constant 0 : i32
      %sign3A_80 = arith.cmpi sgt, %scan3A_78, %sign3A : i32
      %sign3A_81 = arith.extui %sign3A_80 : i1 to i32
      %sign3A_82 = arith.constant 0 : i32
      %sign3A_83 = arith.cmpi slt, %scan3A_78, %sign3A_82 : i32
      %sign3A_84 = arith.extui %sign3A_83 : i1 to i32
      %sign3A_85 = arith.subi %sign3A_81, %sign3A_84 : i32
      %sign3A_86 = arith.constant 0 : i32
      %sign3A_87 = arith.cmpi sgt, %jit3A, %sign3A_86 : i32
      %sign3A_88 = arith.extui %sign3A_87 : i1 to i32
      %sign3A_89 = arith.constant 0 : i32
      %sign3A_90 = arith.cmpi slt, %jit3A, %sign3A_89 : i32
      %sign3A_91 = arith.extui %sign3A_90 : i1 to i32
      %sign3A_92 = arith.subi %sign3A_88, %sign3A_91 : i32
      %ne3A = arith.cmpi ne, %sign3A_85, %sign3A_92 : i32
      %rem3A = arith.remsi %scan3A_78, %jit3A : i32
      %ne3A_93 = arith.constant 0 : i32
      %ne3A_94 = arith.cmpi ne, %rem3A, %ne3A_93 : i32
      %and3A = arith.andi %ne3A, %ne3A_94 : i1
      %sub3A = arith.constant 1 : i32
      %sub3A_95 = arith.subi %div3A, %sub3A : i32
      %select_n3A = arith.select %and3A, %sub3A_95, %div3A : i32
      %jit3A_96 = arith.constant 8 : i32
      %eq3A = arith.constant 0 : i32
      %eq3A_97 = arith.cmpi eq, %jit3A_96, %eq3A : i32
      %jit3A_98 = arith.constant 1 : i32
      %select_n3A_99 = arith.select %eq3A_97, %jit3A_98, %jit3A_96 : i32
      %rem3A_100 = arith.remsi %scan3A_78, %select_n3A_99 : i32
      %ne3A_101 = arith.constant 0 : i32
      %ne3A_102 = arith.cmpi ne, %rem3A_100, %ne3A_101 : i32
      %lt3A = arith.constant 0 : i32
      %lt3A_103 = arith.cmpi slt, %rem3A_100, %lt3A : i32
      %lt3A_104 = arith.constant 0 : i32
      %lt3A_105 = arith.cmpi slt, %select_n3A_99, %lt3A_104 : i32
      %ne3A_106 = arith.xori %lt3A_103, %lt3A_105 : i1
      %and3A_107 = arith.andi %ne3A_106, %ne3A_102 : i1
      %add3A_108 = arith.addi %rem3A_100, %select_n3A_99 : i32
      %select_n3A_109 = arith.select %and3A_107, %add3A_108, %rem3A_100 : i32
      %mul3A_110 = arith.constant 16 : i32
      %mul3A_111 = arith.muli %select_n3A_109, %mul3A_110 : i32
      %swap3A = arith.index_cast %select_n3A : i32 to index
      %swap3A_112 = arith.index_cast %mul3A_111 : i32 to index
      %swap3A_113 = tpu.vector_load %arg6[%swap3A, %swap3A_112] {strides = array<i32>} : memref<128x128xf32, #tpu.memory_space<vmem>>, vector<1x16xf32>,
      %swap3A_114 = vector.shape_cast %swap3A_113 : vector<1x16xf32> to vector<16xf32>
      %swap3A_115 = vector.shape_cast %broadcast_in_dim3A_8 : vector<16xf32> to vector<1x16xf32>
      tpu.vector_store %arg6[%swap3A, %swap3A_112], %swap3A_115 {strides = array<i32>} : memref<128x128xf32, #tpu.memory_space<vmem>>, vector<1x16xf32>,
      %scan3A_116 = arith.constant 0 : i32
      scf.yield %scan3A_116 : i32
    }
    %scan3A_14 = arith.constant 1024 : i32
    %broadcast_in_dim3A_15 = arith.constant 1.000000e+00 : f32
    %broadcast_in_dim3A_16 = vector.broadcast %broadcast_in_dim3A_15 : f32 to vector<16xf32>
    %scan3A_17 = arith.constant 0 : i32
    %scan3A_18 = arith.constant 0 : i32
    %scan3A_19 = arith.constant 1024 : i32
    %scan3A_20 = arith.addi %scan3A_18, %scan3A_19 : i32
    %scan3A_21 = arith.constant 1 : i32
    %scan3A_22 = scf.for %scan3A_78 = %scan3A_18 to %scan3A_20 step %scan3A_21 iter_args(%scan3A_79 = %scan3A_17) -> (i32)  : i32 {
      %jit3A = arith.constant 8 : i32
      %div3A = arith.divsi %scan3A_78, %jit3A : i32
      %sign3A = arith.constant 0 : i32
      %sign3A_80 = arith.cmpi sgt, %scan3A_78, %sign3A : i32
      %sign3A_81 = arith.extui %sign3A_80 : i1 to i32
      %sign3A_82 = arith.constant 0 : i32
      %sign3A_83 = arith.cmpi slt, %scan3A_78, %sign3A_82 : i32
      %sign3A_84 = arith.extui %sign3A_83 : i1 to i32
      %sign3A_85 = arith.subi %sign3A_81, %sign3A_84 : i32
      %sign3A_86 = arith.constant 0 : i32
      %sign3A_87 = arith.cmpi sgt, %jit3A, %sign3A_86 : i32
      %sign3A_88 = arith.extui %sign3A_87 : i1 to i32
      %sign3A_89 = arith.constant 0 : i32
      %sign3A_90 = arith.cmpi slt, %jit3A, %sign3A_89 : i32
      %sign3A_91 = arith.extui %sign3A_90 : i1 to i32
      %sign3A_92 = arith.subi %sign3A_88, %sign3A_91 : i32
      %ne3A = arith.cmpi ne, %sign3A_85, %sign3A_92 : i32
      %rem3A = arith.remsi %scan3A_78, %jit3A : i32
      %ne3A_93 = arith.constant 0 : i32
      %ne3A_94 = arith.cmpi ne, %rem3A, %ne3A_93 : i32
      %and3A = arith.andi %ne3A, %ne3A_94 : i1
      %sub3A = arith.constant 1 : i32
      %sub3A_95 = arith.subi %div3A, %sub3A : i32
      %select_n3A = arith.select %and3A, %sub3A_95, %div3A : i32
      %jit3A_96 = arith.constant 8 : i32
      %eq3A = arith.constant 0 : i32
      %eq3A_97 = arith.cmpi eq, %jit3A_96, %eq3A : i32
      %jit3A_98 = arith.constant 1 : i32
      %select_n3A_99 = arith.select %eq3A_97, %jit3A_98, %jit3A_96 : i32
      %rem3A_100 = arith.remsi %scan3A_78, %select_n3A_99 : i32
      %ne3A_101 = arith.constant 0 : i32
      %ne3A_102 = arith.cmpi ne, %rem3A_100, %ne3A_101 : i32
      %lt3A = arith.constant 0 : i32
      %lt3A_103 = arith.cmpi slt, %rem3A_100, %lt3A : i32
      %lt3A_104 = arith.constant 0 : i32
      %lt3A_105 = arith.cmpi slt, %select_n3A_99, %lt3A_104 : i32
      %ne3A_106 = arith.xori %lt3A_103, %lt3A_105 : i1
      %and3A_107 = arith.andi %ne3A_106, %ne3A_102 : i1
      %add3A_108 = arith.addi %rem3A_100, %select_n3A_99 : i32
      %select_n3A_109 = arith.select %and3A_107, %add3A_108, %rem3A_100 : i32
      %mul3A_110 = arith.constant 16 : i32
      %mul3A_111 = arith.muli %select_n3A_109, %mul3A_110 : i32
      %swap3A = arith.index_cast %select_n3A : i32 to index
      %swap3A_112 = arith.index_cast %mul3A_111 : i32 to index
      %swap3A_113 = tpu.vector_load %arg5[%swap3A, %swap3A_112] {strides = array<i32>} : memref<128x128xf32, #tpu.memory_space<vmem>>, vector<1x16xf32>,
      %swap3A_114 = vector.shape_cast %swap3A_113 : vector<1x16xf32> to vector<16xf32>
      %swap3A_115 = vector.shape_cast %broadcast_in_dim3A_16 : vector<16xf32> to vector<1x16xf32>
      tpu.vector_store %arg5[%swap3A, %swap3A_112], %swap3A_115 {strides = array<i32>} : memref<128x128xf32, #tpu.memory_space<vmem>>, vector<1x16xf32>,
      %scan3A_116 = arith.constant 0 : i32
      scf.yield %scan3A_116 : i32
    }
    %scan3A_23 = arith.constant 1024 : i32
    %scan3A_24 = arith.constant 0 : i32
    %scan3A_25 = arith.constant 0 : i32
    %scan3A_26 = arith.constant 5 : i32
    %scan3A_27 = arith.addi %scan3A_25, %scan3A_26 : i32
    %scan3A_28 = arith.constant 1 : i32
    %scan3A_29 = scf.for %scan3A_78 = %scan3A_25 to %scan3A_27 step %scan3A_28 iter_args(%scan3A_79 = %scan3A_24) -> (i32)  : i32 {
      %mul3A_80 = arith.constant 640 : i32
      %mul3A_81 = arith.muli %arg1, %mul3A_80 : i32
      %mul3A_82 = arith.constant 128 : i32
      %mul3A_83 = arith.muli %scan3A_78, %mul3A_82 : i32
      %add3A_84 = arith.addi %mul3A_81, %mul3A_83 : i32
      "tpu.region"() ({
        %run_scoped3A = tpu.sem_alloc : memref<!tpu.dma_semaphore, #tpu.memory_space<semaphore_mem>>
        %dma_start3A_86 = arith.constant 0 : i32
        %dma_start3A_87 = tpu.memref_slice %arg7[%add3A_84, %dma_start3A_86] : memref<10240x128xf32, #tpu.memory_space<vmem_shared>> -> memref<128x128xf32, #tpu.memory_space<vmem_shared>>
        %dma_start3A_88 = arith.constant 0 : i32
        %dma_start3A_89 = tpu.memref_slice %arg7[%add3A_84, %dma_start3A_88] : memref<10240x128xf32, #tpu.memory_space<vmem_shared>> -> memref<128x128xf32, #tpu.memory_space<vmem_shared>>
        tpu.enqueue_dma source(%arg6 : memref<128x128xf32, #tpu.memory_space<vmem>>) target(%dma_start3A_89 : memref<128x128xf32, #tpu.memory_space<vmem_shared>>) target_semaphore(%run_scoped3A : memref<!tpu.dma_semaphore, #tpu.memory_space<semaphore_mem>>)
        %dma_wait3A_90 = arith.constant 0 : i32
        %dma_wait3A_91 = tpu.memref_slice %arg7[%add3A_84, %dma_wait3A_90] : memref<10240x128xf32, #tpu.memory_space<vmem_shared>> -> memref<128x128xf32, #tpu.memory_space<vmem_shared>>
        %dma_wait3A_92 = arith.constant 0 : i32
        %dma_wait3A_93 = tpu.memref_slice %arg7[%add3A_84, %dma_wait3A_92] : memref<10240x128xf32, #tpu.memory_space<vmem_shared>> -> memref<128x128xf32, #tpu.memory_space<vmem_shared>>
        tpu.wait_dma2 semaphore(%run_scoped3A : memref<!tpu.dma_semaphore, #tpu.memory_space<semaphore_mem>>) src(%arg6 : memref<128x128xf32, #tpu.memory_space<vmem>>) dst(%dma_wait3A_93 : memref<128x128xf32, #tpu.memory_space<vmem_shared>>)
        tpu.yield
      }) : () -> ()
      %scan3A_85 = arith.constant 0 : i32
      scf.yield %scan3A_85 : i32
    }
    %scan3A_30 = arith.constant 5 : i32
    %dma_wait3A = arith.constant 0 : i32
    %dma_wait3A_31 = arith.constant 0 : i32
    %dma_wait3A_32 = tpu.memref_slice %arg2[%add3A, %dma_wait3A, %dma_wait3A_31] : memref<32x80x128xi32, #tpu.memory_space<hbm>> -> memref<1x80x128xi32, #tpu.memory_space<hbm>>
    %dma_wait3A_33 = tpu.memref_squeeze %dma_wait3A_32 : memref<1x80x128xi32, #tpu.memory_space<hbm>> -> memref<80x128xi32, #tpu.memory_space<hbm>>
    %dma_wait3A_34 = arith.constant 0 : i32
    %dma_wait3A_35 = arith.constant 0 : i32
    %dma_wait3A_36 = tpu.memref_slice %arg2[%add3A, %dma_wait3A_34, %dma_wait3A_35] : memref<32x80x128xi32, #tpu.memory_space<hbm>> -> memref<1x80x128xi32, #tpu.memory_space<hbm>>
    %dma_wait3A_37 = tpu.memref_squeeze %dma_wait3A_36 : memref<1x80x128xi32, #tpu.memory_space<hbm>> -> memref<80x128xi32, #tpu.memory_space<hbm>>
    tpu.wait_dma2 semaphore(%arg8 : memref<!tpu.dma_semaphore, #tpu.memory_space<semaphore_mem>>) src(%dma_wait3A_37 : memref<80x128xi32, #tpu.memory_space<hbm>>) dst(%arg4 : memref<80x128xi32, #tpu.memory_space<vmem>>)
    %barrier3A = arith.constant 0 : index
    tpu.barrier barrier_id(%barrier3A)
    %dma_start3A_38 = arith.constant 0 : i32
    %dma_start3A_39 = arith.constant 0 : i32
    %dma_start3A_40 = tpu.memref_slice %arg4[%dma_start3A_38, %dma_start3A_39] : memref<80x128xi32, #tpu.memory_space<vmem>> -> memref<1x128xi32, #tpu.memory_space<vmem>>
    %dma_start3A_41 = tpu.memref_squeeze %dma_start3A_40 : memref<1x128xi32, #tpu.memory_space<vmem>> -> memref<128xi32, #tpu.memory_space<vmem>>
    %dma_start3A_42 = arith.constant 0 : i32
    %dma_start3A_43 = arith.constant 0 : i32
    %dma_start3A_44 = tpu.memref_slice %arg7[%dma_start3A_42, %dma_start3A_43] : memref<10240x128xf32, #tpu.memory_space<vmem_shared>> -> memref<10240x128xf32, #tpu.memory_space<vmem_shared>>
    tpu.enqueue_indirect_dma source(%arg5 : memref<128x128xf32, #tpu.memory_space<vmem>>) target(%dma_start3A_44 : memref<10240x128xf32, #tpu.memory_space<vmem_shared>>) offsets(%dma_start3A_41 : memref<128xi32, #tpu.memory_space<vmem>>) semaphore(%arg8 : memref<!tpu.dma_semaphore, #tpu.memory_space<semaphore_mem>>) {add = true}
    %scan3A_45 = arith.constant 0 : i32
    %scan3A_46 = arith.constant 0 : i32
    %scan3A_47 = arith.constant 39 : i32
    %scan3A_48 = arith.addi %scan3A_46, %scan3A_47 : i32
    %scan3A_49 = arith.constant 1 : i32
    %scan3A_50 = scf.for %scan3A_78 = %scan3A_46 to %scan3A_48 step %scan3A_49 iter_args(%scan3A_79 = %scan3A_45) -> (i32)  : i32 {
      %mul3A_80 = arith.constant 2 : i32
      %mul3A_81 = arith.muli %scan3A_78, %mul3A_80 : i32
      %add3A_82 = arith.constant 1 : i32
      %add3A_83 = arith.addi %mul3A_81, %add3A_82 : i32
      %dma_start3A_84 = arith.constant 0 : i32
      %dma_start3A_85 = tpu.memref_slice %arg4[%add3A_83, %dma_start3A_84] : memref<80x128xi32, #tpu.memory_space<vmem>> -> memref<1x128xi32, #tpu.memory_space<vmem>>
      %dma_start3A_86 = tpu.memref_squeeze %dma_start3A_85 : memref<1x128xi32, #tpu.memory_space<vmem>> -> memref<128xi32, #tpu.memory_space<vmem>>
      %dma_start3A_87 = arith.constant 0 : i32
      %dma_start3A_88 = arith.constant 0 : i32
      %dma_start3A_89 = tpu.memref_slice %arg7[%dma_start3A_87, %dma_start3A_88] : memref<10240x128xf32, #tpu.memory_space<vmem_shared>> -> memref<10240x128xf32, #tpu.memory_space<vmem_shared>>
      tpu.enqueue_indirect_dma source(%arg5 : memref<128x128xf32, #tpu.memory_space<vmem>>) target(%dma_start3A_89 : memref<10240x128xf32, #tpu.memory_space<vmem_shared>>) offsets(%dma_start3A_86 : memref<128xi32, #tpu.memory_space<vmem>>) semaphore(%arg9 : memref<!tpu.dma_semaphore, #tpu.memory_space<semaphore_mem>>) {add = true}
      %dma_wait3A_90 = arith.constant 0 : i32
      %dma_wait3A_91 = tpu.memref_slice %arg4[%mul3A_81, %dma_wait3A_90] : memref<80x128xi32, #tpu.memory_space<vmem>> -> memref<1x128xi32, #tpu.memory_space<vmem>>
      %dma_wait3A_92 = tpu.memref_squeeze %dma_wait3A_91 : memref<1x128xi32, #tpu.memory_space<vmem>> -> memref<128xi32, #tpu.memory_space<vmem>>
      %dma_wait3A_93 = arith.constant 0 : i32
      %dma_wait3A_94 = arith.constant 0 : i32
      %dma_wait3A_95 = tpu.memref_slice %arg7[%dma_wait3A_93, %dma_wait3A_94] : memref<10240x128xf32, #tpu.memory_space<vmem_shared>> -> memref<10240x128xf32, #tpu.memory_space<vmem_shared>>
      tpu.wait_indirect_dma semaphore(%arg8 : memref<!tpu.dma_semaphore, #tpu.memory_space<semaphore_mem>>) src(%arg5 : memref<128x128xf32, #tpu.memory_space<vmem>>) dst(%dma_wait3A_95 : memref<10240x128xf32, #tpu.memory_space<vmem_shared>>)
      %add3A_96 = arith.constant 2 : i32
      %add3A_97 = arith.addi %mul3A_81, %add3A_96 : i32
      %dma_start3A_98 = arith.constant 0 : i32
      %dma_start3A_99 = tpu.memref_slice %arg4[%add3A_97, %dma_start3A_98] : memref<80x128xi32, #tpu.memory_space<vmem>> -> memref<1x128xi32, #tpu.memory_space<vmem>>
      %dma_start3A_100 = tpu.memref_squeeze %dma_start3A_99 : memref<1x128xi32, #tpu.memory_space<vmem>> -> memref<128xi32, #tpu.memory_space<vmem>>
      %dma_start3A_101 = arith.constant 0 : i32
      %dma_start3A_102 = arith.constant 0 : i32
      %dma_start3A_103 = tpu.memref_slice %arg7[%dma_start3A_101, %dma_start3A_102] : memref<10240x128xf32, #tpu.memory_space<vmem_shared>> -> memref<10240x128xf32, #tpu.memory_space<vmem_shared>>
      tpu.enqueue_indirect_dma source(%arg5 : memref<128x128xf32, #tpu.memory_space<vmem>>) target(%dma_start3A_103 : memref<10240x128xf32, #tpu.memory_space<vmem_shared>>) offsets(%dma_start3A_100 : memref<128xi32, #tpu.memory_space<vmem>>) semaphore(%arg8 : memref<!tpu.dma_semaphore, #tpu.memory_space<semaphore_mem>>) {add = true}
      %add3A_104 = arith.constant 1 : i32
      %add3A_105 = arith.addi %mul3A_81, %add3A_104 : i32
      %dma_wait3A_106 = arith.constant 0 : i32
      %dma_wait3A_107 = tpu.memref_slice %arg4[%add3A_105, %dma_wait3A_106] : memref<80x128xi32, #tpu.memory_space<vmem>> -> memref<1x128xi32, #tpu.memory_space<vmem>>
      %dma_wait3A_108 = tpu.memref_squeeze %dma_wait3A_107 : memref<1x128xi32, #tpu.memory_space<vmem>> -> memref<128xi32, #tpu.memory_space<vmem>>
      %dma_wait3A_109 = arith.constant 0 : i32
      %dma_wait3A_110 = arith.constant 0 : i32
      %dma_wait3A_111 = tpu.memref_slice %arg7[%dma_wait3A_109, %dma_wait3A_110] : memref<10240x128xf32, #tpu.memory_space<vmem_shared>> -> memref<10240x128xf32, #tpu.memory_space<vmem_shared>>
      tpu.wait_indirect_dma semaphore(%arg9 : memref<!tpu.dma_semaphore, #tpu.memory_space<semaphore_mem>>) src(%arg5 : memref<128x128xf32, #tpu.memory_space<vmem>>) dst(%dma_wait3A_111 : memref<10240x128xf32, #tpu.memory_space<vmem_shared>>)
      %scan3A_112 = arith.constant 0 : i32
      scf.yield %scan3A_112 : i32
    }
    %scan3A_51 = arith.constant 39 : i32
    %dma_start3A_52 = arith.constant 79 : i32
    %dma_start3A_53 = arith.constant 0 : i32
    %dma_start3A_54 = tpu.memref_slice %arg4[%dma_start3A_52, %dma_start3A_53] : memref<80x128xi32, #tpu.memory_space<vmem>> -> memref<1x128xi32, #tpu.memory_space<vmem>>
    %dma_start3A_55 = tpu.memref_squeeze %dma_start3A_54 : memref<1x128xi32, #tpu.memory_space<vmem>> -> memref<128xi32, #tpu.memory_space<vmem>>
    %dma_start3A_56 = arith.constant 0 : i32
    %dma_start3A_57 = arith.constant 0 : i32
    %dma_start3A_58 = tpu.memref_slice %arg7[%dma_start3A_56, %dma_start3A_57] : memref<10240x128xf32, #tpu.memory_space<vmem_shared>> -> memref<10240x128xf32, #tpu.memory_space<vmem_shared>>
    tpu.enqueue_indirect_dma source(%arg5 : memref<128x128xf32, #tpu.memory_space<vmem>>) target(%dma_start3A_58 : memref<10240x128xf32, #tpu.memory_space<vmem_shared>>) offsets(%dma_start3A_55 : memref<128xi32, #tpu.memory_space<vmem>>) semaphore(%arg9 : memref<!tpu.dma_semaphore, #tpu.memory_space<semaphore_mem>>) {add = true}
    %dma_wait3A_59 = arith.constant 0 : i32
    %dma_wait3A_60 = arith.constant 0 : i32
    %dma_wait3A_61 = tpu.memref_slice %arg4[%dma_wait3A_59, %dma_wait3A_60] : memref<80x128xi32, #tpu.memory_space<vmem>> -> memref<1x128xi32, #tpu.memory_space<vmem>>
    %dma_wait3A_62 = tpu.memref_squeeze %dma_wait3A_61 : memref<1x128xi32, #tpu.memory_space<vmem>> -> memref<128xi32, #tpu.memory_space<vmem>>
    %dma_wait3A_63 = arith.constant 0 : i32
    %dma_wait3A_64 = arith.constant 0 : i32
    %dma_wait3A_65 = tpu.memref_slice %arg7[%dma_wait3A_63, %dma_wait3A_64] : memref<10240x128xf32, #tpu.memory_space<vmem_shared>> -> memref<10240x128xf32, #tpu.memory_space<vmem_shared>>
    tpu.wait_indirect_dma semaphore(%arg8 : memref<!tpu.dma_semaphore, #tpu.memory_space<semaphore_mem>>) src(%arg5 : memref<128x128xf32, #tpu.memory_space<vmem>>) dst(%dma_wait3A_65 : memref<10240x128xf32, #tpu.memory_space<vmem_shared>>)
    %dma_wait3A_66 = arith.constant 0 : i32
    %dma_wait3A_67 = arith.constant 0 : i32
    %dma_wait3A_68 = tpu.memref_slice %arg4[%dma_wait3A_66, %dma_wait3A_67] : memref<80x128xi32, #tpu.memory_space<vmem>> -> memref<1x128xi32, #tpu.memory_space<vmem>>
    %dma_wait3A_69 = tpu.memref_squeeze %dma_wait3A_68 : memref<1x128xi32, #tpu.memory_space<vmem>> -> memref<128xi32, #tpu.memory_space<vmem>>
    %dma_wait3A_70 = arith.constant 0 : i32
    %dma_wait3A_71 = arith.constant 0 : i32
    %dma_wait3A_72 = tpu.memref_slice %arg7[%dma_wait3A_70, %dma_wait3A_71] : memref<10240x128xf32, #tpu.memory_space<vmem_shared>> -> memref<10240x128xf32, #tpu.memory_space<vmem_shared>>
    tpu.wait_indirect_dma semaphore(%arg9 : memref<!tpu.dma_semaphore, #tpu.memory_space<semaphore_mem>>) src(%arg5 : memref<128x128xf32, #tpu.memory_space<vmem>>) dst(%dma_wait3A_72 : memref<10240x128xf32, #tpu.memory_space<vmem_shared>>)
    %barrier3A_73 = arith.constant 0 : index
    tpu.barrier barrier_id(%barrier3A_73)
    %mul3A_74 = arith.constant 640 : i32
    %mul3A_75 = arith.muli %arg1, %mul3A_74 : i32
    %mul3A_76 = arith.constant 640 : i32
    %mul3A_77 = arith.muli %arg1, %mul3A_76 : i32
    "tpu.region"() ({
      %run_scoped3A = tpu.sem_alloc : memref<!tpu.dma_semaphore, #tpu.memory_space<semaphore_mem>>
      %dma_start3A_78 = arith.constant 0 : i32
      %dma_start3A_79 = tpu.memref_slice %arg3[%arg0, %mul3A_77, %dma_start3A_78] : memref<2x10240x128xf32, #tpu.memory_space<hbm>> -> memref<1x640x128xf32, #tpu.memory_space<hbm>>
      %dma_start3A_80 = tpu.memref_squeeze %dma_start3A_79 : memref<1x640x128xf32, #tpu.memory_space<hbm>> -> memref<640x128xf32, #tpu.memory_space<hbm>>
      %dma_start3A_81 = arith.constant 0 : i32
      %dma_start3A_82 = tpu.memref_slice %arg7[%mul3A_75, %dma_start3A_81] : memref<10240x128xf32, #tpu.memory_space<vmem_shared>> -> memref<640x128xf32, #tpu.memory_space<vmem_shared>>
      tpu.enqueue_dma source(%dma_start3A_82 : memref<640x128xf32, #tpu.memory_space<vmem_shared>>) target(%dma_start3A_80 : memref<640x128xf32, #tpu.memory_space<hbm>>) target_semaphore(%run_scoped3A : memref<!tpu.dma_semaphore, #tpu.memory_space<semaphore_mem>>)
      %dma_wait3A_83 = arith.constant 0 : i32
      %dma_wait3A_84 = tpu.memref_slice %arg3[%arg0, %mul3A_77, %dma_wait3A_83] : memref<2x10240x128xf32, #tpu.memory_space<hbm>> -> memref<1x640x128xf32, #tpu.memory_space<hbm>>
      %dma_wait3A_85 = tpu.memref_squeeze %dma_wait3A_84 : memref<1x640x128xf32, #tpu.memory_space<hbm>> -> memref<640x128xf32, #tpu.memory_space<hbm>>
      %dma_wait3A_86 = arith.constant 0 : i32
      %dma_wait3A_87 = tpu.memref_slice %arg7[%mul3A_75, %dma_wait3A_86] : memref<10240x128xf32, #tpu.memory_space<vmem_shared>> -> memref<640x128xf32, #tpu.memory_space<vmem_shared>>
      tpu.wait_dma2 semaphore(%run_scoped3A : memref<!tpu.dma_semaphore, #tpu.memory_space<semaphore_mem>>) src(%dma_wait3A_87 : memref<640x128xf32, #tpu.memory_space<vmem_shared>>) dst(%dma_wait3A_85 : memref<640x128xf32, #tpu.memory_space<hbm>>)
      tpu.yield
    }) : () -> ()
    return
  }
}

#map = affine_map<(d0, d1) -> (0, 0)>
#map1 = affine_map<(d0, d1) -> (0, 0, 0)>
module attributes {stable_mosaic.version = 14 : i64} {
  func.func @_sc_propagate(%arg0: i32, %arg1: i32, %arg2: memref<10240x128xf32, #tpu.memory_space<hbm>>, %arg3: memref<32x80x128xi32, #tpu.memory_space<hbm>>, %arg4: memref<32x80x128xi32, #tpu.memory_space<hbm>>, %arg5: memref<2x10240x128xf32, #tpu.memory_space<hbm>>, %arg6: memref<40x128xi32, #tpu.memory_space<vmem>>, %arg7: memref<40x128xi32, #tpu.memory_space<vmem>>, %arg8: memref<128x128xf32, #tpu.memory_space<vmem>>, %arg9: memref<128x128xf32, #tpu.memory_space<vmem>>, %arg10: memref<10240x128xf32, #tpu.memory_space<vmem_shared>>, %arg11: memref<!tpu.dma_semaphore, #tpu.memory_space<semaphore_mem>>, %arg12: memref<!tpu.dma_semaphore, #tpu.memory_space<semaphore_mem>>) attributes {dimension_semantics = [#tpu.dimension_semantics<core_parallel>, #tpu.dimension_semantics<subcore_parallel>], iteration_bounds = array<i64: 2, 16>, scalar_prefetch = 0 : i64, scratch_operands = 7 : i64, tpu.core_type = #tpu.core_type<sc_vector_subcore>, window_params = [{transform_indices = #map}, {transform_indices = #map1}, {transform_indices = #map1}, {transform_indices = #map1}]} {
    %mul3A = arith.constant 16 : i32
    %mul3A_0 = arith.muli %arg0, %mul3A : i32
    %add3A = arith.addi %mul3A_0, %arg1 : i32
    %dma_start3A = arith.constant 0 : i32
    %dma_start3A_1 = arith.constant 0 : i32
    %dma_start3A_2 = tpu.memref_slice %arg3[%add3A, %dma_start3A, %dma_start3A_1] : memref<32x80x128xi32, #tpu.memory_space<hbm>> -> memref<1x40x128xi32, #tpu.memory_space<hbm>>
    %dma_start3A_3 = tpu.memref_squeeze %dma_start3A_2 : memref<1x40x128xi32, #tpu.memory_space<hbm>> -> memref<40x128xi32, #tpu.memory_space<hbm>>
    %dma_start3A_4 = arith.constant 0 : i32
    %dma_start3A_5 = arith.constant 0 : i32
    %dma_start3A_6 = tpu.memref_slice %arg3[%add3A, %dma_start3A_4, %dma_start3A_5] : memref<32x80x128xi32, #tpu.memory_space<hbm>> -> memref<1x40x128xi32, #tpu.memory_space<hbm>>
    %dma_start3A_7 = tpu.memref_squeeze %dma_start3A_6 : memref<1x40x128xi32, #tpu.memory_space<hbm>> -> memref<40x128xi32, #tpu.memory_space<hbm>>
    tpu.enqueue_dma source(%dma_start3A_7 : memref<40x128xi32, #tpu.memory_space<hbm>>) target(%arg6 : memref<40x128xi32, #tpu.memory_space<vmem>>) target_semaphore(%arg11 : memref<!tpu.dma_semaphore, #tpu.memory_space<semaphore_mem>>)
    %dma_start3A_8 = arith.constant 0 : i32
    %dma_start3A_9 = arith.constant 0 : i32
    %dma_start3A_10 = tpu.memref_slice %arg4[%add3A, %dma_start3A_8, %dma_start3A_9] : memref<32x80x128xi32, #tpu.memory_space<hbm>> -> memref<1x40x128xi32, #tpu.memory_space<hbm>>
    %dma_start3A_11 = tpu.memref_squeeze %dma_start3A_10 : memref<1x40x128xi32, #tpu.memory_space<hbm>> -> memref<40x128xi32, #tpu.memory_space<hbm>>
    %dma_start3A_12 = arith.constant 0 : i32
    %dma_start3A_13 = arith.constant 0 : i32
    %dma_start3A_14 = tpu.memref_slice %arg4[%add3A, %dma_start3A_12, %dma_start3A_13] : memref<32x80x128xi32, #tpu.memory_space<hbm>> -> memref<1x40x128xi32, #tpu.memory_space<hbm>>
    %dma_start3A_15 = tpu.memref_squeeze %dma_start3A_14 : memref<1x40x128xi32, #tpu.memory_space<hbm>> -> memref<40x128xi32, #tpu.memory_space<hbm>>
    tpu.enqueue_dma source(%dma_start3A_15 : memref<40x128xi32, #tpu.memory_space<hbm>>) target(%arg7 : memref<40x128xi32, #tpu.memory_space<vmem>>) target_semaphore(%arg12 : memref<!tpu.dma_semaphore, #tpu.memory_space<semaphore_mem>>)
    %broadcast_in_dim3A = arith.constant 0.000000e+00 : f32
    %broadcast_in_dim3A_16 = vector.broadcast %broadcast_in_dim3A : f32 to vector<16xf32>
    %scan3A = arith.constant 0 : i32
    %scan3A_17 = arith.constant 0 : i32
    %scan3A_18 = arith.constant 1024 : i32
    %scan3A_19 = arith.addi %scan3A_17, %scan3A_18 : i32
    %scan3A_20 = arith.constant 1 : i32
    %scan3A_21 = scf.for %scan3A_92 = %scan3A_17 to %scan3A_19 step %scan3A_20 iter_args(%scan3A_93 = %scan3A) -> (i32)  : i32 {
      %jit3A = arith.constant 8 : i32
      %div3A = arith.divsi %scan3A_92, %jit3A : i32
      %sign3A = arith.constant 0 : i32
      %sign3A_94 = arith.cmpi sgt, %scan3A_92, %sign3A : i32
      %sign3A_95 = arith.extui %sign3A_94 : i1 to i32
      %sign3A_96 = arith.constant 0 : i32
      %sign3A_97 = arith.cmpi slt, %scan3A_92, %sign3A_96 : i32
      %sign3A_98 = arith.extui %sign3A_97 : i1 to i32
      %sign3A_99 = arith.subi %sign3A_95, %sign3A_98 : i32
      %sign3A_100 = arith.constant 0 : i32
      %sign3A_101 = arith.cmpi sgt, %jit3A, %sign3A_100 : i32
      %sign3A_102 = arith.extui %sign3A_101 : i1 to i32
      %sign3A_103 = arith.constant 0 : i32
      %sign3A_104 = arith.cmpi slt, %jit3A, %sign3A_103 : i32
      %sign3A_105 = arith.extui %sign3A_104 : i1 to i32
      %sign3A_106 = arith.subi %sign3A_102, %sign3A_105 : i32
      %ne3A = arith.cmpi ne, %sign3A_99, %sign3A_106 : i32
      %rem3A = arith.remsi %scan3A_92, %jit3A : i32
      %ne3A_107 = arith.constant 0 : i32
      %ne3A_108 = arith.cmpi ne, %rem3A, %ne3A_107 : i32
      %and3A = arith.andi %ne3A, %ne3A_108 : i1
      %sub3A = arith.constant 1 : i32
      %sub3A_109 = arith.subi %div3A, %sub3A : i32
      %select_n3A = arith.select %and3A, %sub3A_109, %div3A : i32
      %jit3A_110 = arith.constant 8 : i32
      %eq3A = arith.constant 0 : i32
      %eq3A_111 = arith.cmpi eq, %jit3A_110, %eq3A : i32
      %jit3A_112 = arith.constant 1 : i32
      %select_n3A_113 = arith.select %eq3A_111, %jit3A_112, %jit3A_110 : i32
      %rem3A_114 = arith.remsi %scan3A_92, %select_n3A_113 : i32
      %ne3A_115 = arith.constant 0 : i32
      %ne3A_116 = arith.cmpi ne, %rem3A_114, %ne3A_115 : i32
      %lt3A = arith.constant 0 : i32
      %lt3A_117 = arith.cmpi slt, %rem3A_114, %lt3A : i32
      %lt3A_118 = arith.constant 0 : i32
      %lt3A_119 = arith.cmpi slt, %select_n3A_113, %lt3A_118 : i32
      %ne3A_120 = arith.xori %lt3A_117, %lt3A_119 : i1
      %and3A_121 = arith.andi %ne3A_120, %ne3A_116 : i1
      %add3A_122 = arith.addi %rem3A_114, %select_n3A_113 : i32
      %select_n3A_123 = arith.select %and3A_121, %add3A_122, %rem3A_114 : i32
      %mul3A_124 = arith.constant 16 : i32
      %mul3A_125 = arith.muli %select_n3A_123, %mul3A_124 : i32
      %swap3A = arith.index_cast %select_n3A : i32 to index
      %swap3A_126 = arith.index_cast %mul3A_125 : i32 to index
      %swap3A_127 = tpu.vector_load %arg9[%swap3A, %swap3A_126] {strides = array<i32>} : memref<128x128xf32, #tpu.memory_space<vmem>>, vector<1x16xf32>,
      %swap3A_128 = vector.shape_cast %swap3A_127 : vector<1x16xf32> to vector<16xf32>
      %swap3A_129 = vector.shape_cast %broadcast_in_dim3A_16 : vector<16xf32> to vector<1x16xf32>
      tpu.vector_store %arg9[%swap3A, %swap3A_126], %swap3A_129 {strides = array<i32>} : memref<128x128xf32, #tpu.memory_space<vmem>>, vector<1x16xf32>,
      %scan3A_130 = arith.constant 0 : i32
      scf.yield %scan3A_130 : i32
    }
    %scan3A_22 = arith.constant 1024 : i32
    %scan3A_23 = arith.constant 0 : i32
    %scan3A_24 = arith.constant 0 : i32
    %scan3A_25 = arith.constant 5 : i32
    %scan3A_26 = arith.addi %scan3A_24, %scan3A_25 : i32
    %scan3A_27 = arith.constant 1 : i32
    %scan3A_28 = scf.for %scan3A_92 = %scan3A_24 to %scan3A_26 step %scan3A_27 iter_args(%scan3A_93 = %scan3A_23) -> (i32)  : i32 {
      %mul3A_94 = arith.constant 640 : i32
      %mul3A_95 = arith.muli %arg1, %mul3A_94 : i32
      %mul3A_96 = arith.constant 128 : i32
      %mul3A_97 = arith.muli %scan3A_92, %mul3A_96 : i32
      %add3A_98 = arith.addi %mul3A_95, %mul3A_97 : i32
      "tpu.region"() ({
        %run_scoped3A = tpu.sem_alloc : memref<!tpu.dma_semaphore, #tpu.memory_space<semaphore_mem>>
        %dma_start3A_100 = arith.constant 0 : i32
        %dma_start3A_101 = tpu.memref_slice %arg10[%add3A_98, %dma_start3A_100] : memref<10240x128xf32, #tpu.memory_space<vmem_shared>> -> memref<128x128xf32, #tpu.memory_space<vmem_shared>>
        %dma_start3A_102 = arith.constant 0 : i32
        %dma_start3A_103 = tpu.memref_slice %arg10[%add3A_98, %dma_start3A_102] : memref<10240x128xf32, #tpu.memory_space<vmem_shared>> -> memref<128x128xf32, #tpu.memory_space<vmem_shared>>
        tpu.enqueue_dma source(%arg9 : memref<128x128xf32, #tpu.memory_space<vmem>>) target(%dma_start3A_103 : memref<128x128xf32, #tpu.memory_space<vmem_shared>>) target_semaphore(%run_scoped3A : memref<!tpu.dma_semaphore, #tpu.memory_space<semaphore_mem>>)
        %dma_wait3A_104 = arith.constant 0 : i32
        %dma_wait3A_105 = tpu.memref_slice %arg10[%add3A_98, %dma_wait3A_104] : memref<10240x128xf32, #tpu.memory_space<vmem_shared>> -> memref<128x128xf32, #tpu.memory_space<vmem_shared>>
        %dma_wait3A_106 = arith.constant 0 : i32
        %dma_wait3A_107 = tpu.memref_slice %arg10[%add3A_98, %dma_wait3A_106] : memref<10240x128xf32, #tpu.memory_space<vmem_shared>> -> memref<128x128xf32, #tpu.memory_space<vmem_shared>>
        tpu.wait_dma2 semaphore(%run_scoped3A : memref<!tpu.dma_semaphore, #tpu.memory_space<semaphore_mem>>) src(%arg9 : memref<128x128xf32, #tpu.memory_space<vmem>>) dst(%dma_wait3A_107 : memref<128x128xf32, #tpu.memory_space<vmem_shared>>)
        tpu.yield
      }) : () -> ()
      %scan3A_99 = arith.constant 0 : i32
      scf.yield %scan3A_99 : i32
    }
    %scan3A_29 = arith.constant 5 : i32
    %dma_wait3A = arith.constant 0 : i32
    %dma_wait3A_30 = arith.constant 0 : i32
    %dma_wait3A_31 = tpu.memref_slice %arg3[%add3A, %dma_wait3A, %dma_wait3A_30] : memref<32x80x128xi32, #tpu.memory_space<hbm>> -> memref<1x40x128xi32, #tpu.memory_space<hbm>>
    %dma_wait3A_32 = tpu.memref_squeeze %dma_wait3A_31 : memref<1x40x128xi32, #tpu.memory_space<hbm>> -> memref<40x128xi32, #tpu.memory_space<hbm>>
    %dma_wait3A_33 = arith.constant 0 : i32
    %dma_wait3A_34 = arith.constant 0 : i32
    %dma_wait3A_35 = tpu.memref_slice %arg3[%add3A, %dma_wait3A_33, %dma_wait3A_34] : memref<32x80x128xi32, #tpu.memory_space<hbm>> -> memref<1x40x128xi32, #tpu.memory_space<hbm>>
    %dma_wait3A_36 = tpu.memref_squeeze %dma_wait3A_35 : memref<1x40x128xi32, #tpu.memory_space<hbm>> -> memref<40x128xi32, #tpu.memory_space<hbm>>
    tpu.wait_dma2 semaphore(%arg11 : memref<!tpu.dma_semaphore, #tpu.memory_space<semaphore_mem>>) src(%dma_wait3A_36 : memref<40x128xi32, #tpu.memory_space<hbm>>) dst(%arg6 : memref<40x128xi32, #tpu.memory_space<vmem>>)
    %dma_wait3A_37 = arith.constant 0 : i32
    %dma_wait3A_38 = arith.constant 0 : i32
    %dma_wait3A_39 = tpu.memref_slice %arg4[%add3A, %dma_wait3A_37, %dma_wait3A_38] : memref<32x80x128xi32, #tpu.memory_space<hbm>> -> memref<1x40x128xi32, #tpu.memory_space<hbm>>
    %dma_wait3A_40 = tpu.memref_squeeze %dma_wait3A_39 : memref<1x40x128xi32, #tpu.memory_space<hbm>> -> memref<40x128xi32, #tpu.memory_space<hbm>>
    %dma_wait3A_41 = arith.constant 0 : i32
    %dma_wait3A_42 = arith.constant 0 : i32
    %dma_wait3A_43 = tpu.memref_slice %arg4[%add3A, %dma_wait3A_41, %dma_wait3A_42] : memref<32x80x128xi32, #tpu.memory_space<hbm>> -> memref<1x40x128xi32, #tpu.memory_space<hbm>>
    %dma_wait3A_44 = tpu.memref_squeeze %dma_wait3A_43 : memref<1x40x128xi32, #tpu.memory_space<hbm>> -> memref<40x128xi32, #tpu.memory_space<hbm>>
    tpu.wait_dma2 semaphore(%arg12 : memref<!tpu.dma_semaphore, #tpu.memory_space<semaphore_mem>>) src(%dma_wait3A_44 : memref<40x128xi32, #tpu.memory_space<hbm>>) dst(%arg7 : memref<40x128xi32, #tpu.memory_space<vmem>>)
    %dma_start3A_45 = arith.constant 0 : i32
    %dma_start3A_46 = arith.constant 0 : i32
    %dma_start3A_47 = tpu.memref_slice %arg6[%dma_start3A_45, %dma_start3A_46] : memref<40x128xi32, #tpu.memory_space<vmem>> -> memref<1x128xi32, #tpu.memory_space<vmem>>
    %dma_start3A_48 = tpu.memref_squeeze %dma_start3A_47 : memref<1x128xi32, #tpu.memory_space<vmem>> -> memref<128xi32, #tpu.memory_space<vmem>>
    %dma_start3A_49 = arith.constant 0 : i32
    %dma_start3A_50 = arith.constant 0 : i32
    %dma_start3A_51 = tpu.memref_slice %arg2[%dma_start3A_49, %dma_start3A_50] : memref<10240x128xf32, #tpu.memory_space<hbm>> -> memref<10240x128xf32, #tpu.memory_space<hbm>>
    tpu.enqueue_indirect_dma source(%dma_start3A_51 : memref<10240x128xf32, #tpu.memory_space<hbm>>) target(%arg8 : memref<128x128xf32, #tpu.memory_space<vmem>>) offsets(%dma_start3A_48 : memref<128xi32, #tpu.memory_space<vmem>>) semaphore(%arg11 : memref<!tpu.dma_semaphore, #tpu.memory_space<semaphore_mem>>)
    %barrier3A = arith.constant 0 : index
    tpu.barrier barrier_id(%barrier3A)
    %scan3A_52 = arith.constant 0 : i32
    %scan3A_53 = arith.constant 0 : i32
    %scan3A_54 = arith.constant 20 : i32
    %scan3A_55 = arith.addi %scan3A_53, %scan3A_54 : i32
    %scan3A_56 = arith.constant 1 : i32
    %scan3A_57 = scf.for %scan3A_92 = %scan3A_53 to %scan3A_55 step %scan3A_56 iter_args(%scan3A_93 = %scan3A_52) -> (i32)  : i32 {
      %mul3A_94 = arith.constant 2 : i32
      %mul3A_95 = arith.muli %scan3A_92, %mul3A_94 : i32
      %add3A_96 = arith.constant 1 : i32
      %add3A_97 = arith.addi %mul3A_95, %add3A_96 : i32
      %dma_start3A_98 = arith.constant 0 : i32
      %dma_start3A_99 = tpu.memref_slice %arg6[%add3A_97, %dma_start3A_98] : memref<40x128xi32, #tpu.memory_space<vmem>> -> memref<1x128xi32, #tpu.memory_space<vmem>>
      %dma_start3A_100 = tpu.memref_squeeze %dma_start3A_99 : memref<1x128xi32, #tpu.memory_space<vmem>> -> memref<128xi32, #tpu.memory_space<vmem>>
      %dma_start3A_101 = arith.constant 0 : i32
      %dma_start3A_102 = arith.constant 0 : i32
      %dma_start3A_103 = tpu.memref_slice %arg2[%dma_start3A_101, %dma_start3A_102] : memref<10240x128xf32, #tpu.memory_space<hbm>> -> memref<10240x128xf32, #tpu.memory_space<hbm>>
      tpu.enqueue_indirect_dma source(%dma_start3A_103 : memref<10240x128xf32, #tpu.memory_space<hbm>>) target(%arg9 : memref<128x128xf32, #tpu.memory_space<vmem>>) offsets(%dma_start3A_100 : memref<128xi32, #tpu.memory_space<vmem>>) semaphore(%arg12 : memref<!tpu.dma_semaphore, #tpu.memory_space<semaphore_mem>>)
      %dma_wait3A_104 = arith.constant 0 : i32
      %dma_wait3A_105 = tpu.memref_slice %arg6[%mul3A_95, %dma_wait3A_104] : memref<40x128xi32, #tpu.memory_space<vmem>> -> memref<1x128xi32, #tpu.memory_space<vmem>>
      %dma_wait3A_106 = tpu.memref_squeeze %dma_wait3A_105 : memref<1x128xi32, #tpu.memory_space<vmem>> -> memref<128xi32, #tpu.memory_space<vmem>>
      %dma_wait3A_107 = arith.constant 0 : i32
      %dma_wait3A_108 = arith.constant 0 : i32
      %dma_wait3A_109 = tpu.memref_slice %arg2[%dma_wait3A_107, %dma_wait3A_108] : memref<10240x128xf32, #tpu.memory_space<hbm>> -> memref<10240x128xf32, #tpu.memory_space<hbm>>
      tpu.wait_indirect_dma semaphore(%arg11 : memref<!tpu.dma_semaphore, #tpu.memory_space<semaphore_mem>>) src(%dma_wait3A_109 : memref<10240x128xf32, #tpu.memory_space<hbm>>) dst(%arg8 : memref<128x128xf32, #tpu.memory_space<vmem>>)
      "tpu.region"() ({
        %run_scoped3A = tpu.sem_alloc : memref<!tpu.dma_semaphore, #tpu.memory_space<semaphore_mem>>
        %dma_start3A_130 = arith.constant 0 : i32
        %dma_start3A_131 = tpu.memref_slice %arg7[%mul3A_95, %dma_start3A_130] : memref<40x128xi32, #tpu.memory_space<vmem>> -> memref<1x128xi32, #tpu.memory_space<vmem>>
        %dma_start3A_132 = tpu.memref_squeeze %dma_start3A_131 : memref<1x128xi32, #tpu.memory_space<vmem>> -> memref<128xi32, #tpu.memory_space<vmem>>
        %dma_start3A_133 = arith.constant 0 : i32
        %dma_start3A_134 = arith.constant 0 : i32
        %dma_start3A_135 = tpu.memref_slice %arg10[%dma_start3A_133, %dma_start3A_134] : memref<10240x128xf32, #tpu.memory_space<vmem_shared>> -> memref<10240x128xf32, #tpu.memory_space<vmem_shared>>
        tpu.enqueue_indirect_dma source(%arg8 : memref<128x128xf32, #tpu.memory_space<vmem>>) target(%dma_start3A_135 : memref<10240x128xf32, #tpu.memory_space<vmem_shared>>) offsets(%dma_start3A_132 : memref<128xi32, #tpu.memory_space<vmem>>) semaphore(%run_scoped3A : memref<!tpu.dma_semaphore, #tpu.memory_space<semaphore_mem>>) {add = true}
        %dma_wait3A_136 = arith.constant 0 : i32
        %dma_wait3A_137 = tpu.memref_slice %arg7[%mul3A_95, %dma_wait3A_136] : memref<40x128xi32, #tpu.memory_space<vmem>> -> memref<1x128xi32, #tpu.memory_space<vmem>>
        %dma_wait3A_138 = tpu.memref_squeeze %dma_wait3A_137 : memref<1x128xi32, #tpu.memory_space<vmem>> -> memref<128xi32, #tpu.memory_space<vmem>>
        %dma_wait3A_139 = arith.constant 0 : i32
        %dma_wait3A_140 = arith.constant 0 : i32
        %dma_wait3A_141 = tpu.memref_slice %arg10[%dma_wait3A_139, %dma_wait3A_140] : memref<10240x128xf32, #tpu.memory_space<vmem_shared>> -> memref<10240x128xf32, #tpu.memory_space<vmem_shared>>
        tpu.wait_indirect_dma semaphore(%run_scoped3A : memref<!tpu.dma_semaphore, #tpu.memory_space<semaphore_mem>>) src(%arg8 : memref<128x128xf32, #tpu.memory_space<vmem>>) dst(%dma_wait3A_141 : memref<10240x128xf32, #tpu.memory_space<vmem_shared>>)
        tpu.yield
      }) : () -> ()
      %add3A_110 = arith.constant 2 : i32
      %add3A_111 = arith.addi %mul3A_95, %add3A_110 : i32
      %min3A = arith.constant 39 : i32
      %min3A_112 = arith.minsi %add3A_111, %min3A : i32
      %dma_start3A_113 = arith.constant 0 : i32
      %dma_start3A_114 = tpu.memref_slice %arg6[%min3A_112, %dma_start3A_113] : memref<40x128xi32, #tpu.memory_space<vmem>> -> memref<1x128xi32, #tpu.memory_space<vmem>>
      %dma_start3A_115 = tpu.memref_squeeze %dma_start3A_114 : memref<1x128xi32, #tpu.memory_space<vmem>> -> memref<128xi32, #tpu.memory_space<vmem>>
      %dma_start3A_116 = arith.constant 0 : i32
      %dma_start3A_117 = arith.constant 0 : i32
      %dma_start3A_118 = tpu.memref_slice %arg2[%dma_start3A_116, %dma_start3A_117] : memref<10240x128xf32, #tpu.memory_space<hbm>> -> memref<10240x128xf32, #tpu.memory_space<hbm>>
      tpu.enqueue_indirect_dma source(%dma_start3A_118 : memref<10240x128xf32, #tpu.memory_space<hbm>>) target(%arg8 : memref<128x128xf32, #tpu.memory_space<vmem>>) offsets(%dma_start3A_115 : memref<128xi32, #tpu.memory_space<vmem>>) semaphore(%arg11 : memref<!tpu.dma_semaphore, #tpu.memory_space<semaphore_mem>>)
      %add3A_119 = arith.constant 1 : i32
      %add3A_120 = arith.addi %mul3A_95, %add3A_119 : i32
      %dma_wait3A_121 = arith.constant 0 : i32
      %dma_wait3A_122 = tpu.memref_slice %arg6[%add3A_120, %dma_wait3A_121] : memref<40x128xi32, #tpu.memory_space<vmem>> -> memref<1x128xi32, #tpu.memory_space<vmem>>
      %dma_wait3A_123 = tpu.memref_squeeze %dma_wait3A_122 : memref<1x128xi32, #tpu.memory_space<vmem>> -> memref<128xi32, #tpu.memory_space<vmem>>
      %dma_wait3A_124 = arith.constant 0 : i32
      %dma_wait3A_125 = arith.constant 0 : i32
      %dma_wait3A_126 = tpu.memref_slice %arg2[%dma_wait3A_124, %dma_wait3A_125] : memref<10240x128xf32, #tpu.memory_space<hbm>> -> memref<10240x128xf32, #tpu.memory_space<hbm>>
      tpu.wait_indirect_dma semaphore(%arg12 : memref<!tpu.dma_semaphore, #tpu.memory_space<semaphore_mem>>) src(%dma_wait3A_126 : memref<10240x128xf32, #tpu.memory_space<hbm>>) dst(%arg9 : memref<128x128xf32, #tpu.memory_space<vmem>>)
      %add3A_127 = arith.constant 1 : i32
      %add3A_128 = arith.addi %mul3A_95, %add3A_127 : i32
      "tpu.region"() ({
        %run_scoped3A = tpu.sem_alloc : memref<!tpu.dma_semaphore, #tpu.memory_space<semaphore_mem>>
        %dma_start3A_130 = arith.constant 0 : i32
        %dma_start3A_131 = tpu.memref_slice %arg7[%add3A_128, %dma_start3A_130] : memref<40x128xi32, #tpu.memory_space<vmem>> -> memref<1x128xi32, #tpu.memory_space<vmem>>
        %dma_start3A_132 = tpu.memref_squeeze %dma_start3A_131 : memref<1x128xi32, #tpu.memory_space<vmem>> -> memref<128xi32, #tpu.memory_space<vmem>>
        %dma_start3A_133 = arith.constant 0 : i32
        %dma_start3A_134 = arith.constant 0 : i32
        %dma_start3A_135 = tpu.memref_slice %arg10[%dma_start3A_133, %dma_start3A_134] : memref<10240x128xf32, #tpu.memory_space<vmem_shared>> -> memref<10240x128xf32, #tpu.memory_space<vmem_shared>>
        tpu.enqueue_indirect_dma source(%arg9 : memref<128x128xf32, #tpu.memory_space<vmem>>) target(%dma_start3A_135 : memref<10240x128xf32, #tpu.memory_space<vmem_shared>>) offsets(%dma_start3A_132 : memref<128xi32, #tpu.memory_space<vmem>>) semaphore(%run_scoped3A : memref<!tpu.dma_semaphore, #tpu.memory_space<semaphore_mem>>) {add = true}
        %dma_wait3A_136 = arith.constant 0 : i32
        %dma_wait3A_137 = tpu.memref_slice %arg7[%add3A_128, %dma_wait3A_136] : memref<40x128xi32, #tpu.memory_space<vmem>> -> memref<1x128xi32, #tpu.memory_space<vmem>>
        %dma_wait3A_138 = tpu.memref_squeeze %dma_wait3A_137 : memref<1x128xi32, #tpu.memory_space<vmem>> -> memref<128xi32, #tpu.memory_space<vmem>>
        %dma_wait3A_139 = arith.constant 0 : i32
        %dma_wait3A_140 = arith.constant 0 : i32
        %dma_wait3A_141 = tpu.memref_slice %arg10[%dma_wait3A_139, %dma_wait3A_140] : memref<10240x128xf32, #tpu.memory_space<vmem_shared>> -> memref<10240x128xf32, #tpu.memory_space<vmem_shared>>
        tpu.wait_indirect_dma semaphore(%run_scoped3A : memref<!tpu.dma_semaphore, #tpu.memory_space<semaphore_mem>>) src(%arg9 : memref<128x128xf32, #tpu.memory_space<vmem>>) dst(%dma_wait3A_141 : memref<10240x128xf32, #tpu.memory_space<vmem_shared>>)
        tpu.yield
      }) : () -> ()
      %scan3A_129 = arith.constant 0 : i32
      scf.yield %scan3A_129 : i32
    }
    %scan3A_58 = arith.constant 20 : i32
    %dma_wait3A_59 = arith.constant 0 : i32
    %dma_wait3A_60 = arith.constant 0 : i32
    %dma_wait3A_61 = tpu.memref_slice %arg6[%dma_wait3A_59, %dma_wait3A_60] : memref<40x128xi32, #tpu.memory_space<vmem>> -> memref<1x128xi32, #tpu.memory_space<vmem>>
    %dma_wait3A_62 = tpu.memref_squeeze %dma_wait3A_61 : memref<1x128xi32, #tpu.memory_space<vmem>> -> memref<128xi32, #tpu.memory_space<vmem>>
    %dma_wait3A_63 = arith.constant 0 : i32
    %dma_wait3A_64 = arith.constant 0 : i32
    %dma_wait3A_65 = tpu.memref_slice %arg2[%dma_wait3A_63, %dma_wait3A_64] : memref<10240x128xf32, #tpu.memory_space<hbm>> -> memref<10240x128xf32, #tpu.memory_space<hbm>>
    tpu.wait_indirect_dma semaphore(%arg11 : memref<!tpu.dma_semaphore, #tpu.memory_space<semaphore_mem>>) src(%dma_wait3A_65 : memref<10240x128xf32, #tpu.memory_space<hbm>>) dst(%arg8 : memref<128x128xf32, #tpu.memory_space<vmem>>)
    "tpu.region"() ({
      %run_scoped3A = tpu.sem_alloc : memref<!tpu.dma_semaphore, #tpu.memory_space<semaphore_mem>>
      %dma_start3A_92 = arith.constant 40 : i32
      %dma_start3A_93 = arith.constant 0 : i32
      %dma_start3A_94 = tpu.memref_slice %arg3[%add3A, %dma_start3A_92, %dma_start3A_93] : memref<32x80x128xi32, #tpu.memory_space<hbm>> -> memref<1x40x128xi32, #tpu.memory_space<hbm>>
      %dma_start3A_95 = tpu.memref_squeeze %dma_start3A_94 : memref<1x40x128xi32, #tpu.memory_space<hbm>> -> memref<40x128xi32, #tpu.memory_space<hbm>>
      %dma_start3A_96 = arith.constant 40 : i32
      %dma_start3A_97 = arith.constant 0 : i32
      %dma_start3A_98 = tpu.memref_slice %arg3[%add3A, %dma_start3A_96, %dma_start3A_97] : memref<32x80x128xi32, #tpu.memory_space<hbm>> -> memref<1x40x128xi32, #tpu.memory_space<hbm>>
      %dma_start3A_99 = tpu.memref_squeeze %dma_start3A_98 : memref<1x40x128xi32, #tpu.memory_space<hbm>> -> memref<40x128xi32, #tpu.memory_space<hbm>>
      tpu.enqueue_dma source(%dma_start3A_99 : memref<40x128xi32, #tpu.memory_space<hbm>>) target(%arg6 : memref<40x128xi32, #tpu.memory_space<vmem>>) target_semaphore(%run_scoped3A : memref<!tpu.dma_semaphore, #tpu.memory_space<semaphore_mem>>)
      %dma_wait3A_100 = arith.constant 40 : i32
      %dma_wait3A_101 = arith.constant 0 : i32
      %dma_wait3A_102 = tpu.memref_slice %arg3[%add3A, %dma_wait3A_100, %dma_wait3A_101] : memref<32x80x128xi32, #tpu.memory_space<hbm>> -> memref<1x40x128xi32, #tpu.memory_space<hbm>>
      %dma_wait3A_103 = tpu.memref_squeeze %dma_wait3A_102 : memref<1x40x128xi32, #tpu.memory_space<hbm>> -> memref<40x128xi32, #tpu.memory_space<hbm>>
      %dma_wait3A_104 = arith.constant 40 : i32
      %dma_wait3A_105 = arith.constant 0 : i32
      %dma_wait3A_106 = tpu.memref_slice %arg3[%add3A, %dma_wait3A_104, %dma_wait3A_105] : memref<32x80x128xi32, #tpu.memory_space<hbm>> -> memref<1x40x128xi32, #tpu.memory_space<hbm>>
      %dma_wait3A_107 = tpu.memref_squeeze %dma_wait3A_106 : memref<1x40x128xi32, #tpu.memory_space<hbm>> -> memref<40x128xi32, #tpu.memory_space<hbm>>
      tpu.wait_dma2 semaphore(%run_scoped3A : memref<!tpu.dma_semaphore, #tpu.memory_space<semaphore_mem>>) src(%dma_wait3A_107 : memref<40x128xi32, #tpu.memory_space<hbm>>) dst(%arg6 : memref<40x128xi32, #tpu.memory_space<vmem>>)
      tpu.yield
    }) : () -> ()
    "tpu.region"() ({
      %run_scoped3A = tpu.sem_alloc : memref<!tpu.dma_semaphore, #tpu.memory_space<semaphore_mem>>
      %dma_start3A_92 = arith.constant 40 : i32
      %dma_start3A_93 = arith.constant 0 : i32
      %dma_start3A_94 = tpu.memref_slice %arg4[%add3A, %dma_start3A_92, %dma_start3A_93] : memref<32x80x128xi32, #tpu.memory_space<hbm>> -> memref<1x40x128xi32, #tpu.memory_space<hbm>>
      %dma_start3A_95 = tpu.memref_squeeze %dma_start3A_94 : memref<1x40x128xi32, #tpu.memory_space<hbm>> -> memref<40x128xi32, #tpu.memory_space<hbm>>
      %dma_start3A_96 = arith.constant 40 : i32
      %dma_start3A_97 = arith.constant 0 : i32
      %dma_start3A_98 = tpu.memref_slice %arg4[%add3A, %dma_start3A_96, %dma_start3A_97] : memref<32x80x128xi32, #tpu.memory_space<hbm>> -> memref<1x40x128xi32, #tpu.memory_space<hbm>>
      %dma_start3A_99 = tpu.memref_squeeze %dma_start3A_98 : memref<1x40x128xi32, #tpu.memory_space<hbm>> -> memref<40x128xi32, #tpu.memory_space<hbm>>
      tpu.enqueue_dma source(%dma_start3A_99 : memref<40x128xi32, #tpu.memory_space<hbm>>) target(%arg7 : memref<40x128xi32, #tpu.memory_space<vmem>>) target_semaphore(%run_scoped3A : memref<!tpu.dma_semaphore, #tpu.memory_space<semaphore_mem>>)
      %dma_wait3A_100 = arith.constant 40 : i32
      %dma_wait3A_101 = arith.constant 0 : i32
      %dma_wait3A_102 = tpu.memref_slice %arg4[%add3A, %dma_wait3A_100, %dma_wait3A_101] : memref<32x80x128xi32, #tpu.memory_space<hbm>> -> memref<1x40x128xi32, #tpu.memory_space<hbm>>
      %dma_wait3A_103 = tpu.memref_squeeze %dma_wait3A_102 : memref<1x40x128xi32, #tpu.memory_space<hbm>> -> memref<40x128xi32, #tpu.memory_space<hbm>>
      %dma_wait3A_104 = arith.constant 40 : i32
      %dma_wait3A_105 = arith.constant 0 : i32
      %dma_wait3A_106 = tpu.memref_slice %arg4[%add3A, %dma_wait3A_104, %dma_wait3A_105] : memref<32x80x128xi32, #tpu.memory_space<hbm>> -> memref<1x40x128xi32, #tpu.memory_space<hbm>>
      %dma_wait3A_107 = tpu.memref_squeeze %dma_wait3A_106 : memref<1x40x128xi32, #tpu.memory_space<hbm>> -> memref<40x128xi32, #tpu.memory_space<hbm>>
      tpu.wait_dma2 semaphore(%run_scoped3A : memref<!tpu.dma_semaphore, #tpu.memory_space<semaphore_mem>>) src(%dma_wait3A_107 : memref<40x128xi32, #tpu.memory_space<hbm>>) dst(%arg7 : memref<40x128xi32, #tpu.memory_space<vmem>>)
      tpu.yield
    }) : () -> ()
    %dma_start3A_66 = arith.constant 0 : i32
    %dma_start3A_67 = arith.constant 0 : i32
    %dma_start3A_68 = tpu.memref_slice %arg6[%dma_start3A_66, %dma_start3A_67] : memref<40x128xi32, #tpu.memory_space<vmem>> -> memref<1x128xi32, #tpu.memory_space<vmem>>
    %dma_start3A_69 = tpu.memref_squeeze %dma_start3A_68 : memref<1x128xi32, #tpu.memory_space<vmem>> -> memref<128xi32, #tpu.memory_space<vmem>>
    %dma_start3A_70 = arith.constant 0 : i32
    %dma_start3A_71 = arith.constant 0 : i32
    %dma_start3A_72 = tpu.memref_slice %arg2[%dma_start3A_70, %dma_start3A_71] : memref<10240x128xf32, #tpu.memory_space<hbm>> -> memref<10240x128xf32, #tpu.memory_space<hbm>>
    tpu.enqueue_indirect_dma source(%dma_start3A_72 : memref<10240x128xf32, #tpu.memory_space<hbm>>) target(%arg8 : memref<128x128xf32, #tpu.memory_space<vmem>>) offsets(%dma_start3A_69 : memref<128xi32, #tpu.memory_space<vmem>>) semaphore(%arg11 : memref<!tpu.dma_semaphore, #tpu.memory_space<semaphore_mem>>)
    %scan3A_73 = arith.constant 0 : i32
    %scan3A_74 = arith.constant 0 : i32
    %scan3A_75 = arith.constant 20 : i32
    %scan3A_76 = arith.addi %scan3A_74, %scan3A_75 : i32
    %scan3A_77 = arith.constant 1 : i32
    %scan3A_78 = scf.for %scan3A_92 = %scan3A_74 to %scan3A_76 step %scan3A_77 iter_args(%scan3A_93 = %scan3A_73) -> (i32)  : i32 {
      %mul3A_94 = arith.constant 2 : i32
      %mul3A_95 = arith.muli %scan3A_92, %mul3A_94 : i32
      %add3A_96 = arith.constant 1 : i32
      %add3A_97 = arith.addi %mul3A_95, %add3A_96 : i32
      %dma_start3A_98 = arith.constant 0 : i32
      %dma_start3A_99 = tpu.memref_slice %arg6[%add3A_97, %dma_start3A_98] : memref<40x128xi32, #tpu.memory_space<vmem>> -> memref<1x128xi32, #tpu.memory_space<vmem>>
      %dma_start3A_100 = tpu.memref_squeeze %dma_start3A_99 : memref<1x128xi32, #tpu.memory_space<vmem>> -> memref<128xi32, #tpu.memory_space<vmem>>
      %dma_start3A_101 = arith.constant 0 : i32
      %dma_start3A_102 = arith.constant 0 : i32
      %dma_start3A_103 = tpu.memref_slice %arg2[%dma_start3A_101, %dma_start3A_102] : memref<10240x128xf32, #tpu.memory_space<hbm>> -> memref<10240x128xf32, #tpu.memory_space<hbm>>
      tpu.enqueue_indirect_dma source(%dma_start3A_103 : memref<10240x128xf32, #tpu.memory_space<hbm>>) target(%arg9 : memref<128x128xf32, #tpu.memory_space<vmem>>) offsets(%dma_start3A_100 : memref<128xi32, #tpu.memory_space<vmem>>) semaphore(%arg12 : memref<!tpu.dma_semaphore, #tpu.memory_space<semaphore_mem>>)
      %dma_wait3A_104 = arith.constant 0 : i32
      %dma_wait3A_105 = tpu.memref_slice %arg6[%mul3A_95, %dma_wait3A_104] : memref<40x128xi32, #tpu.memory_space<vmem>> -> memref<1x128xi32, #tpu.memory_space<vmem>>
      %dma_wait3A_106 = tpu.memref_squeeze %dma_wait3A_105 : memref<1x128xi32, #tpu.memory_space<vmem>> -> memref<128xi32, #tpu.memory_space<vmem>>
      %dma_wait3A_107 = arith.constant 0 : i32
      %dma_wait3A_108 = arith.constant 0 : i32
      %dma_wait3A_109 = tpu.memref_slice %arg2[%dma_wait3A_107, %dma_wait3A_108] : memref<10240x128xf32, #tpu.memory_space<hbm>> -> memref<10240x128xf32, #tpu.memory_space<hbm>>
      tpu.wait_indirect_dma semaphore(%arg11 : memref<!tpu.dma_semaphore, #tpu.memory_space<semaphore_mem>>) src(%dma_wait3A_109 : memref<10240x128xf32, #tpu.memory_space<hbm>>) dst(%arg8 : memref<128x128xf32, #tpu.memory_space<vmem>>)
      "tpu.region"() ({
        %run_scoped3A = tpu.sem_alloc : memref<!tpu.dma_semaphore, #tpu.memory_space<semaphore_mem>>
        %dma_start3A_130 = arith.constant 0 : i32
        %dma_start3A_131 = tpu.memref_slice %arg7[%mul3A_95, %dma_start3A_130] : memref<40x128xi32, #tpu.memory_space<vmem>> -> memref<1x128xi32, #tpu.memory_space<vmem>>
        %dma_start3A_132 = tpu.memref_squeeze %dma_start3A_131 : memref<1x128xi32, #tpu.memory_space<vmem>> -> memref<128xi32, #tpu.memory_space<vmem>>
        %dma_start3A_133 = arith.constant 0 : i32
        %dma_start3A_134 = arith.constant 0 : i32
        %dma_start3A_135 = tpu.memref_slice %arg10[%dma_start3A_133, %dma_start3A_134] : memref<10240x128xf32, #tpu.memory_space<vmem_shared>> -> memref<10240x128xf32, #tpu.memory_space<vmem_shared>>
        tpu.enqueue_indirect_dma source(%arg8 : memref<128x128xf32, #tpu.memory_space<vmem>>) target(%dma_start3A_135 : memref<10240x128xf32, #tpu.memory_space<vmem_shared>>) offsets(%dma_start3A_132 : memref<128xi32, #tpu.memory_space<vmem>>) semaphore(%run_scoped3A : memref<!tpu.dma_semaphore, #tpu.memory_space<semaphore_mem>>) {add = true}
        %dma_wait3A_136 = arith.constant 0 : i32
        %dma_wait3A_137 = tpu.memref_slice %arg7[%mul3A_95, %dma_wait3A_136] : memref<40x128xi32, #tpu.memory_space<vmem>> -> memref<1x128xi32, #tpu.memory_space<vmem>>
        %dma_wait3A_138 = tpu.memref_squeeze %dma_wait3A_137 : memref<1x128xi32, #tpu.memory_space<vmem>> -> memref<128xi32, #tpu.memory_space<vmem>>
        %dma_wait3A_139 = arith.constant 0 : i32
        %dma_wait3A_140 = arith.constant 0 : i32
        %dma_wait3A_141 = tpu.memref_slice %arg10[%dma_wait3A_139, %dma_wait3A_140] : memref<10240x128xf32, #tpu.memory_space<vmem_shared>> -> memref<10240x128xf32, #tpu.memory_space<vmem_shared>>
        tpu.wait_indirect_dma semaphore(%run_scoped3A : memref<!tpu.dma_semaphore, #tpu.memory_space<semaphore_mem>>) src(%arg8 : memref<128x128xf32, #tpu.memory_space<vmem>>) dst(%dma_wait3A_141 : memref<10240x128xf32, #tpu.memory_space<vmem_shared>>)
        tpu.yield
      }) : () -> ()
      %add3A_110 = arith.constant 2 : i32
      %add3A_111 = arith.addi %mul3A_95, %add3A_110 : i32
      %min3A = arith.constant 39 : i32
      %min3A_112 = arith.minsi %add3A_111, %min3A : i32
      %dma_start3A_113 = arith.constant 0 : i32
      %dma_start3A_114 = tpu.memref_slice %arg6[%min3A_112, %dma_start3A_113] : memref<40x128xi32, #tpu.memory_space<vmem>> -> memref<1x128xi32, #tpu.memory_space<vmem>>
      %dma_start3A_115 = tpu.memref_squeeze %dma_start3A_114 : memref<1x128xi32, #tpu.memory_space<vmem>> -> memref<128xi32, #tpu.memory_space<vmem>>
      %dma_start3A_116 = arith.constant 0 : i32
      %dma_start3A_117 = arith.constant 0 : i32
      %dma_start3A_118 = tpu.memref_slice %arg2[%dma_start3A_116, %dma_start3A_117] : memref<10240x128xf32, #tpu.memory_space<hbm>> -> memref<10240x128xf32, #tpu.memory_space<hbm>>
      tpu.enqueue_indirect_dma source(%dma_start3A_118 : memref<10240x128xf32, #tpu.memory_space<hbm>>) target(%arg8 : memref<128x128xf32, #tpu.memory_space<vmem>>) offsets(%dma_start3A_115 : memref<128xi32, #tpu.memory_space<vmem>>) semaphore(%arg11 : memref<!tpu.dma_semaphore, #tpu.memory_space<semaphore_mem>>)
      %add3A_119 = arith.constant 1 : i32
      %add3A_120 = arith.addi %mul3A_95, %add3A_119 : i32
      %dma_wait3A_121 = arith.constant 0 : i32
      %dma_wait3A_122 = tpu.memref_slice %arg6[%add3A_120, %dma_wait3A_121] : memref<40x128xi32, #tpu.memory_space<vmem>> -> memref<1x128xi32, #tpu.memory_space<vmem>>
      %dma_wait3A_123 = tpu.memref_squeeze %dma_wait3A_122 : memref<1x128xi32, #tpu.memory_space<vmem>> -> memref<128xi32, #tpu.memory_space<vmem>>
      %dma_wait3A_124 = arith.constant 0 : i32
      %dma_wait3A_125 = arith.constant 0 : i32
      %dma_wait3A_126 = tpu.memref_slice %arg2[%dma_wait3A_124, %dma_wait3A_125] : memref<10240x128xf32, #tpu.memory_space<hbm>> -> memref<10240x128xf32, #tpu.memory_space<hbm>>
      tpu.wait_indirect_dma semaphore(%arg12 : memref<!tpu.dma_semaphore, #tpu.memory_space<semaphore_mem>>) src(%dma_wait3A_126 : memref<10240x128xf32, #tpu.memory_space<hbm>>) dst(%arg9 : memref<128x128xf32, #tpu.memory_space<vmem>>)
      %add3A_127 = arith.constant 1 : i32
      %add3A_128 = arith.addi %mul3A_95, %add3A_127 : i32
      "tpu.region"() ({
        %run_scoped3A = tpu.sem_alloc : memref<!tpu.dma_semaphore, #tpu.memory_space<semaphore_mem>>
        %dma_start3A_130 = arith.constant 0 : i32
        %dma_start3A_131 = tpu.memref_slice %arg7[%add3A_128, %dma_start3A_130] : memref<40x128xi32, #tpu.memory_space<vmem>> -> memref<1x128xi32, #tpu.memory_space<vmem>>
        %dma_start3A_132 = tpu.memref_squeeze %dma_start3A_131 : memref<1x128xi32, #tpu.memory_space<vmem>> -> memref<128xi32, #tpu.memory_space<vmem>>
        %dma_start3A_133 = arith.constant 0 : i32
        %dma_start3A_134 = arith.constant 0 : i32
        %dma_start3A_135 = tpu.memref_slice %arg10[%dma_start3A_133, %dma_start3A_134] : memref<10240x128xf32, #tpu.memory_space<vmem_shared>> -> memref<10240x128xf32, #tpu.memory_space<vmem_shared>>
        tpu.enqueue_indirect_dma source(%arg9 : memref<128x128xf32, #tpu.memory_space<vmem>>) target(%dma_start3A_135 : memref<10240x128xf32, #tpu.memory_space<vmem_shared>>) offsets(%dma_start3A_132 : memref<128xi32, #tpu.memory_space<vmem>>) semaphore(%run_scoped3A : memref<!tpu.dma_semaphore, #tpu.memory_space<semaphore_mem>>) {add = true}
        %dma_wait3A_136 = arith.constant 0 : i32
        %dma_wait3A_137 = tpu.memref_slice %arg7[%add3A_128, %dma_wait3A_136] : memref<40x128xi32, #tpu.memory_space<vmem>> -> memref<1x128xi32, #tpu.memory_space<vmem>>
        %dma_wait3A_138 = tpu.memref_squeeze %dma_wait3A_137 : memref<1x128xi32, #tpu.memory_space<vmem>> -> memref<128xi32, #tpu.memory_space<vmem>>
        %dma_wait3A_139 = arith.constant 0 : i32
        %dma_wait3A_140 = arith.constant 0 : i32
        %dma_wait3A_141 = tpu.memref_slice %arg10[%dma_wait3A_139, %dma_wait3A_140] : memref<10240x128xf32, #tpu.memory_space<vmem_shared>> -> memref<10240x128xf32, #tpu.memory_space<vmem_shared>>
        tpu.wait_indirect_dma semaphore(%run_scoped3A : memref<!tpu.dma_semaphore, #tpu.memory_space<semaphore_mem>>) src(%arg9 : memref<128x128xf32, #tpu.memory_space<vmem>>) dst(%dma_wait3A_141 : memref<10240x128xf32, #tpu.memory_space<vmem_shared>>)
        tpu.yield
      }) : () -> ()
      %scan3A_129 = arith.constant 0 : i32
      scf.yield %scan3A_129 : i32
    }
    %scan3A_79 = arith.constant 20 : i32
    %dma_wait3A_80 = arith.constant 0 : i32
    %dma_wait3A_81 = arith.constant 0 : i32
    %dma_wait3A_82 = tpu.memref_slice %arg6[%dma_wait3A_80, %dma_wait3A_81] : memref<40x128xi32, #tpu.memory_space<vmem>> -> memref<1x128xi32, #tpu.memory_space<vmem>>
    %dma_wait3A_83 = tpu.memref_squeeze %dma_wait3A_82 : memref<1x128xi32, #tpu.memory_space<vmem>> -> memref<128xi32, #tpu.memory_space<vmem>>
    %dma_wait3A_84 = arith.constant 0 : i32
    %dma_wait3A_85 = arith.constant 0 : i32
    %dma_wait3A_86 = tpu.memref_slice %arg2[%dma_wait3A_84, %dma_wait3A_85] : memref<10240x128xf32, #tpu.memory_space<hbm>> -> memref<10240x128xf32, #tpu.memory_space<hbm>>
    tpu.wait_indirect_dma semaphore(%arg11 : memref<!tpu.dma_semaphore, #tpu.memory_space<semaphore_mem>>) src(%dma_wait3A_86 : memref<10240x128xf32, #tpu.memory_space<hbm>>) dst(%arg8 : memref<128x128xf32, #tpu.memory_space<vmem>>)
    %barrier3A_87 = arith.constant 0 : index
    tpu.barrier barrier_id(%barrier3A_87)
    %mul3A_88 = arith.constant 640 : i32
    %mul3A_89 = arith.muli %arg1, %mul3A_88 : i32
    %mul3A_90 = arith.constant 640 : i32
    %mul3A_91 = arith.muli %arg1, %mul3A_90 : i32
    "tpu.region"() ({
      %run_scoped3A = tpu.sem_alloc : memref<!tpu.dma_semaphore, #tpu.memory_space<semaphore_mem>>
      %dma_start3A_92 = arith.constant 0 : i32
      %dma_start3A_93 = tpu.memref_slice %arg5[%arg0, %mul3A_91, %dma_start3A_92] : memref<2x10240x128xf32, #tpu.memory_space<hbm>> -> memref<1x640x128xf32, #tpu.memory_space<hbm>>
      %dma_start3A_94 = tpu.memref_squeeze %dma_start3A_93 : memref<1x640x128xf32, #tpu.memory_space<hbm>> -> memref<640x128xf32, #tpu.memory_space<hbm>>
      %dma_start3A_95 = arith.constant 0 : i32
      %dma_start3A_96 = tpu.memref_slice %arg10[%mul3A_89, %dma_start3A_95] : memref<10240x128xf32, #tpu.memory_space<vmem_shared>> -> memref<640x128xf32, #tpu.memory_space<vmem_shared>>
      tpu.enqueue_dma source(%dma_start3A_96 : memref<640x128xf32, #tpu.memory_space<vmem_shared>>) target(%dma_start3A_94 : memref<640x128xf32, #tpu.memory_space<hbm>>) target_semaphore(%run_scoped3A : memref<!tpu.dma_semaphore, #tpu.memory_space<semaphore_mem>>)
      %dma_wait3A_97 = arith.constant 0 : i32
      %dma_wait3A_98 = tpu.memref_slice %arg5[%arg0, %mul3A_91, %dma_wait3A_97] : memref<2x10240x128xf32, #tpu.memory_space<hbm>> -> memref<1x640x128xf32, #tpu.memory_space<hbm>>
      %dma_wait3A_99 = tpu.memref_squeeze %dma_wait3A_98 : memref<1x640x128xf32, #tpu.memory_space<hbm>> -> memref<640x128xf32, #tpu.memory_space<hbm>>
      %dma_wait3A_100 = arith.constant 0 : i32
      %dma_wait3A_101 = tpu.memref_slice %arg10[%mul3A_89, %dma_wait3A_100] : memref<10240x128xf32, #tpu.memory_space<vmem_shared>> -> memref<640x128xf32, #tpu.memory_space<vmem_shared>>
      tpu.wait_dma2 semaphore(%run_scoped3A : memref<!tpu.dma_semaphore, #tpu.memory_space<semaphore_mem>>) src(%dma_wait3A_101 : memref<640x128xf32, #tpu.memory_space<vmem_shared>>) dst(%dma_wait3A_99 : memref<640x128xf32, #tpu.memory_space<hbm>>)
      tpu.yield
    }) : () -> ()
    return
  }
}

#map = affine_map<(d0, d1) -> (0, 0)>
#map1 = affine_map<(d0, d1) -> (0, 0, 0)>
module attributes {stable_mosaic.version = 14 : i64} {
  func.func @_sc_propagate(%arg0: i32, %arg1: i32, %arg2: memref<10240x128xf32, #tpu.memory_space<hbm>>, %arg3: memref<32x80x128xi32, #tpu.memory_space<hbm>>, %arg4: memref<32x80x128xi32, #tpu.memory_space<hbm>>, %arg5: memref<2x10240x128xf32, #tpu.memory_space<hbm>>, %arg6: memref<40x128xi32, #tpu.memory_space<vmem>>, %arg7: memref<40x128xi32, #tpu.memory_space<vmem>>, %arg8: memref<128x128xf32, #tpu.memory_space<vmem>>, %arg9: memref<128x128xf32, #tpu.memory_space<vmem>>, %arg10: memref<10240x128xf32, #tpu.memory_space<vmem_shared>>, %arg11: memref<!tpu.dma_semaphore, #tpu.memory_space<semaphore_mem>>, %arg12: memref<!tpu.dma_semaphore, #tpu.memory_space<semaphore_mem>>) attributes {dimension_semantics = [#tpu.dimension_semantics<core_parallel>, #tpu.dimension_semantics<subcore_parallel>], iteration_bounds = array<i64: 2, 16>, scalar_prefetch = 0 : i64, scratch_operands = 7 : i64, tpu.core_type = #tpu.core_type<sc_vector_subcore>, window_params = [{transform_indices = #map}, {transform_indices = #map1}, {transform_indices = #map1}, {transform_indices = #map1}]} {
    %mul3A = arith.constant 16 : i32
    %mul3A_0 = arith.muli %arg0, %mul3A : i32
    %add3A = arith.addi %mul3A_0, %arg1 : i32
    %dma_start3A = arith.constant 0 : i32
    %dma_start3A_1 = arith.constant 0 : i32
    %dma_start3A_2 = tpu.memref_slice %arg3[%add3A, %dma_start3A, %dma_start3A_1] : memref<32x80x128xi32, #tpu.memory_space<hbm>> -> memref<1x40x128xi32, #tpu.memory_space<hbm>>
    %dma_start3A_3 = tpu.memref_squeeze %dma_start3A_2 : memref<1x40x128xi32, #tpu.memory_space<hbm>> -> memref<40x128xi32, #tpu.memory_space<hbm>>
    %dma_start3A_4 = arith.constant 0 : i32
    %dma_start3A_5 = arith.constant 0 : i32
    %dma_start3A_6 = tpu.memref_slice %arg3[%add3A, %dma_start3A_4, %dma_start3A_5] : memref<32x80x128xi32, #tpu.memory_space<hbm>> -> memref<1x40x128xi32, #tpu.memory_space<hbm>>
    %dma_start3A_7 = tpu.memref_squeeze %dma_start3A_6 : memref<1x40x128xi32, #tpu.memory_space<hbm>> -> memref<40x128xi32, #tpu.memory_space<hbm>>
    tpu.enqueue_dma source(%dma_start3A_7 : memref<40x128xi32, #tpu.memory_space<hbm>>) target(%arg6 : memref<40x128xi32, #tpu.memory_space<vmem>>) target_semaphore(%arg11 : memref<!tpu.dma_semaphore, #tpu.memory_space<semaphore_mem>>)
    %dma_start3A_8 = arith.constant 0 : i32
    %dma_start3A_9 = arith.constant 0 : i32
    %dma_start3A_10 = tpu.memref_slice %arg4[%add3A, %dma_start3A_8, %dma_start3A_9] : memref<32x80x128xi32, #tpu.memory_space<hbm>> -> memref<1x40x128xi32, #tpu.memory_space<hbm>>
    %dma_start3A_11 = tpu.memref_squeeze %dma_start3A_10 : memref<1x40x128xi32, #tpu.memory_space<hbm>> -> memref<40x128xi32, #tpu.memory_space<hbm>>
    %dma_start3A_12 = arith.constant 0 : i32
    %dma_start3A_13 = arith.constant 0 : i32
    %dma_start3A_14 = tpu.memref_slice %arg4[%add3A, %dma_start3A_12, %dma_start3A_13] : memref<32x80x128xi32, #tpu.memory_space<hbm>> -> memref<1x40x128xi32, #tpu.memory_space<hbm>>
    %dma_start3A_15 = tpu.memref_squeeze %dma_start3A_14 : memref<1x40x128xi32, #tpu.memory_space<hbm>> -> memref<40x128xi32, #tpu.memory_space<hbm>>
    tpu.enqueue_dma source(%dma_start3A_15 : memref<40x128xi32, #tpu.memory_space<hbm>>) target(%arg7 : memref<40x128xi32, #tpu.memory_space<vmem>>) target_semaphore(%arg12 : memref<!tpu.dma_semaphore, #tpu.memory_space<semaphore_mem>>)
    %broadcast_in_dim3A = arith.constant 0.000000e+00 : f32
    %broadcast_in_dim3A_16 = vector.broadcast %broadcast_in_dim3A : f32 to vector<16xf32>
    %scan3A = arith.constant 0 : i32
    %scan3A_17 = arith.constant 0 : i32
    %scan3A_18 = arith.constant 1024 : i32
    %scan3A_19 = arith.addi %scan3A_17, %scan3A_18 : i32
    %scan3A_20 = arith.constant 1 : i32
    %scan3A_21 = scf.for %scan3A_92 = %scan3A_17 to %scan3A_19 step %scan3A_20 iter_args(%scan3A_93 = %scan3A) -> (i32)  : i32 {
      %jit3A = arith.constant 8 : i32
      %div3A = arith.divsi %scan3A_92, %jit3A : i32
      %sign3A = arith.constant 0 : i32
      %sign3A_94 = arith.cmpi sgt, %scan3A_92, %sign3A : i32
      %sign3A_95 = arith.extui %sign3A_94 : i1 to i32
      %sign3A_96 = arith.constant 0 : i32
      %sign3A_97 = arith.cmpi slt, %scan3A_92, %sign3A_96 : i32
      %sign3A_98 = arith.extui %sign3A_97 : i1 to i32
      %sign3A_99 = arith.subi %sign3A_95, %sign3A_98 : i32
      %sign3A_100 = arith.constant 0 : i32
      %sign3A_101 = arith.cmpi sgt, %jit3A, %sign3A_100 : i32
      %sign3A_102 = arith.extui %sign3A_101 : i1 to i32
      %sign3A_103 = arith.constant 0 : i32
      %sign3A_104 = arith.cmpi slt, %jit3A, %sign3A_103 : i32
      %sign3A_105 = arith.extui %sign3A_104 : i1 to i32
      %sign3A_106 = arith.subi %sign3A_102, %sign3A_105 : i32
      %ne3A = arith.cmpi ne, %sign3A_99, %sign3A_106 : i32
      %rem3A = arith.remsi %scan3A_92, %jit3A : i32
      %ne3A_107 = arith.constant 0 : i32
      %ne3A_108 = arith.cmpi ne, %rem3A, %ne3A_107 : i32
      %and3A = arith.andi %ne3A, %ne3A_108 : i1
      %sub3A = arith.constant 1 : i32
      %sub3A_109 = arith.subi %div3A, %sub3A : i32
      %select_n3A = arith.select %and3A, %sub3A_109, %div3A : i32
      %jit3A_110 = arith.constant 8 : i32
      %eq3A = arith.constant 0 : i32
      %eq3A_111 = arith.cmpi eq, %jit3A_110, %eq3A : i32
      %jit3A_112 = arith.constant 1 : i32
      %select_n3A_113 = arith.select %eq3A_111, %jit3A_112, %jit3A_110 : i32
      %rem3A_114 = arith.remsi %scan3A_92, %select_n3A_113 : i32
      %ne3A_115 = arith.constant 0 : i32
      %ne3A_116 = arith.cmpi ne, %rem3A_114, %ne3A_115 : i32
      %lt3A = arith.constant 0 : i32
      %lt3A_117 = arith.cmpi slt, %rem3A_114, %lt3A : i32
      %lt3A_118 = arith.constant 0 : i32
      %lt3A_119 = arith.cmpi slt, %select_n3A_113, %lt3A_118 : i32
      %ne3A_120 = arith.xori %lt3A_117, %lt3A_119 : i1
      %and3A_121 = arith.andi %ne3A_120, %ne3A_116 : i1
      %add3A_122 = arith.addi %rem3A_114, %select_n3A_113 : i32
      %select_n3A_123 = arith.select %and3A_121, %add3A_122, %rem3A_114 : i32
      %mul3A_124 = arith.constant 16 : i32
      %mul3A_125 = arith.muli %select_n3A_123, %mul3A_124 : i32
      %swap3A = arith.index_cast %select_n3A : i32 to index
      %swap3A_126 = arith.index_cast %mul3A_125 : i32 to index
      %swap3A_127 = tpu.vector_load %arg9[%swap3A, %swap3A_126] {strides = array<i32>} : memref<128x128xf32, #tpu.memory_space<vmem>>, vector<1x16xf32>,
      %swap3A_128 = vector.shape_cast %swap3A_127 : vector<1x16xf32> to vector<16xf32>
      %swap3A_129 = vector.shape_cast %broadcast_in_dim3A_16 : vector<16xf32> to vector<1x16xf32>
      tpu.vector_store %arg9[%swap3A, %swap3A_126], %swap3A_129 {strides = array<i32>} : memref<128x128xf32, #tpu.memory_space<vmem>>, vector<1x16xf32>,
      %scan3A_130 = arith.constant 0 : i32
      scf.yield %scan3A_130 : i32
    }
    %scan3A_22 = arith.constant 1024 : i32
    %scan3A_23 = arith.constant 0 : i32
    %scan3A_24 = arith.constant 0 : i32
    %scan3A_25 = arith.constant 5 : i32
    %scan3A_26 = arith.addi %scan3A_24, %scan3A_25 : i32
    %scan3A_27 = arith.constant 1 : i32
    %scan3A_28 = scf.for %scan3A_92 = %scan3A_24 to %scan3A_26 step %scan3A_27 iter_args(%scan3A_93 = %scan3A_23) -> (i32)  : i32 {
      %mul3A_94 = arith.constant 640 : i32
      %mul3A_95 = arith.muli %arg1, %mul3A_94 : i32
      %mul3A_96 = arith.constant 128 : i32
      %mul3A_97 = arith.muli %scan3A_92, %mul3A_96 : i32
      %add3A_98 = arith.addi %mul3A_95, %mul3A_97 : i32
      "tpu.region"() ({
        %run_scoped3A = tpu.sem_alloc : memref<!tpu.dma_semaphore, #tpu.memory_space<semaphore_mem>>
        %dma_start3A_100 = arith.constant 0 : i32
        %dma_start3A_101 = tpu.memref_slice %arg10[%add3A_98, %dma_start3A_100] : memref<10240x128xf32, #tpu.memory_space<vmem_shared>> -> memref<128x128xf32, #tpu.memory_space<vmem_shared>>
        %dma_start3A_102 = arith.constant 0 : i32
        %dma_start3A_103 = tpu.memref_slice %arg10[%add3A_98, %dma_start3A_102] : memref<10240x128xf32, #tpu.memory_space<vmem_shared>> -> memref<128x128xf32, #tpu.memory_space<vmem_shared>>
        tpu.enqueue_dma source(%arg9 : memref<128x128xf32, #tpu.memory_space<vmem>>) target(%dma_start3A_103 : memref<128x128xf32, #tpu.memory_space<vmem_shared>>) target_semaphore(%run_scoped3A : memref<!tpu.dma_semaphore, #tpu.memory_space<semaphore_mem>>)
        %dma_wait3A_104 = arith.constant 0 : i32
        %dma_wait3A_105 = tpu.memref_slice %arg10[%add3A_98, %dma_wait3A_104] : memref<10240x128xf32, #tpu.memory_space<vmem_shared>> -> memref<128x128xf32, #tpu.memory_space<vmem_shared>>
        %dma_wait3A_106 = arith.constant 0 : i32
        %dma_wait3A_107 = tpu.memref_slice %arg10[%add3A_98, %dma_wait3A_106] : memref<10240x128xf32, #tpu.memory_space<vmem_shared>> -> memref<128x128xf32, #tpu.memory_space<vmem_shared>>
        tpu.wait_dma2 semaphore(%run_scoped3A : memref<!tpu.dma_semaphore, #tpu.memory_space<semaphore_mem>>) src(%arg9 : memref<128x128xf32, #tpu.memory_space<vmem>>) dst(%dma_wait3A_107 : memref<128x128xf32, #tpu.memory_space<vmem_shared>>)
        tpu.yield
      }) : () -> ()
      %scan3A_99 = arith.constant 0 : i32
      scf.yield %scan3A_99 : i32
    }
    %scan3A_29 = arith.constant 5 : i32
    %dma_wait3A = arith.constant 0 : i32
    %dma_wait3A_30 = arith.constant 0 : i32
    %dma_wait3A_31 = tpu.memref_slice %arg3[%add3A, %dma_wait3A, %dma_wait3A_30] : memref<32x80x128xi32, #tpu.memory_space<hbm>> -> memref<1x40x128xi32, #tpu.memory_space<hbm>>
    %dma_wait3A_32 = tpu.memref_squeeze %dma_wait3A_31 : memref<1x40x128xi32, #tpu.memory_space<hbm>> -> memref<40x128xi32, #tpu.memory_space<hbm>>
    %dma_wait3A_33 = arith.constant 0 : i32
    %dma_wait3A_34 = arith.constant 0 : i32
    %dma_wait3A_35 = tpu.memref_slice %arg3[%add3A, %dma_wait3A_33, %dma_wait3A_34] : memref<32x80x128xi32, #tpu.memory_space<hbm>> -> memref<1x40x128xi32, #tpu.memory_space<hbm>>
    %dma_wait3A_36 = tpu.memref_squeeze %dma_wait3A_35 : memref<1x40x128xi32, #tpu.memory_space<hbm>> -> memref<40x128xi32, #tpu.memory_space<hbm>>
    tpu.wait_dma2 semaphore(%arg11 : memref<!tpu.dma_semaphore, #tpu.memory_space<semaphore_mem>>) src(%dma_wait3A_36 : memref<40x128xi32, #tpu.memory_space<hbm>>) dst(%arg6 : memref<40x128xi32, #tpu.memory_space<vmem>>)
    %dma_wait3A_37 = arith.constant 0 : i32
    %dma_wait3A_38 = arith.constant 0 : i32
    %dma_wait3A_39 = tpu.memref_slice %arg4[%add3A, %dma_wait3A_37, %dma_wait3A_38] : memref<32x80x128xi32, #tpu.memory_space<hbm>> -> memref<1x40x128xi32, #tpu.memory_space<hbm>>
    %dma_wait3A_40 = tpu.memref_squeeze %dma_wait3A_39 : memref<1x40x128xi32, #tpu.memory_space<hbm>> -> memref<40x128xi32, #tpu.memory_space<hbm>>
    %dma_wait3A_41 = arith.constant 0 : i32
    %dma_wait3A_42 = arith.constant 0 : i32
    %dma_wait3A_43 = tpu.memref_slice %arg4[%add3A, %dma_wait3A_41, %dma_wait3A_42] : memref<32x80x128xi32, #tpu.memory_space<hbm>> -> memref<1x40x128xi32, #tpu.memory_space<hbm>>
    %dma_wait3A_44 = tpu.memref_squeeze %dma_wait3A_43 : memref<1x40x128xi32, #tpu.memory_space<hbm>> -> memref<40x128xi32, #tpu.memory_space<hbm>>
    tpu.wait_dma2 semaphore(%arg12 : memref<!tpu.dma_semaphore, #tpu.memory_space<semaphore_mem>>) src(%dma_wait3A_44 : memref<40x128xi32, #tpu.memory_space<hbm>>) dst(%arg7 : memref<40x128xi32, #tpu.memory_space<vmem>>)
    %dma_start3A_45 = arith.constant 0 : i32
    %dma_start3A_46 = arith.constant 0 : i32
    %dma_start3A_47 = tpu.memref_slice %arg6[%dma_start3A_45, %dma_start3A_46] : memref<40x128xi32, #tpu.memory_space<vmem>> -> memref<1x128xi32, #tpu.memory_space<vmem>>
    %dma_start3A_48 = tpu.memref_squeeze %dma_start3A_47 : memref<1x128xi32, #tpu.memory_space<vmem>> -> memref<128xi32, #tpu.memory_space<vmem>>
    %dma_start3A_49 = arith.constant 0 : i32
    %dma_start3A_50 = arith.constant 0 : i32
    %dma_start3A_51 = tpu.memref_slice %arg2[%dma_start3A_49, %dma_start3A_50] : memref<10240x128xf32, #tpu.memory_space<hbm>> -> memref<10240x128xf32, #tpu.memory_space<hbm>>
    tpu.enqueue_indirect_dma source(%dma_start3A_51 : memref<10240x128xf32, #tpu.memory_space<hbm>>) target(%arg8 : memref<128x128xf32, #tpu.memory_space<vmem>>) offsets(%dma_start3A_48 : memref<128xi32, #tpu.memory_space<vmem>>) semaphore(%arg11 : memref<!tpu.dma_semaphore, #tpu.memory_space<semaphore_mem>>)
    %barrier3A = arith.constant 0 : index
    tpu.barrier barrier_id(%barrier3A)
    %scan3A_52 = arith.constant 0 : i32
    %scan3A_53 = arith.constant 0 : i32
    %scan3A_54 = arith.constant 20 : i32
    %scan3A_55 = arith.addi %scan3A_53, %scan3A_54 : i32
    %scan3A_56 = arith.constant 1 : i32
    %scan3A_57 = scf.for %scan3A_92 = %scan3A_53 to %scan3A_55 step %scan3A_56 iter_args(%scan3A_93 = %scan3A_52) -> (i32)  : i32 {
      %mul3A_94 = arith.constant 2 : i32
      %mul3A_95 = arith.muli %scan3A_92, %mul3A_94 : i32
      %add3A_96 = arith.constant 1 : i32
      %add3A_97 = arith.addi %mul3A_95, %add3A_96 : i32
      %dma_start3A_98 = arith.constant 0 : i32
      %dma_start3A_99 = tpu.memref_slice %arg6[%add3A_97, %dma_start3A_98] : memref<40x128xi32, #tpu.memory_space<vmem>> -> memref<1x128xi32, #tpu.memory_space<vmem>>
      %dma_start3A_100 = tpu.memref_squeeze %dma_start3A_99 : memref<1x128xi32, #tpu.memory_space<vmem>> -> memref<128xi32, #tpu.memory_space<vmem>>
      %dma_start3A_101 = arith.constant 0 : i32
      %dma_start3A_102 = arith.constant 0 : i32
      %dma_start3A_103 = tpu.memref_slice %arg2[%dma_start3A_101, %dma_start3A_102] : memref<10240x128xf32, #tpu.memory_space<hbm>> -> memref<10240x128xf32, #tpu.memory_space<hbm>>
      tpu.enqueue_indirect_dma source(%dma_start3A_103 : memref<10240x128xf32, #tpu.memory_space<hbm>>) target(%arg9 : memref<128x128xf32, #tpu.memory_space<vmem>>) offsets(%dma_start3A_100 : memref<128xi32, #tpu.memory_space<vmem>>) semaphore(%arg12 : memref<!tpu.dma_semaphore, #tpu.memory_space<semaphore_mem>>)
      %dma_wait3A_104 = arith.constant 0 : i32
      %dma_wait3A_105 = tpu.memref_slice %arg6[%mul3A_95, %dma_wait3A_104] : memref<40x128xi32, #tpu.memory_space<vmem>> -> memref<1x128xi32, #tpu.memory_space<vmem>>
      %dma_wait3A_106 = tpu.memref_squeeze %dma_wait3A_105 : memref<1x128xi32, #tpu.memory_space<vmem>> -> memref<128xi32, #tpu.memory_space<vmem>>
      %dma_wait3A_107 = arith.constant 0 : i32
      %dma_wait3A_108 = arith.constant 0 : i32
      %dma_wait3A_109 = tpu.memref_slice %arg2[%dma_wait3A_107, %dma_wait3A_108] : memref<10240x128xf32, #tpu.memory_space<hbm>> -> memref<10240x128xf32, #tpu.memory_space<hbm>>
      tpu.wait_indirect_dma semaphore(%arg11 : memref<!tpu.dma_semaphore, #tpu.memory_space<semaphore_mem>>) src(%dma_wait3A_109 : memref<10240x128xf32, #tpu.memory_space<hbm>>) dst(%arg8 : memref<128x128xf32, #tpu.memory_space<vmem>>)
      "tpu.region"() ({
        %run_scoped3A = tpu.sem_alloc : memref<!tpu.dma_semaphore, #tpu.memory_space<semaphore_mem>>
        %dma_start3A_130 = arith.constant 0 : i32
        %dma_start3A_131 = tpu.memref_slice %arg7[%mul3A_95, %dma_start3A_130] : memref<40x128xi32, #tpu.memory_space<vmem>> -> memref<1x128xi32, #tpu.memory_space<vmem>>
        %dma_start3A_132 = tpu.memref_squeeze %dma_start3A_131 : memref<1x128xi32, #tpu.memory_space<vmem>> -> memref<128xi32, #tpu.memory_space<vmem>>
        %dma_start3A_133 = arith.constant 0 : i32
        %dma_start3A_134 = arith.constant 0 : i32
        %dma_start3A_135 = tpu.memref_slice %arg10[%dma_start3A_133, %dma_start3A_134] : memref<10240x128xf32, #tpu.memory_space<vmem_shared>> -> memref<10240x128xf32, #tpu.memory_space<vmem_shared>>
        tpu.enqueue_indirect_dma source(%arg8 : memref<128x128xf32, #tpu.memory_space<vmem>>) target(%dma_start3A_135 : memref<10240x128xf32, #tpu.memory_space<vmem_shared>>) offsets(%dma_start3A_132 : memref<128xi32, #tpu.memory_space<vmem>>) semaphore(%run_scoped3A : memref<!tpu.dma_semaphore, #tpu.memory_space<semaphore_mem>>) {add = true}
        %dma_wait3A_136 = arith.constant 0 : i32
        %dma_wait3A_137 = tpu.memref_slice %arg7[%mul3A_95, %dma_wait3A_136] : memref<40x128xi32, #tpu.memory_space<vmem>> -> memref<1x128xi32, #tpu.memory_space<vmem>>
        %dma_wait3A_138 = tpu.memref_squeeze %dma_wait3A_137 : memref<1x128xi32, #tpu.memory_space<vmem>> -> memref<128xi32, #tpu.memory_space<vmem>>
        %dma_wait3A_139 = arith.constant 0 : i32
        %dma_wait3A_140 = arith.constant 0 : i32
        %dma_wait3A_141 = tpu.memref_slice %arg10[%dma_wait3A_139, %dma_wait3A_140] : memref<10240x128xf32, #tpu.memory_space<vmem_shared>> -> memref<10240x128xf32, #tpu.memory_space<vmem_shared>>
        tpu.wait_indirect_dma semaphore(%run_scoped3A : memref<!tpu.dma_semaphore, #tpu.memory_space<semaphore_mem>>) src(%arg8 : memref<128x128xf32, #tpu.memory_space<vmem>>) dst(%dma_wait3A_141 : memref<10240x128xf32, #tpu.memory_space<vmem_shared>>)
        tpu.yield
      }) : () -> ()
      %add3A_110 = arith.constant 2 : i32
      %add3A_111 = arith.addi %mul3A_95, %add3A_110 : i32
      %min3A = arith.constant 39 : i32
      %min3A_112 = arith.minsi %add3A_111, %min3A : i32
      %dma_start3A_113 = arith.constant 0 : i32
      %dma_start3A_114 = tpu.memref_slice %arg6[%min3A_112, %dma_start3A_113] : memref<40x128xi32, #tpu.memory_space<vmem>> -> memref<1x128xi32, #tpu.memory_space<vmem>>
      %dma_start3A_115 = tpu.memref_squeeze %dma_start3A_114 : memref<1x128xi32, #tpu.memory_space<vmem>> -> memref<128xi32, #tpu.memory_space<vmem>>
      %dma_start3A_116 = arith.constant 0 : i32
      %dma_start3A_117 = arith.constant 0 : i32
      %dma_start3A_118 = tpu.memref_slice %arg2[%dma_start3A_116, %dma_start3A_117] : memref<10240x128xf32, #tpu.memory_space<hbm>> -> memref<10240x128xf32, #tpu.memory_space<hbm>>
      tpu.enqueue_indirect_dma source(%dma_start3A_118 : memref<10240x128xf32, #tpu.memory_space<hbm>>) target(%arg8 : memref<128x128xf32, #tpu.memory_space<vmem>>) offsets(%dma_start3A_115 : memref<128xi32, #tpu.memory_space<vmem>>) semaphore(%arg11 : memref<!tpu.dma_semaphore, #tpu.memory_space<semaphore_mem>>)
      %add3A_119 = arith.constant 1 : i32
      %add3A_120 = arith.addi %mul3A_95, %add3A_119 : i32
      %dma_wait3A_121 = arith.constant 0 : i32
      %dma_wait3A_122 = tpu.memref_slice %arg6[%add3A_120, %dma_wait3A_121] : memref<40x128xi32, #tpu.memory_space<vmem>> -> memref<1x128xi32, #tpu.memory_space<vmem>>
      %dma_wait3A_123 = tpu.memref_squeeze %dma_wait3A_122 : memref<1x128xi32, #tpu.memory_space<vmem>> -> memref<128xi32, #tpu.memory_space<vmem>>
      %dma_wait3A_124 = arith.constant 0 : i32
      %dma_wait3A_125 = arith.constant 0 : i32
      %dma_wait3A_126 = tpu.memref_slice %arg2[%dma_wait3A_124, %dma_wait3A_125] : memref<10240x128xf32, #tpu.memory_space<hbm>> -> memref<10240x128xf32, #tpu.memory_space<hbm>>
      tpu.wait_indirect_dma semaphore(%arg12 : memref<!tpu.dma_semaphore, #tpu.memory_space<semaphore_mem>>) src(%dma_wait3A_126 : memref<10240x128xf32, #tpu.memory_space<hbm>>) dst(%arg9 : memref<128x128xf32, #tpu.memory_space<vmem>>)
      %add3A_127 = arith.constant 1 : i32
      %add3A_128 = arith.addi %mul3A_95, %add3A_127 : i32
      "tpu.region"() ({
        %run_scoped3A = tpu.sem_alloc : memref<!tpu.dma_semaphore, #tpu.memory_space<semaphore_mem>>
        %dma_start3A_130 = arith.constant 0 : i32
        %dma_start3A_131 = tpu.memref_slice %arg7[%add3A_128, %dma_start3A_130] : memref<40x128xi32, #tpu.memory_space<vmem>> -> memref<1x128xi32, #tpu.memory_space<vmem>>
        %dma_start3A_132 = tpu.memref_squeeze %dma_start3A_131 : memref<1x128xi32, #tpu.memory_space<vmem>> -> memref<128xi32, #tpu.memory_space<vmem>>
        %dma_start3A_133 = arith.constant 0 : i32
        %dma_start3A_134 = arith.constant 0 : i32
        %dma_start3A_135 = tpu.memref_slice %arg10[%dma_start3A_133, %dma_start3A_134] : memref<10240x128xf32, #tpu.memory_space<vmem_shared>> -> memref<10240x128xf32, #tpu.memory_space<vmem_shared>>
        tpu.enqueue_indirect_dma source(%arg9 : memref<128x128xf32, #tpu.memory_space<vmem>>) target(%dma_start3A_135 : memref<10240x128xf32, #tpu.memory_space<vmem_shared>>) offsets(%dma_start3A_132 : memref<128xi32, #tpu.memory_space<vmem>>) semaphore(%run_scoped3A : memref<!tpu.dma_semaphore, #tpu.memory_space<semaphore_mem>>) {add = true}
        %dma_wait3A_136 = arith.constant 0 : i32
        %dma_wait3A_137 = tpu.memref_slice %arg7[%add3A_128, %dma_wait3A_136] : memref<40x128xi32, #tpu.memory_space<vmem>> -> memref<1x128xi32, #tpu.memory_space<vmem>>
        %dma_wait3A_138 = tpu.memref_squeeze %dma_wait3A_137 : memref<1x128xi32, #tpu.memory_space<vmem>> -> memref<128xi32, #tpu.memory_space<vmem>>
        %dma_wait3A_139 = arith.constant 0 : i32
        %dma_wait3A_140 = arith.constant 0 : i32
        %dma_wait3A_141 = tpu.memref_slice %arg10[%dma_wait3A_139, %dma_wait3A_140] : memref<10240x128xf32, #tpu.memory_space<vmem_shared>> -> memref<10240x128xf32, #tpu.memory_space<vmem_shared>>
        tpu.wait_indirect_dma semaphore(%run_scoped3A : memref<!tpu.dma_semaphore, #tpu.memory_space<semaphore_mem>>) src(%arg9 : memref<128x128xf32, #tpu.memory_space<vmem>>) dst(%dma_wait3A_141 : memref<10240x128xf32, #tpu.memory_space<vmem_shared>>)
        tpu.yield
      }) : () -> ()
      %scan3A_129 = arith.constant 0 : i32
      scf.yield %scan3A_129 : i32
    }
    %scan3A_58 = arith.constant 20 : i32
    %dma_wait3A_59 = arith.constant 0 : i32
    %dma_wait3A_60 = arith.constant 0 : i32
    %dma_wait3A_61 = tpu.memref_slice %arg6[%dma_wait3A_59, %dma_wait3A_60] : memref<40x128xi32, #tpu.memory_space<vmem>> -> memref<1x128xi32, #tpu.memory_space<vmem>>
    %dma_wait3A_62 = tpu.memref_squeeze %dma_wait3A_61 : memref<1x128xi32, #tpu.memory_space<vmem>> -> memref<128xi32, #tpu.memory_space<vmem>>
    %dma_wait3A_63 = arith.constant 0 : i32
    %dma_wait3A_64 = arith.constant 0 : i32
    %dma_wait3A_65 = tpu.memref_slice %arg2[%dma_wait3A_63, %dma_wait3A_64] : memref<10240x128xf32, #tpu.memory_space<hbm>> -> memref<10240x128xf32, #tpu.memory_space<hbm>>
    tpu.wait_indirect_dma semaphore(%arg11 : memref<!tpu.dma_semaphore, #tpu.memory_space<semaphore_mem>>) src(%dma_wait3A_65 : memref<10240x128xf32, #tpu.memory_space<hbm>>) dst(%arg8 : memref<128x128xf32, #tpu.memory_space<vmem>>)
    "tpu.region"() ({
      %run_scoped3A = tpu.sem_alloc : memref<!tpu.dma_semaphore, #tpu.memory_space<semaphore_mem>>
      %dma_start3A_92 = arith.constant 40 : i32
      %dma_start3A_93 = arith.constant 0 : i32
      %dma_start3A_94 = tpu.memref_slice %arg3[%add3A, %dma_start3A_92, %dma_start3A_93] : memref<32x80x128xi32, #tpu.memory_space<hbm>> -> memref<1x40x128xi32, #tpu.memory_space<hbm>>
      %dma_start3A_95 = tpu.memref_squeeze %dma_start3A_94 : memref<1x40x128xi32, #tpu.memory_space<hbm>> -> memref<40x128xi32, #tpu.memory_space<hbm>>
      %dma_start3A_96 = arith.constant 40 : i32
      %dma_start3A_97 = arith.constant 0 : i32
      %dma_start3A_98 = tpu.memref_slice %arg3[%add3A, %dma_start3A_96, %dma_start3A_97] : memref<32x80x128xi32, #tpu.memory_space<hbm>> -> memref<1x40x128xi32, #tpu.memory_space<hbm>>
      %dma_start3A_99 = tpu.memref_squeeze %dma_start3A_98 : memref<1x40x128xi32, #tpu.memory_space<hbm>> -> memref<40x128xi32, #tpu.memory_space<hbm>>
      tpu.enqueue_dma source(%dma_start3A_99 : memref<40x128xi32, #tpu.memory_space<hbm>>) target(%arg6 : memref<40x128xi32, #tpu.memory_space<vmem>>) target_semaphore(%run_scoped3A : memref<!tpu.dma_semaphore, #tpu.memory_space<semaphore_mem>>)
      %dma_wait3A_100 = arith.constant 40 : i32
      %dma_wait3A_101 = arith.constant 0 : i32
      %dma_wait3A_102 = tpu.memref_slice %arg3[%add3A, %dma_wait3A_100, %dma_wait3A_101] : memref<32x80x128xi32, #tpu.memory_space<hbm>> -> memref<1x40x128xi32, #tpu.memory_space<hbm>>
      %dma_wait3A_103 = tpu.memref_squeeze %dma_wait3A_102 : memref<1x40x128xi32, #tpu.memory_space<hbm>> -> memref<40x128xi32, #tpu.memory_space<hbm>>
      %dma_wait3A_104 = arith.constant 40 : i32
      %dma_wait3A_105 = arith.constant 0 : i32
      %dma_wait3A_106 = tpu.memref_slice %arg3[%add3A, %dma_wait3A_104, %dma_wait3A_105] : memref<32x80x128xi32, #tpu.memory_space<hbm>> -> memref<1x40x128xi32, #tpu.memory_space<hbm>>
      %dma_wait3A_107 = tpu.memref_squeeze %dma_wait3A_106 : memref<1x40x128xi32, #tpu.memory_space<hbm>> -> memref<40x128xi32, #tpu.memory_space<hbm>>
      tpu.wait_dma2 semaphore(%run_scoped3A : memref<!tpu.dma_semaphore, #tpu.memory_space<semaphore_mem>>) src(%dma_wait3A_107 : memref<40x128xi32, #tpu.memory_space<hbm>>) dst(%arg6 : memref<40x128xi32, #tpu.memory_space<vmem>>)
      tpu.yield
    }) : () -> ()
    "tpu.region"() ({
      %run_scoped3A = tpu.sem_alloc : memref<!tpu.dma_semaphore, #tpu.memory_space<semaphore_mem>>
      %dma_start3A_92 = arith.constant 40 : i32
      %dma_start3A_93 = arith.constant 0 : i32
      %dma_start3A_94 = tpu.memref_slice %arg4[%add3A, %dma_start3A_92, %dma_start3A_93] : memref<32x80x128xi32, #tpu.memory_space<hbm>> -> memref<1x40x128xi32, #tpu.memory_space<hbm>>
      %dma_start3A_95 = tpu.memref_squeeze %dma_start3A_94 : memref<1x40x128xi32, #tpu.memory_space<hbm>> -> memref<40x128xi32, #tpu.memory_space<hbm>>
      %dma_start3A_96 = arith.constant 40 : i32
      %dma_start3A_97 = arith.constant 0 : i32
      %dma_start3A_98 = tpu.memref_slice %arg4[%add3A, %dma_start3A_96, %dma_start3A_97] : memref<32x80x128xi32, #tpu.memory_space<hbm>> -> memref<1x40x128xi32, #tpu.memory_space<hbm>>
      %dma_start3A_99 = tpu.memref_squeeze %dma_start3A_98 : memref<1x40x128xi32, #tpu.memory_space<hbm>> -> memref<40x128xi32, #tpu.memory_space<hbm>>
      tpu.enqueue_dma source(%dma_start3A_99 : memref<40x128xi32, #tpu.memory_space<hbm>>) target(%arg7 : memref<40x128xi32, #tpu.memory_space<vmem>>) target_semaphore(%run_scoped3A : memref<!tpu.dma_semaphore, #tpu.memory_space<semaphore_mem>>)
      %dma_wait3A_100 = arith.constant 40 : i32
      %dma_wait3A_101 = arith.constant 0 : i32
      %dma_wait3A_102 = tpu.memref_slice %arg4[%add3A, %dma_wait3A_100, %dma_wait3A_101] : memref<32x80x128xi32, #tpu.memory_space<hbm>> -> memref<1x40x128xi32, #tpu.memory_space<hbm>>
      %dma_wait3A_103 = tpu.memref_squeeze %dma_wait3A_102 : memref<1x40x128xi32, #tpu.memory_space<hbm>> -> memref<40x128xi32, #tpu.memory_space<hbm>>
      %dma_wait3A_104 = arith.constant 40 : i32
      %dma_wait3A_105 = arith.constant 0 : i32
      %dma_wait3A_106 = tpu.memref_slice %arg4[%add3A, %dma_wait3A_104, %dma_wait3A_105] : memref<32x80x128xi32, #tpu.memory_space<hbm>> -> memref<1x40x128xi32, #tpu.memory_space<hbm>>
      %dma_wait3A_107 = tpu.memref_squeeze %dma_wait3A_106 : memref<1x40x128xi32, #tpu.memory_space<hbm>> -> memref<40x128xi32, #tpu.memory_space<hbm>>
      tpu.wait_dma2 semaphore(%run_scoped3A : memref<!tpu.dma_semaphore, #tpu.memory_space<semaphore_mem>>) src(%dma_wait3A_107 : memref<40x128xi32, #tpu.memory_space<hbm>>) dst(%arg7 : memref<40x128xi32, #tpu.memory_space<vmem>>)
      tpu.yield
    }) : () -> ()
    %dma_start3A_66 = arith.constant 0 : i32
    %dma_start3A_67 = arith.constant 0 : i32
    %dma_start3A_68 = tpu.memref_slice %arg6[%dma_start3A_66, %dma_start3A_67] : memref<40x128xi32, #tpu.memory_space<vmem>> -> memref<1x128xi32, #tpu.memory_space<vmem>>
    %dma_start3A_69 = tpu.memref_squeeze %dma_start3A_68 : memref<1x128xi32, #tpu.memory_space<vmem>> -> memref<128xi32, #tpu.memory_space<vmem>>
    %dma_start3A_70 = arith.constant 0 : i32
    %dma_start3A_71 = arith.constant 0 : i32
    %dma_start3A_72 = tpu.memref_slice %arg2[%dma_start3A_70, %dma_start3A_71] : memref<10240x128xf32, #tpu.memory_space<hbm>> -> memref<10240x128xf32, #tpu.memory_space<hbm>>
    tpu.enqueue_indirect_dma source(%dma_start3A_72 : memref<10240x128xf32, #tpu.memory_space<hbm>>) target(%arg8 : memref<128x128xf32, #tpu.memory_space<vmem>>) offsets(%dma_start3A_69 : memref<128xi32, #tpu.memory_space<vmem>>) semaphore(%arg11 : memref<!tpu.dma_semaphore, #tpu.memory_space<semaphore_mem>>)
    %scan3A_73 = arith.constant 0 : i32
    %scan3A_74 = arith.constant 0 : i32
    %scan3A_75 = arith.constant 20 : i32
    %scan3A_76 = arith.addi %scan3A_74, %scan3A_75 : i32
    %scan3A_77 = arith.constant 1 : i32
    %scan3A_78 = scf.for %scan3A_92 = %scan3A_74 to %scan3A_76 step %scan3A_77 iter_args(%scan3A_93 = %scan3A_73) -> (i32)  : i32 {
      %mul3A_94 = arith.constant 2 : i32
      %mul3A_95 = arith.muli %scan3A_92, %mul3A_94 : i32
      %add3A_96 = arith.constant 1 : i32
      %add3A_97 = arith.addi %mul3A_95, %add3A_96 : i32
      %dma_start3A_98 = arith.constant 0 : i32
      %dma_start3A_99 = tpu.memref_slice %arg6[%add3A_97, %dma_start3A_98] : memref<40x128xi32, #tpu.memory_space<vmem>> -> memref<1x128xi32, #tpu.memory_space<vmem>>
      %dma_start3A_100 = tpu.memref_squeeze %dma_start3A_99 : memref<1x128xi32, #tpu.memory_space<vmem>> -> memref<128xi32, #tpu.memory_space<vmem>>
      %dma_start3A_101 = arith.constant 0 : i32
      %dma_start3A_102 = arith.constant 0 : i32
      %dma_start3A_103 = tpu.memref_slice %arg2[%dma_start3A_101, %dma_start3A_102] : memref<10240x128xf32, #tpu.memory_space<hbm>> -> memref<10240x128xf32, #tpu.memory_space<hbm>>
      tpu.enqueue_indirect_dma source(%dma_start3A_103 : memref<10240x128xf32, #tpu.memory_space<hbm>>) target(%arg9 : memref<128x128xf32, #tpu.memory_space<vmem>>) offsets(%dma_start3A_100 : memref<128xi32, #tpu.memory_space<vmem>>) semaphore(%arg12 : memref<!tpu.dma_semaphore, #tpu.memory_space<semaphore_mem>>)
      %dma_wait3A_104 = arith.constant 0 : i32
      %dma_wait3A_105 = tpu.memref_slice %arg6[%mul3A_95, %dma_wait3A_104] : memref<40x128xi32, #tpu.memory_space<vmem>> -> memref<1x128xi32, #tpu.memory_space<vmem>>
      %dma_wait3A_106 = tpu.memref_squeeze %dma_wait3A_105 : memref<1x128xi32, #tpu.memory_space<vmem>> -> memref<128xi32, #tpu.memory_space<vmem>>
      %dma_wait3A_107 = arith.constant 0 : i32
      %dma_wait3A_108 = arith.constant 0 : i32
      %dma_wait3A_109 = tpu.memref_slice %arg2[%dma_wait3A_107, %dma_wait3A_108] : memref<10240x128xf32, #tpu.memory_space<hbm>> -> memref<10240x128xf32, #tpu.memory_space<hbm>>
      tpu.wait_indirect_dma semaphore(%arg11 : memref<!tpu.dma_semaphore, #tpu.memory_space<semaphore_mem>>) src(%dma_wait3A_109 : memref<10240x128xf32, #tpu.memory_space<hbm>>) dst(%arg8 : memref<128x128xf32, #tpu.memory_space<vmem>>)
      "tpu.region"() ({
        %run_scoped3A = tpu.sem_alloc : memref<!tpu.dma_semaphore, #tpu.memory_space<semaphore_mem>>
        %dma_start3A_130 = arith.constant 0 : i32
        %dma_start3A_131 = tpu.memref_slice %arg7[%mul3A_95, %dma_start3A_130] : memref<40x128xi32, #tpu.memory_space<vmem>> -> memref<1x128xi32, #tpu.memory_space<vmem>>
        %dma_start3A_132 = tpu.memref_squeeze %dma_start3A_131 : memref<1x128xi32, #tpu.memory_space<vmem>> -> memref<128xi32, #tpu.memory_space<vmem>>
        %dma_start3A_133 = arith.constant 0 : i32
        %dma_start3A_134 = arith.constant 0 : i32
        %dma_start3A_135 = tpu.memref_slice %arg10[%dma_start3A_133, %dma_start3A_134] : memref<10240x128xf32, #tpu.memory_space<vmem_shared>> -> memref<10240x128xf32, #tpu.memory_space<vmem_shared>>
        tpu.enqueue_indirect_dma source(%arg8 : memref<128x128xf32, #tpu.memory_space<vmem>>) target(%dma_start3A_135 : memref<10240x128xf32, #tpu.memory_space<vmem_shared>>) offsets(%dma_start3A_132 : memref<128xi32, #tpu.memory_space<vmem>>) semaphore(%run_scoped3A : memref<!tpu.dma_semaphore, #tpu.memory_space<semaphore_mem>>) {add = true}
        %dma_wait3A_136 = arith.constant 0 : i32
        %dma_wait3A_137 = tpu.memref_slice %arg7[%mul3A_95, %dma_wait3A_136] : memref<40x128xi32, #tpu.memory_space<vmem>> -> memref<1x128xi32, #tpu.memory_space<vmem>>
        %dma_wait3A_138 = tpu.memref_squeeze %dma_wait3A_137 : memref<1x128xi32, #tpu.memory_space<vmem>> -> memref<128xi32, #tpu.memory_space<vmem>>
        %dma_wait3A_139 = arith.constant 0 : i32
        %dma_wait3A_140 = arith.constant 0 : i32
        %dma_wait3A_141 = tpu.memref_slice %arg10[%dma_wait3A_139, %dma_wait3A_140] : memref<10240x128xf32, #tpu.memory_space<vmem_shared>> -> memref<10240x128xf32, #tpu.memory_space<vmem_shared>>
        tpu.wait_indirect_dma semaphore(%run_scoped3A : memref<!tpu.dma_semaphore, #tpu.memory_space<semaphore_mem>>) src(%arg8 : memref<128x128xf32, #tpu.memory_space<vmem>>) dst(%dma_wait3A_141 : memref<10240x128xf32, #tpu.memory_space<vmem_shared>>)
        tpu.yield
      }) : () -> ()
      %add3A_110 = arith.constant 2 : i32
      %add3A_111 = arith.addi %mul3A_95, %add3A_110 : i32
      %min3A = arith.constant 39 : i32
      %min3A_112 = arith.minsi %add3A_111, %min3A : i32
      %dma_start3A_113 = arith.constant 0 : i32
      %dma_start3A_114 = tpu.memref_slice %arg6[%min3A_112, %dma_start3A_113] : memref<40x128xi32, #tpu.memory_space<vmem>> -> memref<1x128xi32, #tpu.memory_space<vmem>>
      %dma_start3A_115 = tpu.memref_squeeze %dma_start3A_114 : memref<1x128xi32, #tpu.memory_space<vmem>> -> memref<128xi32, #tpu.memory_space<vmem>>
      %dma_start3A_116 = arith.constant 0 : i32
      %dma_start3A_117 = arith.constant 0 : i32
      %dma_start3A_118 = tpu.memref_slice %arg2[%dma_start3A_116, %dma_start3A_117] : memref<10240x128xf32, #tpu.memory_space<hbm>> -> memref<10240x128xf32, #tpu.memory_space<hbm>>
      tpu.enqueue_indirect_dma source(%dma_start3A_118 : memref<10240x128xf32, #tpu.memory_space<hbm>>) target(%arg8 : memref<128x128xf32, #tpu.memory_space<vmem>>) offsets(%dma_start3A_115 : memref<128xi32, #tpu.memory_space<vmem>>) semaphore(%arg11 : memref<!tpu.dma_semaphore, #tpu.memory_space<semaphore_mem>>)
      %add3A_119 = arith.constant 1 : i32
      %add3A_120 = arith.addi %mul3A_95, %add3A_119 : i32
      %dma_wait3A_121 = arith.constant 0 : i32
      %dma_wait3A_122 = tpu.memref_slice %arg6[%add3A_120, %dma_wait3A_121] : memref<40x128xi32, #tpu.memory_space<vmem>> -> memref<1x128xi32, #tpu.memory_space<vmem>>
      %dma_wait3A_123 = tpu.memref_squeeze %dma_wait3A_122 : memref<1x128xi32, #tpu.memory_space<vmem>> -> memref<128xi32, #tpu.memory_space<vmem>>
      %dma_wait3A_124 = arith.constant 0 : i32
      %dma_wait3A_125 = arith.constant 0 : i32
      %dma_wait3A_126 = tpu.memref_slice %arg2[%dma_wait3A_124, %dma_wait3A_125] : memref<10240x128xf32, #tpu.memory_space<hbm>> -> memref<10240x128xf32, #tpu.memory_space<hbm>>
      tpu.wait_indirect_dma semaphore(%arg12 : memref<!tpu.dma_semaphore, #tpu.memory_space<semaphore_mem>>) src(%dma_wait3A_126 : memref<10240x128xf32, #tpu.memory_space<hbm>>) dst(%arg9 : memref<128x128xf32, #tpu.memory_space<vmem>>)
      %add3A_127 = arith.constant 1 : i32
      %add3A_128 = arith.addi %mul3A_95, %add3A_127 : i32
      "tpu.region"() ({
        %run_scoped3A = tpu.sem_alloc : memref<!tpu.dma_semaphore, #tpu.memory_space<semaphore_mem>>
        %dma_start3A_130 = arith.constant 0 : i32
        %dma_start3A_131 = tpu.memref_slice %arg7[%add3A_128, %dma_start3A_130] : memref<40x128xi32, #tpu.memory_space<vmem>> -> memref<1x128xi32, #tpu.memory_space<vmem>>
        %dma_start3A_132 = tpu.memref_squeeze %dma_start3A_131 : memref<1x128xi32, #tpu.memory_space<vmem>> -> memref<128xi32, #tpu.memory_space<vmem>>
        %dma_start3A_133 = arith.constant 0 : i32
        %dma_start3A_134 = arith.constant 0 : i32
        %dma_start3A_135 = tpu.memref_slice %arg10[%dma_start3A_133, %dma_start3A_134] : memref<10240x128xf32, #tpu.memory_space<vmem_shared>> -> memref<10240x128xf32, #tpu.memory_space<vmem_shared>>
        tpu.enqueue_indirect_dma source(%arg9 : memref<128x128xf32, #tpu.memory_space<vmem>>) target(%dma_start3A_135 : memref<10240x128xf32, #tpu.memory_space<vmem_shared>>) offsets(%dma_start3A_132 : memref<128xi32, #tpu.memory_space<vmem>>) semaphore(%run_scoped3A : memref<!tpu.dma_semaphore, #tpu.memory_space<semaphore_mem>>) {add = true}
        %dma_wait3A_136 = arith.constant 0 : i32
        %dma_wait3A_137 = tpu.memref_slice %arg7[%add3A_128, %dma_wait3A_136] : memref<40x128xi32, #tpu.memory_space<vmem>> -> memref<1x128xi32, #tpu.memory_space<vmem>>
        %dma_wait3A_138 = tpu.memref_squeeze %dma_wait3A_137 : memref<1x128xi32, #tpu.memory_space<vmem>> -> memref<128xi32, #tpu.memory_space<vmem>>
        %dma_wait3A_139 = arith.constant 0 : i32
        %dma_wait3A_140 = arith.constant 0 : i32
        %dma_wait3A_141 = tpu.memref_slice %arg10[%dma_wait3A_139, %dma_wait3A_140] : memref<10240x128xf32, #tpu.memory_space<vmem_shared>> -> memref<10240x128xf32, #tpu.memory_space<vmem_shared>>
        tpu.wait_indirect_dma semaphore(%run_scoped3A : memref<!tpu.dma_semaphore, #tpu.memory_space<semaphore_mem>>) src(%arg9 : memref<128x128xf32, #tpu.memory_space<vmem>>) dst(%dma_wait3A_141 : memref<10240x128xf32, #tpu.memory_space<vmem_shared>>)
        tpu.yield
      }) : () -> ()
      %scan3A_129 = arith.constant 0 : i32
      scf.yield %scan3A_129 : i32
    }
    %scan3A_79 = arith.constant 20 : i32
    %dma_wait3A_80 = arith.constant 0 : i32
    %dma_wait3A_81 = arith.constant 0 : i32
    %dma_wait3A_82 = tpu.memref_slice %arg6[%dma_wait3A_80, %dma_wait3A_81] : memref<40x128xi32, #tpu.memory_space<vmem>> -> memref<1x128xi32, #tpu.memory_space<vmem>>
    %dma_wait3A_83 = tpu.memref_squeeze %dma_wait3A_82 : memref<1x128xi32, #tpu.memory_space<vmem>> -> memref<128xi32, #tpu.memory_space<vmem>>
    %dma_wait3A_84 = arith.constant 0 : i32
    %dma_wait3A_85 = arith.constant 0 : i32
    %dma_wait3A_86 = tpu.memref_slice %arg2[%dma_wait3A_84, %dma_wait3A_85] : memref<10240x128xf32, #tpu.memory_space<hbm>> -> memref<10240x128xf32, #tpu.memory_space<hbm>>
    tpu.wait_indirect_dma semaphore(%arg11 : memref<!tpu.dma_semaphore, #tpu.memory_space<semaphore_mem>>) src(%dma_wait3A_86 : memref<10240x128xf32, #tpu.memory_space<hbm>>) dst(%arg8 : memref<128x128xf32, #tpu.memory_space<vmem>>)
    %barrier3A_87 = arith.constant 0 : index
    tpu.barrier barrier_id(%barrier3A_87)
    %mul3A_88 = arith.constant 640 : i32
    %mul3A_89 = arith.muli %arg1, %mul3A_88 : i32
    %mul3A_90 = arith.constant 640 : i32
    %mul3A_91 = arith.muli %arg1, %mul3A_90 : i32
    "tpu.region"() ({
      %run_scoped3A = tpu.sem_alloc : memref<!tpu.dma_semaphore, #tpu.memory_space<semaphore_mem>>
      %dma_start3A_92 = arith.constant 0 : i32
      %dma_start3A_93 = tpu.memref_slice %arg5[%arg0, %mul3A_91, %dma_start3A_92] : memref<2x10240x128xf32, #tpu.memory_space<hbm>> -> memref<1x640x128xf32, #tpu.memory_space<hbm>>
      %dma_start3A_94 = tpu.memref_squeeze %dma_start3A_93 : memref<1x640x128xf32, #tpu.memory_space<hbm>> -> memref<640x128xf32, #tpu.memory_space<hbm>>
      %dma_start3A_95 = arith.constant 0 : i32
      %dma_start3A_96 = tpu.memref_slice %arg10[%mul3A_89, %dma_start3A_95] : memref<10240x128xf32, #tpu.memory_space<vmem_shared>> -> memref<640x128xf32, #tpu.memory_space<vmem_shared>>
      tpu.enqueue_dma source(%dma_start3A_96 : memref<640x128xf32, #tpu.memory_space<vmem_shared>>) target(%dma_start3A_94 : memref<640x128xf32, #tpu.memory_space<hbm>>) target_semaphore(%run_scoped3A : memref<!tpu.dma_semaphore, #tpu.memory_space<semaphore_mem>>)
      %dma_wait3A_97 = arith.constant 0 : i32
      %dma_wait3A_98 = tpu.memref_slice %arg5[%arg0, %mul3A_91, %dma_wait3A_97] : memref<2x10240x128xf32, #tpu.memory_space<hbm>> -> memref<1x640x128xf32, #tpu.memory_space<hbm>>
      %dma_wait3A_99 = tpu.memref_squeeze %dma_wait3A_98 : memref<1x640x128xf32, #tpu.memory_space<hbm>> -> memref<640x128xf32, #tpu.memory_space<hbm>>
      %dma_wait3A_100 = arith.constant 0 : i32
      %dma_wait3A_101 = tpu.memref_slice %arg10[%mul3A_89, %dma_wait3A_100] : memref<10240x128xf32, #tpu.memory_space<vmem_shared>> -> memref<640x128xf32, #tpu.memory_space<vmem_shared>>
      tpu.wait_dma2 semaphore(%run_scoped3A : memref<!tpu.dma_semaphore, #tpu.memory_space<semaphore_mem>>) src(%dma_wait3A_101 : memref<640x128xf32, #tpu.memory_space<vmem_shared>>) dst(%dma_wait3A_99 : memref<640x128xf32, #tpu.memory_space<hbm>>)
      tpu.yield
    }) : () -> ()
    return
  }
}

#map = affine_map<(d0, d1) -> (0, 0)>
#map1 = affine_map<(d0, d1) -> (0, 0, 0)>
module attributes {stable_mosaic.version = 14 : i64} {
  func.func @_sc_propagate(%arg0: i32, %arg1: i32, %arg2: memref<10240x128xf32, #tpu.memory_space<hbm>>, %arg3: memref<32x80x128xi32, #tpu.memory_space<hbm>>, %arg4: memref<32x80x128xi32, #tpu.memory_space<hbm>>, %arg5: memref<2x10240x128xf32, #tpu.memory_space<hbm>>, %arg6: memref<40x128xi32, #tpu.memory_space<vmem>>, %arg7: memref<40x128xi32, #tpu.memory_space<vmem>>, %arg8: memref<128x128xf32, #tpu.memory_space<vmem>>, %arg9: memref<128x128xf32, #tpu.memory_space<vmem>>, %arg10: memref<10240x128xf32, #tpu.memory_space<vmem_shared>>, %arg11: memref<!tpu.dma_semaphore, #tpu.memory_space<semaphore_mem>>, %arg12: memref<!tpu.dma_semaphore, #tpu.memory_space<semaphore_mem>>) attributes {dimension_semantics = [#tpu.dimension_semantics<core_parallel>, #tpu.dimension_semantics<subcore_parallel>], iteration_bounds = array<i64: 2, 16>, scalar_prefetch = 0 : i64, scratch_operands = 7 : i64, tpu.core_type = #tpu.core_type<sc_vector_subcore>, window_params = [{transform_indices = #map}, {transform_indices = #map1}, {transform_indices = #map1}, {transform_indices = #map1}]} {
    %mul3A = arith.constant 16 : i32
    %mul3A_0 = arith.muli %arg0, %mul3A : i32
    %add3A = arith.addi %mul3A_0, %arg1 : i32
    %dma_start3A = arith.constant 0 : i32
    %dma_start3A_1 = arith.constant 0 : i32
    %dma_start3A_2 = tpu.memref_slice %arg3[%add3A, %dma_start3A, %dma_start3A_1] : memref<32x80x128xi32, #tpu.memory_space<hbm>> -> memref<1x40x128xi32, #tpu.memory_space<hbm>>
    %dma_start3A_3 = tpu.memref_squeeze %dma_start3A_2 : memref<1x40x128xi32, #tpu.memory_space<hbm>> -> memref<40x128xi32, #tpu.memory_space<hbm>>
    %dma_start3A_4 = arith.constant 0 : i32
    %dma_start3A_5 = arith.constant 0 : i32
    %dma_start3A_6 = tpu.memref_slice %arg3[%add3A, %dma_start3A_4, %dma_start3A_5] : memref<32x80x128xi32, #tpu.memory_space<hbm>> -> memref<1x40x128xi32, #tpu.memory_space<hbm>>
    %dma_start3A_7 = tpu.memref_squeeze %dma_start3A_6 : memref<1x40x128xi32, #tpu.memory_space<hbm>> -> memref<40x128xi32, #tpu.memory_space<hbm>>
    tpu.enqueue_dma source(%dma_start3A_7 : memref<40x128xi32, #tpu.memory_space<hbm>>) target(%arg6 : memref<40x128xi32, #tpu.memory_space<vmem>>) target_semaphore(%arg11 : memref<!tpu.dma_semaphore, #tpu.memory_space<semaphore_mem>>)
    %dma_start3A_8 = arith.constant 0 : i32
    %dma_start3A_9 = arith.constant 0 : i32
    %dma_start3A_10 = tpu.memref_slice %arg4[%add3A, %dma_start3A_8, %dma_start3A_9] : memref<32x80x128xi32, #tpu.memory_space<hbm>> -> memref<1x40x128xi32, #tpu.memory_space<hbm>>
    %dma_start3A_11 = tpu.memref_squeeze %dma_start3A_10 : memref<1x40x128xi32, #tpu.memory_space<hbm>> -> memref<40x128xi32, #tpu.memory_space<hbm>>
    %dma_start3A_12 = arith.constant 0 : i32
    %dma_start3A_13 = arith.constant 0 : i32
    %dma_start3A_14 = tpu.memref_slice %arg4[%add3A, %dma_start3A_12, %dma_start3A_13] : memref<32x80x128xi32, #tpu.memory_space<hbm>> -> memref<1x40x128xi32, #tpu.memory_space<hbm>>
    %dma_start3A_15 = tpu.memref_squeeze %dma_start3A_14 : memref<1x40x128xi32, #tpu.memory_space<hbm>> -> memref<40x128xi32, #tpu.memory_space<hbm>>
    tpu.enqueue_dma source(%dma_start3A_15 : memref<40x128xi32, #tpu.memory_space<hbm>>) target(%arg7 : memref<40x128xi32, #tpu.memory_space<vmem>>) target_semaphore(%arg12 : memref<!tpu.dma_semaphore, #tpu.memory_space<semaphore_mem>>)
    %broadcast_in_dim3A = arith.constant 0.000000e+00 : f32
    %broadcast_in_dim3A_16 = vector.broadcast %broadcast_in_dim3A : f32 to vector<16xf32>
    %scan3A = arith.constant 0 : i32
    %scan3A_17 = arith.constant 0 : i32
    %scan3A_18 = arith.constant 1024 : i32
    %scan3A_19 = arith.addi %scan3A_17, %scan3A_18 : i32
    %scan3A_20 = arith.constant 1 : i32
    %scan3A_21 = scf.for %scan3A_92 = %scan3A_17 to %scan3A_19 step %scan3A_20 iter_args(%scan3A_93 = %scan3A) -> (i32)  : i32 {
      %jit3A = arith.constant 8 : i32
      %div3A = arith.divsi %scan3A_92, %jit3A : i32
      %sign3A = arith.constant 0 : i32
      %sign3A_94 = arith.cmpi sgt, %scan3A_92, %sign3A : i32
      %sign3A_95 = arith.extui %sign3A_94 : i1 to i32
      %sign3A_96 = arith.constant 0 : i32
      %sign3A_97 = arith.cmpi slt, %scan3A_92, %sign3A_96 : i32
      %sign3A_98 = arith.extui %sign3A_97 : i1 to i32
      %sign3A_99 = arith.subi %sign3A_95, %sign3A_98 : i32
      %sign3A_100 = arith.constant 0 : i32
      %sign3A_101 = arith.cmpi sgt, %jit3A, %sign3A_100 : i32
      %sign3A_102 = arith.extui %sign3A_101 : i1 to i32
      %sign3A_103 = arith.constant 0 : i32
      %sign3A_104 = arith.cmpi slt, %jit3A, %sign3A_103 : i32
      %sign3A_105 = arith.extui %sign3A_104 : i1 to i32
      %sign3A_106 = arith.subi %sign3A_102, %sign3A_105 : i32
      %ne3A = arith.cmpi ne, %sign3A_99, %sign3A_106 : i32
      %rem3A = arith.remsi %scan3A_92, %jit3A : i32
      %ne3A_107 = arith.constant 0 : i32
      %ne3A_108 = arith.cmpi ne, %rem3A, %ne3A_107 : i32
      %and3A = arith.andi %ne3A, %ne3A_108 : i1
      %sub3A = arith.constant 1 : i32
      %sub3A_109 = arith.subi %div3A, %sub3A : i32
      %select_n3A = arith.select %and3A, %sub3A_109, %div3A : i32
      %jit3A_110 = arith.constant 8 : i32
      %eq3A = arith.constant 0 : i32
      %eq3A_111 = arith.cmpi eq, %jit3A_110, %eq3A : i32
      %jit3A_112 = arith.constant 1 : i32
      %select_n3A_113 = arith.select %eq3A_111, %jit3A_112, %jit3A_110 : i32
      %rem3A_114 = arith.remsi %scan3A_92, %select_n3A_113 : i32
      %ne3A_115 = arith.constant 0 : i32
      %ne3A_116 = arith.cmpi ne, %rem3A_114, %ne3A_115 : i32
      %lt3A = arith.constant 0 : i32
      %lt3A_117 = arith.cmpi slt, %rem3A_114, %lt3A : i32
      %lt3A_118 = arith.constant 0 : i32
      %lt3A_119 = arith.cmpi slt, %select_n3A_113, %lt3A_118 : i32
      %ne3A_120 = arith.xori %lt3A_117, %lt3A_119 : i1
      %and3A_121 = arith.andi %ne3A_120, %ne3A_116 : i1
      %add3A_122 = arith.addi %rem3A_114, %select_n3A_113 : i32
      %select_n3A_123 = arith.select %and3A_121, %add3A_122, %rem3A_114 : i32
      %mul3A_124 = arith.constant 16 : i32
      %mul3A_125 = arith.muli %select_n3A_123, %mul3A_124 : i32
      %swap3A = arith.index_cast %select_n3A : i32 to index
      %swap3A_126 = arith.index_cast %mul3A_125 : i32 to index
      %swap3A_127 = tpu.vector_load %arg9[%swap3A, %swap3A_126] {strides = array<i32>} : memref<128x128xf32, #tpu.memory_space<vmem>>, vector<1x16xf32>,
      %swap3A_128 = vector.shape_cast %swap3A_127 : vector<1x16xf32> to vector<16xf32>
      %swap3A_129 = vector.shape_cast %broadcast_in_dim3A_16 : vector<16xf32> to vector<1x16xf32>
      tpu.vector_store %arg9[%swap3A, %swap3A_126], %swap3A_129 {strides = array<i32>} : memref<128x128xf32, #tpu.memory_space<vmem>>, vector<1x16xf32>,
      %scan3A_130 = arith.constant 0 : i32
      scf.yield %scan3A_130 : i32
    }
    %scan3A_22 = arith.constant 1024 : i32
    %scan3A_23 = arith.constant 0 : i32
    %scan3A_24 = arith.constant 0 : i32
    %scan3A_25 = arith.constant 5 : i32
    %scan3A_26 = arith.addi %scan3A_24, %scan3A_25 : i32
    %scan3A_27 = arith.constant 1 : i32
    %scan3A_28 = scf.for %scan3A_92 = %scan3A_24 to %scan3A_26 step %scan3A_27 iter_args(%scan3A_93 = %scan3A_23) -> (i32)  : i32 {
      %mul3A_94 = arith.constant 640 : i32
      %mul3A_95 = arith.muli %arg1, %mul3A_94 : i32
      %mul3A_96 = arith.constant 128 : i32
      %mul3A_97 = arith.muli %scan3A_92, %mul3A_96 : i32
      %add3A_98 = arith.addi %mul3A_95, %mul3A_97 : i32
      "tpu.region"() ({
        %run_scoped3A = tpu.sem_alloc : memref<!tpu.dma_semaphore, #tpu.memory_space<semaphore_mem>>
        %dma_start3A_100 = arith.constant 0 : i32
        %dma_start3A_101 = tpu.memref_slice %arg10[%add3A_98, %dma_start3A_100] : memref<10240x128xf32, #tpu.memory_space<vmem_shared>> -> memref<128x128xf32, #tpu.memory_space<vmem_shared>>
        %dma_start3A_102 = arith.constant 0 : i32
        %dma_start3A_103 = tpu.memref_slice %arg10[%add3A_98, %dma_start3A_102] : memref<10240x128xf32, #tpu.memory_space<vmem_shared>> -> memref<128x128xf32, #tpu.memory_space<vmem_shared>>
        tpu.enqueue_dma source(%arg9 : memref<128x128xf32, #tpu.memory_space<vmem>>) target(%dma_start3A_103 : memref<128x128xf32, #tpu.memory_space<vmem_shared>>) target_semaphore(%run_scoped3A : memref<!tpu.dma_semaphore, #tpu.memory_space<semaphore_mem>>)
        %dma_wait3A_104 = arith.constant 0 : i32
        %dma_wait3A_105 = tpu.memref_slice %arg10[%add3A_98, %dma_wait3A_104] : memref<10240x128xf32, #tpu.memory_space<vmem_shared>> -> memref<128x128xf32, #tpu.memory_space<vmem_shared>>
        %dma_wait3A_106 = arith.constant 0 : i32
        %dma_wait3A_107 = tpu.memref_slice %arg10[%add3A_98, %dma_wait3A_106] : memref<10240x128xf32, #tpu.memory_space<vmem_shared>> -> memref<128x128xf32, #tpu.memory_space<vmem_shared>>
        tpu.wait_dma2 semaphore(%run_scoped3A : memref<!tpu.dma_semaphore, #tpu.memory_space<semaphore_mem>>) src(%arg9 : memref<128x128xf32, #tpu.memory_space<vmem>>) dst(%dma_wait3A_107 : memref<128x128xf32, #tpu.memory_space<vmem_shared>>)
        tpu.yield
      }) : () -> ()
      %scan3A_99 = arith.constant 0 : i32
      scf.yield %scan3A_99 : i32
    }
    %scan3A_29 = arith.constant 5 : i32
    %dma_wait3A = arith.constant 0 : i32
    %dma_wait3A_30 = arith.constant 0 : i32
    %dma_wait3A_31 = tpu.memref_slice %arg3[%add3A, %dma_wait3A, %dma_wait3A_30] : memref<32x80x128xi32, #tpu.memory_space<hbm>> -> memref<1x40x128xi32, #tpu.memory_space<hbm>>
    %dma_wait3A_32 = tpu.memref_squeeze %dma_wait3A_31 : memref<1x40x128xi32, #tpu.memory_space<hbm>> -> memref<40x128xi32, #tpu.memory_space<hbm>>
    %dma_wait3A_33 = arith.constant 0 : i32
    %dma_wait3A_34 = arith.constant 0 : i32
    %dma_wait3A_35 = tpu.memref_slice %arg3[%add3A, %dma_wait3A_33, %dma_wait3A_34] : memref<32x80x128xi32, #tpu.memory_space<hbm>> -> memref<1x40x128xi32, #tpu.memory_space<hbm>>
    %dma_wait3A_36 = tpu.memref_squeeze %dma_wait3A_35 : memref<1x40x128xi32, #tpu.memory_space<hbm>> -> memref<40x128xi32, #tpu.memory_space<hbm>>
    tpu.wait_dma2 semaphore(%arg11 : memref<!tpu.dma_semaphore, #tpu.memory_space<semaphore_mem>>) src(%dma_wait3A_36 : memref<40x128xi32, #tpu.memory_space<hbm>>) dst(%arg6 : memref<40x128xi32, #tpu.memory_space<vmem>>)
    %dma_wait3A_37 = arith.constant 0 : i32
    %dma_wait3A_38 = arith.constant 0 : i32
    %dma_wait3A_39 = tpu.memref_slice %arg4[%add3A, %dma_wait3A_37, %dma_wait3A_38] : memref<32x80x128xi32, #tpu.memory_space<hbm>> -> memref<1x40x128xi32, #tpu.memory_space<hbm>>
    %dma_wait3A_40 = tpu.memref_squeeze %dma_wait3A_39 : memref<1x40x128xi32, #tpu.memory_space<hbm>> -> memref<40x128xi32, #tpu.memory_space<hbm>>
    %dma_wait3A_41 = arith.constant 0 : i32
    %dma_wait3A_42 = arith.constant 0 : i32
    %dma_wait3A_43 = tpu.memref_slice %arg4[%add3A, %dma_wait3A_41, %dma_wait3A_42] : memref<32x80x128xi32, #tpu.memory_space<hbm>> -> memref<1x40x128xi32, #tpu.memory_space<hbm>>
    %dma_wait3A_44 = tpu.memref_squeeze %dma_wait3A_43 : memref<1x40x128xi32, #tpu.memory_space<hbm>> -> memref<40x128xi32, #tpu.memory_space<hbm>>
    tpu.wait_dma2 semaphore(%arg12 : memref<!tpu.dma_semaphore, #tpu.memory_space<semaphore_mem>>) src(%dma_wait3A_44 : memref<40x128xi32, #tpu.memory_space<hbm>>) dst(%arg7 : memref<40x128xi32, #tpu.memory_space<vmem>>)
    %dma_start3A_45 = arith.constant 0 : i32
    %dma_start3A_46 = arith.constant 0 : i32
    %dma_start3A_47 = tpu.memref_slice %arg6[%dma_start3A_45, %dma_start3A_46] : memref<40x128xi32, #tpu.memory_space<vmem>> -> memref<1x128xi32, #tpu.memory_space<vmem>>
    %dma_start3A_48 = tpu.memref_squeeze %dma_start3A_47 : memref<1x128xi32, #tpu.memory_space<vmem>> -> memref<128xi32, #tpu.memory_space<vmem>>
    %dma_start3A_49 = arith.constant 0 : i32
    %dma_start3A_50 = arith.constant 0 : i32
    %dma_start3A_51 = tpu.memref_slice %arg2[%dma_start3A_49, %dma_start3A_50] : memref<10240x128xf32, #tpu.memory_space<hbm>> -> memref<10240x128xf32, #tpu.memory_space<hbm>>
    tpu.enqueue_indirect_dma source(%dma_start3A_51 : memref<10240x128xf32, #tpu.memory_space<hbm>>) target(%arg8 : memref<128x128xf32, #tpu.memory_space<vmem>>) offsets(%dma_start3A_48 : memref<128xi32, #tpu.memory_space<vmem>>) semaphore(%arg11 : memref<!tpu.dma_semaphore, #tpu.memory_space<semaphore_mem>>)
    %barrier3A = arith.constant 0 : index
    tpu.barrier barrier_id(%barrier3A)
    %scan3A_52 = arith.constant 0 : i32
    %scan3A_53 = arith.constant 0 : i32
    %scan3A_54 = arith.constant 20 : i32
    %scan3A_55 = arith.addi %scan3A_53, %scan3A_54 : i32
    %scan3A_56 = arith.constant 1 : i32
    %scan3A_57 = scf.for %scan3A_92 = %scan3A_53 to %scan3A_55 step %scan3A_56 iter_args(%scan3A_93 = %scan3A_52) -> (i32)  : i32 {
      %mul3A_94 = arith.constant 2 : i32
      %mul3A_95 = arith.muli %scan3A_92, %mul3A_94 : i32
      %add3A_96 = arith.constant 1 : i32
      %add3A_97 = arith.addi %mul3A_95, %add3A_96 : i32
      %dma_start3A_98 = arith.constant 0 : i32
      %dma_start3A_99 = tpu.memref_slice %arg6[%add3A_97, %dma_start3A_98] : memref<40x128xi32, #tpu.memory_space<vmem>> -> memref<1x128xi32, #tpu.memory_space<vmem>>
      %dma_start3A_100 = tpu.memref_squeeze %dma_start3A_99 : memref<1x128xi32, #tpu.memory_space<vmem>> -> memref<128xi32, #tpu.memory_space<vmem>>
      %dma_start3A_101 = arith.constant 0 : i32
      %dma_start3A_102 = arith.constant 0 : i32
      %dma_start3A_103 = tpu.memref_slice %arg2[%dma_start3A_101, %dma_start3A_102] : memref<10240x128xf32, #tpu.memory_space<hbm>> -> memref<10240x128xf32, #tpu.memory_space<hbm>>
      tpu.enqueue_indirect_dma source(%dma_start3A_103 : memref<10240x128xf32, #tpu.memory_space<hbm>>) target(%arg9 : memref<128x128xf32, #tpu.memory_space<vmem>>) offsets(%dma_start3A_100 : memref<128xi32, #tpu.memory_space<vmem>>) semaphore(%arg12 : memref<!tpu.dma_semaphore, #tpu.memory_space<semaphore_mem>>)
      %dma_wait3A_104 = arith.constant 0 : i32
      %dma_wait3A_105 = tpu.memref_slice %arg6[%mul3A_95, %dma_wait3A_104] : memref<40x128xi32, #tpu.memory_space<vmem>> -> memref<1x128xi32, #tpu.memory_space<vmem>>
      %dma_wait3A_106 = tpu.memref_squeeze %dma_wait3A_105 : memref<1x128xi32, #tpu.memory_space<vmem>> -> memref<128xi32, #tpu.memory_space<vmem>>
      %dma_wait3A_107 = arith.constant 0 : i32
      %dma_wait3A_108 = arith.constant 0 : i32
      %dma_wait3A_109 = tpu.memref_slice %arg2[%dma_wait3A_107, %dma_wait3A_108] : memref<10240x128xf32, #tpu.memory_space<hbm>> -> memref<10240x128xf32, #tpu.memory_space<hbm>>
      tpu.wait_indirect_dma semaphore(%arg11 : memref<!tpu.dma_semaphore, #tpu.memory_space<semaphore_mem>>) src(%dma_wait3A_109 : memref<10240x128xf32, #tpu.memory_space<hbm>>) dst(%arg8 : memref<128x128xf32, #tpu.memory_space<vmem>>)
      "tpu.region"() ({
        %run_scoped3A = tpu.sem_alloc : memref<!tpu.dma_semaphore, #tpu.memory_space<semaphore_mem>>
        %dma_start3A_130 = arith.constant 0 : i32
        %dma_start3A_131 = tpu.memref_slice %arg7[%mul3A_95, %dma_start3A_130] : memref<40x128xi32, #tpu.memory_space<vmem>> -> memref<1x128xi32, #tpu.memory_space<vmem>>
        %dma_start3A_132 = tpu.memref_squeeze %dma_start3A_131 : memref<1x128xi32, #tpu.memory_space<vmem>> -> memref<128xi32, #tpu.memory_space<vmem>>
        %dma_start3A_133 = arith.constant 0 : i32
        %dma_start3A_134 = arith.constant 0 : i32
        %dma_start3A_135 = tpu.memref_slice %arg10[%dma_start3A_133, %dma_start3A_134] : memref<10240x128xf32, #tpu.memory_space<vmem_shared>> -> memref<10240x128xf32, #tpu.memory_space<vmem_shared>>
        tpu.enqueue_indirect_dma source(%arg8 : memref<128x128xf32, #tpu.memory_space<vmem>>) target(%dma_start3A_135 : memref<10240x128xf32, #tpu.memory_space<vmem_shared>>) offsets(%dma_start3A_132 : memref<128xi32, #tpu.memory_space<vmem>>) semaphore(%run_scoped3A : memref<!tpu.dma_semaphore, #tpu.memory_space<semaphore_mem>>) {add = true}
        %dma_wait3A_136 = arith.constant 0 : i32
        %dma_wait3A_137 = tpu.memref_slice %arg7[%mul3A_95, %dma_wait3A_136] : memref<40x128xi32, #tpu.memory_space<vmem>> -> memref<1x128xi32, #tpu.memory_space<vmem>>
        %dma_wait3A_138 = tpu.memref_squeeze %dma_wait3A_137 : memref<1x128xi32, #tpu.memory_space<vmem>> -> memref<128xi32, #tpu.memory_space<vmem>>
        %dma_wait3A_139 = arith.constant 0 : i32
        %dma_wait3A_140 = arith.constant 0 : i32
        %dma_wait3A_141 = tpu.memref_slice %arg10[%dma_wait3A_139, %dma_wait3A_140] : memref<10240x128xf32, #tpu.memory_space<vmem_shared>> -> memref<10240x128xf32, #tpu.memory_space<vmem_shared>>
        tpu.wait_indirect_dma semaphore(%run_scoped3A : memref<!tpu.dma_semaphore, #tpu.memory_space<semaphore_mem>>) src(%arg8 : memref<128x128xf32, #tpu.memory_space<vmem>>) dst(%dma_wait3A_141 : memref<10240x128xf32, #tpu.memory_space<vmem_shared>>)
        tpu.yield
      }) : () -> ()
      %add3A_110 = arith.constant 2 : i32
      %add3A_111 = arith.addi %mul3A_95, %add3A_110 : i32
      %min3A = arith.constant 39 : i32
      %min3A_112 = arith.minsi %add3A_111, %min3A : i32
      %dma_start3A_113 = arith.constant 0 : i32
      %dma_start3A_114 = tpu.memref_slice %arg6[%min3A_112, %dma_start3A_113] : memref<40x128xi32, #tpu.memory_space<vmem>> -> memref<1x128xi32, #tpu.memory_space<vmem>>
      %dma_start3A_115 = tpu.memref_squeeze %dma_start3A_114 : memref<1x128xi32, #tpu.memory_space<vmem>> -> memref<128xi32, #tpu.memory_space<vmem>>
      %dma_start3A_116 = arith.constant 0 : i32
      %dma_start3A_117 = arith.constant 0 : i32
      %dma_start3A_118 = tpu.memref_slice %arg2[%dma_start3A_116, %dma_start3A_117] : memref<10240x128xf32, #tpu.memory_space<hbm>> -> memref<10240x128xf32, #tpu.memory_space<hbm>>
      tpu.enqueue_indirect_dma source(%dma_start3A_118 : memref<10240x128xf32, #tpu.memory_space<hbm>>) target(%arg8 : memref<128x128xf32, #tpu.memory_space<vmem>>) offsets(%dma_start3A_115 : memref<128xi32, #tpu.memory_space<vmem>>) semaphore(%arg11 : memref<!tpu.dma_semaphore, #tpu.memory_space<semaphore_mem>>)
      %add3A_119 = arith.constant 1 : i32
      %add3A_120 = arith.addi %mul3A_95, %add3A_119 : i32
      %dma_wait3A_121 = arith.constant 0 : i32
      %dma_wait3A_122 = tpu.memref_slice %arg6[%add3A_120, %dma_wait3A_121] : memref<40x128xi32, #tpu.memory_space<vmem>> -> memref<1x128xi32, #tpu.memory_space<vmem>>
      %dma_wait3A_123 = tpu.memref_squeeze %dma_wait3A_122 : memref<1x128xi32, #tpu.memory_space<vmem>> -> memref<128xi32, #tpu.memory_space<vmem>>
      %dma_wait3A_124 = arith.constant 0 : i32
      %dma_wait3A_125 = arith.constant 0 : i32
      %dma_wait3A_126 = tpu.memref_slice %arg2[%dma_wait3A_124, %dma_wait3A_125] : memref<10240x128xf32, #tpu.memory_space<hbm>> -> memref<10240x128xf32, #tpu.memory_space<hbm>>
      tpu.wait_indirect_dma semaphore(%arg12 : memref<!tpu.dma_semaphore, #tpu.memory_space<semaphore_mem>>) src(%dma_wait3A_126 : memref<10240x128xf32, #tpu.memory_space<hbm>>) dst(%arg9 : memref<128x128xf32, #tpu.memory_space<vmem>>)
      %add3A_127 = arith.constant 1 : i32
      %add3A_128 = arith.addi %mul3A_95, %add3A_127 : i32
      "tpu.region"() ({
        %run_scoped3A = tpu.sem_alloc : memref<!tpu.dma_semaphore, #tpu.memory_space<semaphore_mem>>
        %dma_start3A_130 = arith.constant 0 : i32
        %dma_start3A_131 = tpu.memref_slice %arg7[%add3A_128, %dma_start3A_130] : memref<40x128xi32, #tpu.memory_space<vmem>> -> memref<1x128xi32, #tpu.memory_space<vmem>>
        %dma_start3A_132 = tpu.memref_squeeze %dma_start3A_131 : memref<1x128xi32, #tpu.memory_space<vmem>> -> memref<128xi32, #tpu.memory_space<vmem>>
        %dma_start3A_133 = arith.constant 0 : i32
        %dma_start3A_134 = arith.constant 0 : i32
        %dma_start3A_135 = tpu.memref_slice %arg10[%dma_start3A_133, %dma_start3A_134] : memref<10240x128xf32, #tpu.memory_space<vmem_shared>> -> memref<10240x128xf32, #tpu.memory_space<vmem_shared>>
        tpu.enqueue_indirect_dma source(%arg9 : memref<128x128xf32, #tpu.memory_space<vmem>>) target(%dma_start3A_135 : memref<10240x128xf32, #tpu.memory_space<vmem_shared>>) offsets(%dma_start3A_132 : memref<128xi32, #tpu.memory_space<vmem>>) semaphore(%run_scoped3A : memref<!tpu.dma_semaphore, #tpu.memory_space<semaphore_mem>>) {add = true}
        %dma_wait3A_136 = arith.constant 0 : i32
        %dma_wait3A_137 = tpu.memref_slice %arg7[%add3A_128, %dma_wait3A_136] : memref<40x128xi32, #tpu.memory_space<vmem>> -> memref<1x128xi32, #tpu.memory_space<vmem>>
        %dma_wait3A_138 = tpu.memref_squeeze %dma_wait3A_137 : memref<1x128xi32, #tpu.memory_space<vmem>> -> memref<128xi32, #tpu.memory_space<vmem>>
        %dma_wait3A_139 = arith.constant 0 : i32
        %dma_wait3A_140 = arith.constant 0 : i32
        %dma_wait3A_141 = tpu.memref_slice %arg10[%dma_wait3A_139, %dma_wait3A_140] : memref<10240x128xf32, #tpu.memory_space<vmem_shared>> -> memref<10240x128xf32, #tpu.memory_space<vmem_shared>>
        tpu.wait_indirect_dma semaphore(%run_scoped3A : memref<!tpu.dma_semaphore, #tpu.memory_space<semaphore_mem>>) src(%arg9 : memref<128x128xf32, #tpu.memory_space<vmem>>) dst(%dma_wait3A_141 : memref<10240x128xf32, #tpu.memory_space<vmem_shared>>)
        tpu.yield
      }) : () -> ()
      %scan3A_129 = arith.constant 0 : i32
      scf.yield %scan3A_129 : i32
    }
    %scan3A_58 = arith.constant 20 : i32
    %dma_wait3A_59 = arith.constant 0 : i32
    %dma_wait3A_60 = arith.constant 0 : i32
    %dma_wait3A_61 = tpu.memref_slice %arg6[%dma_wait3A_59, %dma_wait3A_60] : memref<40x128xi32, #tpu.memory_space<vmem>> -> memref<1x128xi32, #tpu.memory_space<vmem>>
    %dma_wait3A_62 = tpu.memref_squeeze %dma_wait3A_61 : memref<1x128xi32, #tpu.memory_space<vmem>> -> memref<128xi32, #tpu.memory_space<vmem>>
    %dma_wait3A_63 = arith.constant 0 : i32
    %dma_wait3A_64 = arith.constant 0 : i32
    %dma_wait3A_65 = tpu.memref_slice %arg2[%dma_wait3A_63, %dma_wait3A_64] : memref<10240x128xf32, #tpu.memory_space<hbm>> -> memref<10240x128xf32, #tpu.memory_space<hbm>>
    tpu.wait_indirect_dma semaphore(%arg11 : memref<!tpu.dma_semaphore, #tpu.memory_space<semaphore_mem>>) src(%dma_wait3A_65 : memref<10240x128xf32, #tpu.memory_space<hbm>>) dst(%arg8 : memref<128x128xf32, #tpu.memory_space<vmem>>)
    "tpu.region"() ({
      %run_scoped3A = tpu.sem_alloc : memref<!tpu.dma_semaphore, #tpu.memory_space<semaphore_mem>>
      %dma_start3A_92 = arith.constant 40 : i32
      %dma_start3A_93 = arith.constant 0 : i32
      %dma_start3A_94 = tpu.memref_slice %arg3[%add3A, %dma_start3A_92, %dma_start3A_93] : memref<32x80x128xi32, #tpu.memory_space<hbm>> -> memref<1x40x128xi32, #tpu.memory_space<hbm>>
      %dma_start3A_95 = tpu.memref_squeeze %dma_start3A_94 : memref<1x40x128xi32, #tpu.memory_space<hbm>> -> memref<40x128xi32, #tpu.memory_space<hbm>>
      %dma_start3A_96 = arith.constant 40 : i32
      %dma_start3A_97 = arith.constant 0 : i32
      %dma_start3A_98 = tpu.memref_slice %arg3[%add3A, %dma_start3A_96, %dma_start3A_97] : memref<32x80x128xi32, #tpu.memory_space<hbm>> -> memref<1x40x128xi32, #tpu.memory_space<hbm>>
      %dma_start3A_99 = tpu.memref_squeeze %dma_start3A_98 : memref<1x40x128xi32, #tpu.memory_space<hbm>> -> memref<40x128xi32, #tpu.memory_space<hbm>>
      tpu.enqueue_dma source(%dma_start3A_99 : memref<40x128xi32, #tpu.memory_space<hbm>>) target(%arg6 : memref<40x128xi32, #tpu.memory_space<vmem>>) target_semaphore(%run_scoped3A : memref<!tpu.dma_semaphore, #tpu.memory_space<semaphore_mem>>)
      %dma_wait3A_100 = arith.constant 40 : i32
      %dma_wait3A_101 = arith.constant 0 : i32
      %dma_wait3A_102 = tpu.memref_slice %arg3[%add3A, %dma_wait3A_100, %dma_wait3A_101] : memref<32x80x128xi32, #tpu.memory_space<hbm>> -> memref<1x40x128xi32, #tpu.memory_space<hbm>>
      %dma_wait3A_103 = tpu.memref_squeeze %dma_wait3A_102 : memref<1x40x128xi32, #tpu.memory_space<hbm>> -> memref<40x128xi32, #tpu.memory_space<hbm>>
      %dma_wait3A_104 = arith.constant 40 : i32
      %dma_wait3A_105 = arith.constant 0 : i32
      %dma_wait3A_106 = tpu.memref_slice %arg3[%add3A, %dma_wait3A_104, %dma_wait3A_105] : memref<32x80x128xi32, #tpu.memory_space<hbm>> -> memref<1x40x128xi32, #tpu.memory_space<hbm>>
      %dma_wait3A_107 = tpu.memref_squeeze %dma_wait3A_106 : memref<1x40x128xi32, #tpu.memory_space<hbm>> -> memref<40x128xi32, #tpu.memory_space<hbm>>
      tpu.wait_dma2 semaphore(%run_scoped3A : memref<!tpu.dma_semaphore, #tpu.memory_space<semaphore_mem>>) src(%dma_wait3A_107 : memref<40x128xi32, #tpu.memory_space<hbm>>) dst(%arg6 : memref<40x128xi32, #tpu.memory_space<vmem>>)
      tpu.yield
    }) : () -> ()
    "tpu.region"() ({
      %run_scoped3A = tpu.sem_alloc : memref<!tpu.dma_semaphore, #tpu.memory_space<semaphore_mem>>
      %dma_start3A_92 = arith.constant 40 : i32
      %dma_start3A_93 = arith.constant 0 : i32
      %dma_start3A_94 = tpu.memref_slice %arg4[%add3A, %dma_start3A_92, %dma_start3A_93] : memref<32x80x128xi32, #tpu.memory_space<hbm>> -> memref<1x40x128xi32, #tpu.memory_space<hbm>>
      %dma_start3A_95 = tpu.memref_squeeze %dma_start3A_94 : memref<1x40x128xi32, #tpu.memory_space<hbm>> -> memref<40x128xi32, #tpu.memory_space<hbm>>
      %dma_start3A_96 = arith.constant 40 : i32
      %dma_start3A_97 = arith.constant 0 : i32
      %dma_start3A_98 = tpu.memref_slice %arg4[%add3A, %dma_start3A_96, %dma_start3A_97] : memref<32x80x128xi32, #tpu.memory_space<hbm>> -> memref<1x40x128xi32, #tpu.memory_space<hbm>>
      %dma_start3A_99 = tpu.memref_squeeze %dma_start3A_98 : memref<1x40x128xi32, #tpu.memory_space<hbm>> -> memref<40x128xi32, #tpu.memory_space<hbm>>
      tpu.enqueue_dma source(%dma_start3A_99 : memref<40x128xi32, #tpu.memory_space<hbm>>) target(%arg7 : memref<40x128xi32, #tpu.memory_space<vmem>>) target_semaphore(%run_scoped3A : memref<!tpu.dma_semaphore, #tpu.memory_space<semaphore_mem>>)
      %dma_wait3A_100 = arith.constant 40 : i32
      %dma_wait3A_101 = arith.constant 0 : i32
      %dma_wait3A_102 = tpu.memref_slice %arg4[%add3A, %dma_wait3A_100, %dma_wait3A_101] : memref<32x80x128xi32, #tpu.memory_space<hbm>> -> memref<1x40x128xi32, #tpu.memory_space<hbm>>
      %dma_wait3A_103 = tpu.memref_squeeze %dma_wait3A_102 : memref<1x40x128xi32, #tpu.memory_space<hbm>> -> memref<40x128xi32, #tpu.memory_space<hbm>>
      %dma_wait3A_104 = arith.constant 40 : i32
      %dma_wait3A_105 = arith.constant 0 : i32
      %dma_wait3A_106 = tpu.memref_slice %arg4[%add3A, %dma_wait3A_104, %dma_wait3A_105] : memref<32x80x128xi32, #tpu.memory_space<hbm>> -> memref<1x40x128xi32, #tpu.memory_space<hbm>>
      %dma_wait3A_107 = tpu.memref_squeeze %dma_wait3A_106 : memref<1x40x128xi32, #tpu.memory_space<hbm>> -> memref<40x128xi32, #tpu.memory_space<hbm>>
      tpu.wait_dma2 semaphore(%run_scoped3A : memref<!tpu.dma_semaphore, #tpu.memory_space<semaphore_mem>>) src(%dma_wait3A_107 : memref<40x128xi32, #tpu.memory_space<hbm>>) dst(%arg7 : memref<40x128xi32, #tpu.memory_space<vmem>>)
      tpu.yield
    }) : () -> ()
    %dma_start3A_66 = arith.constant 0 : i32
    %dma_start3A_67 = arith.constant 0 : i32
    %dma_start3A_68 = tpu.memref_slice %arg6[%dma_start3A_66, %dma_start3A_67] : memref<40x128xi32, #tpu.memory_space<vmem>> -> memref<1x128xi32, #tpu.memory_space<vmem>>
    %dma_start3A_69 = tpu.memref_squeeze %dma_start3A_68 : memref<1x128xi32, #tpu.memory_space<vmem>> -> memref<128xi32, #tpu.memory_space<vmem>>
    %dma_start3A_70 = arith.constant 0 : i32
    %dma_start3A_71 = arith.constant 0 : i32
    %dma_start3A_72 = tpu.memref_slice %arg2[%dma_start3A_70, %dma_start3A_71] : memref<10240x128xf32, #tpu.memory_space<hbm>> -> memref<10240x128xf32, #tpu.memory_space<hbm>>
    tpu.enqueue_indirect_dma source(%dma_start3A_72 : memref<10240x128xf32, #tpu.memory_space<hbm>>) target(%arg8 : memref<128x128xf32, #tpu.memory_space<vmem>>) offsets(%dma_start3A_69 : memref<128xi32, #tpu.memory_space<vmem>>) semaphore(%arg11 : memref<!tpu.dma_semaphore, #tpu.memory_space<semaphore_mem>>)
    %scan3A_73 = arith.constant 0 : i32
    %scan3A_74 = arith.constant 0 : i32
    %scan3A_75 = arith.constant 20 : i32
    %scan3A_76 = arith.addi %scan3A_74, %scan3A_75 : i32
    %scan3A_77 = arith.constant 1 : i32
    %scan3A_78 = scf.for %scan3A_92 = %scan3A_74 to %scan3A_76 step %scan3A_77 iter_args(%scan3A_93 = %scan3A_73) -> (i32)  : i32 {
      %mul3A_94 = arith.constant 2 : i32
      %mul3A_95 = arith.muli %scan3A_92, %mul3A_94 : i32
      %add3A_96 = arith.constant 1 : i32
      %add3A_97 = arith.addi %mul3A_95, %add3A_96 : i32
      %dma_start3A_98 = arith.constant 0 : i32
      %dma_start3A_99 = tpu.memref_slice %arg6[%add3A_97, %dma_start3A_98] : memref<40x128xi32, #tpu.memory_space<vmem>> -> memref<1x128xi32, #tpu.memory_space<vmem>>
      %dma_start3A_100 = tpu.memref_squeeze %dma_start3A_99 : memref<1x128xi32, #tpu.memory_space<vmem>> -> memref<128xi32, #tpu.memory_space<vmem>>
      %dma_start3A_101 = arith.constant 0 : i32
      %dma_start3A_102 = arith.constant 0 : i32
      %dma_start3A_103 = tpu.memref_slice %arg2[%dma_start3A_101, %dma_start3A_102] : memref<10240x128xf32, #tpu.memory_space<hbm>> -> memref<10240x128xf32, #tpu.memory_space<hbm>>
      tpu.enqueue_indirect_dma source(%dma_start3A_103 : memref<10240x128xf32, #tpu.memory_space<hbm>>) target(%arg9 : memref<128x128xf32, #tpu.memory_space<vmem>>) offsets(%dma_start3A_100 : memref<128xi32, #tpu.memory_space<vmem>>) semaphore(%arg12 : memref<!tpu.dma_semaphore, #tpu.memory_space<semaphore_mem>>)
      %dma_wait3A_104 = arith.constant 0 : i32
      %dma_wait3A_105 = tpu.memref_slice %arg6[%mul3A_95, %dma_wait3A_104] : memref<40x128xi32, #tpu.memory_space<vmem>> -> memref<1x128xi32, #tpu.memory_space<vmem>>
      %dma_wait3A_106 = tpu.memref_squeeze %dma_wait3A_105 : memref<1x128xi32, #tpu.memory_space<vmem>> -> memref<128xi32, #tpu.memory_space<vmem>>
      %dma_wait3A_107 = arith.constant 0 : i32
      %dma_wait3A_108 = arith.constant 0 : i32
      %dma_wait3A_109 = tpu.memref_slice %arg2[%dma_wait3A_107, %dma_wait3A_108] : memref<10240x128xf32, #tpu.memory_space<hbm>> -> memref<10240x128xf32, #tpu.memory_space<hbm>>
      tpu.wait_indirect_dma semaphore(%arg11 : memref<!tpu.dma_semaphore, #tpu.memory_space<semaphore_mem>>) src(%dma_wait3A_109 : memref<10240x128xf32, #tpu.memory_space<hbm>>) dst(%arg8 : memref<128x128xf32, #tpu.memory_space<vmem>>)
      "tpu.region"() ({
        %run_scoped3A = tpu.sem_alloc : memref<!tpu.dma_semaphore, #tpu.memory_space<semaphore_mem>>
        %dma_start3A_130 = arith.constant 0 : i32
        %dma_start3A_131 = tpu.memref_slice %arg7[%mul3A_95, %dma_start3A_130] : memref<40x128xi32, #tpu.memory_space<vmem>> -> memref<1x128xi32, #tpu.memory_space<vmem>>
        %dma_start3A_132 = tpu.memref_squeeze %dma_start3A_131 : memref<1x128xi32, #tpu.memory_space<vmem>> -> memref<128xi32, #tpu.memory_space<vmem>>
        %dma_start3A_133 = arith.constant 0 : i32
        %dma_start3A_134 = arith.constant 0 : i32
        %dma_start3A_135 = tpu.memref_slice %arg10[%dma_start3A_133, %dma_start3A_134] : memref<10240x128xf32, #tpu.memory_space<vmem_shared>> -> memref<10240x128xf32, #tpu.memory_space<vmem_shared>>
        tpu.enqueue_indirect_dma source(%arg8 : memref<128x128xf32, #tpu.memory_space<vmem>>) target(%dma_start3A_135 : memref<10240x128xf32, #tpu.memory_space<vmem_shared>>) offsets(%dma_start3A_132 : memref<128xi32, #tpu.memory_space<vmem>>) semaphore(%run_scoped3A : memref<!tpu.dma_semaphore, #tpu.memory_space<semaphore_mem>>) {add = true}
        %dma_wait3A_136 = arith.constant 0 : i32
        %dma_wait3A_137 = tpu.memref_slice %arg7[%mul3A_95, %dma_wait3A_136] : memref<40x128xi32, #tpu.memory_space<vmem>> -> memref<1x128xi32, #tpu.memory_space<vmem>>
        %dma_wait3A_138 = tpu.memref_squeeze %dma_wait3A_137 : memref<1x128xi32, #tpu.memory_space<vmem>> -> memref<128xi32, #tpu.memory_space<vmem>>
        %dma_wait3A_139 = arith.constant 0 : i32
        %dma_wait3A_140 = arith.constant 0 : i32
        %dma_wait3A_141 = tpu.memref_slice %arg10[%dma_wait3A_139, %dma_wait3A_140] : memref<10240x128xf32, #tpu.memory_space<vmem_shared>> -> memref<10240x128xf32, #tpu.memory_space<vmem_shared>>
        tpu.wait_indirect_dma semaphore(%run_scoped3A : memref<!tpu.dma_semaphore, #tpu.memory_space<semaphore_mem>>) src(%arg8 : memref<128x128xf32, #tpu.memory_space<vmem>>) dst(%dma_wait3A_141 : memref<10240x128xf32, #tpu.memory_space<vmem_shared>>)
        tpu.yield
      }) : () -> ()
      %add3A_110 = arith.constant 2 : i32
      %add3A_111 = arith.addi %mul3A_95, %add3A_110 : i32
      %min3A = arith.constant 39 : i32
      %min3A_112 = arith.minsi %add3A_111, %min3A : i32
      %dma_start3A_113 = arith.constant 0 : i32
      %dma_start3A_114 = tpu.memref_slice %arg6[%min3A_112, %dma_start3A_113] : memref<40x128xi32, #tpu.memory_space<vmem>> -> memref<1x128xi32, #tpu.memory_space<vmem>>
      %dma_start3A_115 = tpu.memref_squeeze %dma_start3A_114 : memref<1x128xi32, #tpu.memory_space<vmem>> -> memref<128xi32, #tpu.memory_space<vmem>>
      %dma_start3A_116 = arith.constant 0 : i32
      %dma_start3A_117 = arith.constant 0 : i32
      %dma_start3A_118 = tpu.memref_slice %arg2[%dma_start3A_116, %dma_start3A_117] : memref<10240x128xf32, #tpu.memory_space<hbm>> -> memref<10240x128xf32, #tpu.memory_space<hbm>>
      tpu.enqueue_indirect_dma source(%dma_start3A_118 : memref<10240x128xf32, #tpu.memory_space<hbm>>) target(%arg8 : memref<128x128xf32, #tpu.memory_space<vmem>>) offsets(%dma_start3A_115 : memref<128xi32, #tpu.memory_space<vmem>>) semaphore(%arg11 : memref<!tpu.dma_semaphore, #tpu.memory_space<semaphore_mem>>)
      %add3A_119 = arith.constant 1 : i32
      %add3A_120 = arith.addi %mul3A_95, %add3A_119 : i32
      %dma_wait3A_121 = arith.constant 0 : i32
      %dma_wait3A_122 = tpu.memref_slice %arg6[%add3A_120, %dma_wait3A_121] : memref<40x128xi32, #tpu.memory_space<vmem>> -> memref<1x128xi32, #tpu.memory_space<vmem>>
      %dma_wait3A_123 = tpu.memref_squeeze %dma_wait3A_122 : memref<1x128xi32, #tpu.memory_space<vmem>> -> memref<128xi32, #tpu.memory_space<vmem>>
      %dma_wait3A_124 = arith.constant 0 : i32
      %dma_wait3A_125 = arith.constant 0 : i32
      %dma_wait3A_126 = tpu.memref_slice %arg2[%dma_wait3A_124, %dma_wait3A_125] : memref<10240x128xf32, #tpu.memory_space<hbm>> -> memref<10240x128xf32, #tpu.memory_space<hbm>>
      tpu.wait_indirect_dma semaphore(%arg12 : memref<!tpu.dma_semaphore, #tpu.memory_space<semaphore_mem>>) src(%dma_wait3A_126 : memref<10240x128xf32, #tpu.memory_space<hbm>>) dst(%arg9 : memref<128x128xf32, #tpu.memory_space<vmem>>)
      %add3A_127 = arith.constant 1 : i32
      %add3A_128 = arith.addi %mul3A_95, %add3A_127 : i32
      "tpu.region"() ({
        %run_scoped3A = tpu.sem_alloc : memref<!tpu.dma_semaphore, #tpu.memory_space<semaphore_mem>>
        %dma_start3A_130 = arith.constant 0 : i32
        %dma_start3A_131 = tpu.memref_slice %arg7[%add3A_128, %dma_start3A_130] : memref<40x128xi32, #tpu.memory_space<vmem>> -> memref<1x128xi32, #tpu.memory_space<vmem>>
        %dma_start3A_132 = tpu.memref_squeeze %dma_start3A_131 : memref<1x128xi32, #tpu.memory_space<vmem>> -> memref<128xi32, #tpu.memory_space<vmem>>
        %dma_start3A_133 = arith.constant 0 : i32
        %dma_start3A_134 = arith.constant 0 : i32
        %dma_start3A_135 = tpu.memref_slice %arg10[%dma_start3A_133, %dma_start3A_134] : memref<10240x128xf32, #tpu.memory_space<vmem_shared>> -> memref<10240x128xf32, #tpu.memory_space<vmem_shared>>
        tpu.enqueue_indirect_dma source(%arg9 : memref<128x128xf32, #tpu.memory_space<vmem>>) target(%dma_start3A_135 : memref<10240x128xf32, #tpu.memory_space<vmem_shared>>) offsets(%dma_start3A_132 : memref<128xi32, #tpu.memory_space<vmem>>) semaphore(%run_scoped3A : memref<!tpu.dma_semaphore, #tpu.memory_space<semaphore_mem>>) {add = true}
        %dma_wait3A_136 = arith.constant 0 : i32
        %dma_wait3A_137 = tpu.memref_slice %arg7[%add3A_128, %dma_wait3A_136] : memref<40x128xi32, #tpu.memory_space<vmem>> -> memref<1x128xi32, #tpu.memory_space<vmem>>
        %dma_wait3A_138 = tpu.memref_squeeze %dma_wait3A_137 : memref<1x128xi32, #tpu.memory_space<vmem>> -> memref<128xi32, #tpu.memory_space<vmem>>
        %dma_wait3A_139 = arith.constant 0 : i32
        %dma_wait3A_140 = arith.constant 0 : i32
        %dma_wait3A_141 = tpu.memref_slice %arg10[%dma_wait3A_139, %dma_wait3A_140] : memref<10240x128xf32, #tpu.memory_space<vmem_shared>> -> memref<10240x128xf32, #tpu.memory_space<vmem_shared>>
        tpu.wait_indirect_dma semaphore(%run_scoped3A : memref<!tpu.dma_semaphore, #tpu.memory_space<semaphore_mem>>) src(%arg9 : memref<128x128xf32, #tpu.memory_space<vmem>>) dst(%dma_wait3A_141 : memref<10240x128xf32, #tpu.memory_space<vmem_shared>>)
        tpu.yield
      }) : () -> ()
      %scan3A_129 = arith.constant 0 : i32
      scf.yield %scan3A_129 : i32
    }
    %scan3A_79 = arith.constant 20 : i32
    %dma_wait3A_80 = arith.constant 0 : i32
    %dma_wait3A_81 = arith.constant 0 : i32
    %dma_wait3A_82 = tpu.memref_slice %arg6[%dma_wait3A_80, %dma_wait3A_81] : memref<40x128xi32, #tpu.memory_space<vmem>> -> memref<1x128xi32, #tpu.memory_space<vmem>>
    %dma_wait3A_83 = tpu.memref_squeeze %dma_wait3A_82 : memref<1x128xi32, #tpu.memory_space<vmem>> -> memref<128xi32, #tpu.memory_space<vmem>>
    %dma_wait3A_84 = arith.constant 0 : i32
    %dma_wait3A_85 = arith.constant 0 : i32
    %dma_wait3A_86 = tpu.memref_slice %arg2[%dma_wait3A_84, %dma_wait3A_85] : memref<10240x128xf32, #tpu.memory_space<hbm>> -> memref<10240x128xf32, #tpu.memory_space<hbm>>
    tpu.wait_indirect_dma semaphore(%arg11 : memref<!tpu.dma_semaphore, #tpu.memory_space<semaphore_mem>>) src(%dma_wait3A_86 : memref<10240x128xf32, #tpu.memory_space<hbm>>) dst(%arg8 : memref<128x128xf32, #tpu.memory_space<vmem>>)
    %barrier3A_87 = arith.constant 0 : index
    tpu.barrier barrier_id(%barrier3A_87)
    %mul3A_88 = arith.constant 640 : i32
    %mul3A_89 = arith.muli %arg1, %mul3A_88 : i32
    %mul3A_90 = arith.constant 640 : i32
    %mul3A_91 = arith.muli %arg1, %mul3A_90 : i32
    "tpu.region"() ({
      %run_scoped3A = tpu.sem_alloc : memref<!tpu.dma_semaphore, #tpu.memory_space<semaphore_mem>>
      %dma_start3A_92 = arith.constant 0 : i32
      %dma_start3A_93 = tpu.memref_slice %arg5[%arg0, %mul3A_91, %dma_start3A_92] : memref<2x10240x128xf32, #tpu.memory_space<hbm>> -> memref<1x640x128xf32, #tpu.memory_space<hbm>>
      %dma_start3A_94 = tpu.memref_squeeze %dma_start3A_93 : memref<1x640x128xf32, #tpu.memory_space<hbm>> -> memref<640x128xf32, #tpu.memory_space<hbm>>
      %dma_start3A_95 = arith.constant 0 : i32
      %dma_start3A_96 = tpu.memref_slice %arg10[%mul3A_89, %dma_start3A_95] : memref<10240x128xf32, #tpu.memory_space<vmem_shared>> -> memref<640x128xf32, #tpu.memory_space<vmem_shared>>
      tpu.enqueue_dma source(%dma_start3A_96 : memref<640x128xf32, #tpu.memory_space<vmem_shared>>) target(%dma_start3A_94 : memref<640x128xf32, #tpu.memory_space<hbm>>) target_semaphore(%run_scoped3A : memref<!tpu.dma_semaphore, #tpu.memory_space<semaphore_mem>>)
      %dma_wait3A_97 = arith.constant 0 : i32
      %dma_wait3A_98 = tpu.memref_slice %arg5[%arg0, %mul3A_91, %dma_wait3A_97] : memref<2x10240x128xf32, #tpu.memory_space<hbm>> -> memref<1x640x128xf32, #tpu.memory_space<hbm>>
      %dma_wait3A_99 = tpu.memref_squeeze %dma_wait3A_98 : memref<1x640x128xf32, #tpu.memory_space<hbm>> -> memref<640x128xf32, #tpu.memory_space<hbm>>
      %dma_wait3A_100 = arith.constant 0 : i32
      %dma_wait3A_101 = tpu.memref_slice %arg10[%mul3A_89, %dma_wait3A_100] : memref<10240x128xf32, #tpu.memory_space<vmem_shared>> -> memref<640x128xf32, #tpu.memory_space<vmem_shared>>
      tpu.wait_dma2 semaphore(%run_scoped3A : memref<!tpu.dma_semaphore, #tpu.memory_space<semaphore_mem>>) src(%dma_wait3A_101 : memref<640x128xf32, #tpu.memory_space<vmem_shared>>) dst(%dma_wait3A_99 : memref<640x128xf32, #tpu.memory_space<hbm>>)
      tpu.yield
    }) : () -> ()
    return
  }
}

#map = affine_map<(d0, d1) -> (0, 0)>
#map1 = affine_map<(d0, d1) -> (0, 0, 0)>
module attributes {stable_mosaic.version = 14 : i64} {
  func.func @_sc_propagate(%arg0: i32, %arg1: i32, %arg2: memref<10240x128xf32, #tpu.memory_space<hbm>>, %arg3: memref<32x80x128xi32, #tpu.memory_space<hbm>>, %arg4: memref<32x80x128xi32, #tpu.memory_space<hbm>>, %arg5: memref<2x10240x128xf32, #tpu.memory_space<hbm>>, %arg6: memref<40x128xi32, #tpu.memory_space<vmem>>, %arg7: memref<40x128xi32, #tpu.memory_space<vmem>>, %arg8: memref<128x128xf32, #tpu.memory_space<vmem>>, %arg9: memref<128x128xf32, #tpu.memory_space<vmem>>, %arg10: memref<10240x128xf32, #tpu.memory_space<vmem_shared>>, %arg11: memref<!tpu.dma_semaphore, #tpu.memory_space<semaphore_mem>>, %arg12: memref<!tpu.dma_semaphore, #tpu.memory_space<semaphore_mem>>) attributes {dimension_semantics = [#tpu.dimension_semantics<core_parallel>, #tpu.dimension_semantics<subcore_parallel>], iteration_bounds = array<i64: 2, 16>, scalar_prefetch = 0 : i64, scratch_operands = 7 : i64, tpu.core_type = #tpu.core_type<sc_vector_subcore>, window_params = [{transform_indices = #map}, {transform_indices = #map1}, {transform_indices = #map1}, {transform_indices = #map1}]} {
    %mul3A = arith.constant 16 : i32
    %mul3A_0 = arith.muli %arg0, %mul3A : i32
    %add3A = arith.addi %mul3A_0, %arg1 : i32
    %dma_start3A = arith.constant 0 : i32
    %dma_start3A_1 = arith.constant 0 : i32
    %dma_start3A_2 = tpu.memref_slice %arg3[%add3A, %dma_start3A, %dma_start3A_1] : memref<32x80x128xi32, #tpu.memory_space<hbm>> -> memref<1x40x128xi32, #tpu.memory_space<hbm>>
    %dma_start3A_3 = tpu.memref_squeeze %dma_start3A_2 : memref<1x40x128xi32, #tpu.memory_space<hbm>> -> memref<40x128xi32, #tpu.memory_space<hbm>>
    %dma_start3A_4 = arith.constant 0 : i32
    %dma_start3A_5 = arith.constant 0 : i32
    %dma_start3A_6 = tpu.memref_slice %arg3[%add3A, %dma_start3A_4, %dma_start3A_5] : memref<32x80x128xi32, #tpu.memory_space<hbm>> -> memref<1x40x128xi32, #tpu.memory_space<hbm>>
    %dma_start3A_7 = tpu.memref_squeeze %dma_start3A_6 : memref<1x40x128xi32, #tpu.memory_space<hbm>> -> memref<40x128xi32, #tpu.memory_space<hbm>>
    tpu.enqueue_dma source(%dma_start3A_7 : memref<40x128xi32, #tpu.memory_space<hbm>>) target(%arg6 : memref<40x128xi32, #tpu.memory_space<vmem>>) target_semaphore(%arg11 : memref<!tpu.dma_semaphore, #tpu.memory_space<semaphore_mem>>)
    %dma_start3A_8 = arith.constant 0 : i32
    %dma_start3A_9 = arith.constant 0 : i32
    %dma_start3A_10 = tpu.memref_slice %arg4[%add3A, %dma_start3A_8, %dma_start3A_9] : memref<32x80x128xi32, #tpu.memory_space<hbm>> -> memref<1x40x128xi32, #tpu.memory_space<hbm>>
    %dma_start3A_11 = tpu.memref_squeeze %dma_start3A_10 : memref<1x40x128xi32, #tpu.memory_space<hbm>> -> memref<40x128xi32, #tpu.memory_space<hbm>>
    %dma_start3A_12 = arith.constant 0 : i32
    %dma_start3A_13 = arith.constant 0 : i32
    %dma_start3A_14 = tpu.memref_slice %arg4[%add3A, %dma_start3A_12, %dma_start3A_13] : memref<32x80x128xi32, #tpu.memory_space<hbm>> -> memref<1x40x128xi32, #tpu.memory_space<hbm>>
    %dma_start3A_15 = tpu.memref_squeeze %dma_start3A_14 : memref<1x40x128xi32, #tpu.memory_space<hbm>> -> memref<40x128xi32, #tpu.memory_space<hbm>>
    tpu.enqueue_dma source(%dma_start3A_15 : memref<40x128xi32, #tpu.memory_space<hbm>>) target(%arg7 : memref<40x128xi32, #tpu.memory_space<vmem>>) target_semaphore(%arg12 : memref<!tpu.dma_semaphore, #tpu.memory_space<semaphore_mem>>)
    %broadcast_in_dim3A = arith.constant 0.000000e+00 : f32
    %broadcast_in_dim3A_16 = vector.broadcast %broadcast_in_dim3A : f32 to vector<16xf32>
    %scan3A = arith.constant 0 : i32
    %scan3A_17 = arith.constant 0 : i32
    %scan3A_18 = arith.constant 1024 : i32
    %scan3A_19 = arith.addi %scan3A_17, %scan3A_18 : i32
    %scan3A_20 = arith.constant 1 : i32
    %scan3A_21 = scf.for %scan3A_92 = %scan3A_17 to %scan3A_19 step %scan3A_20 iter_args(%scan3A_93 = %scan3A) -> (i32)  : i32 {
      %jit3A = arith.constant 8 : i32
      %div3A = arith.divsi %scan3A_92, %jit3A : i32
      %sign3A = arith.constant 0 : i32
      %sign3A_94 = arith.cmpi sgt, %scan3A_92, %sign3A : i32
      %sign3A_95 = arith.extui %sign3A_94 : i1 to i32
      %sign3A_96 = arith.constant 0 : i32
      %sign3A_97 = arith.cmpi slt, %scan3A_92, %sign3A_96 : i32
      %sign3A_98 = arith.extui %sign3A_97 : i1 to i32
      %sign3A_99 = arith.subi %sign3A_95, %sign3A_98 : i32
      %sign3A_100 = arith.constant 0 : i32
      %sign3A_101 = arith.cmpi sgt, %jit3A, %sign3A_100 : i32
      %sign3A_102 = arith.extui %sign3A_101 : i1 to i32
      %sign3A_103 = arith.constant 0 : i32
      %sign3A_104 = arith.cmpi slt, %jit3A, %sign3A_103 : i32
      %sign3A_105 = arith.extui %sign3A_104 : i1 to i32
      %sign3A_106 = arith.subi %sign3A_102, %sign3A_105 : i32
      %ne3A = arith.cmpi ne, %sign3A_99, %sign3A_106 : i32
      %rem3A = arith.remsi %scan3A_92, %jit3A : i32
      %ne3A_107 = arith.constant 0 : i32
      %ne3A_108 = arith.cmpi ne, %rem3A, %ne3A_107 : i32
      %and3A = arith.andi %ne3A, %ne3A_108 : i1
      %sub3A = arith.constant 1 : i32
      %sub3A_109 = arith.subi %div3A, %sub3A : i32
      %select_n3A = arith.select %and3A, %sub3A_109, %div3A : i32
      %jit3A_110 = arith.constant 8 : i32
      %eq3A = arith.constant 0 : i32
      %eq3A_111 = arith.cmpi eq, %jit3A_110, %eq3A : i32
      %jit3A_112 = arith.constant 1 : i32
      %select_n3A_113 = arith.select %eq3A_111, %jit3A_112, %jit3A_110 : i32
      %rem3A_114 = arith.remsi %scan3A_92, %select_n3A_113 : i32
      %ne3A_115 = arith.constant 0 : i32
      %ne3A_116 = arith.cmpi ne, %rem3A_114, %ne3A_115 : i32
      %lt3A = arith.constant 0 : i32
      %lt3A_117 = arith.cmpi slt, %rem3A_114, %lt3A : i32
      %lt3A_118 = arith.constant 0 : i32
      %lt3A_119 = arith.cmpi slt, %select_n3A_113, %lt3A_118 : i32
      %ne3A_120 = arith.xori %lt3A_117, %lt3A_119 : i1
      %and3A_121 = arith.andi %ne3A_120, %ne3A_116 : i1
      %add3A_122 = arith.addi %rem3A_114, %select_n3A_113 : i32
      %select_n3A_123 = arith.select %and3A_121, %add3A_122, %rem3A_114 : i32
      %mul3A_124 = arith.constant 16 : i32
      %mul3A_125 = arith.muli %select_n3A_123, %mul3A_124 : i32
      %swap3A = arith.index_cast %select_n3A : i32 to index
      %swap3A_126 = arith.index_cast %mul3A_125 : i32 to index
      %swap3A_127 = tpu.vector_load %arg9[%swap3A, %swap3A_126] {strides = array<i32>} : memref<128x128xf32, #tpu.memory_space<vmem>>, vector<1x16xf32>,
      %swap3A_128 = vector.shape_cast %swap3A_127 : vector<1x16xf32> to vector<16xf32>
      %swap3A_129 = vector.shape_cast %broadcast_in_dim3A_16 : vector<16xf32> to vector<1x16xf32>
      tpu.vector_store %arg9[%swap3A, %swap3A_126], %swap3A_129 {strides = array<i32>} : memref<128x128xf32, #tpu.memory_space<vmem>>, vector<1x16xf32>,
      %scan3A_130 = arith.constant 0 : i32
      scf.yield %scan3A_130 : i32
    }
    %scan3A_22 = arith.constant 1024 : i32
    %scan3A_23 = arith.constant 0 : i32
    %scan3A_24 = arith.constant 0 : i32
    %scan3A_25 = arith.constant 5 : i32
    %scan3A_26 = arith.addi %scan3A_24, %scan3A_25 : i32
    %scan3A_27 = arith.constant 1 : i32
    %scan3A_28 = scf.for %scan3A_92 = %scan3A_24 to %scan3A_26 step %scan3A_27 iter_args(%scan3A_93 = %scan3A_23) -> (i32)  : i32 {
      %mul3A_94 = arith.constant 640 : i32
      %mul3A_95 = arith.muli %arg1, %mul3A_94 : i32
      %mul3A_96 = arith.constant 128 : i32
      %mul3A_97 = arith.muli %scan3A_92, %mul3A_96 : i32
      %add3A_98 = arith.addi %mul3A_95, %mul3A_97 : i32
      "tpu.region"() ({
        %run_scoped3A = tpu.sem_alloc : memref<!tpu.dma_semaphore, #tpu.memory_space<semaphore_mem>>
        %dma_start3A_100 = arith.constant 0 : i32
        %dma_start3A_101 = tpu.memref_slice %arg10[%add3A_98, %dma_start3A_100] : memref<10240x128xf32, #tpu.memory_space<vmem_shared>> -> memref<128x128xf32, #tpu.memory_space<vmem_shared>>
        %dma_start3A_102 = arith.constant 0 : i32
        %dma_start3A_103 = tpu.memref_slice %arg10[%add3A_98, %dma_start3A_102] : memref<10240x128xf32, #tpu.memory_space<vmem_shared>> -> memref<128x128xf32, #tpu.memory_space<vmem_shared>>
        tpu.enqueue_dma source(%arg9 : memref<128x128xf32, #tpu.memory_space<vmem>>) target(%dma_start3A_103 : memref<128x128xf32, #tpu.memory_space<vmem_shared>>) target_semaphore(%run_scoped3A : memref<!tpu.dma_semaphore, #tpu.memory_space<semaphore_mem>>)
        %dma_wait3A_104 = arith.constant 0 : i32
        %dma_wait3A_105 = tpu.memref_slice %arg10[%add3A_98, %dma_wait3A_104] : memref<10240x128xf32, #tpu.memory_space<vmem_shared>> -> memref<128x128xf32, #tpu.memory_space<vmem_shared>>
        %dma_wait3A_106 = arith.constant 0 : i32
        %dma_wait3A_107 = tpu.memref_slice %arg10[%add3A_98, %dma_wait3A_106] : memref<10240x128xf32, #tpu.memory_space<vmem_shared>> -> memref<128x128xf32, #tpu.memory_space<vmem_shared>>
        tpu.wait_dma2 semaphore(%run_scoped3A : memref<!tpu.dma_semaphore, #tpu.memory_space<semaphore_mem>>) src(%arg9 : memref<128x128xf32, #tpu.memory_space<vmem>>) dst(%dma_wait3A_107 : memref<128x128xf32, #tpu.memory_space<vmem_shared>>)
        tpu.yield
      }) : () -> ()
      %scan3A_99 = arith.constant 0 : i32
      scf.yield %scan3A_99 : i32
    }
    %scan3A_29 = arith.constant 5 : i32
    %dma_wait3A = arith.constant 0 : i32
    %dma_wait3A_30 = arith.constant 0 : i32
    %dma_wait3A_31 = tpu.memref_slice %arg3[%add3A, %dma_wait3A, %dma_wait3A_30] : memref<32x80x128xi32, #tpu.memory_space<hbm>> -> memref<1x40x128xi32, #tpu.memory_space<hbm>>
    %dma_wait3A_32 = tpu.memref_squeeze %dma_wait3A_31 : memref<1x40x128xi32, #tpu.memory_space<hbm>> -> memref<40x128xi32, #tpu.memory_space<hbm>>
    %dma_wait3A_33 = arith.constant 0 : i32
    %dma_wait3A_34 = arith.constant 0 : i32
    %dma_wait3A_35 = tpu.memref_slice %arg3[%add3A, %dma_wait3A_33, %dma_wait3A_34] : memref<32x80x128xi32, #tpu.memory_space<hbm>> -> memref<1x40x128xi32, #tpu.memory_space<hbm>>
    %dma_wait3A_36 = tpu.memref_squeeze %dma_wait3A_35 : memref<1x40x128xi32, #tpu.memory_space<hbm>> -> memref<40x128xi32, #tpu.memory_space<hbm>>
    tpu.wait_dma2 semaphore(%arg11 : memref<!tpu.dma_semaphore, #tpu.memory_space<semaphore_mem>>) src(%dma_wait3A_36 : memref<40x128xi32, #tpu.memory_space<hbm>>) dst(%arg6 : memref<40x128xi32, #tpu.memory_space<vmem>>)
    %dma_wait3A_37 = arith.constant 0 : i32
    %dma_wait3A_38 = arith.constant 0 : i32
    %dma_wait3A_39 = tpu.memref_slice %arg4[%add3A, %dma_wait3A_37, %dma_wait3A_38] : memref<32x80x128xi32, #tpu.memory_space<hbm>> -> memref<1x40x128xi32, #tpu.memory_space<hbm>>
    %dma_wait3A_40 = tpu.memref_squeeze %dma_wait3A_39 : memref<1x40x128xi32, #tpu.memory_space<hbm>> -> memref<40x128xi32, #tpu.memory_space<hbm>>
    %dma_wait3A_41 = arith.constant 0 : i32
    %dma_wait3A_42 = arith.constant 0 : i32
    %dma_wait3A_43 = tpu.memref_slice %arg4[%add3A, %dma_wait3A_41, %dma_wait3A_42] : memref<32x80x128xi32, #tpu.memory_space<hbm>> -> memref<1x40x128xi32, #tpu.memory_space<hbm>>
    %dma_wait3A_44 = tpu.memref_squeeze %dma_wait3A_43 : memref<1x40x128xi32, #tpu.memory_space<hbm>> -> memref<40x128xi32, #tpu.memory_space<hbm>>
    tpu.wait_dma2 semaphore(%arg12 : memref<!tpu.dma_semaphore, #tpu.memory_space<semaphore_mem>>) src(%dma_wait3A_44 : memref<40x128xi32, #tpu.memory_space<hbm>>) dst(%arg7 : memref<40x128xi32, #tpu.memory_space<vmem>>)
    %dma_start3A_45 = arith.constant 0 : i32
    %dma_start3A_46 = arith.constant 0 : i32
    %dma_start3A_47 = tpu.memref_slice %arg6[%dma_start3A_45, %dma_start3A_46] : memref<40x128xi32, #tpu.memory_space<vmem>> -> memref<1x128xi32, #tpu.memory_space<vmem>>
    %dma_start3A_48 = tpu.memref_squeeze %dma_start3A_47 : memref<1x128xi32, #tpu.memory_space<vmem>> -> memref<128xi32, #tpu.memory_space<vmem>>
    %dma_start3A_49 = arith.constant 0 : i32
    %dma_start3A_50 = arith.constant 0 : i32
    %dma_start3A_51 = tpu.memref_slice %arg2[%dma_start3A_49, %dma_start3A_50] : memref<10240x128xf32, #tpu.memory_space<hbm>> -> memref<10240x128xf32, #tpu.memory_space<hbm>>
    tpu.enqueue_indirect_dma source(%dma_start3A_51 : memref<10240x128xf32, #tpu.memory_space<hbm>>) target(%arg8 : memref<128x128xf32, #tpu.memory_space<vmem>>) offsets(%dma_start3A_48 : memref<128xi32, #tpu.memory_space<vmem>>) semaphore(%arg11 : memref<!tpu.dma_semaphore, #tpu.memory_space<semaphore_mem>>)
    %barrier3A = arith.constant 0 : index
    tpu.barrier barrier_id(%barrier3A)
    %scan3A_52 = arith.constant 0 : i32
    %scan3A_53 = arith.constant 0 : i32
    %scan3A_54 = arith.constant 20 : i32
    %scan3A_55 = arith.addi %scan3A_53, %scan3A_54 : i32
    %scan3A_56 = arith.constant 1 : i32
    %scan3A_57 = scf.for %scan3A_92 = %scan3A_53 to %scan3A_55 step %scan3A_56 iter_args(%scan3A_93 = %scan3A_52) -> (i32)  : i32 {
      %mul3A_94 = arith.constant 2 : i32
      %mul3A_95 = arith.muli %scan3A_92, %mul3A_94 : i32
      %add3A_96 = arith.constant 1 : i32
      %add3A_97 = arith.addi %mul3A_95, %add3A_96 : i32
      %dma_start3A_98 = arith.constant 0 : i32
      %dma_start3A_99 = tpu.memref_slice %arg6[%add3A_97, %dma_start3A_98] : memref<40x128xi32, #tpu.memory_space<vmem>> -> memref<1x128xi32, #tpu.memory_space<vmem>>
      %dma_start3A_100 = tpu.memref_squeeze %dma_start3A_99 : memref<1x128xi32, #tpu.memory_space<vmem>> -> memref<128xi32, #tpu.memory_space<vmem>>
      %dma_start3A_101 = arith.constant 0 : i32
      %dma_start3A_102 = arith.constant 0 : i32
      %dma_start3A_103 = tpu.memref_slice %arg2[%dma_start3A_101, %dma_start3A_102] : memref<10240x128xf32, #tpu.memory_space<hbm>> -> memref<10240x128xf32, #tpu.memory_space<hbm>>
      tpu.enqueue_indirect_dma source(%dma_start3A_103 : memref<10240x128xf32, #tpu.memory_space<hbm>>) target(%arg9 : memref<128x128xf32, #tpu.memory_space<vmem>>) offsets(%dma_start3A_100 : memref<128xi32, #tpu.memory_space<vmem>>) semaphore(%arg12 : memref<!tpu.dma_semaphore, #tpu.memory_space<semaphore_mem>>)
      %dma_wait3A_104 = arith.constant 0 : i32
      %dma_wait3A_105 = tpu.memref_slice %arg6[%mul3A_95, %dma_wait3A_104] : memref<40x128xi32, #tpu.memory_space<vmem>> -> memref<1x128xi32, #tpu.memory_space<vmem>>
      %dma_wait3A_106 = tpu.memref_squeeze %dma_wait3A_105 : memref<1x128xi32, #tpu.memory_space<vmem>> -> memref<128xi32, #tpu.memory_space<vmem>>
      %dma_wait3A_107 = arith.constant 0 : i32
      %dma_wait3A_108 = arith.constant 0 : i32
      %dma_wait3A_109 = tpu.memref_slice %arg2[%dma_wait3A_107, %dma_wait3A_108] : memref<10240x128xf32, #tpu.memory_space<hbm>> -> memref<10240x128xf32, #tpu.memory_space<hbm>>
      tpu.wait_indirect_dma semaphore(%arg11 : memref<!tpu.dma_semaphore, #tpu.memory_space<semaphore_mem>>) src(%dma_wait3A_109 : memref<10240x128xf32, #tpu.memory_space<hbm>>) dst(%arg8 : memref<128x128xf32, #tpu.memory_space<vmem>>)
      "tpu.region"() ({
        %run_scoped3A = tpu.sem_alloc : memref<!tpu.dma_semaphore, #tpu.memory_space<semaphore_mem>>
        %dma_start3A_130 = arith.constant 0 : i32
        %dma_start3A_131 = tpu.memref_slice %arg7[%mul3A_95, %dma_start3A_130] : memref<40x128xi32, #tpu.memory_space<vmem>> -> memref<1x128xi32, #tpu.memory_space<vmem>>
        %dma_start3A_132 = tpu.memref_squeeze %dma_start3A_131 : memref<1x128xi32, #tpu.memory_space<vmem>> -> memref<128xi32, #tpu.memory_space<vmem>>
        %dma_start3A_133 = arith.constant 0 : i32
        %dma_start3A_134 = arith.constant 0 : i32
        %dma_start3A_135 = tpu.memref_slice %arg10[%dma_start3A_133, %dma_start3A_134] : memref<10240x128xf32, #tpu.memory_space<vmem_shared>> -> memref<10240x128xf32, #tpu.memory_space<vmem_shared>>
        tpu.enqueue_indirect_dma source(%arg8 : memref<128x128xf32, #tpu.memory_space<vmem>>) target(%dma_start3A_135 : memref<10240x128xf32, #tpu.memory_space<vmem_shared>>) offsets(%dma_start3A_132 : memref<128xi32, #tpu.memory_space<vmem>>) semaphore(%run_scoped3A : memref<!tpu.dma_semaphore, #tpu.memory_space<semaphore_mem>>) {add = true}
        %dma_wait3A_136 = arith.constant 0 : i32
        %dma_wait3A_137 = tpu.memref_slice %arg7[%mul3A_95, %dma_wait3A_136] : memref<40x128xi32, #tpu.memory_space<vmem>> -> memref<1x128xi32, #tpu.memory_space<vmem>>
        %dma_wait3A_138 = tpu.memref_squeeze %dma_wait3A_137 : memref<1x128xi32, #tpu.memory_space<vmem>> -> memref<128xi32, #tpu.memory_space<vmem>>
        %dma_wait3A_139 = arith.constant 0 : i32
        %dma_wait3A_140 = arith.constant 0 : i32
        %dma_wait3A_141 = tpu.memref_slice %arg10[%dma_wait3A_139, %dma_wait3A_140] : memref<10240x128xf32, #tpu.memory_space<vmem_shared>> -> memref<10240x128xf32, #tpu.memory_space<vmem_shared>>
        tpu.wait_indirect_dma semaphore(%run_scoped3A : memref<!tpu.dma_semaphore, #tpu.memory_space<semaphore_mem>>) src(%arg8 : memref<128x128xf32, #tpu.memory_space<vmem>>) dst(%dma_wait3A_141 : memref<10240x128xf32, #tpu.memory_space<vmem_shared>>)
        tpu.yield
      }) : () -> ()
      %add3A_110 = arith.constant 2 : i32
      %add3A_111 = arith.addi %mul3A_95, %add3A_110 : i32
      %min3A = arith.constant 39 : i32
      %min3A_112 = arith.minsi %add3A_111, %min3A : i32
      %dma_start3A_113 = arith.constant 0 : i32
      %dma_start3A_114 = tpu.memref_slice %arg6[%min3A_112, %dma_start3A_113] : memref<40x128xi32, #tpu.memory_space<vmem>> -> memref<1x128xi32, #tpu.memory_space<vmem>>
      %dma_start3A_115 = tpu.memref_squeeze %dma_start3A_114 : memref<1x128xi32, #tpu.memory_space<vmem>> -> memref<128xi32, #tpu.memory_space<vmem>>
      %dma_start3A_116 = arith.constant 0 : i32
      %dma_start3A_117 = arith.constant 0 : i32
      %dma_start3A_118 = tpu.memref_slice %arg2[%dma_start3A_116, %dma_start3A_117] : memref<10240x128xf32, #tpu.memory_space<hbm>> -> memref<10240x128xf32, #tpu.memory_space<hbm>>
      tpu.enqueue_indirect_dma source(%dma_start3A_118 : memref<10240x128xf32, #tpu.memory_space<hbm>>) target(%arg8 : memref<128x128xf32, #tpu.memory_space<vmem>>) offsets(%dma_start3A_115 : memref<128xi32, #tpu.memory_space<vmem>>) semaphore(%arg11 : memref<!tpu.dma_semaphore, #tpu.memory_space<semaphore_mem>>)
      %add3A_119 = arith.constant 1 : i32
      %add3A_120 = arith.addi %mul3A_95, %add3A_119 : i32
      %dma_wait3A_121 = arith.constant 0 : i32
      %dma_wait3A_122 = tpu.memref_slice %arg6[%add3A_120, %dma_wait3A_121] : memref<40x128xi32, #tpu.memory_space<vmem>> -> memref<1x128xi32, #tpu.memory_space<vmem>>
      %dma_wait3A_123 = tpu.memref_squeeze %dma_wait3A_122 : memref<1x128xi32, #tpu.memory_space<vmem>> -> memref<128xi32, #tpu.memory_space<vmem>>
      %dma_wait3A_124 = arith.constant 0 : i32
      %dma_wait3A_125 = arith.constant 0 : i32
      %dma_wait3A_126 = tpu.memref_slice %arg2[%dma_wait3A_124, %dma_wait3A_125] : memref<10240x128xf32, #tpu.memory_space<hbm>> -> memref<10240x128xf32, #tpu.memory_space<hbm>>
      tpu.wait_indirect_dma semaphore(%arg12 : memref<!tpu.dma_semaphore, #tpu.memory_space<semaphore_mem>>) src(%dma_wait3A_126 : memref<10240x128xf32, #tpu.memory_space<hbm>>) dst(%arg9 : memref<128x128xf32, #tpu.memory_space<vmem>>)
      %add3A_127 = arith.constant 1 : i32
      %add3A_128 = arith.addi %mul3A_95, %add3A_127 : i32
      "tpu.region"() ({
        %run_scoped3A = tpu.sem_alloc : memref<!tpu.dma_semaphore, #tpu.memory_space<semaphore_mem>>
        %dma_start3A_130 = arith.constant 0 : i32
        %dma_start3A_131 = tpu.memref_slice %arg7[%add3A_128, %dma_start3A_130] : memref<40x128xi32, #tpu.memory_space<vmem>> -> memref<1x128xi32, #tpu.memory_space<vmem>>
        %dma_start3A_132 = tpu.memref_squeeze %dma_start3A_131 : memref<1x128xi32, #tpu.memory_space<vmem>> -> memref<128xi32, #tpu.memory_space<vmem>>
        %dma_start3A_133 = arith.constant 0 : i32
        %dma_start3A_134 = arith.constant 0 : i32
        %dma_start3A_135 = tpu.memref_slice %arg10[%dma_start3A_133, %dma_start3A_134] : memref<10240x128xf32, #tpu.memory_space<vmem_shared>> -> memref<10240x128xf32, #tpu.memory_space<vmem_shared>>
        tpu.enqueue_indirect_dma source(%arg9 : memref<128x128xf32, #tpu.memory_space<vmem>>) target(%dma_start3A_135 : memref<10240x128xf32, #tpu.memory_space<vmem_shared>>) offsets(%dma_start3A_132 : memref<128xi32, #tpu.memory_space<vmem>>) semaphore(%run_scoped3A : memref<!tpu.dma_semaphore, #tpu.memory_space<semaphore_mem>>) {add = true}
        %dma_wait3A_136 = arith.constant 0 : i32
        %dma_wait3A_137 = tpu.memref_slice %arg7[%add3A_128, %dma_wait3A_136] : memref<40x128xi32, #tpu.memory_space<vmem>> -> memref<1x128xi32, #tpu.memory_space<vmem>>
        %dma_wait3A_138 = tpu.memref_squeeze %dma_wait3A_137 : memref<1x128xi32, #tpu.memory_space<vmem>> -> memref<128xi32, #tpu.memory_space<vmem>>
        %dma_wait3A_139 = arith.constant 0 : i32
        %dma_wait3A_140 = arith.constant 0 : i32
        %dma_wait3A_141 = tpu.memref_slice %arg10[%dma_wait3A_139, %dma_wait3A_140] : memref<10240x128xf32, #tpu.memory_space<vmem_shared>> -> memref<10240x128xf32, #tpu.memory_space<vmem_shared>>
        tpu.wait_indirect_dma semaphore(%run_scoped3A : memref<!tpu.dma_semaphore, #tpu.memory_space<semaphore_mem>>) src(%arg9 : memref<128x128xf32, #tpu.memory_space<vmem>>) dst(%dma_wait3A_141 : memref<10240x128xf32, #tpu.memory_space<vmem_shared>>)
        tpu.yield
      }) : () -> ()
      %scan3A_129 = arith.constant 0 : i32
      scf.yield %scan3A_129 : i32
    }
    %scan3A_58 = arith.constant 20 : i32
    %dma_wait3A_59 = arith.constant 0 : i32
    %dma_wait3A_60 = arith.constant 0 : i32
    %dma_wait3A_61 = tpu.memref_slice %arg6[%dma_wait3A_59, %dma_wait3A_60] : memref<40x128xi32, #tpu.memory_space<vmem>> -> memref<1x128xi32, #tpu.memory_space<vmem>>
    %dma_wait3A_62 = tpu.memref_squeeze %dma_wait3A_61 : memref<1x128xi32, #tpu.memory_space<vmem>> -> memref<128xi32, #tpu.memory_space<vmem>>
    %dma_wait3A_63 = arith.constant 0 : i32
    %dma_wait3A_64 = arith.constant 0 : i32
    %dma_wait3A_65 = tpu.memref_slice %arg2[%dma_wait3A_63, %dma_wait3A_64] : memref<10240x128xf32, #tpu.memory_space<hbm>> -> memref<10240x128xf32, #tpu.memory_space<hbm>>
    tpu.wait_indirect_dma semaphore(%arg11 : memref<!tpu.dma_semaphore, #tpu.memory_space<semaphore_mem>>) src(%dma_wait3A_65 : memref<10240x128xf32, #tpu.memory_space<hbm>>) dst(%arg8 : memref<128x128xf32, #tpu.memory_space<vmem>>)
    "tpu.region"() ({
      %run_scoped3A = tpu.sem_alloc : memref<!tpu.dma_semaphore, #tpu.memory_space<semaphore_mem>>
      %dma_start3A_92 = arith.constant 40 : i32
      %dma_start3A_93 = arith.constant 0 : i32
      %dma_start3A_94 = tpu.memref_slice %arg3[%add3A, %dma_start3A_92, %dma_start3A_93] : memref<32x80x128xi32, #tpu.memory_space<hbm>> -> memref<1x40x128xi32, #tpu.memory_space<hbm>>
      %dma_start3A_95 = tpu.memref_squeeze %dma_start3A_94 : memref<1x40x128xi32, #tpu.memory_space<hbm>> -> memref<40x128xi32, #tpu.memory_space<hbm>>
      %dma_start3A_96 = arith.constant 40 : i32
      %dma_start3A_97 = arith.constant 0 : i32
      %dma_start3A_98 = tpu.memref_slice %arg3[%add3A, %dma_start3A_96, %dma_start3A_97] : memref<32x80x128xi32, #tpu.memory_space<hbm>> -> memref<1x40x128xi32, #tpu.memory_space<hbm>>
      %dma_start3A_99 = tpu.memref_squeeze %dma_start3A_98 : memref<1x40x128xi32, #tpu.memory_space<hbm>> -> memref<40x128xi32, #tpu.memory_space<hbm>>
      tpu.enqueue_dma source(%dma_start3A_99 : memref<40x128xi32, #tpu.memory_space<hbm>>) target(%arg6 : memref<40x128xi32, #tpu.memory_space<vmem>>) target_semaphore(%run_scoped3A : memref<!tpu.dma_semaphore, #tpu.memory_space<semaphore_mem>>)
      %dma_wait3A_100 = arith.constant 40 : i32
      %dma_wait3A_101 = arith.constant 0 : i32
      %dma_wait3A_102 = tpu.memref_slice %arg3[%add3A, %dma_wait3A_100, %dma_wait3A_101] : memref<32x80x128xi32, #tpu.memory_space<hbm>> -> memref<1x40x128xi32, #tpu.memory_space<hbm>>
      %dma_wait3A_103 = tpu.memref_squeeze %dma_wait3A_102 : memref<1x40x128xi32, #tpu.memory_space<hbm>> -> memref<40x128xi32, #tpu.memory_space<hbm>>
      %dma_wait3A_104 = arith.constant 40 : i32
      %dma_wait3A_105 = arith.constant 0 : i32
      %dma_wait3A_106 = tpu.memref_slice %arg3[%add3A, %dma_wait3A_104, %dma_wait3A_105] : memref<32x80x128xi32, #tpu.memory_space<hbm>> -> memref<1x40x128xi32, #tpu.memory_space<hbm>>
      %dma_wait3A_107 = tpu.memref_squeeze %dma_wait3A_106 : memref<1x40x128xi32, #tpu.memory_space<hbm>> -> memref<40x128xi32, #tpu.memory_space<hbm>>
      tpu.wait_dma2 semaphore(%run_scoped3A : memref<!tpu.dma_semaphore, #tpu.memory_space<semaphore_mem>>) src(%dma_wait3A_107 : memref<40x128xi32, #tpu.memory_space<hbm>>) dst(%arg6 : memref<40x128xi32, #tpu.memory_space<vmem>>)
      tpu.yield
    }) : () -> ()
    "tpu.region"() ({
      %run_scoped3A = tpu.sem_alloc : memref<!tpu.dma_semaphore, #tpu.memory_space<semaphore_mem>>
      %dma_start3A_92 = arith.constant 40 : i32
      %dma_start3A_93 = arith.constant 0 : i32
      %dma_start3A_94 = tpu.memref_slice %arg4[%add3A, %dma_start3A_92, %dma_start3A_93] : memref<32x80x128xi32, #tpu.memory_space<hbm>> -> memref<1x40x128xi32, #tpu.memory_space<hbm>>
      %dma_start3A_95 = tpu.memref_squeeze %dma_start3A_94 : memref<1x40x128xi32, #tpu.memory_space<hbm>> -> memref<40x128xi32, #tpu.memory_space<hbm>>
      %dma_start3A_96 = arith.constant 40 : i32
      %dma_start3A_97 = arith.constant 0 : i32
      %dma_start3A_98 = tpu.memref_slice %arg4[%add3A, %dma_start3A_96, %dma_start3A_97] : memref<32x80x128xi32, #tpu.memory_space<hbm>> -> memref<1x40x128xi32, #tpu.memory_space<hbm>>
      %dma_start3A_99 = tpu.memref_squeeze %dma_start3A_98 : memref<1x40x128xi32, #tpu.memory_space<hbm>> -> memref<40x128xi32, #tpu.memory_space<hbm>>
      tpu.enqueue_dma source(%dma_start3A_99 : memref<40x128xi32, #tpu.memory_space<hbm>>) target(%arg7 : memref<40x128xi32, #tpu.memory_space<vmem>>) target_semaphore(%run_scoped3A : memref<!tpu.dma_semaphore, #tpu.memory_space<semaphore_mem>>)
      %dma_wait3A_100 = arith.constant 40 : i32
      %dma_wait3A_101 = arith.constant 0 : i32
      %dma_wait3A_102 = tpu.memref_slice %arg4[%add3A, %dma_wait3A_100, %dma_wait3A_101] : memref<32x80x128xi32, #tpu.memory_space<hbm>> -> memref<1x40x128xi32, #tpu.memory_space<hbm>>
      %dma_wait3A_103 = tpu.memref_squeeze %dma_wait3A_102 : memref<1x40x128xi32, #tpu.memory_space<hbm>> -> memref<40x128xi32, #tpu.memory_space<hbm>>
      %dma_wait3A_104 = arith.constant 40 : i32
      %dma_wait3A_105 = arith.constant 0 : i32
      %dma_wait3A_106 = tpu.memref_slice %arg4[%add3A, %dma_wait3A_104, %dma_wait3A_105] : memref<32x80x128xi32, #tpu.memory_space<hbm>> -> memref<1x40x128xi32, #tpu.memory_space<hbm>>
      %dma_wait3A_107 = tpu.memref_squeeze %dma_wait3A_106 : memref<1x40x128xi32, #tpu.memory_space<hbm>> -> memref<40x128xi32, #tpu.memory_space<hbm>>
      tpu.wait_dma2 semaphore(%run_scoped3A : memref<!tpu.dma_semaphore, #tpu.memory_space<semaphore_mem>>) src(%dma_wait3A_107 : memref<40x128xi32, #tpu.memory_space<hbm>>) dst(%arg7 : memref<40x128xi32, #tpu.memory_space<vmem>>)
      tpu.yield
    }) : () -> ()
    %dma_start3A_66 = arith.constant 0 : i32
    %dma_start3A_67 = arith.constant 0 : i32
    %dma_start3A_68 = tpu.memref_slice %arg6[%dma_start3A_66, %dma_start3A_67] : memref<40x128xi32, #tpu.memory_space<vmem>> -> memref<1x128xi32, #tpu.memory_space<vmem>>
    %dma_start3A_69 = tpu.memref_squeeze %dma_start3A_68 : memref<1x128xi32, #tpu.memory_space<vmem>> -> memref<128xi32, #tpu.memory_space<vmem>>
    %dma_start3A_70 = arith.constant 0 : i32
    %dma_start3A_71 = arith.constant 0 : i32
    %dma_start3A_72 = tpu.memref_slice %arg2[%dma_start3A_70, %dma_start3A_71] : memref<10240x128xf32, #tpu.memory_space<hbm>> -> memref<10240x128xf32, #tpu.memory_space<hbm>>
    tpu.enqueue_indirect_dma source(%dma_start3A_72 : memref<10240x128xf32, #tpu.memory_space<hbm>>) target(%arg8 : memref<128x128xf32, #tpu.memory_space<vmem>>) offsets(%dma_start3A_69 : memref<128xi32, #tpu.memory_space<vmem>>) semaphore(%arg11 : memref<!tpu.dma_semaphore, #tpu.memory_space<semaphore_mem>>)
    %scan3A_73 = arith.constant 0 : i32
    %scan3A_74 = arith.constant 0 : i32
    %scan3A_75 = arith.constant 20 : i32
    %scan3A_76 = arith.addi %scan3A_74, %scan3A_75 : i32
    %scan3A_77 = arith.constant 1 : i32
    %scan3A_78 = scf.for %scan3A_92 = %scan3A_74 to %scan3A_76 step %scan3A_77 iter_args(%scan3A_93 = %scan3A_73) -> (i32)  : i32 {
      %mul3A_94 = arith.constant 2 : i32
      %mul3A_95 = arith.muli %scan3A_92, %mul3A_94 : i32
      %add3A_96 = arith.constant 1 : i32
      %add3A_97 = arith.addi %mul3A_95, %add3A_96 : i32
      %dma_start3A_98 = arith.constant 0 : i32
      %dma_start3A_99 = tpu.memref_slice %arg6[%add3A_97, %dma_start3A_98] : memref<40x128xi32, #tpu.memory_space<vmem>> -> memref<1x128xi32, #tpu.memory_space<vmem>>
      %dma_start3A_100 = tpu.memref_squeeze %dma_start3A_99 : memref<1x128xi32, #tpu.memory_space<vmem>> -> memref<128xi32, #tpu.memory_space<vmem>>
      %dma_start3A_101 = arith.constant 0 : i32
      %dma_start3A_102 = arith.constant 0 : i32
      %dma_start3A_103 = tpu.memref_slice %arg2[%dma_start3A_101, %dma_start3A_102] : memref<10240x128xf32, #tpu.memory_space<hbm>> -> memref<10240x128xf32, #tpu.memory_space<hbm>>
      tpu.enqueue_indirect_dma source(%dma_start3A_103 : memref<10240x128xf32, #tpu.memory_space<hbm>>) target(%arg9 : memref<128x128xf32, #tpu.memory_space<vmem>>) offsets(%dma_start3A_100 : memref<128xi32, #tpu.memory_space<vmem>>) semaphore(%arg12 : memref<!tpu.dma_semaphore, #tpu.memory_space<semaphore_mem>>)
      %dma_wait3A_104 = arith.constant 0 : i32
      %dma_wait3A_105 = tpu.memref_slice %arg6[%mul3A_95, %dma_wait3A_104] : memref<40x128xi32, #tpu.memory_space<vmem>> -> memref<1x128xi32, #tpu.memory_space<vmem>>
      %dma_wait3A_106 = tpu.memref_squeeze %dma_wait3A_105 : memref<1x128xi32, #tpu.memory_space<vmem>> -> memref<128xi32, #tpu.memory_space<vmem>>
      %dma_wait3A_107 = arith.constant 0 : i32
      %dma_wait3A_108 = arith.constant 0 : i32
      %dma_wait3A_109 = tpu.memref_slice %arg2[%dma_wait3A_107, %dma_wait3A_108] : memref<10240x128xf32, #tpu.memory_space<hbm>> -> memref<10240x128xf32, #tpu.memory_space<hbm>>
      tpu.wait_indirect_dma semaphore(%arg11 : memref<!tpu.dma_semaphore, #tpu.memory_space<semaphore_mem>>) src(%dma_wait3A_109 : memref<10240x128xf32, #tpu.memory_space<hbm>>) dst(%arg8 : memref<128x128xf32, #tpu.memory_space<vmem>>)
      "tpu.region"() ({
        %run_scoped3A = tpu.sem_alloc : memref<!tpu.dma_semaphore, #tpu.memory_space<semaphore_mem>>
        %dma_start3A_130 = arith.constant 0 : i32
        %dma_start3A_131 = tpu.memref_slice %arg7[%mul3A_95, %dma_start3A_130] : memref<40x128xi32, #tpu.memory_space<vmem>> -> memref<1x128xi32, #tpu.memory_space<vmem>>
        %dma_start3A_132 = tpu.memref_squeeze %dma_start3A_131 : memref<1x128xi32, #tpu.memory_space<vmem>> -> memref<128xi32, #tpu.memory_space<vmem>>
        %dma_start3A_133 = arith.constant 0 : i32
        %dma_start3A_134 = arith.constant 0 : i32
        %dma_start3A_135 = tpu.memref_slice %arg10[%dma_start3A_133, %dma_start3A_134] : memref<10240x128xf32, #tpu.memory_space<vmem_shared>> -> memref<10240x128xf32, #tpu.memory_space<vmem_shared>>
        tpu.enqueue_indirect_dma source(%arg8 : memref<128x128xf32, #tpu.memory_space<vmem>>) target(%dma_start3A_135 : memref<10240x128xf32, #tpu.memory_space<vmem_shared>>) offsets(%dma_start3A_132 : memref<128xi32, #tpu.memory_space<vmem>>) semaphore(%run_scoped3A : memref<!tpu.dma_semaphore, #tpu.memory_space<semaphore_mem>>) {add = true}
        %dma_wait3A_136 = arith.constant 0 : i32
        %dma_wait3A_137 = tpu.memref_slice %arg7[%mul3A_95, %dma_wait3A_136] : memref<40x128xi32, #tpu.memory_space<vmem>> -> memref<1x128xi32, #tpu.memory_space<vmem>>
        %dma_wait3A_138 = tpu.memref_squeeze %dma_wait3A_137 : memref<1x128xi32, #tpu.memory_space<vmem>> -> memref<128xi32, #tpu.memory_space<vmem>>
        %dma_wait3A_139 = arith.constant 0 : i32
        %dma_wait3A_140 = arith.constant 0 : i32
        %dma_wait3A_141 = tpu.memref_slice %arg10[%dma_wait3A_139, %dma_wait3A_140] : memref<10240x128xf32, #tpu.memory_space<vmem_shared>> -> memref<10240x128xf32, #tpu.memory_space<vmem_shared>>
        tpu.wait_indirect_dma semaphore(%run_scoped3A : memref<!tpu.dma_semaphore, #tpu.memory_space<semaphore_mem>>) src(%arg8 : memref<128x128xf32, #tpu.memory_space<vmem>>) dst(%dma_wait3A_141 : memref<10240x128xf32, #tpu.memory_space<vmem_shared>>)
        tpu.yield
      }) : () -> ()
      %add3A_110 = arith.constant 2 : i32
      %add3A_111 = arith.addi %mul3A_95, %add3A_110 : i32
      %min3A = arith.constant 39 : i32
      %min3A_112 = arith.minsi %add3A_111, %min3A : i32
      %dma_start3A_113 = arith.constant 0 : i32
      %dma_start3A_114 = tpu.memref_slice %arg6[%min3A_112, %dma_start3A_113] : memref<40x128xi32, #tpu.memory_space<vmem>> -> memref<1x128xi32, #tpu.memory_space<vmem>>
      %dma_start3A_115 = tpu.memref_squeeze %dma_start3A_114 : memref<1x128xi32, #tpu.memory_space<vmem>> -> memref<128xi32, #tpu.memory_space<vmem>>
      %dma_start3A_116 = arith.constant 0 : i32
      %dma_start3A_117 = arith.constant 0 : i32
      %dma_start3A_118 = tpu.memref_slice %arg2[%dma_start3A_116, %dma_start3A_117] : memref<10240x128xf32, #tpu.memory_space<hbm>> -> memref<10240x128xf32, #tpu.memory_space<hbm>>
      tpu.enqueue_indirect_dma source(%dma_start3A_118 : memref<10240x128xf32, #tpu.memory_space<hbm>>) target(%arg8 : memref<128x128xf32, #tpu.memory_space<vmem>>) offsets(%dma_start3A_115 : memref<128xi32, #tpu.memory_space<vmem>>) semaphore(%arg11 : memref<!tpu.dma_semaphore, #tpu.memory_space<semaphore_mem>>)
      %add3A_119 = arith.constant 1 : i32
      %add3A_120 = arith.addi %mul3A_95, %add3A_119 : i32
      %dma_wait3A_121 = arith.constant 0 : i32
      %dma_wait3A_122 = tpu.memref_slice %arg6[%add3A_120, %dma_wait3A_121] : memref<40x128xi32, #tpu.memory_space<vmem>> -> memref<1x128xi32, #tpu.memory_space<vmem>>
      %dma_wait3A_123 = tpu.memref_squeeze %dma_wait3A_122 : memref<1x128xi32, #tpu.memory_space<vmem>> -> memref<128xi32, #tpu.memory_space<vmem>>
      %dma_wait3A_124 = arith.constant 0 : i32
      %dma_wait3A_125 = arith.constant 0 : i32
      %dma_wait3A_126 = tpu.memref_slice %arg2[%dma_wait3A_124, %dma_wait3A_125] : memref<10240x128xf32, #tpu.memory_space<hbm>> -> memref<10240x128xf32, #tpu.memory_space<hbm>>
      tpu.wait_indirect_dma semaphore(%arg12 : memref<!tpu.dma_semaphore, #tpu.memory_space<semaphore_mem>>) src(%dma_wait3A_126 : memref<10240x128xf32, #tpu.memory_space<hbm>>) dst(%arg9 : memref<128x128xf32, #tpu.memory_space<vmem>>)
      %add3A_127 = arith.constant 1 : i32
      %add3A_128 = arith.addi %mul3A_95, %add3A_127 : i32
      "tpu.region"() ({
        %run_scoped3A = tpu.sem_alloc : memref<!tpu.dma_semaphore, #tpu.memory_space<semaphore_mem>>
        %dma_start3A_130 = arith.constant 0 : i32
        %dma_start3A_131 = tpu.memref_slice %arg7[%add3A_128, %dma_start3A_130] : memref<40x128xi32, #tpu.memory_space<vmem>> -> memref<1x128xi32, #tpu.memory_space<vmem>>
        %dma_start3A_132 = tpu.memref_squeeze %dma_start3A_131 : memref<1x128xi32, #tpu.memory_space<vmem>> -> memref<128xi32, #tpu.memory_space<vmem>>
        %dma_start3A_133 = arith.constant 0 : i32
        %dma_start3A_134 = arith.constant 0 : i32
        %dma_start3A_135 = tpu.memref_slice %arg10[%dma_start3A_133, %dma_start3A_134] : memref<10240x128xf32, #tpu.memory_space<vmem_shared>> -> memref<10240x128xf32, #tpu.memory_space<vmem_shared>>
        tpu.enqueue_indirect_dma source(%arg9 : memref<128x128xf32, #tpu.memory_space<vmem>>) target(%dma_start3A_135 : memref<10240x128xf32, #tpu.memory_space<vmem_shared>>) offsets(%dma_start3A_132 : memref<128xi32, #tpu.memory_space<vmem>>) semaphore(%run_scoped3A : memref<!tpu.dma_semaphore, #tpu.memory_space<semaphore_mem>>) {add = true}
        %dma_wait3A_136 = arith.constant 0 : i32
        %dma_wait3A_137 = tpu.memref_slice %arg7[%add3A_128, %dma_wait3A_136] : memref<40x128xi32, #tpu.memory_space<vmem>> -> memref<1x128xi32, #tpu.memory_space<vmem>>
        %dma_wait3A_138 = tpu.memref_squeeze %dma_wait3A_137 : memref<1x128xi32, #tpu.memory_space<vmem>> -> memref<128xi32, #tpu.memory_space<vmem>>
        %dma_wait3A_139 = arith.constant 0 : i32
        %dma_wait3A_140 = arith.constant 0 : i32
        %dma_wait3A_141 = tpu.memref_slice %arg10[%dma_wait3A_139, %dma_wait3A_140] : memref<10240x128xf32, #tpu.memory_space<vmem_shared>> -> memref<10240x128xf32, #tpu.memory_space<vmem_shared>>
        tpu.wait_indirect_dma semaphore(%run_scoped3A : memref<!tpu.dma_semaphore, #tpu.memory_space<semaphore_mem>>) src(%arg9 : memref<128x128xf32, #tpu.memory_space<vmem>>) dst(%dma_wait3A_141 : memref<10240x128xf32, #tpu.memory_space<vmem_shared>>)
        tpu.yield
      }) : () -> ()
      %scan3A_129 = arith.constant 0 : i32
      scf.yield %scan3A_129 : i32
    }
    %scan3A_79 = arith.constant 20 : i32
    %dma_wait3A_80 = arith.constant 0 : i32
    %dma_wait3A_81 = arith.constant 0 : i32
    %dma_wait3A_82 = tpu.memref_slice %arg6[%dma_wait3A_80, %dma_wait3A_81] : memref<40x128xi32, #tpu.memory_space<vmem>> -> memref<1x128xi32, #tpu.memory_space<vmem>>
    %dma_wait3A_83 = tpu.memref_squeeze %dma_wait3A_82 : memref<1x128xi32, #tpu.memory_space<vmem>> -> memref<128xi32, #tpu.memory_space<vmem>>
    %dma_wait3A_84 = arith.constant 0 : i32
    %dma_wait3A_85 = arith.constant 0 : i32
    %dma_wait3A_86 = tpu.memref_slice %arg2[%dma_wait3A_84, %dma_wait3A_85] : memref<10240x128xf32, #tpu.memory_space<hbm>> -> memref<10240x128xf32, #tpu.memory_space<hbm>>
    tpu.wait_indirect_dma semaphore(%arg11 : memref<!tpu.dma_semaphore, #tpu.memory_space<semaphore_mem>>) src(%dma_wait3A_86 : memref<10240x128xf32, #tpu.memory_space<hbm>>) dst(%arg8 : memref<128x128xf32, #tpu.memory_space<vmem>>)
    %barrier3A_87 = arith.constant 0 : index
    tpu.barrier barrier_id(%barrier3A_87)
    %mul3A_88 = arith.constant 640 : i32
    %mul3A_89 = arith.muli %arg1, %mul3A_88 : i32
    %mul3A_90 = arith.constant 640 : i32
    %mul3A_91 = arith.muli %arg1, %mul3A_90 : i32
    "tpu.region"() ({
      %run_scoped3A = tpu.sem_alloc : memref<!tpu.dma_semaphore, #tpu.memory_space<semaphore_mem>>
      %dma_start3A_92 = arith.constant 0 : i32
      %dma_start3A_93 = tpu.memref_slice %arg5[%arg0, %mul3A_91, %dma_start3A_92] : memref<2x10240x128xf32, #tpu.memory_space<hbm>> -> memref<1x640x128xf32, #tpu.memory_space<hbm>>
      %dma_start3A_94 = tpu.memref_squeeze %dma_start3A_93 : memref<1x640x128xf32, #tpu.memory_space<hbm>> -> memref<640x128xf32, #tpu.memory_space<hbm>>
      %dma_start3A_95 = arith.constant 0 : i32
      %dma_start3A_96 = tpu.memref_slice %arg10[%mul3A_89, %dma_start3A_95] : memref<10240x128xf32, #tpu.memory_space<vmem_shared>> -> memref<640x128xf32, #tpu.memory_space<vmem_shared>>
      tpu.enqueue_dma source(%dma_start3A_96 : memref<640x128xf32, #tpu.memory_space<vmem_shared>>) target(%dma_start3A_94 : memref<640x128xf32, #tpu.memory_space<hbm>>) target_semaphore(%run_scoped3A : memref<!tpu.dma_semaphore, #tpu.memory_space<semaphore_mem>>)
      %dma_wait3A_97 = arith.constant 0 : i32
      %dma_wait3A_98 = tpu.memref_slice %arg5[%arg0, %mul3A_91, %dma_wait3A_97] : memref<2x10240x128xf32, #tpu.memory_space<hbm>> -> memref<1x640x128xf32, #tpu.memory_space<hbm>>
      %dma_wait3A_99 = tpu.memref_squeeze %dma_wait3A_98 : memref<1x640x128xf32, #tpu.memory_space<hbm>> -> memref<640x128xf32, #tpu.memory_space<hbm>>
      %dma_wait3A_100 = arith.constant 0 : i32
      %dma_wait3A_101 = tpu.memref_slice %arg10[%mul3A_89, %dma_wait3A_100] : memref<10240x128xf32, #tpu.memory_space<vmem_shared>> -> memref<640x128xf32, #tpu.memory_space<vmem_shared>>
      tpu.wait_dma2 semaphore(%run_scoped3A : memref<!tpu.dma_semaphore, #tpu.memory_space<semaphore_mem>>) src(%dma_wait3A_101 : memref<640x128xf32, #tpu.memory_space<vmem_shared>>) dst(%dma_wait3A_99 : memref<640x128xf32, #tpu.memory_space<hbm>>)
      tpu.yield
    }) : () -> ()
    return
  }
}

#map = affine_map<(d0, d1) -> (0, 0)>
#map1 = affine_map<(d0, d1) -> (0, 0, 0)>
module attributes {stable_mosaic.version = 14 : i64} {
  func.func @_sc_propagate(%arg0: i32, %arg1: i32, %arg2: memref<10240x128xf32, #tpu.memory_space<hbm>>, %arg3: memref<32x80x128xi32, #tpu.memory_space<hbm>>, %arg4: memref<32x80x128xi32, #tpu.memory_space<hbm>>, %arg5: memref<2x10240x128xf32, #tpu.memory_space<hbm>>, %arg6: memref<40x128xi32, #tpu.memory_space<vmem>>, %arg7: memref<40x128xi32, #tpu.memory_space<vmem>>, %arg8: memref<128x128xf32, #tpu.memory_space<vmem>>, %arg9: memref<128x128xf32, #tpu.memory_space<vmem>>, %arg10: memref<10240x128xf32, #tpu.memory_space<vmem_shared>>, %arg11: memref<!tpu.dma_semaphore, #tpu.memory_space<semaphore_mem>>, %arg12: memref<!tpu.dma_semaphore, #tpu.memory_space<semaphore_mem>>) attributes {dimension_semantics = [#tpu.dimension_semantics<core_parallel>, #tpu.dimension_semantics<subcore_parallel>], iteration_bounds = array<i64: 2, 16>, scalar_prefetch = 0 : i64, scratch_operands = 7 : i64, tpu.core_type = #tpu.core_type<sc_vector_subcore>, window_params = [{transform_indices = #map}, {transform_indices = #map1}, {transform_indices = #map1}, {transform_indices = #map1}]} {
    %mul3A = arith.constant 16 : i32
    %mul3A_0 = arith.muli %arg0, %mul3A : i32
    %add3A = arith.addi %mul3A_0, %arg1 : i32
    %dma_start3A = arith.constant 0 : i32
    %dma_start3A_1 = arith.constant 0 : i32
    %dma_start3A_2 = tpu.memref_slice %arg3[%add3A, %dma_start3A, %dma_start3A_1] : memref<32x80x128xi32, #tpu.memory_space<hbm>> -> memref<1x40x128xi32, #tpu.memory_space<hbm>>
    %dma_start3A_3 = tpu.memref_squeeze %dma_start3A_2 : memref<1x40x128xi32, #tpu.memory_space<hbm>> -> memref<40x128xi32, #tpu.memory_space<hbm>>
    %dma_start3A_4 = arith.constant 0 : i32
    %dma_start3A_5 = arith.constant 0 : i32
    %dma_start3A_6 = tpu.memref_slice %arg3[%add3A, %dma_start3A_4, %dma_start3A_5] : memref<32x80x128xi32, #tpu.memory_space<hbm>> -> memref<1x40x128xi32, #tpu.memory_space<hbm>>
    %dma_start3A_7 = tpu.memref_squeeze %dma_start3A_6 : memref<1x40x128xi32, #tpu.memory_space<hbm>> -> memref<40x128xi32, #tpu.memory_space<hbm>>
    tpu.enqueue_dma source(%dma_start3A_7 : memref<40x128xi32, #tpu.memory_space<hbm>>) target(%arg6 : memref<40x128xi32, #tpu.memory_space<vmem>>) target_semaphore(%arg11 : memref<!tpu.dma_semaphore, #tpu.memory_space<semaphore_mem>>)
    %dma_start3A_8 = arith.constant 0 : i32
    %dma_start3A_9 = arith.constant 0 : i32
    %dma_start3A_10 = tpu.memref_slice %arg4[%add3A, %dma_start3A_8, %dma_start3A_9] : memref<32x80x128xi32, #tpu.memory_space<hbm>> -> memref<1x40x128xi32, #tpu.memory_space<hbm>>
    %dma_start3A_11 = tpu.memref_squeeze %dma_start3A_10 : memref<1x40x128xi32, #tpu.memory_space<hbm>> -> memref<40x128xi32, #tpu.memory_space<hbm>>
    %dma_start3A_12 = arith.constant 0 : i32
    %dma_start3A_13 = arith.constant 0 : i32
    %dma_start3A_14 = tpu.memref_slice %arg4[%add3A, %dma_start3A_12, %dma_start3A_13] : memref<32x80x128xi32, #tpu.memory_space<hbm>> -> memref<1x40x128xi32, #tpu.memory_space<hbm>>
    %dma_start3A_15 = tpu.memref_squeeze %dma_start3A_14 : memref<1x40x128xi32, #tpu.memory_space<hbm>> -> memref<40x128xi32, #tpu.memory_space<hbm>>
    tpu.enqueue_dma source(%dma_start3A_15 : memref<40x128xi32, #tpu.memory_space<hbm>>) target(%arg7 : memref<40x128xi32, #tpu.memory_space<vmem>>) target_semaphore(%arg12 : memref<!tpu.dma_semaphore, #tpu.memory_space<semaphore_mem>>)
    %broadcast_in_dim3A = arith.constant 0.000000e+00 : f32
    %broadcast_in_dim3A_16 = vector.broadcast %broadcast_in_dim3A : f32 to vector<16xf32>
    %scan3A = arith.constant 0 : i32
    %scan3A_17 = arith.constant 0 : i32
    %scan3A_18 = arith.constant 1024 : i32
    %scan3A_19 = arith.addi %scan3A_17, %scan3A_18 : i32
    %scan3A_20 = arith.constant 1 : i32
    %scan3A_21 = scf.for %scan3A_92 = %scan3A_17 to %scan3A_19 step %scan3A_20 iter_args(%scan3A_93 = %scan3A) -> (i32)  : i32 {
      %jit3A = arith.constant 8 : i32
      %div3A = arith.divsi %scan3A_92, %jit3A : i32
      %sign3A = arith.constant 0 : i32
      %sign3A_94 = arith.cmpi sgt, %scan3A_92, %sign3A : i32
      %sign3A_95 = arith.extui %sign3A_94 : i1 to i32
      %sign3A_96 = arith.constant 0 : i32
      %sign3A_97 = arith.cmpi slt, %scan3A_92, %sign3A_96 : i32
      %sign3A_98 = arith.extui %sign3A_97 : i1 to i32
      %sign3A_99 = arith.subi %sign3A_95, %sign3A_98 : i32
      %sign3A_100 = arith.constant 0 : i32
      %sign3A_101 = arith.cmpi sgt, %jit3A, %sign3A_100 : i32
      %sign3A_102 = arith.extui %sign3A_101 : i1 to i32
      %sign3A_103 = arith.constant 0 : i32
      %sign3A_104 = arith.cmpi slt, %jit3A, %sign3A_103 : i32
      %sign3A_105 = arith.extui %sign3A_104 : i1 to i32
      %sign3A_106 = arith.subi %sign3A_102, %sign3A_105 : i32
      %ne3A = arith.cmpi ne, %sign3A_99, %sign3A_106 : i32
      %rem3A = arith.remsi %scan3A_92, %jit3A : i32
      %ne3A_107 = arith.constant 0 : i32
      %ne3A_108 = arith.cmpi ne, %rem3A, %ne3A_107 : i32
      %and3A = arith.andi %ne3A, %ne3A_108 : i1
      %sub3A = arith.constant 1 : i32
      %sub3A_109 = arith.subi %div3A, %sub3A : i32
      %select_n3A = arith.select %and3A, %sub3A_109, %div3A : i32
      %jit3A_110 = arith.constant 8 : i32
      %eq3A = arith.constant 0 : i32
      %eq3A_111 = arith.cmpi eq, %jit3A_110, %eq3A : i32
      %jit3A_112 = arith.constant 1 : i32
      %select_n3A_113 = arith.select %eq3A_111, %jit3A_112, %jit3A_110 : i32
      %rem3A_114 = arith.remsi %scan3A_92, %select_n3A_113 : i32
      %ne3A_115 = arith.constant 0 : i32
      %ne3A_116 = arith.cmpi ne, %rem3A_114, %ne3A_115 : i32
      %lt3A = arith.constant 0 : i32
      %lt3A_117 = arith.cmpi slt, %rem3A_114, %lt3A : i32
      %lt3A_118 = arith.constant 0 : i32
      %lt3A_119 = arith.cmpi slt, %select_n3A_113, %lt3A_118 : i32
      %ne3A_120 = arith.xori %lt3A_117, %lt3A_119 : i1
      %and3A_121 = arith.andi %ne3A_120, %ne3A_116 : i1
      %add3A_122 = arith.addi %rem3A_114, %select_n3A_113 : i32
      %select_n3A_123 = arith.select %and3A_121, %add3A_122, %rem3A_114 : i32
      %mul3A_124 = arith.constant 16 : i32
      %mul3A_125 = arith.muli %select_n3A_123, %mul3A_124 : i32
      %swap3A = arith.index_cast %select_n3A : i32 to index
      %swap3A_126 = arith.index_cast %mul3A_125 : i32 to index
      %swap3A_127 = tpu.vector_load %arg9[%swap3A, %swap3A_126] {strides = array<i32>} : memref<128x128xf32, #tpu.memory_space<vmem>>, vector<1x16xf32>,
      %swap3A_128 = vector.shape_cast %swap3A_127 : vector<1x16xf32> to vector<16xf32>
      %swap3A_129 = vector.shape_cast %broadcast_in_dim3A_16 : vector<16xf32> to vector<1x16xf32>
      tpu.vector_store %arg9[%swap3A, %swap3A_126], %swap3A_129 {strides = array<i32>} : memref<128x128xf32, #tpu.memory_space<vmem>>, vector<1x16xf32>,
      %scan3A_130 = arith.constant 0 : i32
      scf.yield %scan3A_130 : i32
    }
    %scan3A_22 = arith.constant 1024 : i32
    %scan3A_23 = arith.constant 0 : i32
    %scan3A_24 = arith.constant 0 : i32
    %scan3A_25 = arith.constant 5 : i32
    %scan3A_26 = arith.addi %scan3A_24, %scan3A_25 : i32
    %scan3A_27 = arith.constant 1 : i32
    %scan3A_28 = scf.for %scan3A_92 = %scan3A_24 to %scan3A_26 step %scan3A_27 iter_args(%scan3A_93 = %scan3A_23) -> (i32)  : i32 {
      %mul3A_94 = arith.constant 640 : i32
      %mul3A_95 = arith.muli %arg1, %mul3A_94 : i32
      %mul3A_96 = arith.constant 128 : i32
      %mul3A_97 = arith.muli %scan3A_92, %mul3A_96 : i32
      %add3A_98 = arith.addi %mul3A_95, %mul3A_97 : i32
      "tpu.region"() ({
        %run_scoped3A = tpu.sem_alloc : memref<!tpu.dma_semaphore, #tpu.memory_space<semaphore_mem>>
        %dma_start3A_100 = arith.constant 0 : i32
        %dma_start3A_101 = tpu.memref_slice %arg10[%add3A_98, %dma_start3A_100] : memref<10240x128xf32, #tpu.memory_space<vmem_shared>> -> memref<128x128xf32, #tpu.memory_space<vmem_shared>>
        %dma_start3A_102 = arith.constant 0 : i32
        %dma_start3A_103 = tpu.memref_slice %arg10[%add3A_98, %dma_start3A_102] : memref<10240x128xf32, #tpu.memory_space<vmem_shared>> -> memref<128x128xf32, #tpu.memory_space<vmem_shared>>
        tpu.enqueue_dma source(%arg9 : memref<128x128xf32, #tpu.memory_space<vmem>>) target(%dma_start3A_103 : memref<128x128xf32, #tpu.memory_space<vmem_shared>>) target_semaphore(%run_scoped3A : memref<!tpu.dma_semaphore, #tpu.memory_space<semaphore_mem>>)
        %dma_wait3A_104 = arith.constant 0 : i32
        %dma_wait3A_105 = tpu.memref_slice %arg10[%add3A_98, %dma_wait3A_104] : memref<10240x128xf32, #tpu.memory_space<vmem_shared>> -> memref<128x128xf32, #tpu.memory_space<vmem_shared>>
        %dma_wait3A_106 = arith.constant 0 : i32
        %dma_wait3A_107 = tpu.memref_slice %arg10[%add3A_98, %dma_wait3A_106] : memref<10240x128xf32, #tpu.memory_space<vmem_shared>> -> memref<128x128xf32, #tpu.memory_space<vmem_shared>>
        tpu.wait_dma2 semaphore(%run_scoped3A : memref<!tpu.dma_semaphore, #tpu.memory_space<semaphore_mem>>) src(%arg9 : memref<128x128xf32, #tpu.memory_space<vmem>>) dst(%dma_wait3A_107 : memref<128x128xf32, #tpu.memory_space<vmem_shared>>)
        tpu.yield
      }) : () -> ()
      %scan3A_99 = arith.constant 0 : i32
      scf.yield %scan3A_99 : i32
    }
    %scan3A_29 = arith.constant 5 : i32
    %dma_wait3A = arith.constant 0 : i32
    %dma_wait3A_30 = arith.constant 0 : i32
    %dma_wait3A_31 = tpu.memref_slice %arg3[%add3A, %dma_wait3A, %dma_wait3A_30] : memref<32x80x128xi32, #tpu.memory_space<hbm>> -> memref<1x40x128xi32, #tpu.memory_space<hbm>>
    %dma_wait3A_32 = tpu.memref_squeeze %dma_wait3A_31 : memref<1x40x128xi32, #tpu.memory_space<hbm>> -> memref<40x128xi32, #tpu.memory_space<hbm>>
    %dma_wait3A_33 = arith.constant 0 : i32
    %dma_wait3A_34 = arith.constant 0 : i32
    %dma_wait3A_35 = tpu.memref_slice %arg3[%add3A, %dma_wait3A_33, %dma_wait3A_34] : memref<32x80x128xi32, #tpu.memory_space<hbm>> -> memref<1x40x128xi32, #tpu.memory_space<hbm>>
    %dma_wait3A_36 = tpu.memref_squeeze %dma_wait3A_35 : memref<1x40x128xi32, #tpu.memory_space<hbm>> -> memref<40x128xi32, #tpu.memory_space<hbm>>
    tpu.wait_dma2 semaphore(%arg11 : memref<!tpu.dma_semaphore, #tpu.memory_space<semaphore_mem>>) src(%dma_wait3A_36 : memref<40x128xi32, #tpu.memory_space<hbm>>) dst(%arg6 : memref<40x128xi32, #tpu.memory_space<vmem>>)
    %dma_wait3A_37 = arith.constant 0 : i32
    %dma_wait3A_38 = arith.constant 0 : i32
    %dma_wait3A_39 = tpu.memref_slice %arg4[%add3A, %dma_wait3A_37, %dma_wait3A_38] : memref<32x80x128xi32, #tpu.memory_space<hbm>> -> memref<1x40x128xi32, #tpu.memory_space<hbm>>
    %dma_wait3A_40 = tpu.memref_squeeze %dma_wait3A_39 : memref<1x40x128xi32, #tpu.memory_space<hbm>> -> memref<40x128xi32, #tpu.memory_space<hbm>>
    %dma_wait3A_41 = arith.constant 0 : i32
    %dma_wait3A_42 = arith.constant 0 : i32
    %dma_wait3A_43 = tpu.memref_slice %arg4[%add3A, %dma_wait3A_41, %dma_wait3A_42] : memref<32x80x128xi32, #tpu.memory_space<hbm>> -> memref<1x40x128xi32, #tpu.memory_space<hbm>>
    %dma_wait3A_44 = tpu.memref_squeeze %dma_wait3A_43 : memref<1x40x128xi32, #tpu.memory_space<hbm>> -> memref<40x128xi32, #tpu.memory_space<hbm>>
    tpu.wait_dma2 semaphore(%arg12 : memref<!tpu.dma_semaphore, #tpu.memory_space<semaphore_mem>>) src(%dma_wait3A_44 : memref<40x128xi32, #tpu.memory_space<hbm>>) dst(%arg7 : memref<40x128xi32, #tpu.memory_space<vmem>>)
    %dma_start3A_45 = arith.constant 0 : i32
    %dma_start3A_46 = arith.constant 0 : i32
    %dma_start3A_47 = tpu.memref_slice %arg6[%dma_start3A_45, %dma_start3A_46] : memref<40x128xi32, #tpu.memory_space<vmem>> -> memref<1x128xi32, #tpu.memory_space<vmem>>
    %dma_start3A_48 = tpu.memref_squeeze %dma_start3A_47 : memref<1x128xi32, #tpu.memory_space<vmem>> -> memref<128xi32, #tpu.memory_space<vmem>>
    %dma_start3A_49 = arith.constant 0 : i32
    %dma_start3A_50 = arith.constant 0 : i32
    %dma_start3A_51 = tpu.memref_slice %arg2[%dma_start3A_49, %dma_start3A_50] : memref<10240x128xf32, #tpu.memory_space<hbm>> -> memref<10240x128xf32, #tpu.memory_space<hbm>>
    tpu.enqueue_indirect_dma source(%dma_start3A_51 : memref<10240x128xf32, #tpu.memory_space<hbm>>) target(%arg8 : memref<128x128xf32, #tpu.memory_space<vmem>>) offsets(%dma_start3A_48 : memref<128xi32, #tpu.memory_space<vmem>>) semaphore(%arg11 : memref<!tpu.dma_semaphore, #tpu.memory_space<semaphore_mem>>)
    %barrier3A = arith.constant 0 : index
    tpu.barrier barrier_id(%barrier3A)
    %scan3A_52 = arith.constant 0 : i32
    %scan3A_53 = arith.constant 0 : i32
    %scan3A_54 = arith.constant 20 : i32
    %scan3A_55 = arith.addi %scan3A_53, %scan3A_54 : i32
    %scan3A_56 = arith.constant 1 : i32
    %scan3A_57 = scf.for %scan3A_92 = %scan3A_53 to %scan3A_55 step %scan3A_56 iter_args(%scan3A_93 = %scan3A_52) -> (i32)  : i32 {
      %mul3A_94 = arith.constant 2 : i32
      %mul3A_95 = arith.muli %scan3A_92, %mul3A_94 : i32
      %add3A_96 = arith.constant 1 : i32
      %add3A_97 = arith.addi %mul3A_95, %add3A_96 : i32
      %dma_start3A_98 = arith.constant 0 : i32
      %dma_start3A_99 = tpu.memref_slice %arg6[%add3A_97, %dma_start3A_98] : memref<40x128xi32, #tpu.memory_space<vmem>> -> memref<1x128xi32, #tpu.memory_space<vmem>>
      %dma_start3A_100 = tpu.memref_squeeze %dma_start3A_99 : memref<1x128xi32, #tpu.memory_space<vmem>> -> memref<128xi32, #tpu.memory_space<vmem>>
      %dma_start3A_101 = arith.constant 0 : i32
      %dma_start3A_102 = arith.constant 0 : i32
      %dma_start3A_103 = tpu.memref_slice %arg2[%dma_start3A_101, %dma_start3A_102] : memref<10240x128xf32, #tpu.memory_space<hbm>> -> memref<10240x128xf32, #tpu.memory_space<hbm>>
      tpu.enqueue_indirect_dma source(%dma_start3A_103 : memref<10240x128xf32, #tpu.memory_space<hbm>>) target(%arg9 : memref<128x128xf32, #tpu.memory_space<vmem>>) offsets(%dma_start3A_100 : memref<128xi32, #tpu.memory_space<vmem>>) semaphore(%arg12 : memref<!tpu.dma_semaphore, #tpu.memory_space<semaphore_mem>>)
      %dma_wait3A_104 = arith.constant 0 : i32
      %dma_wait3A_105 = tpu.memref_slice %arg6[%mul3A_95, %dma_wait3A_104] : memref<40x128xi32, #tpu.memory_space<vmem>> -> memref<1x128xi32, #tpu.memory_space<vmem>>
      %dma_wait3A_106 = tpu.memref_squeeze %dma_wait3A_105 : memref<1x128xi32, #tpu.memory_space<vmem>> -> memref<128xi32, #tpu.memory_space<vmem>>
      %dma_wait3A_107 = arith.constant 0 : i32
      %dma_wait3A_108 = arith.constant 0 : i32
      %dma_wait3A_109 = tpu.memref_slice %arg2[%dma_wait3A_107, %dma_wait3A_108] : memref<10240x128xf32, #tpu.memory_space<hbm>> -> memref<10240x128xf32, #tpu.memory_space<hbm>>
      tpu.wait_indirect_dma semaphore(%arg11 : memref<!tpu.dma_semaphore, #tpu.memory_space<semaphore_mem>>) src(%dma_wait3A_109 : memref<10240x128xf32, #tpu.memory_space<hbm>>) dst(%arg8 : memref<128x128xf32, #tpu.memory_space<vmem>>)
      "tpu.region"() ({
        %run_scoped3A = tpu.sem_alloc : memref<!tpu.dma_semaphore, #tpu.memory_space<semaphore_mem>>
        %dma_start3A_130 = arith.constant 0 : i32
        %dma_start3A_131 = tpu.memref_slice %arg7[%mul3A_95, %dma_start3A_130] : memref<40x128xi32, #tpu.memory_space<vmem>> -> memref<1x128xi32, #tpu.memory_space<vmem>>
        %dma_start3A_132 = tpu.memref_squeeze %dma_start3A_131 : memref<1x128xi32, #tpu.memory_space<vmem>> -> memref<128xi32, #tpu.memory_space<vmem>>
        %dma_start3A_133 = arith.constant 0 : i32
        %dma_start3A_134 = arith.constant 0 : i32
        %dma_start3A_135 = tpu.memref_slice %arg10[%dma_start3A_133, %dma_start3A_134] : memref<10240x128xf32, #tpu.memory_space<vmem_shared>> -> memref<10240x128xf32, #tpu.memory_space<vmem_shared>>
        tpu.enqueue_indirect_dma source(%arg8 : memref<128x128xf32, #tpu.memory_space<vmem>>) target(%dma_start3A_135 : memref<10240x128xf32, #tpu.memory_space<vmem_shared>>) offsets(%dma_start3A_132 : memref<128xi32, #tpu.memory_space<vmem>>) semaphore(%run_scoped3A : memref<!tpu.dma_semaphore, #tpu.memory_space<semaphore_mem>>) {add = true}
        %dma_wait3A_136 = arith.constant 0 : i32
        %dma_wait3A_137 = tpu.memref_slice %arg7[%mul3A_95, %dma_wait3A_136] : memref<40x128xi32, #tpu.memory_space<vmem>> -> memref<1x128xi32, #tpu.memory_space<vmem>>
        %dma_wait3A_138 = tpu.memref_squeeze %dma_wait3A_137 : memref<1x128xi32, #tpu.memory_space<vmem>> -> memref<128xi32, #tpu.memory_space<vmem>>
        %dma_wait3A_139 = arith.constant 0 : i32
        %dma_wait3A_140 = arith.constant 0 : i32
        %dma_wait3A_141 = tpu.memref_slice %arg10[%dma_wait3A_139, %dma_wait3A_140] : memref<10240x128xf32, #tpu.memory_space<vmem_shared>> -> memref<10240x128xf32, #tpu.memory_space<vmem_shared>>
        tpu.wait_indirect_dma semaphore(%run_scoped3A : memref<!tpu.dma_semaphore, #tpu.memory_space<semaphore_mem>>) src(%arg8 : memref<128x128xf32, #tpu.memory_space<vmem>>) dst(%dma_wait3A_141 : memref<10240x128xf32, #tpu.memory_space<vmem_shared>>)
        tpu.yield
      }) : () -> ()
      %add3A_110 = arith.constant 2 : i32
      %add3A_111 = arith.addi %mul3A_95, %add3A_110 : i32
      %min3A = arith.constant 39 : i32
      %min3A_112 = arith.minsi %add3A_111, %min3A : i32
      %dma_start3A_113 = arith.constant 0 : i32
      %dma_start3A_114 = tpu.memref_slice %arg6[%min3A_112, %dma_start3A_113] : memref<40x128xi32, #tpu.memory_space<vmem>> -> memref<1x128xi32, #tpu.memory_space<vmem>>
      %dma_start3A_115 = tpu.memref_squeeze %dma_start3A_114 : memref<1x128xi32, #tpu.memory_space<vmem>> -> memref<128xi32, #tpu.memory_space<vmem>>
      %dma_start3A_116 = arith.constant 0 : i32
      %dma_start3A_117 = arith.constant 0 : i32
      %dma_start3A_118 = tpu.memref_slice %arg2[%dma_start3A_116, %dma_start3A_117] : memref<10240x128xf32, #tpu.memory_space<hbm>> -> memref<10240x128xf32, #tpu.memory_space<hbm>>
      tpu.enqueue_indirect_dma source(%dma_start3A_118 : memref<10240x128xf32, #tpu.memory_space<hbm>>) target(%arg8 : memref<128x128xf32, #tpu.memory_space<vmem>>) offsets(%dma_start3A_115 : memref<128xi32, #tpu.memory_space<vmem>>) semaphore(%arg11 : memref<!tpu.dma_semaphore, #tpu.memory_space<semaphore_mem>>)
      %add3A_119 = arith.constant 1 : i32
      %add3A_120 = arith.addi %mul3A_95, %add3A_119 : i32
      %dma_wait3A_121 = arith.constant 0 : i32
      %dma_wait3A_122 = tpu.memref_slice %arg6[%add3A_120, %dma_wait3A_121] : memref<40x128xi32, #tpu.memory_space<vmem>> -> memref<1x128xi32, #tpu.memory_space<vmem>>
      %dma_wait3A_123 = tpu.memref_squeeze %dma_wait3A_122 : memref<1x128xi32, #tpu.memory_space<vmem>> -> memref<128xi32, #tpu.memory_space<vmem>>
      %dma_wait3A_124 = arith.constant 0 : i32
      %dma_wait3A_125 = arith.constant 0 : i32
      %dma_wait3A_126 = tpu.memref_slice %arg2[%dma_wait3A_124, %dma_wait3A_125] : memref<10240x128xf32, #tpu.memory_space<hbm>> -> memref<10240x128xf32, #tpu.memory_space<hbm>>
      tpu.wait_indirect_dma semaphore(%arg12 : memref<!tpu.dma_semaphore, #tpu.memory_space<semaphore_mem>>) src(%dma_wait3A_126 : memref<10240x128xf32, #tpu.memory_space<hbm>>) dst(%arg9 : memref<128x128xf32, #tpu.memory_space<vmem>>)
      %add3A_127 = arith.constant 1 : i32
      %add3A_128 = arith.addi %mul3A_95, %add3A_127 : i32
      "tpu.region"() ({
        %run_scoped3A = tpu.sem_alloc : memref<!tpu.dma_semaphore, #tpu.memory_space<semaphore_mem>>
        %dma_start3A_130 = arith.constant 0 : i32
        %dma_start3A_131 = tpu.memref_slice %arg7[%add3A_128, %dma_start3A_130] : memref<40x128xi32, #tpu.memory_space<vmem>> -> memref<1x128xi32, #tpu.memory_space<vmem>>
        %dma_start3A_132 = tpu.memref_squeeze %dma_start3A_131 : memref<1x128xi32, #tpu.memory_space<vmem>> -> memref<128xi32, #tpu.memory_space<vmem>>
        %dma_start3A_133 = arith.constant 0 : i32
        %dma_start3A_134 = arith.constant 0 : i32
        %dma_start3A_135 = tpu.memref_slice %arg10[%dma_start3A_133, %dma_start3A_134] : memref<10240x128xf32, #tpu.memory_space<vmem_shared>> -> memref<10240x128xf32, #tpu.memory_space<vmem_shared>>
        tpu.enqueue_indirect_dma source(%arg9 : memref<128x128xf32, #tpu.memory_space<vmem>>) target(%dma_start3A_135 : memref<10240x128xf32, #tpu.memory_space<vmem_shared>>) offsets(%dma_start3A_132 : memref<128xi32, #tpu.memory_space<vmem>>) semaphore(%run_scoped3A : memref<!tpu.dma_semaphore, #tpu.memory_space<semaphore_mem>>) {add = true}
        %dma_wait3A_136 = arith.constant 0 : i32
        %dma_wait3A_137 = tpu.memref_slice %arg7[%add3A_128, %dma_wait3A_136] : memref<40x128xi32, #tpu.memory_space<vmem>> -> memref<1x128xi32, #tpu.memory_space<vmem>>
        %dma_wait3A_138 = tpu.memref_squeeze %dma_wait3A_137 : memref<1x128xi32, #tpu.memory_space<vmem>> -> memref<128xi32, #tpu.memory_space<vmem>>
        %dma_wait3A_139 = arith.constant 0 : i32
        %dma_wait3A_140 = arith.constant 0 : i32
        %dma_wait3A_141 = tpu.memref_slice %arg10[%dma_wait3A_139, %dma_wait3A_140] : memref<10240x128xf32, #tpu.memory_space<vmem_shared>> -> memref<10240x128xf32, #tpu.memory_space<vmem_shared>>
        tpu.wait_indirect_dma semaphore(%run_scoped3A : memref<!tpu.dma_semaphore, #tpu.memory_space<semaphore_mem>>) src(%arg9 : memref<128x128xf32, #tpu.memory_space<vmem>>) dst(%dma_wait3A_141 : memref<10240x128xf32, #tpu.memory_space<vmem_shared>>)
        tpu.yield
      }) : () -> ()
      %scan3A_129 = arith.constant 0 : i32
      scf.yield %scan3A_129 : i32
    }
    %scan3A_58 = arith.constant 20 : i32
    %dma_wait3A_59 = arith.constant 0 : i32
    %dma_wait3A_60 = arith.constant 0 : i32
    %dma_wait3A_61 = tpu.memref_slice %arg6[%dma_wait3A_59, %dma_wait3A_60] : memref<40x128xi32, #tpu.memory_space<vmem>> -> memref<1x128xi32, #tpu.memory_space<vmem>>
    %dma_wait3A_62 = tpu.memref_squeeze %dma_wait3A_61 : memref<1x128xi32, #tpu.memory_space<vmem>> -> memref<128xi32, #tpu.memory_space<vmem>>
    %dma_wait3A_63 = arith.constant 0 : i32
    %dma_wait3A_64 = arith.constant 0 : i32
    %dma_wait3A_65 = tpu.memref_slice %arg2[%dma_wait3A_63, %dma_wait3A_64] : memref<10240x128xf32, #tpu.memory_space<hbm>> -> memref<10240x128xf32, #tpu.memory_space<hbm>>
    tpu.wait_indirect_dma semaphore(%arg11 : memref<!tpu.dma_semaphore, #tpu.memory_space<semaphore_mem>>) src(%dma_wait3A_65 : memref<10240x128xf32, #tpu.memory_space<hbm>>) dst(%arg8 : memref<128x128xf32, #tpu.memory_space<vmem>>)
    "tpu.region"() ({
      %run_scoped3A = tpu.sem_alloc : memref<!tpu.dma_semaphore, #tpu.memory_space<semaphore_mem>>
      %dma_start3A_92 = arith.constant 40 : i32
      %dma_start3A_93 = arith.constant 0 : i32
      %dma_start3A_94 = tpu.memref_slice %arg3[%add3A, %dma_start3A_92, %dma_start3A_93] : memref<32x80x128xi32, #tpu.memory_space<hbm>> -> memref<1x40x128xi32, #tpu.memory_space<hbm>>
      %dma_start3A_95 = tpu.memref_squeeze %dma_start3A_94 : memref<1x40x128xi32, #tpu.memory_space<hbm>> -> memref<40x128xi32, #tpu.memory_space<hbm>>
      %dma_start3A_96 = arith.constant 40 : i32
      %dma_start3A_97 = arith.constant 0 : i32
      %dma_start3A_98 = tpu.memref_slice %arg3[%add3A, %dma_start3A_96, %dma_start3A_97] : memref<32x80x128xi32, #tpu.memory_space<hbm>> -> memref<1x40x128xi32, #tpu.memory_space<hbm>>
      %dma_start3A_99 = tpu.memref_squeeze %dma_start3A_98 : memref<1x40x128xi32, #tpu.memory_space<hbm>> -> memref<40x128xi32, #tpu.memory_space<hbm>>
      tpu.enqueue_dma source(%dma_start3A_99 : memref<40x128xi32, #tpu.memory_space<hbm>>) target(%arg6 : memref<40x128xi32, #tpu.memory_space<vmem>>) target_semaphore(%run_scoped3A : memref<!tpu.dma_semaphore, #tpu.memory_space<semaphore_mem>>)
      %dma_wait3A_100 = arith.constant 40 : i32
      %dma_wait3A_101 = arith.constant 0 : i32
      %dma_wait3A_102 = tpu.memref_slice %arg3[%add3A, %dma_wait3A_100, %dma_wait3A_101] : memref<32x80x128xi32, #tpu.memory_space<hbm>> -> memref<1x40x128xi32, #tpu.memory_space<hbm>>
      %dma_wait3A_103 = tpu.memref_squeeze %dma_wait3A_102 : memref<1x40x128xi32, #tpu.memory_space<hbm>> -> memref<40x128xi32, #tpu.memory_space<hbm>>
      %dma_wait3A_104 = arith.constant 40 : i32
      %dma_wait3A_105 = arith.constant 0 : i32
      %dma_wait3A_106 = tpu.memref_slice %arg3[%add3A, %dma_wait3A_104, %dma_wait3A_105] : memref<32x80x128xi32, #tpu.memory_space<hbm>> -> memref<1x40x128xi32, #tpu.memory_space<hbm>>
      %dma_wait3A_107 = tpu.memref_squeeze %dma_wait3A_106 : memref<1x40x128xi32, #tpu.memory_space<hbm>> -> memref<40x128xi32, #tpu.memory_space<hbm>>
      tpu.wait_dma2 semaphore(%run_scoped3A : memref<!tpu.dma_semaphore, #tpu.memory_space<semaphore_mem>>) src(%dma_wait3A_107 : memref<40x128xi32, #tpu.memory_space<hbm>>) dst(%arg6 : memref<40x128xi32, #tpu.memory_space<vmem>>)
      tpu.yield
    }) : () -> ()
    "tpu.region"() ({
      %run_scoped3A = tpu.sem_alloc : memref<!tpu.dma_semaphore, #tpu.memory_space<semaphore_mem>>
      %dma_start3A_92 = arith.constant 40 : i32
      %dma_start3A_93 = arith.constant 0 : i32
      %dma_start3A_94 = tpu.memref_slice %arg4[%add3A, %dma_start3A_92, %dma_start3A_93] : memref<32x80x128xi32, #tpu.memory_space<hbm>> -> memref<1x40x128xi32, #tpu.memory_space<hbm>>
      %dma_start3A_95 = tpu.memref_squeeze %dma_start3A_94 : memref<1x40x128xi32, #tpu.memory_space<hbm>> -> memref<40x128xi32, #tpu.memory_space<hbm>>
      %dma_start3A_96 = arith.constant 40 : i32
      %dma_start3A_97 = arith.constant 0 : i32
      %dma_start3A_98 = tpu.memref_slice %arg4[%add3A, %dma_start3A_96, %dma_start3A_97] : memref<32x80x128xi32, #tpu.memory_space<hbm>> -> memref<1x40x128xi32, #tpu.memory_space<hbm>>
      %dma_start3A_99 = tpu.memref_squeeze %dma_start3A_98 : memref<1x40x128xi32, #tpu.memory_space<hbm>> -> memref<40x128xi32, #tpu.memory_space<hbm>>
      tpu.enqueue_dma source(%dma_start3A_99 : memref<40x128xi32, #tpu.memory_space<hbm>>) target(%arg7 : memref<40x128xi32, #tpu.memory_space<vmem>>) target_semaphore(%run_scoped3A : memref<!tpu.dma_semaphore, #tpu.memory_space<semaphore_mem>>)
      %dma_wait3A_100 = arith.constant 40 : i32
      %dma_wait3A_101 = arith.constant 0 : i32
      %dma_wait3A_102 = tpu.memref_slice %arg4[%add3A, %dma_wait3A_100, %dma_wait3A_101] : memref<32x80x128xi32, #tpu.memory_space<hbm>> -> memref<1x40x128xi32, #tpu.memory_space<hbm>>
      %dma_wait3A_103 = tpu.memref_squeeze %dma_wait3A_102 : memref<1x40x128xi32, #tpu.memory_space<hbm>> -> memref<40x128xi32, #tpu.memory_space<hbm>>
      %dma_wait3A_104 = arith.constant 40 : i32
      %dma_wait3A_105 = arith.constant 0 : i32
      %dma_wait3A_106 = tpu.memref_slice %arg4[%add3A, %dma_wait3A_104, %dma_wait3A_105] : memref<32x80x128xi32, #tpu.memory_space<hbm>> -> memref<1x40x128xi32, #tpu.memory_space<hbm>>
      %dma_wait3A_107 = tpu.memref_squeeze %dma_wait3A_106 : memref<1x40x128xi32, #tpu.memory_space<hbm>> -> memref<40x128xi32, #tpu.memory_space<hbm>>
      tpu.wait_dma2 semaphore(%run_scoped3A : memref<!tpu.dma_semaphore, #tpu.memory_space<semaphore_mem>>) src(%dma_wait3A_107 : memref<40x128xi32, #tpu.memory_space<hbm>>) dst(%arg7 : memref<40x128xi32, #tpu.memory_space<vmem>>)
      tpu.yield
    }) : () -> ()
    %dma_start3A_66 = arith.constant 0 : i32
    %dma_start3A_67 = arith.constant 0 : i32
    %dma_start3A_68 = tpu.memref_slice %arg6[%dma_start3A_66, %dma_start3A_67] : memref<40x128xi32, #tpu.memory_space<vmem>> -> memref<1x128xi32, #tpu.memory_space<vmem>>
    %dma_start3A_69 = tpu.memref_squeeze %dma_start3A_68 : memref<1x128xi32, #tpu.memory_space<vmem>> -> memref<128xi32, #tpu.memory_space<vmem>>
    %dma_start3A_70 = arith.constant 0 : i32
    %dma_start3A_71 = arith.constant 0 : i32
    %dma_start3A_72 = tpu.memref_slice %arg2[%dma_start3A_70, %dma_start3A_71] : memref<10240x128xf32, #tpu.memory_space<hbm>> -> memref<10240x128xf32, #tpu.memory_space<hbm>>
    tpu.enqueue_indirect_dma source(%dma_start3A_72 : memref<10240x128xf32, #tpu.memory_space<hbm>>) target(%arg8 : memref<128x128xf32, #tpu.memory_space<vmem>>) offsets(%dma_start3A_69 : memref<128xi32, #tpu.memory_space<vmem>>) semaphore(%arg11 : memref<!tpu.dma_semaphore, #tpu.memory_space<semaphore_mem>>)
    %scan3A_73 = arith.constant 0 : i32
    %scan3A_74 = arith.constant 0 : i32
    %scan3A_75 = arith.constant 20 : i32
    %scan3A_76 = arith.addi %scan3A_74, %scan3A_75 : i32
    %scan3A_77 = arith.constant 1 : i32
    %scan3A_78 = scf.for %scan3A_92 = %scan3A_74 to %scan3A_76 step %scan3A_77 iter_args(%scan3A_93 = %scan3A_73) -> (i32)  : i32 {
      %mul3A_94 = arith.constant 2 : i32
      %mul3A_95 = arith.muli %scan3A_92, %mul3A_94 : i32
      %add3A_96 = arith.constant 1 : i32
      %add3A_97 = arith.addi %mul3A_95, %add3A_96 : i32
      %dma_start3A_98 = arith.constant 0 : i32
      %dma_start3A_99 = tpu.memref_slice %arg6[%add3A_97, %dma_start3A_98] : memref<40x128xi32, #tpu.memory_space<vmem>> -> memref<1x128xi32, #tpu.memory_space<vmem>>
      %dma_start3A_100 = tpu.memref_squeeze %dma_start3A_99 : memref<1x128xi32, #tpu.memory_space<vmem>> -> memref<128xi32, #tpu.memory_space<vmem>>
      %dma_start3A_101 = arith.constant 0 : i32
      %dma_start3A_102 = arith.constant 0 : i32
      %dma_start3A_103 = tpu.memref_slice %arg2[%dma_start3A_101, %dma_start3A_102] : memref<10240x128xf32, #tpu.memory_space<hbm>> -> memref<10240x128xf32, #tpu.memory_space<hbm>>
      tpu.enqueue_indirect_dma source(%dma_start3A_103 : memref<10240x128xf32, #tpu.memory_space<hbm>>) target(%arg9 : memref<128x128xf32, #tpu.memory_space<vmem>>) offsets(%dma_start3A_100 : memref<128xi32, #tpu.memory_space<vmem>>) semaphore(%arg12 : memref<!tpu.dma_semaphore, #tpu.memory_space<semaphore_mem>>)
      %dma_wait3A_104 = arith.constant 0 : i32
      %dma_wait3A_105 = tpu.memref_slice %arg6[%mul3A_95, %dma_wait3A_104] : memref<40x128xi32, #tpu.memory_space<vmem>> -> memref<1x128xi32, #tpu.memory_space<vmem>>
      %dma_wait3A_106 = tpu.memref_squeeze %dma_wait3A_105 : memref<1x128xi32, #tpu.memory_space<vmem>> -> memref<128xi32, #tpu.memory_space<vmem>>
      %dma_wait3A_107 = arith.constant 0 : i32
      %dma_wait3A_108 = arith.constant 0 : i32
      %dma_wait3A_109 = tpu.memref_slice %arg2[%dma_wait3A_107, %dma_wait3A_108] : memref<10240x128xf32, #tpu.memory_space<hbm>> -> memref<10240x128xf32, #tpu.memory_space<hbm>>
      tpu.wait_indirect_dma semaphore(%arg11 : memref<!tpu.dma_semaphore, #tpu.memory_space<semaphore_mem>>) src(%dma_wait3A_109 : memref<10240x128xf32, #tpu.memory_space<hbm>>) dst(%arg8 : memref<128x128xf32, #tpu.memory_space<vmem>>)
      "tpu.region"() ({
        %run_scoped3A = tpu.sem_alloc : memref<!tpu.dma_semaphore, #tpu.memory_space<semaphore_mem>>
        %dma_start3A_130 = arith.constant 0 : i32
        %dma_start3A_131 = tpu.memref_slice %arg7[%mul3A_95, %dma_start3A_130] : memref<40x128xi32, #tpu.memory_space<vmem>> -> memref<1x128xi32, #tpu.memory_space<vmem>>
        %dma_start3A_132 = tpu.memref_squeeze %dma_start3A_131 : memref<1x128xi32, #tpu.memory_space<vmem>> -> memref<128xi32, #tpu.memory_space<vmem>>
        %dma_start3A_133 = arith.constant 0 : i32
        %dma_start3A_134 = arith.constant 0 : i32
        %dma_start3A_135 = tpu.memref_slice %arg10[%dma_start3A_133, %dma_start3A_134] : memref<10240x128xf32, #tpu.memory_space<vmem_shared>> -> memref<10240x128xf32, #tpu.memory_space<vmem_shared>>
        tpu.enqueue_indirect_dma source(%arg8 : memref<128x128xf32, #tpu.memory_space<vmem>>) target(%dma_start3A_135 : memref<10240x128xf32, #tpu.memory_space<vmem_shared>>) offsets(%dma_start3A_132 : memref<128xi32, #tpu.memory_space<vmem>>) semaphore(%run_scoped3A : memref<!tpu.dma_semaphore, #tpu.memory_space<semaphore_mem>>) {add = true}
        %dma_wait3A_136 = arith.constant 0 : i32
        %dma_wait3A_137 = tpu.memref_slice %arg7[%mul3A_95, %dma_wait3A_136] : memref<40x128xi32, #tpu.memory_space<vmem>> -> memref<1x128xi32, #tpu.memory_space<vmem>>
        %dma_wait3A_138 = tpu.memref_squeeze %dma_wait3A_137 : memref<1x128xi32, #tpu.memory_space<vmem>> -> memref<128xi32, #tpu.memory_space<vmem>>
        %dma_wait3A_139 = arith.constant 0 : i32
        %dma_wait3A_140 = arith.constant 0 : i32
        %dma_wait3A_141 = tpu.memref_slice %arg10[%dma_wait3A_139, %dma_wait3A_140] : memref<10240x128xf32, #tpu.memory_space<vmem_shared>> -> memref<10240x128xf32, #tpu.memory_space<vmem_shared>>
        tpu.wait_indirect_dma semaphore(%run_scoped3A : memref<!tpu.dma_semaphore, #tpu.memory_space<semaphore_mem>>) src(%arg8 : memref<128x128xf32, #tpu.memory_space<vmem>>) dst(%dma_wait3A_141 : memref<10240x128xf32, #tpu.memory_space<vmem_shared>>)
        tpu.yield
      }) : () -> ()
      %add3A_110 = arith.constant 2 : i32
      %add3A_111 = arith.addi %mul3A_95, %add3A_110 : i32
      %min3A = arith.constant 39 : i32
      %min3A_112 = arith.minsi %add3A_111, %min3A : i32
      %dma_start3A_113 = arith.constant 0 : i32
      %dma_start3A_114 = tpu.memref_slice %arg6[%min3A_112, %dma_start3A_113] : memref<40x128xi32, #tpu.memory_space<vmem>> -> memref<1x128xi32, #tpu.memory_space<vmem>>
      %dma_start3A_115 = tpu.memref_squeeze %dma_start3A_114 : memref<1x128xi32, #tpu.memory_space<vmem>> -> memref<128xi32, #tpu.memory_space<vmem>>
      %dma_start3A_116 = arith.constant 0 : i32
      %dma_start3A_117 = arith.constant 0 : i32
      %dma_start3A_118 = tpu.memref_slice %arg2[%dma_start3A_116, %dma_start3A_117] : memref<10240x128xf32, #tpu.memory_space<hbm>> -> memref<10240x128xf32, #tpu.memory_space<hbm>>
      tpu.enqueue_indirect_dma source(%dma_start3A_118 : memref<10240x128xf32, #tpu.memory_space<hbm>>) target(%arg8 : memref<128x128xf32, #tpu.memory_space<vmem>>) offsets(%dma_start3A_115 : memref<128xi32, #tpu.memory_space<vmem>>) semaphore(%arg11 : memref<!tpu.dma_semaphore, #tpu.memory_space<semaphore_mem>>)
      %add3A_119 = arith.constant 1 : i32
      %add3A_120 = arith.addi %mul3A_95, %add3A_119 : i32
      %dma_wait3A_121 = arith.constant 0 : i32
      %dma_wait3A_122 = tpu.memref_slice %arg6[%add3A_120, %dma_wait3A_121] : memref<40x128xi32, #tpu.memory_space<vmem>> -> memref<1x128xi32, #tpu.memory_space<vmem>>
      %dma_wait3A_123 = tpu.memref_squeeze %dma_wait3A_122 : memref<1x128xi32, #tpu.memory_space<vmem>> -> memref<128xi32, #tpu.memory_space<vmem>>
      %dma_wait3A_124 = arith.constant 0 : i32
      %dma_wait3A_125 = arith.constant 0 : i32
      %dma_wait3A_126 = tpu.memref_slice %arg2[%dma_wait3A_124, %dma_wait3A_125] : memref<10240x128xf32, #tpu.memory_space<hbm>> -> memref<10240x128xf32, #tpu.memory_space<hbm>>
      tpu.wait_indirect_dma semaphore(%arg12 : memref<!tpu.dma_semaphore, #tpu.memory_space<semaphore_mem>>) src(%dma_wait3A_126 : memref<10240x128xf32, #tpu.memory_space<hbm>>) dst(%arg9 : memref<128x128xf32, #tpu.memory_space<vmem>>)
      %add3A_127 = arith.constant 1 : i32
      %add3A_128 = arith.addi %mul3A_95, %add3A_127 : i32
      "tpu.region"() ({
        %run_scoped3A = tpu.sem_alloc : memref<!tpu.dma_semaphore, #tpu.memory_space<semaphore_mem>>
        %dma_start3A_130 = arith.constant 0 : i32
        %dma_start3A_131 = tpu.memref_slice %arg7[%add3A_128, %dma_start3A_130] : memref<40x128xi32, #tpu.memory_space<vmem>> -> memref<1x128xi32, #tpu.memory_space<vmem>>
        %dma_start3A_132 = tpu.memref_squeeze %dma_start3A_131 : memref<1x128xi32, #tpu.memory_space<vmem>> -> memref<128xi32, #tpu.memory_space<vmem>>
        %dma_start3A_133 = arith.constant 0 : i32
        %dma_start3A_134 = arith.constant 0 : i32
        %dma_start3A_135 = tpu.memref_slice %arg10[%dma_start3A_133, %dma_start3A_134] : memref<10240x128xf32, #tpu.memory_space<vmem_shared>> -> memref<10240x128xf32, #tpu.memory_space<vmem_shared>>
        tpu.enqueue_indirect_dma source(%arg9 : memref<128x128xf32, #tpu.memory_space<vmem>>) target(%dma_start3A_135 : memref<10240x128xf32, #tpu.memory_space<vmem_shared>>) offsets(%dma_start3A_132 : memref<128xi32, #tpu.memory_space<vmem>>) semaphore(%run_scoped3A : memref<!tpu.dma_semaphore, #tpu.memory_space<semaphore_mem>>) {add = true}
        %dma_wait3A_136 = arith.constant 0 : i32
        %dma_wait3A_137 = tpu.memref_slice %arg7[%add3A_128, %dma_wait3A_136] : memref<40x128xi32, #tpu.memory_space<vmem>> -> memref<1x128xi32, #tpu.memory_space<vmem>>
        %dma_wait3A_138 = tpu.memref_squeeze %dma_wait3A_137 : memref<1x128xi32, #tpu.memory_space<vmem>> -> memref<128xi32, #tpu.memory_space<vmem>>
        %dma_wait3A_139 = arith.constant 0 : i32
        %dma_wait3A_140 = arith.constant 0 : i32
        %dma_wait3A_141 = tpu.memref_slice %arg10[%dma_wait3A_139, %dma_wait3A_140] : memref<10240x128xf32, #tpu.memory_space<vmem_shared>> -> memref<10240x128xf32, #tpu.memory_space<vmem_shared>>
        tpu.wait_indirect_dma semaphore(%run_scoped3A : memref<!tpu.dma_semaphore, #tpu.memory_space<semaphore_mem>>) src(%arg9 : memref<128x128xf32, #tpu.memory_space<vmem>>) dst(%dma_wait3A_141 : memref<10240x128xf32, #tpu.memory_space<vmem_shared>>)
        tpu.yield
      }) : () -> ()
      %scan3A_129 = arith.constant 0 : i32
      scf.yield %scan3A_129 : i32
    }
    %scan3A_79 = arith.constant 20 : i32
    %dma_wait3A_80 = arith.constant 0 : i32
    %dma_wait3A_81 = arith.constant 0 : i32
    %dma_wait3A_82 = tpu.memref_slice %arg6[%dma_wait3A_80, %dma_wait3A_81] : memref<40x128xi32, #tpu.memory_space<vmem>> -> memref<1x128xi32, #tpu.memory_space<vmem>>
    %dma_wait3A_83 = tpu.memref_squeeze %dma_wait3A_82 : memref<1x128xi32, #tpu.memory_space<vmem>> -> memref<128xi32, #tpu.memory_space<vmem>>
    %dma_wait3A_84 = arith.constant 0 : i32
    %dma_wait3A_85 = arith.constant 0 : i32
    %dma_wait3A_86 = tpu.memref_slice %arg2[%dma_wait3A_84, %dma_wait3A_85] : memref<10240x128xf32, #tpu.memory_space<hbm>> -> memref<10240x128xf32, #tpu.memory_space<hbm>>
    tpu.wait_indirect_dma semaphore(%arg11 : memref<!tpu.dma_semaphore, #tpu.memory_space<semaphore_mem>>) src(%dma_wait3A_86 : memref<10240x128xf32, #tpu.memory_space<hbm>>) dst(%arg8 : memref<128x128xf32, #tpu.memory_space<vmem>>)
    %barrier3A_87 = arith.constant 0 : index
    tpu.barrier barrier_id(%barrier3A_87)
    %mul3A_88 = arith.constant 640 : i32
    %mul3A_89 = arith.muli %arg1, %mul3A_88 : i32
    %mul3A_90 = arith.constant 640 : i32
    %mul3A_91 = arith.muli %arg1, %mul3A_90 : i32
    "tpu.region"() ({
      %run_scoped3A = tpu.sem_alloc : memref<!tpu.dma_semaphore, #tpu.memory_space<semaphore_mem>>
      %dma_start3A_92 = arith.constant 0 : i32
      %dma_start3A_93 = tpu.memref_slice %arg5[%arg0, %mul3A_91, %dma_start3A_92] : memref<2x10240x128xf32, #tpu.memory_space<hbm>> -> memref<1x640x128xf32, #tpu.memory_space<hbm>>
      %dma_start3A_94 = tpu.memref_squeeze %dma_start3A_93 : memref<1x640x128xf32, #tpu.memory_space<hbm>> -> memref<640x128xf32, #tpu.memory_space<hbm>>
      %dma_start3A_95 = arith.constant 0 : i32
      %dma_start3A_96 = tpu.memref_slice %arg10[%mul3A_89, %dma_start3A_95] : memref<10240x128xf32, #tpu.memory_space<vmem_shared>> -> memref<640x128xf32, #tpu.memory_space<vmem_shared>>
      tpu.enqueue_dma source(%dma_start3A_96 : memref<640x128xf32, #tpu.memory_space<vmem_shared>>) target(%dma_start3A_94 : memref<640x128xf32, #tpu.memory_space<hbm>>) target_semaphore(%run_scoped3A : memref<!tpu.dma_semaphore, #tpu.memory_space<semaphore_mem>>)
      %dma_wait3A_97 = arith.constant 0 : i32
      %dma_wait3A_98 = tpu.memref_slice %arg5[%arg0, %mul3A_91, %dma_wait3A_97] : memref<2x10240x128xf32, #tpu.memory_space<hbm>> -> memref<1x640x128xf32, #tpu.memory_space<hbm>>
      %dma_wait3A_99 = tpu.memref_squeeze %dma_wait3A_98 : memref<1x640x128xf32, #tpu.memory_space<hbm>> -> memref<640x128xf32, #tpu.memory_space<hbm>>
      %dma_wait3A_100 = arith.constant 0 : i32
      %dma_wait3A_101 = tpu.memref_slice %arg10[%mul3A_89, %dma_wait3A_100] : memref<10240x128xf32, #tpu.memory_space<vmem_shared>> -> memref<640x128xf32, #tpu.memory_space<vmem_shared>>
      tpu.wait_dma2 semaphore(%run_scoped3A : memref<!tpu.dma_semaphore, #tpu.memory_space<semaphore_mem>>) src(%dma_wait3A_101 : memref<640x128xf32, #tpu.memory_space<vmem_shared>>) dst(%dma_wait3A_99 : memref<640x128xf32, #tpu.memory_space<hbm>>)
      tpu.yield
    }) : () -> ()
    return
  }
}

module attributes {stable_mosaic.version = 14 : i64} {
  func.func @_first_body(%arg0: i32, %arg1: memref<400x128xf32, #tpu.memory_space<vmem>>, %arg2: memref<128x128xf32, #tpu.memory_space<vmem>>, %arg3: memref<2x400x128xf32, #tpu.memory_space<vmem>>, %arg4: memref<400x128xf32, #tpu.memory_space<vmem>>) attributes {dimension_semantics = [#tpu.dimension_semantics<arbitrary>], iteration_bounds = array<i64: 25>, scalar_prefetch = 0 : i64, scratch_operands = 0 : i64, tpu.core_type = #tpu.core_type<tc>, window_params = [{transform_indices = @transform_0, window_bounds = array<i64: 400, 128>}, {pipeline_mode = #tpu.pipeline_mode<synchronous>, transform_indices = @transform_1, window_bounds = array<i64: 128, 128>}, {transform_indices = @transform_2, window_bounds = array<i64: 2, 400, 128>}, {transform_indices = @transform_3, window_bounds = array<i64: 400, 128>}]} {
    %get3A = arith.constant 0 : index
    %get3A_0 = arith.constant 0 : index
    %get3A_1 = vector.load %arg1[%get3A, %get3A_0] : memref<400x128xf32, #tpu.memory_space<vmem>>, vector<400x128xf32>
    %get3A_2 = arith.constant 0 : index
    %get3A_3 = arith.constant 0 : index
    %get3A_4 = vector.load %arg2[%get3A_2, %get3A_3] : memref<128x128xf32, #tpu.memory_space<vmem>>, vector<128x128xf32>
    %dot_general3A = arith.constant dense<0.000000e+00> : vector<400x128xf32>
    %dot_general3A_5 = tpu.matmul %get3A_1, %get3A_4, %dot_general3A {dimension_numbers = #tpu.dot_dimension_numbers<[1], [0], [0], [1], [0, 0, 1, 1], [], []>, transpose_lhs_hint = false} : vector<400x128xf32>, vector<128x128xf32>, vector<400x128xf32> -> vector<400x128xf32>
    %get3A_6 = arith.constant 0 : index
    %get3A_7 = arith.constant 0 : index
    %get3A_8 = arith.constant 0 : index
    %get3A_9 = vector.load %arg3[%get3A_6, %get3A_7, %get3A_8] : memref<2x400x128xf32, #tpu.memory_space<vmem>>, vector<1x400x1xf32>
    %get3A_10 = vector.shape_cast %get3A_9 : vector<1x400x1xf32> to vector<400x1xf32>
    %get3A_11 = arith.constant 1 : index
    %get3A_12 = arith.constant 0 : index
    %get3A_13 = arith.constant 0 : index
    %get3A_14 = vector.load %arg3[%get3A_11, %get3A_12, %get3A_13] : memref<2x400x128xf32, #tpu.memory_space<vmem>>, vector<1x400x1xf32>
    %get3A_15 = vector.shape_cast %get3A_14 : vector<1x400x1xf32> to vector<400x1xf32>
    %add3A = arith.addf %get3A_10, %get3A_15 : vector<400x1xf32>
    %add3A_16 = arith.constant 1.000000e+00 : f32
    %add3A_17 = vector.broadcast %add3A_16 : f32 to vector<400x1xf32>
    %add3A_18 = arith.addf %add3A, %add3A_17 : vector<400x1xf32>
    %rsqrt3A = math.rsqrt %add3A_18 : vector<400x1xf32>
    %mul3A = vector.broadcast %rsqrt3A : vector<400x1xf32> to vector<400x128xf32>
    %mul3A_19 = arith.mulf %dot_general3A_5, %mul3A : vector<400x128xf32>
    %swap3A = arith.constant 0 : index
    %swap3A_20 = arith.constant 0 : index
    %swap3A_21 = vector.load %arg4[%swap3A, %swap3A_20] : memref<400x128xf32, #tpu.memory_space<vmem>>, vector<400x128xf32>
    tpu.vector_store %arg4[%swap3A, %swap3A_20], %mul3A_19 {strides = array<i32>} : memref<400x128xf32, #tpu.memory_space<vmem>>, vector<400x128xf32>,
    return
  }
  func.func @transform_0(%arg0: i32) -> (i32, i32) {
    %c0_i32 = arith.constant 0 : i32
    %c0_i32_0 = arith.constant 0 : i32
    return %arg0, %c0_i32 : i32, i32
  }
  func.func @transform_1(%arg0: i32) -> (i32, i32) {
    %c0_i32 = arith.constant 0 : i32
    %c0_i32_0 = arith.constant 0 : i32
    %c0_i32_1 = arith.constant 0 : i32
    return %c0_i32, %c0_i32_0 : i32, i32
  }
  func.func @transform_2(%arg0: i32) -> (i32, i32, i32) {
    %c0_i32 = arith.constant 0 : i32
    %c0_i32_0 = arith.constant 0 : i32
    %c0_i32_1 = arith.constant 0 : i32
    return %c0_i32, %arg0, %c0_i32_0 : i32, i32, i32
  }
  func.func @transform_3(%arg0: i32) -> (i32, i32) {
    %c0_i32 = arith.constant 0 : i32
    %c0_i32_0 = arith.constant 0 : i32
    return %arg0, %c0_i32 : i32, i32
  }
}

module attributes {stable_mosaic.version = 14 : i64} {
  func.func @_mid_body(%arg0: i32, %arg1: memref<2x400x128xf32, #tpu.memory_space<vmem>>, %arg2: memref<400x128xf32, #tpu.memory_space<vmem>>, %arg3: memref<2x400x128xf32, #tpu.memory_space<vmem>>, %arg4: memref<1x128xf32, #tpu.memory_space<vmem>>, %arg5: memref<128x128xf32, #tpu.memory_space<vmem>>, %arg6: memref<400x128xf32, #tpu.memory_space<vmem>>) attributes {dimension_semantics = [#tpu.dimension_semantics<arbitrary>], iteration_bounds = array<i64: 25>, scalar_prefetch = 0 : i64, scratch_operands = 0 : i64, tpu.core_type = #tpu.core_type<tc>, window_params = [{transform_indices = @transform_0, window_bounds = array<i64: 2, 400, 128>}, {transform_indices = @transform_1, window_bounds = array<i64: 400, 128>}, {transform_indices = @transform_2, window_bounds = array<i64: 2, 400, 128>}, {pipeline_mode = #tpu.pipeline_mode<synchronous>, transform_indices = @transform_3, window_bounds = array<i64: 1, 128>}, {pipeline_mode = #tpu.pipeline_mode<synchronous>, transform_indices = @transform_4, window_bounds = array<i64: 128, 128>}, {transform_indices = @transform_5, window_bounds = array<i64: 400, 128>}]} {
    %get3A = arith.constant 0 : index
    %get3A_0 = arith.constant 0 : index
    %get3A_1 = arith.constant 0 : index
    %get3A_2 = vector.load %arg3[%get3A, %get3A_0, %get3A_1] : memref<2x400x128xf32, #tpu.memory_space<vmem>>, vector<1x400x1xf32>
    %get3A_3 = vector.shape_cast %get3A_2 : vector<1x400x1xf32> to vector<400x1xf32>
    %get3A_4 = arith.constant 1 : index
    %get3A_5 = arith.constant 0 : index
    %get3A_6 = arith.constant 0 : index
    %get3A_7 = vector.load %arg3[%get3A_4, %get3A_5, %get3A_6] : memref<2x400x128xf32, #tpu.memory_space<vmem>>, vector<1x400x1xf32>
    %get3A_8 = vector.shape_cast %get3A_7 : vector<1x400x1xf32> to vector<400x1xf32>
    %add3A = arith.addf %get3A_3, %get3A_8 : vector<400x1xf32>
    %add3A_9 = arith.constant 1.000000e+00 : f32
    %add3A_10 = vector.broadcast %add3A_9 : f32 to vector<400x1xf32>
    %add3A_11 = arith.addf %add3A, %add3A_10 : vector<400x1xf32>
    %rsqrt3A = math.rsqrt %add3A_11 : vector<400x1xf32>
    %get3A_12 = arith.constant 0 : index
    %get3A_13 = arith.constant 0 : index
    %get3A_14 = arith.constant 0 : index
    %get3A_15 = vector.load %arg1[%get3A_12, %get3A_13, %get3A_14] : memref<2x400x128xf32, #tpu.memory_space<vmem>>, vector<1x400x128xf32>
    %get3A_16 = vector.shape_cast %get3A_15 : vector<1x400x128xf32> to vector<400x128xf32>
    %get3A_17 = arith.constant 1 : index
    %get3A_18 = arith.constant 0 : index
    %get3A_19 = arith.constant 0 : index
    %get3A_20 = vector.load %arg1[%get3A_17, %get3A_18, %get3A_19] : memref<2x400x128xf32, #tpu.memory_space<vmem>>, vector<1x400x128xf32>
    %get3A_21 = vector.shape_cast %get3A_20 : vector<1x400x128xf32> to vector<400x128xf32>
    %add3A_22 = arith.addf %get3A_16, %get3A_21 : vector<400x128xf32>
    %get3A_23 = arith.constant 0 : index
    %get3A_24 = arith.constant 0 : index
    %get3A_25 = vector.load %arg2[%get3A_23, %get3A_24] : memref<400x128xf32, #tpu.memory_space<vmem>>, vector<400x128xf32>
    %add3A_26 = arith.addf %add3A_22, %get3A_25 : vector<400x128xf32>
    %mul3A = vector.broadcast %rsqrt3A : vector<400x1xf32> to vector<400x128xf32>
    %mul3A_27 = arith.mulf %add3A_26, %mul3A : vector<400x128xf32>
    %get3A_28 = arith.constant 0 : index
    %get3A_29 = arith.constant 0 : index
    %get3A_30 = vector.load %arg4[%get3A_28, %get3A_29] : memref<1x128xf32, #tpu.memory_space<vmem>>, vector<1x128xf32>
    %add3A_31 = vector.broadcast %get3A_30 : vector<1x128xf32> to vector<400x128xf32>
    %add3A_32 = arith.addf %mul3A_27, %add3A_31 : vector<400x128xf32>
    %max3A = arith.constant 0.000000e+00 : f32
    %max3A_33 = vector.broadcast %max3A : f32 to vector<400x128xf32>
    %max3A_34 = arith.maximumf %add3A_32, %max3A_33 : vector<400x128xf32>
    %get3A_35 = arith.constant 0 : index
    %get3A_36 = arith.constant 0 : index
    %get3A_37 = vector.load %arg5[%get3A_35, %get3A_36] : memref<128x128xf32, #tpu.memory_space<vmem>>, vector<128x128xf32>
    %dot_general3A = arith.constant dense<0.000000e+00> : vector<400x128xf32>
    %dot_general3A_38 = tpu.matmul %max3A_34, %get3A_37, %dot_general3A {dimension_numbers = #tpu.dot_dimension_numbers<[1], [0], [0], [1], [0, 0, 1, 1], [], []>, transpose_lhs_hint = false} : vector<400x128xf32>, vector<128x128xf32>, vector<400x128xf32> -> vector<400x128xf32>
    %mul3A_39 = vector.broadcast %rsqrt3A : vector<400x1xf32> to vector<400x128xf32>
    %mul3A_40 = arith.mulf %dot_general3A_38, %mul3A_39 : vector<400x128xf32>
    %swap3A = arith.constant 0 : index
    %swap3A_41 = arith.constant 0 : index
    %swap3A_42 = vector.load %arg6[%swap3A, %swap3A_41] : memref<400x128xf32, #tpu.memory_space<vmem>>, vector<400x128xf32>
    tpu.vector_store %arg6[%swap3A, %swap3A_41], %mul3A_40 {strides = array<i32>} : memref<400x128xf32, #tpu.memory_space<vmem>>, vector<400x128xf32>,
    return
  }
  func.func @transform_0(%arg0: i32) -> (i32, i32, i32) {
    %c0_i32 = arith.constant 0 : i32
    %c0_i32_0 = arith.constant 0 : i32
    %c0_i32_1 = arith.constant 0 : i32
    return %c0_i32, %arg0, %c0_i32_0 : i32, i32, i32
  }
  func.func @transform_1(%arg0: i32) -> (i32, i32) {
    %c0_i32 = arith.constant 0 : i32
    %c0_i32_0 = arith.constant 0 : i32
    return %arg0, %c0_i32 : i32, i32
  }
  func.func @transform_2(%arg0: i32) -> (i32, i32, i32) {
    %c0_i32 = arith.constant 0 : i32
    %c0_i32_0 = arith.constant 0 : i32
    %c0_i32_1 = arith.constant 0 : i32
    return %c0_i32, %arg0, %c0_i32_0 : i32, i32, i32
  }
  func.func @transform_3(%arg0: i32) -> (i32, i32) {
    %c0_i32 = arith.constant 0 : i32
    %c0_i32_0 = arith.constant 0 : i32
    %c0_i32_1 = arith.constant 0 : i32
    return %c0_i32, %c0_i32_0 : i32, i32
  }
  func.func @transform_4(%arg0: i32) -> (i32, i32) {
    %c0_i32 = arith.constant 0 : i32
    %c0_i32_0 = arith.constant 0 : i32
    %c0_i32_1 = arith.constant 0 : i32
    return %c0_i32, %c0_i32_0 : i32, i32
  }
  func.func @transform_5(%arg0: i32) -> (i32, i32) {
    %c0_i32 = arith.constant 0 : i32
    %c0_i32_0 = arith.constant 0 : i32
    return %arg0, %c0_i32 : i32, i32
  }
}

module attributes {stable_mosaic.version = 14 : i64} {
  func.func @_pre_last_body(%arg0: i32, %arg1: memref<2x400x128xf32, #tpu.memory_space<vmem>>, %arg2: memref<400x128xf32, #tpu.memory_space<vmem>>, %arg3: memref<2x400x128xf32, #tpu.memory_space<vmem>>, %arg4: memref<1x128xf32, #tpu.memory_space<vmem>>, %arg5: memref<400x128xf32, #tpu.memory_space<vmem>>) attributes {dimension_semantics = [#tpu.dimension_semantics<arbitrary>], iteration_bounds = array<i64: 25>, scalar_prefetch = 0 : i64, scratch_operands = 0 : i64, tpu.core_type = #tpu.core_type<tc>, window_params = [{transform_indices = @transform_0, window_bounds = array<i64: 2, 400, 128>}, {transform_indices = @transform_1, window_bounds = array<i64: 400, 128>}, {transform_indices = @transform_2, window_bounds = array<i64: 2, 400, 128>}, {pipeline_mode = #tpu.pipeline_mode<synchronous>, transform_indices = @transform_3, window_bounds = array<i64: 1, 128>}, {transform_indices = @transform_4, window_bounds = array<i64: 400, 128>}]} {
    %get3A = arith.constant 0 : index
    %get3A_0 = arith.constant 0 : index
    %get3A_1 = arith.constant 0 : index
    %get3A_2 = vector.load %arg3[%get3A, %get3A_0, %get3A_1] : memref<2x400x128xf32, #tpu.memory_space<vmem>>, vector<1x400x1xf32>
    %get3A_3 = vector.shape_cast %get3A_2 : vector<1x400x1xf32> to vector<400x1xf32>
    %get3A_4 = arith.constant 1 : index
    %get3A_5 = arith.constant 0 : index
    %get3A_6 = arith.constant 0 : index
    %get3A_7 = vector.load %arg3[%get3A_4, %get3A_5, %get3A_6] : memref<2x400x128xf32, #tpu.memory_space<vmem>>, vector<1x400x1xf32>
    %get3A_8 = vector.shape_cast %get3A_7 : vector<1x400x1xf32> to vector<400x1xf32>
    %add3A = arith.addf %get3A_3, %get3A_8 : vector<400x1xf32>
    %add3A_9 = arith.constant 1.000000e+00 : f32
    %add3A_10 = vector.broadcast %add3A_9 : f32 to vector<400x1xf32>
    %add3A_11 = arith.addf %add3A, %add3A_10 : vector<400x1xf32>
    %rsqrt3A = math.rsqrt %add3A_11 : vector<400x1xf32>
    %get3A_12 = arith.constant 0 : index
    %get3A_13 = arith.constant 0 : index
    %get3A_14 = arith.constant 0 : index
    %get3A_15 = vector.load %arg1[%get3A_12, %get3A_13, %get3A_14] : memref<2x400x128xf32, #tpu.memory_space<vmem>>, vector<1x400x128xf32>
    %get3A_16 = vector.shape_cast %get3A_15 : vector<1x400x128xf32> to vector<400x128xf32>
    %get3A_17 = arith.constant 1 : index
    %get3A_18 = arith.constant 0 : index
    %get3A_19 = arith.constant 0 : index
    %get3A_20 = vector.load %arg1[%get3A_17, %get3A_18, %get3A_19] : memref<2x400x128xf32, #tpu.memory_space<vmem>>, vector<1x400x128xf32>
    %get3A_21 = vector.shape_cast %get3A_20 : vector<1x400x128xf32> to vector<400x128xf32>
    %add3A_22 = arith.addf %get3A_16, %get3A_21 : vector<400x128xf32>
    %get3A_23 = arith.constant 0 : index
    %get3A_24 = arith.constant 0 : index
    %get3A_25 = vector.load %arg2[%get3A_23, %get3A_24] : memref<400x128xf32, #tpu.memory_space<vmem>>, vector<400x128xf32>
    %add3A_26 = arith.addf %add3A_22, %get3A_25 : vector<400x128xf32>
    %mul3A = vector.broadcast %rsqrt3A : vector<400x1xf32> to vector<400x128xf32>
    %mul3A_27 = arith.mulf %add3A_26, %mul3A : vector<400x128xf32>
    %get3A_28 = arith.constant 0 : index
    %get3A_29 = arith.constant 0 : index
    %get3A_30 = vector.load %arg4[%get3A_28, %get3A_29] : memref<1x128xf32, #tpu.memory_space<vmem>>, vector<1x128xf32>
    %add3A_31 = vector.broadcast %get3A_30 : vector<1x128xf32> to vector<400x128xf32>
    %add3A_32 = arith.addf %mul3A_27, %add3A_31 : vector<400x128xf32>
    %max3A = arith.constant 0.000000e+00 : f32
    %max3A_33 = vector.broadcast %max3A : f32 to vector<400x128xf32>
    %max3A_34 = arith.maximumf %add3A_32, %max3A_33 : vector<400x128xf32>
    %mul3A_35 = vector.broadcast %rsqrt3A : vector<400x1xf32> to vector<400x128xf32>
    %mul3A_36 = arith.mulf %max3A_34, %mul3A_35 : vector<400x128xf32>
    %swap3A = arith.constant 0 : index
    %swap3A_37 = arith.constant 0 : index
    %swap3A_38 = vector.load %arg5[%swap3A, %swap3A_37] : memref<400x128xf32, #tpu.memory_space<vmem>>, vector<400x128xf32>
    tpu.vector_store %arg5[%swap3A, %swap3A_37], %mul3A_36 {strides = array<i32>} : memref<400x128xf32, #tpu.memory_space<vmem>>, vector<400x128xf32>,
    return
  }
  func.func @transform_0(%arg0: i32) -> (i32, i32, i32) {
    %c0_i32 = arith.constant 0 : i32
    %c0_i32_0 = arith.constant 0 : i32
    %c0_i32_1 = arith.constant 0 : i32
    return %c0_i32, %arg0, %c0_i32_0 : i32, i32, i32
  }
  func.func @transform_1(%arg0: i32) -> (i32, i32) {
    %c0_i32 = arith.constant 0 : i32
    %c0_i32_0 = arith.constant 0 : i32
    return %arg0, %c0_i32 : i32, i32
  }
  func.func @transform_2(%arg0: i32) -> (i32, i32, i32) {
    %c0_i32 = arith.constant 0 : i32
    %c0_i32_0 = arith.constant 0 : i32
    %c0_i32_1 = arith.constant 0 : i32
    return %c0_i32, %arg0, %c0_i32_0 : i32, i32, i32
  }
  func.func @transform_3(%arg0: i32) -> (i32, i32) {
    %c0_i32 = arith.constant 0 : i32
    %c0_i32_0 = arith.constant 0 : i32
    %c0_i32_1 = arith.constant 0 : i32
    return %c0_i32, %c0_i32_0 : i32, i32
  }
  func.func @transform_4(%arg0: i32) -> (i32, i32) {
    %c0_i32 = arith.constant 0 : i32
    %c0_i32_0 = arith.constant 0 : i32
    return %arg0, %c0_i32 : i32, i32
  }
}

module attributes {stable_mosaic.version = 14 : i64} {
  func.func @_final_body(%arg0: i32, %arg1: memref<2x400x128xf32, #tpu.memory_space<vmem>>, %arg2: memref<400x128xf32, #tpu.memory_space<vmem>>, %arg3: memref<2x400x128xf32, #tpu.memory_space<vmem>>, %arg4: memref<128x40xf32, #tpu.memory_space<vmem>>, %arg5: memref<1x40xf32, #tpu.memory_space<vmem>>, %arg6: memref<400x40xf32, #tpu.memory_space<vmem>>) attributes {dimension_semantics = [#tpu.dimension_semantics<arbitrary>], iteration_bounds = array<i64: 25>, scalar_prefetch = 0 : i64, scratch_operands = 0 : i64, tpu.core_type = #tpu.core_type<tc>, window_params = [{transform_indices = @transform_0, window_bounds = array<i64: 2, 400, 128>}, {transform_indices = @transform_1, window_bounds = array<i64: 400, 128>}, {transform_indices = @transform_2, window_bounds = array<i64: 2, 400, 128>}, {pipeline_mode = #tpu.pipeline_mode<synchronous>, transform_indices = @transform_3, window_bounds = array<i64: 128, 40>}, {pipeline_mode = #tpu.pipeline_mode<synchronous>, transform_indices = @transform_4, window_bounds = array<i64: 1, 40>}, {transform_indices = @transform_5, window_bounds = array<i64: 400, 40>}]} {
    %get3A = arith.constant 0 : index
    %get3A_0 = arith.constant 0 : index
    %get3A_1 = arith.constant 0 : index
    %get3A_2 = vector.load %arg3[%get3A, %get3A_0, %get3A_1] : memref<2x400x128xf32, #tpu.memory_space<vmem>>, vector<1x400x1xf32>
    %get3A_3 = vector.shape_cast %get3A_2 : vector<1x400x1xf32> to vector<400x1xf32>
    %get3A_4 = arith.constant 1 : index
    %get3A_5 = arith.constant 0 : index
    %get3A_6 = arith.constant 0 : index
    %get3A_7 = vector.load %arg3[%get3A_4, %get3A_5, %get3A_6] : memref<2x400x128xf32, #tpu.memory_space<vmem>>, vector<1x400x1xf32>
    %get3A_8 = vector.shape_cast %get3A_7 : vector<1x400x1xf32> to vector<400x1xf32>
    %add3A = arith.addf %get3A_3, %get3A_8 : vector<400x1xf32>
    %add3A_9 = arith.constant 1.000000e+00 : f32
    %add3A_10 = vector.broadcast %add3A_9 : f32 to vector<400x1xf32>
    %add3A_11 = arith.addf %add3A, %add3A_10 : vector<400x1xf32>
    %rsqrt3A = math.rsqrt %add3A_11 : vector<400x1xf32>
    %get3A_12 = arith.constant 0 : index
    %get3A_13 = arith.constant 0 : index
    %get3A_14 = arith.constant 0 : index
    %get3A_15 = vector.load %arg1[%get3A_12, %get3A_13, %get3A_14] : memref<2x400x128xf32, #tpu.memory_space<vmem>>, vector<1x400x128xf32>
    %get3A_16 = vector.shape_cast %get3A_15 : vector<1x400x128xf32> to vector<400x128xf32>
    %get3A_17 = arith.constant 1 : index
    %get3A_18 = arith.constant 0 : index
    %get3A_19 = arith.constant 0 : index
    %get3A_20 = vector.load %arg1[%get3A_17, %get3A_18, %get3A_19] : memref<2x400x128xf32, #tpu.memory_space<vmem>>, vector<1x400x128xf32>
    %get3A_21 = vector.shape_cast %get3A_20 : vector<1x400x128xf32> to vector<400x128xf32>
    %add3A_22 = arith.addf %get3A_16, %get3A_21 : vector<400x128xf32>
    %get3A_23 = arith.constant 0 : index
    %get3A_24 = arith.constant 0 : index
    %get3A_25 = vector.load %arg2[%get3A_23, %get3A_24] : memref<400x128xf32, #tpu.memory_space<vmem>>, vector<400x128xf32>
    %add3A_26 = arith.addf %add3A_22, %get3A_25 : vector<400x128xf32>
    %mul3A = vector.broadcast %rsqrt3A : vector<400x1xf32> to vector<400x128xf32>
    %mul3A_27 = arith.mulf %add3A_26, %mul3A : vector<400x128xf32>
    %get3A_28 = arith.constant 0 : index
    %get3A_29 = arith.constant 0 : index
    %get3A_30 = vector.load %arg4[%get3A_28, %get3A_29] : memref<128x40xf32, #tpu.memory_space<vmem>>, vector<128x40xf32>
    %dot_general3A = arith.constant dense<0.000000e+00> : vector<400x40xf32>
    %dot_general3A_31 = tpu.matmul %mul3A_27, %get3A_30, %dot_general3A {dimension_numbers = #tpu.dot_dimension_numbers<[1], [0], [0], [1], [0, 0, 1, 1], [], []>, transpose_lhs_hint = false} : vector<400x128xf32>, vector<128x40xf32>, vector<400x40xf32> -> vector<400x40xf32>
    %get3A_32 = arith.constant 0 : index
    %get3A_33 = arith.constant 0 : index
    %get3A_34 = vector.load %arg5[%get3A_32, %get3A_33] : memref<1x40xf32, #tpu.memory_space<vmem>>, vector<1x40xf32>
    %add3A_35 = vector.broadcast %get3A_34 : vector<1x40xf32> to vector<400x40xf32>
    %add3A_36 = arith.addf %dot_general3A_31, %add3A_35 : vector<400x40xf32>
    %reduce_max3A = arith.constant dense<0xFF800000> : vector<400xf32>
    %reduce_max3A_37 = vector.multi_reduction <maximumf>, %add3A_36, %reduce_max3A [1] : vector<400x40xf32> to vector<400xf32>
    %broadcast_in_dim3A = vector.shape_cast %reduce_max3A_37 : vector<400xf32> to vector<400x1xf32>
    %sub3A = vector.broadcast %broadcast_in_dim3A : vector<400x1xf32> to vector<400x40xf32>
    %sub3A_38 = arith.subf %add3A_36, %sub3A : vector<400x40xf32>
    %exp3A = math.exp %sub3A_38 : vector<400x40xf32>
    %reduce_sum3A = arith.constant dense<0.000000e+00> : vector<400xf32>
    %reduce_sum3A_39 = vector.multi_reduction <add>, %exp3A, %reduce_sum3A [1] : vector<400x40xf32> to vector<400xf32>
    %broadcast_in_dim3A_40 = vector.shape_cast %reduce_sum3A_39 : vector<400xf32> to vector<400x1xf32>
    %log3A = math.log %broadcast_in_dim3A_40 : vector<400x1xf32>
    %sub3A_41 = vector.broadcast %log3A : vector<400x1xf32> to vector<400x40xf32>
    %sub3A_42 = arith.subf %sub3A_38, %sub3A_41 : vector<400x40xf32>
    %swap3A = arith.constant 0 : index
    %swap3A_43 = arith.constant 0 : index
    %swap3A_44 = vector.load %arg6[%swap3A, %swap3A_43] : memref<400x40xf32, #tpu.memory_space<vmem>>, vector<400x40xf32>
    tpu.vector_store %arg6[%swap3A, %swap3A_43], %sub3A_42 {strides = array<i32>} : memref<400x40xf32, #tpu.memory_space<vmem>>, vector<400x40xf32>,
    return
  }
  func.func @transform_0(%arg0: i32) -> (i32, i32, i32) {
    %c0_i32 = arith.constant 0 : i32
    %c0_i32_0 = arith.constant 0 : i32
    %c0_i32_1 = arith.constant 0 : i32
    return %c0_i32, %arg0, %c0_i32_0 : i32, i32, i32
  }
  func.func @transform_1(%arg0: i32) -> (i32, i32) {
    %c0_i32 = arith.constant 0 : i32
    %c0_i32_0 = arith.constant 0 : i32
    return %arg0, %c0_i32 : i32, i32
  }
  func.func @transform_2(%arg0: i32) -> (i32, i32, i32) {
    %c0_i32 = arith.constant 0 : i32
    %c0_i32_0 = arith.constant 0 : i32
    %c0_i32_1 = arith.constant 0 : i32
    return %c0_i32, %arg0, %c0_i32_0 : i32, i32, i32
  }
  func.func @transform_3(%arg0: i32) -> (i32, i32) {
    %c0_i32 = arith.constant 0 : i32
    %c0_i32_0 = arith.constant 0 : i32
    %c0_i32_1 = arith.constant 0 : i32
    return %c0_i32, %c0_i32_0 : i32, i32
  }
  func.func @transform_4(%arg0: i32) -> (i32, i32) {
    %c0_i32 = arith.constant 0 : i32
    %c0_i32_0 = arith.constant 0 : i32
    %c0_i32_1 = arith.constant 0 : i32
    return %c0_i32, %c0_i32_0 : i32, i32
  }
  func.func @transform_5(%arg0: i32) -> (i32, i32) {
    %c0_i32 = arith.constant 0 : i32
    %c0_i32_0 = arith.constant 0 : i32
    return %arg0, %c0_i32 : i32, i32
  }
}

</mosaic_0001>

<sc_bundles>
// kernel: kernel.16.cloned.1.call-start
scs
__scs_entry_jumppad:
0x0: {  	(pc) =	sbr.rel $0x88, $3  }
0x1: {  	(tag) =	ssettag $0x0;
	lr =	simm.s32 $0x1  }
0x2: {  	[smem:$0x3F93] =	sst lr;
	_ =	strace $0xD0000000  }
0x3: {  	_ = 	snop  }
0x4: {  	_ = 	snop  }
0x5: {  	_ = 	snop  }
0x6: {  	_ = 	snop  }
0x7: {  	_ = 	snop  }
__scs_overlays_trampoline_lowered:
0x8: {  	[smem:$0x3FA2] =	sst s0  }
0x9: {  	[smem:$0x3FA3] =	sst s1  }
0xa: {  	[smem:$0x3FA4] =	sst s2  }
0xb: {  	[smem:$0x3FA5] =	sst s3  }
0xc: {  	[smem:$0x3FA6] =	sst s4  }
0xd: {  	[smem:$0x3FA7] =	sst s5  }
0xe: {  	[smem:$0x3FA8] =	sst s6  }
0xf: {  	[smem:$0x3FA9] =	sst s7  }
0x10: {  	[smem:$0x3FAA] =	sst s8  }
0x11: {  	[smem:$0x3FAB] =	sst s9;
	s0 =	simm.s32 @!p0 $0x0  }
0x12: {  	s1 =	sld [smem:$0x3F91];
	s0 =	simm.s32 @p0 $0x1  }
0x13: {  	[smem:$0x3FAC] =	sst s0;
	s0 =	simm.s32 @!p1 $0x0  }
0x14: {  	s2 =	sld [smem:$0x3F90];
	s0 =	simm.s32 @p1 $0x1  }
0x15: {  	[smem:$0x3FAD] =	sst s0;
	s0 =	simm.s32 @!p2 $0x0  }
0x16: {  	s3 =	sld [smem:$0x3FDB];
	s0 =	simm.s32 @p2 $0x1  }
0x17: {  	s4 =	simm.s32 $0x1BF5;
	[smem:$0x3FAF] =	sst s0  }
0x18: {  	s0 =	sld [smem:$0x3F92];
	_ =	swait.ge [sflag:s4], $0x0  }
0x19: {  	s7 =	sld [smem:$0x3F93]  }
0x1a: {  	s8 =	sadd.s32 $0xFFFFE003, lr  }
0x1b: {  	s9 =	sadd.s32 $0xFFFFFEF7, lr;
	s5 =	simm.s32 $0xFFFFFFFF;
	p2 =	slt.u32 s8, $0xFFFFF086  }
0x1c: {  	p1 =	slt.u32 s9, $0xF7A;
	s5 =	simm.s32 @!p2 $0x0  }
0x1d: {  	s5 =	simm.s32 @p1 $0x1;
	p0 =	seq.s32 s7, s2  }
0x1e: {  	s7 =	smul.u32 @!p0 $0xF7A, s2;
	p2 =	seq.s32 @!p0 s5, $0x0  }
0x1f: {  	s9 =	smul.u32 $0xF7A, s1;
	s8 =	simm.s32 @!p0 $0x1BF5;
	p2 =	por !p2, p0  }
0x20: {  	[sflag:s8] =	ssyncset.s32 @!p0 $0xFFFFF086;
	s6 =	sadd.s32 @!p0 s3, s7;
	s7 =	simm.s32 @!p0 $0x108  }
0x21: {  	s3 =	sadd.s32 s3, s9;
	s6 =	sadd.s32 @!p0 $0x88, s6;
	s7 =	simm.s32 @p2 $0x1082  }
0x22: {  	[simem:s7], [sflag:s8] =	dma.local @!p0 [hbm:s6], $0xF7A  }
0x23: {  	s9 =	sor.u32 $0xD0000000, s2;
	s6 =	simm.s32 $0x108;
	_ =	swait.ge @!p0 [sflag:s8], $0x0  }
0x24: {  	s3 =	sadd.s32 $0x88, s3;
	s6 =	simm.s32 @!p1 $0x1082;
	[sflag:s4] =	ssyncset.s32 $0xFFFFF086  }
0x25: {  	[simem:s6], [sflag:s4] =	dma.local [hbm:s3], $0xF7A  }
0x26: {  	[smem:$0x3F93] =	sst s1;
	(tag) =	ssettag s2;
	_ =	strace s9  }
0x27: {  	s1 =	sld [smem:$0x3FA3]  }
0x28: {  	s2 =	sld [smem:$0x3FA4]  }
0x29: {  	s4 =	sld [smem:$0x3FA6]  }
0x2a: {  	p0 =	seq.s32 s5, $0x0;
	s5 =	sld [smem:$0x3FA7]  }
0x2b: {  	s6 =	sld [smem:$0x3FA8]  }
0x2c: {  	s7 =	sld [smem:$0x3FA9]  }
0x2d: {  	s3 =	simm.s32 $0x108;
	s8 =	sld [smem:$0x3FAA]  }
0x2e: {  	s3 =	simm.s32 @!p0 $0x1082;
	s9 =	sld [smem:$0x3FAB]  }
0x2f: {  	lr =	sadd.s32 s0, s3;
	s0 =	sld [smem:$0x3FA2]  }
0x30: {  	s3 =	sld [smem:$0x3FA5]  }
0x31: {  	[smem:$0x3FAE] =	sst s10  }
0x32: {  	s10 =	sld [smem:$0x3FAC];
	_ =	sdelay $0x3  }
0x33: {  	p0 =	seq.s32 s10, $0x1;
	s10 =	sld [smem:$0x3FAE];
	_ =	sdelay $0x3  }
0x34: {  	[smem:$0x3FAE] =	sst s10  }
0x35: {  	s10 =	sld [smem:$0x3FAD];
	_ =	sdelay $0x3  }
0x36: {  	p1 =	seq.s32 s10, $0x1;
	s10 =	sld [smem:$0x3FAE];
	_ =	sdelay $0x3  }
0x37: {  	[smem:$0x3FAE] =	sst s10  }
0x38: {  	s10 =	sld [smem:$0x3FAF]  }
0x39: {  	_ = 	snop;
	(pc) =	sbr.ind lr, $3  }
0x3a: {  	_ = 	snop  }
0x3b: {  	_ = 	snop  }
0x3c: {  	p2 =	seq.s32 s10, $0x1;
	s10 =	sld [smem:$0x3FAE]  }
0x3d: {  	_ =	shalt  }
0x3e: {  	_ =	shalt  }
0x3f: {  	_ =	shalt  }
0x40: {  	_ =	shalt  }
0x41: {  	_ =	shalt  }
0x42: {  	_ =	shalt  }
0x43: {  	_ =	shalt  }
0x44: {  	_ =	shalt  }
0x45: {  	_ =	shalt  }
0x46: {  	_ =	shalt  }
0x47: {  	_ =	shalt  }
0x48: {  	_ =	shalt  }
0x49: {  	_ =	shalt  }
0x4a: {  	_ =	shalt  }
0x4b: {  	_ =	shalt  }
0x4c: {  	_ =	shalt  }
0x4d: {  	_ =	shalt  }
0x4e: {  	_ =	shalt  }
0x4f: {  	_ =	shalt  }
0x50: {  	_ =	shalt  }
0x51: {  	_ =	shalt  }
0x52: {  	_ =	shalt  }
0x53: {  	_ =	shalt  }
0x54: {  	_ =	shalt  }
0x55: {  	_ =	shalt  }
0x56: {  	_ =	shalt  }
0x57: {  	_ =	shalt  }
0x58: {  	_ =	shalt  }
0x59: {  	_ =	shalt  }
0x5a: {  	_ =	shalt  }
0x5b: {  	_ =	shalt  }
0x5c: {  	_ =	shalt  }
0x5d: {  	_ =	shalt  }
0x5e: {  	_ =	shalt  }
0x5f: {  	_ =	shalt  }
0x60: {  	_ =	shalt  }
0x61: {  	_ =	shalt  }
0x62: {  	_ =	shalt  }
0x63: {  	_ =	shalt  }
0x64: {  	_ =	shalt  }
0x65: {  	_ =	shalt  }
0x66: {  	_ =	shalt  }
0x67: {  	_ =	shalt  }
0x68: {  	_ =	shalt  }
0x69: {  	_ =	shalt  }
0x6a: {  	_ =	shalt  }
0x6b: {  	_ =	shalt  }
0x6c: {  	_ =	shalt  }
0x6d: {  	_ =	shalt  }
0x6e: {  	_ =	shalt  }
0x6f: {  	_ =	shalt  }
0x70: {  	_ =	shalt  }
0x71: {  	_ =	shalt  }
0x72: {  	_ =	shalt  }
0x73: {  	_ =	shalt  }
0x74: {  	_ =	shalt  }
0x75: {  	_ =	shalt  }
0x76: {  	_ =	shalt  }
0x77: {  	_ =	shalt  }
0x78: {  	_ =	shalt  }
0x79: {  	_ =	shalt  }
0x7a: {  	_ =	shalt  }
0x7b: {  	_ =	shalt  }
0x7c: {  	_ =	shalt  }
0x7d: {  	_ =	shalt  }
0x7e: {  	_ =	shalt  }
0x7f: {  	_ =	shalt  }
0x80: {  	_ =	shalt  }
0x81: {  	_ =	shalt  }
0x82: {  	_ =	shalt  }
0x83: {  	_ =	shalt  }
0x84: {  	_ =	shalt  }
0x85: {  	_ =	shalt  }
0x86: {  	_ =	shalt  }
0x87: {  	_ =	shalt  }
.Lfunc_end0:
.L_simem_size_0:
called_computation_lowered:
.L_overlay_start_0:
0x88: {  	s2 =	sld [smem:$0x3FD9]  }
0x89: {  	s3 =	sld [smem:$0x3FFE];
	_ =	sdelay $0x1  }
0x8a: {  	s1 =	srdreg.scid  }
0x8b: {  	s0 =	sand.u32 $0x1, s1  }
0x8c: {  	s16 =	sshll.u32 s0, $0xA;
	s2 =	sadd.s32 s3, s2  }
0x8d: {  	s2 =	sadd.s32 s2, s16  }
0x8e: {  	[smem:$0x3FBA] =	sst s2  }
0x8f: {  	_ = 	snop  }
0x90: {  	(tm) =	ssettm $0x1  }
0x91: {  	s17 =	sld [smem:$0x3FFB];
	_ =	sdelay $0x3  }
0x92: {  	_ =	strace s17  }
0x93: {  	s2 =	sld [smem:$0x3FFC];
	_ =	sdelay $0x3  }
0x94: {  	_ =	strace s2  }
0x95: {  	s2 =	sld [smem:$0x3FFD];
	_ =	sdelay $0x3  }
0x96: {  	_ =	strace s2  }
0x97: {  	_ =	strace $0x8FFFFFFF  }
0x98: {  	s18 =	sld [smem:$0x3FDB];
	_ =	sdelay $0x1  }
0x99: {  	s19 =	simm.s32 $_scs_section_size  }
0x9a: {  	s4 =	simm.s32 $_size__tile_overlayer_lowered;
	s5 =	simm.s32 $_tile_overlayer_lowered  }
0x9b: {  	s22 =	simm.s32 $0x1BFF;
	s21 =	sshll.u32 s5, $0x1;
	s2 =	sadd.s32 s19, s18  }
0x9c: {  	s6 =	simm.s32 $0x0;
	s20 =	sshll.u32 s4, $0x1;
	s4 =	sadd.s32 s21, s2  }
0x9d: {  	[timem:s6], [sflag:s22] =	dma.local [hbm:s4], s20  }
0x9e: {  	_ =	swait.ge [sflag:s22], s20  }
0x9f: {  	s3 =	ssub.s32 $0x0, s20;
	[sflag:s22] =	ssyncset.done $0x0  }
0xa0: {  	[sflag:s22] =	ssyncadd.s32 s3;
	_ =	sdelay $0x1  }
0xa1: {  	s23 =	simm.s32 $0x1B8B  }
0xa2: {  	_ =	swait.ge [sflag:s23], $0x1  }
0xa3: {  	[sflag:s23] =	ssyncset.done $0x0  }
0xa4: {  	s25 =	simm.s32 $0x1B8E;
	s24 =	sld [smem:$0x3FFE];
	[sflag:s23] =	ssyncadd.s32 $0xFFFFFFFF  }
0xa5: {  	s26 =	simm.s32 $execute0_lowered;
	[smem:$0x3FD2] =	sst s25  }
0xa6: {  	s4 =	sshll.u32 s26, $0x1;
	_ =	strace $0x80000046;
	[dreg:$0x1] =	wrdreg $0xFFFFFFFF  }
0xa7: {  	s28 =	simm.s32 $_size_execute0_lowered;
	s2 =	sadd.s32 s2, s4;
	[dreg:$0x0] =	wrdreg $0x0  }
0xa8: {  	s4 =	sshll.u32 s28, $0x1;
	[dreg:$0x2] =	wrdreg s2  }
0xa9: {  	[dreg:$0x3] =	wrdreg s4  }
0xaa: {  	[dreg:$0x4] =	wrdreg $0xC0  }
0xab: {  	_ =	task [dreg:s6], $0x5FFFF  }
0xac: {  	[dreg:$0x1] =	wrdreg $0xFFFFFFFF  }
0xad: {  	[dreg:$0x0] =	wrdreg $0x60  }
0xae: {  	[dreg:$0x2] =	wrdreg s24  }
0xaf: {  	[dreg:$0x3] =	wrdreg $0xA8000  }
0xb0: {  	[dreg:$0x4] =	wrdreg $0x9  }
0xb1: {  	_ =	task.clear_ibuf [dreg:s6], $0x5FFFF;
	_ =	strace $0x90000046  }
0xb2: {  	s29 =	simm.s32 $0x9;
	_ =	strace $0x80000048  }
0xb3: {  	_ =	swait.ge [sflag:s29], $0x1  }
0xb4: {  	[sflag:s29] =	ssyncadd.s32 $0xFFFFFFFF  }
0xb5: {  	_ =	strace $0x90000048  }
0xb6: {  	_ =	sfence  }
0xb7: {  	s30 =	sld [smem:$0x0];
	_ =	sdelay $0x2  }
0xb8: {  	s31 =	sshll.u32 s1, $0xD;
	s1 =	sshrl.u32 s1, $0x2  }
0xb9: {  	s3 =	sand.u32 $0x4000, s31;
	s1 =	sadd.s32 s1, s30  }
0xba: {  	s0 =	sor.u32 s3, s0;
	s1 =	sshll.u32 s1, $0x11  }
0xbb: {  	s0 =	sor.u32 s1, s0  }
0xbc: {  	s0 =	sadd.s32 $0x8F2B, s0  }
0xbd: {  	[sflag:s0] =	ssyncadd.remote.s32 $0x1  }
0xbe: {  	_ =	sfence.sel $0xFFFF  }
0xbf: {  	[dreg:$0x0] =	wrdreg $0xFFFFFFFF;
	(pc) =	sbr.abs _section_cstart, $3  }
0xc0: {  	[dreg:$0x1] =	wrdreg $0xFFFFFFFF  }
0xc1: {  	_ =	task.clear_ibuf [dreg:s6], $0x2FFFF;
	_ =	strace $0x9FFFFFFF  }
0xc2: {  	(tm) =	ssettm $0x7FFFFFFF  }
0xc3: {  	_ =	shalt  }
tec
execute0_lowered:
.L_overlay_start_1:
0x0: {  	(tag) =	ssettag $0x1  }
0x1: {  	s4 =	rddreg [dreg:$0x0]  }
0x2: {  	s2 =	rddreg [dreg:$0x1];
	s1 =	srdreg.scid  }
0x3: {  	s0 =	rddreg [dreg:$0x2];
	s3 =	simm.s32 $0x0;
	s12 =	simm.s32 $0x6800  }
0x4: {  	s13 =	simm.s32 $0x3;
	s14 =	simm.s32 $0x1;
	s15 =	simm.s32 $0x80  }
0x5: {  	s16 =	simm.s32 $0x2800;
	s17 =	simm.s32 $0x2;
	s5 =	sand.u32 $0x1, s1  }
0x6: {  	s18 =	simm.s32 $0x2780;
	s1 =	stileid.u32;
	s6 =	smul.u32 $0x140000, s5  }
0x7: {  	s19 =	simm.s32 $0x0;
	[smem:$0x7FF] =	sst s3;
	s8 =	smul.u32 $0x14000, s1  }
0x8: {  	s7 =	sshll.u32 s5, $0x4;
	s5 =	ssub.s32 $0x2, s5;
	s29 =	smul.u32 $0x50000, s1  }
0x9: {  	_ =	strace $0x80000047;
	s7 =	sor.u32 s1, s7;
	s30 =	sshrl.u32 s5, $0x1  }
0xa: {  	s7 =	smul.u32 $0x500, s7;
	s6 =	sadd.s32 s8, s6;
	s31 =	sshrl.u32 s29, $0x2  }
0xb: {  	s9 =	ssub.s32 s5, s30;
	s6 =	sshrl.u32 s6, $0x3;
	s5 =	sadd.s32 s31, s2  }
0xc: {  	s7 =	sadd.s32 s7, s4;
	s6 =	sadd.s32 s6, s4;
	s8 =	sadd.s32 $0x4000, s5  }
0xd: {  	s10 =	sadd.s32 $0xC000, s5;
	s11 =	sadd.s32 $0x10000, s5;
	s4 =	sadd.s32 $0x6200, s7  }
0xe: {  	v0 =	vimm.f32 $0.0e+00;
	v1 =	vimm.f32 $1.000000000e+00;
	s6 =	sadd.s32 $0x10200, s6;
	s7 =	smax.u32 s9, $0x1;
	s9 =	sadd.s32 $0x8000, s5  }
.LBB2_1:
0xf: {  	[tilespmem:s3], [sflag:$0x1] =	stream.linear.gather [hbm4b:s4+s3], $0x2800, $0x38;
	[tilespmem:$0x1E800] =	vst v63  }
0x10: {  	s20 =	simm.s32 $0x0;
	s21 =	simm.s32 $0x0  }
.LBB2_2:
0x11: {  	p0 =	sne.s32 s21, $0xFFC0  }
.Ltmp0:
0x12: {  	_ = 	snop;
	(pc) =	sbr.rel @p0 .LBB2_2-.Ltmp0, $4  }
0x13: {  	s22 =	sand.u32 $0xFE00, s21  }
0x14: {  	s23 =	sand.u32 $0x70, s20;
	s22 =	sshrl.u32 s22, $0x2  }
0x15: {  	s22 =	sor.u32 s23, s22  }
0x16: {  	s20 =	sadd.s32 $0x10, s20;
	s21 =	sadd.s32 $0x40, s21;
	[tilespmem:s22+$0x6800] =	vst v0  }
0x17: {  	s20 =	simm.s32 $0x0  }
0x18: {  	s21 =	sand.u32 $0xFE00, s20  }
0x19: {  	s22 =	sand.u32 $0x70, s20;
	s23 =	sshrl.u32 s21, $0x2  }
0x1a: {  	s21 =	simm.s32 $0x40;
	s22 =	sor.u32 s22, s23  }
.LBB2_4:
0x1b: {  	p0 =	sne.s32 s21, $0xFFC0  }
0x1c: {  	[tilespmem:s22+$0x2800] =	vst v1;
	s20 =	sadd.s32 $0x10, s20;
	s22 =	smov.u32 s21;
	s21 =	sadd.s32 $0x40, s21  }
.Ltmp1:
0x1d: {  	(pc) =	sbr.rel @p0 .LBB2_4-.Ltmp1, $4  }
0x1e: {  	_ = 	snop  }
0x1f: {  	s22 =	sand.u32 $0xFE00, s22  }
0x20: {  	s23 =	sand.u32 $0x70, s20;
	s22 =	sshrl.u32 s22, $0x2  }
0x21: {  	s22 =	sor.u32 s23, s22  }
0x22: {  	[tilespmem:s22+$0x2800] =	vst v1  }
0x23: {  	[spmem:s5] =	stream.linear.scatter [tilespmem:s12], [sflag:$0x3], $0x4000, $0x38;
	[tilespmem:$0x1E800] =	vst v63  }
0x24: {  	_ =	swait.ge [sflag:s13], $0x4000  }
0x25: {  	[sflag:s13] =	ssyncset.done $0x0  }
0x26: {  	[sflag:s13] =	ssyncadd.s32 $0xFFFFC000  }
0x27: {  	[spmem:s8] =	stream.linear.scatter [tilespmem:s12], [sflag:$0x3], $0x4000, $0x38;
	[tilespmem:$0x1E800] =	vst v63  }
0x28: {  	_ =	swait.ge [sflag:s13], $0x4000  }
0x29: {  	[sflag:s13] =	ssyncset.done $0x0  }
0x2a: {  	[sflag:s13] =	ssyncadd.s32 $0xFFFFC000  }
0x2b: {  	[spmem:s9] =	stream.linear.scatter [tilespmem:s12], [sflag:$0x3], $0x4000, $0x38;
	[tilespmem:$0x1E800] =	vst v63  }
0x2c: {  	_ =	swait.ge [sflag:s13], $0x4000  }
0x2d: {  	[sflag:s13] =	ssyncset.done $0x0  }
0x2e: {  	[sflag:s13] =	ssyncadd.s32 $0xFFFFC000  }
0x2f: {  	[spmem:s10] =	stream.linear.scatter [tilespmem:s12], [sflag:$0x3], $0x4000, $0x38;
	[tilespmem:$0x1E800] =	vst v63  }
0x30: {  	_ =	swait.ge [sflag:s13], $0x4000  }
0x31: {  	[sflag:s13] =	ssyncset.done $0x0  }
0x32: {  	[sflag:s13] =	ssyncadd.s32 $0xFFFFC000  }
0x33: {  	[spmem:s11] =	stream.linear.scatter [tilespmem:s12], [sflag:$0x3], $0x4000, $0x38;
	[tilespmem:$0x1E800] =	vst v63  }
0x34: {  	_ =	swait.ge [sflag:s13], $0x4000  }
0x35: {  	[sflag:s13] =	ssyncset.done $0x0  }
0x36: {  	[sflag:s13] =	ssyncadd.s32 $0xFFFFC000  }
0x37: {  	_ =	swait.ge [sflag:s14], $0x2800  }
0x38: {  	[sflag:s14] =	ssyncset.done $0x0  }
0x39: {  	[sflag:s14] =	ssyncadd.s32 $0xFFFFD800  }
0x3a: {  	[bflag:$0x0] =	sbarrier.arrive $0xFFFF  }
0x3b: {  	[spmem:s2] =	stream.indirect.scatter.add.f32 [tilespmem:s16], [sflag:$0x1], $0x80, s3, s15, $0xb8;
	[tilespmem:$0x1E800] =	vst v63  }
0x3c: {  	s20 =	simm.s32 $0x80  }
0x3d: {  	[spmem:s2] =	stream.indirect.scatter.add.f32 [tilespmem:s16], [sflag:$0x2], $0x80, s20, s15, $0xb8;
	[tilespmem:$0x1E800] =	vst v63  }
0x3e: {  	_ =	swait.ge [sflag:s14], $0x4000  }
0x3f: {  	[sflag:s14] =	ssyncset.done $0x0  }
0x40: {  	s31 =	simm.s32 $0x100;
	[sflag:s14] =	ssyncadd.s32 $0xFFFFC000  }
0x41: {  	[spmem:s2] =	stream.indirect.scatter.add.f32 [tilespmem:s16], [sflag:$0x1], $0x80, s31, s15, $0xb8;
	[tilespmem:$0x1E800] =	vst v63  }
0x42: {  	_ =	swait.ge [sflag:s17], $0x4000  }
0x43: {  	s21 =	simm.s32 $0xFFFF6C00;
	s20 =	simm.s32 $0xFFFFDA00;
	[sflag:s17] =	ssyncset.done $0x0  }
.LBB2_6:
0x44: {  	s22 =	sadd.s32 $0x2780, s20  }
0x45: {  	[sflag:s17] =	ssyncadd.s32 $0xFFFFC000;
	s23 =	smov.u32 s21;
	s24 =	sadd.s32 $0x400, s21  }
0x46: {  	[spmem:s2] =	stream.indirect.scatter.add.f32 [tilespmem:s16], [sflag:$0x2], $0x80, s22, s15, $0xb8;
	[tilespmem:$0x1E800] =	vst v63  }
0x47: {  	p0 =	sne.s32 s21, $0xFFFFFC00;
	_ =	swait.ge [sflag:s14], $0x4000  }
.Ltmp2:
0x48: {  	[sflag:s14] =	ssyncset.done $0x0;
	(pc) =	sbr.rel @p0 .LBB2_6-.Ltmp2, $4  }
0x49: {  	s20 =	sadd.s32 $0x2800, s20;
	[sflag:s14] =	ssyncadd.s32 $0xFFFFC000  }
0x4a: {  	[spmem:s2] =	stream.indirect.scatter.add.f32 [tilespmem:s16], [sflag:$0x1], $0x80, s20, s15, $0xb8;
	[tilespmem:$0x1E800] =	vst v63  }
0x4b: {  	_ =	swait.ge [sflag:s17], $0x4000  }
0x4c: {  	s21 =	smov.u32 s24;
	s20 =	sshra.s32 s23, $0x2;
	[sflag:s17] =	ssyncset.done $0x0  }
0x4d: {  	s21 =	sadd.s32 $0x2780, s20;
	[sflag:s17] =	ssyncadd.s32 $0xFFFFC000  }
0x4e: {  	[spmem:s2] =	stream.indirect.scatter.add.f32 [tilespmem:s16], [sflag:$0x2], $0x80, s21, s15, $0xb8;
	[tilespmem:$0x1E800] =	vst v63  }
0x4f: {  	_ =	swait.ge [sflag:s14], $0x4000  }
0x50: {  	[sflag:s14] =	ssyncset.done $0x0  }
0x51: {  	s29 =	sadd.s32 $0x2800, s20;
	[sflag:s14] =	ssyncadd.s32 $0xFFFFC000  }
0x52: {  	[spmem:s2] =	stream.indirect.scatter.add.f32 [tilespmem:s16], [sflag:$0x1], $0x80, s29, s15, $0xb8;
	[tilespmem:$0x1E800] =	vst v63  }
0x53: {  	_ =	swait.ge [sflag:s17], $0x4000  }
0x54: {  	[sflag:s17] =	ssyncset.done $0x0  }
0x55: {  	[sflag:s17] =	ssyncadd.s32 $0xFFFFC000  }
0x56: {  	[spmem:s2] =	stream.indirect.scatter.add.f32 [tilespmem:s16], [sflag:$0x2], $0x80, s18, s15, $0xb8;
	[tilespmem:$0x1E800] =	vst v63  }
0x57: {  	_ =	swait.ge [sflag:s14], $0x4000  }
0x58: {  	[sflag:s14] =	ssyncset.done $0x0  }
0x59: {  	[sflag:s14] =	ssyncadd.s32 $0xFFFFC000  }
0x5a: {  	_ =	swait.ge [sflag:s17], $0x4000  }
0x5b: {  	s30 =	sshll.u32 s1, $0x6;
	s19 =	sadd.s32 $0x1, s19;
	[sflag:s17] =	ssyncset.done $0x0  }
0x5c: {  	s31 =	sshrl.u32 s5, $0x3;
	p0 =	sne.s32 s19, s7;
	[sflag:s17] =	ssyncadd.s32 $0xFFFFC000  }
.Ltmp3:
0x5d: {  	s20 =	sor.u32 $0x1C03, s30;
	[bflag:$0x0] =	sbarrier.arrive $0xFFFF;
	(pc) =	sbr.rel @p0 .LBB2_1-.Ltmp3, $4  }
0x5e: {  	[hbm:s6], [sflag:s20] =	dma.local [spmem:s31], $0x2800  }
0x5f: {  	_ =	swait.ge [sflag:s13], $0x2800  }
0x60: {  	[sflag:s13] =	ssyncset.done $0x0  }
0x61: {  	[sflag:s13] =	ssyncadd.s32 $0xFFFFD800  }
0x62: {  	_ =	sfence.sel $0x180000  }
0x63: {  	[bflag:$0x0] =	sbarrier.arrive $0xFFFF  }
0x64: {  	p0 =	sne.s32 s1, $0x0;
	_ =	strace $0x90000047  }
0x65: {  	s0 =	sadd.s32 @!p0 $0x100000, s0;
	[bflag:$0x2] =	sbarrier.arrive $0xFFFF  }
0x66: {  	[sflag:s0] =	ssyncadd.tile.s32 @!p0 $0x1;
	_ =	shalt  }
.Lfunc_end2:
_tile_overlayer_lowered:
.L_overlay_start_2:
0x67: {  	(tag) =	ssettag $0x2  }
0x68: {  	s0 =	rddreg [dreg:$0x0];
	s2 =	stileid.u32  }
0x69: {  	s1 =	rddreg [dreg:$0x1];
	p0 =	sne.s32 s2, $0x0  }
0x6a: {  	s3 =	rddreg [dreg:$0x2];
	[bflag:$0x3] =	sbarrier.arrive $0xFFFF;
	s2 =	simm.s32 @!p0 $0x1C03  }
0x6b: {  	[timem:s3], [sflag:s2] =	dma.local @!p0 [hbm:s0], s1  }
0x6c: {  	s0 =	simm.s32 @!p0 $0x3  }
0x6d: {  	_ =	swait.ge @!p0 [sflag:s0], s1  }
0x6e: {  	s1 =	ssub.s32 @!p0 $0x0, s1;
	[sflag:s0] =	ssyncset.done @!p0 $0x0  }
0x6f: {  	[sflag:s0] =	ssyncadd.s32 @!p0 s1  }
0x70: {  	[bflag:$0x3] =	sbarrier.arrive $0xFFFF  }
0x71: {  	_ =	shalt  }

// kernel: kernel.19.cloned.1.call-start
scs
__scs_entry_jumppad:
0x0: {  	(pc) =	sbr.rel $0x88, $3  }
0x1: {  	(tag) =	ssettag $0x0;
	lr =	simm.s32 $0x1  }
0x2: {  	[smem:$0x3F93] =	sst lr;
	_ =	strace $0xD0000000  }
0x3: {  	_ = 	snop  }
0x4: {  	_ = 	snop  }
0x5: {  	_ = 	snop  }
0x6: {  	_ = 	snop  }
0x7: {  	_ = 	snop  }
__scs_overlays_trampoline_lowered:
0x8: {  	[smem:$0x3FA2] =	sst s0  }
0x9: {  	[smem:$0x3FA3] =	sst s1  }
0xa: {  	[smem:$0x3FA4] =	sst s2  }
0xb: {  	[smem:$0x3FA5] =	sst s3  }
0xc: {  	[smem:$0x3FA6] =	sst s4  }
0xd: {  	[smem:$0x3FA7] =	sst s5  }
0xe: {  	[smem:$0x3FA8] =	sst s6  }
0xf: {  	[smem:$0x3FA9] =	sst s7  }
0x10: {  	[smem:$0x3FAA] =	sst s8  }
0x11: {  	[smem:$0x3FAB] =	sst s9;
	s0 =	simm.s32 @!p0 $0x0  }
0x12: {  	s1 =	sld [smem:$0x3F91];
	s0 =	simm.s32 @p0 $0x1  }
0x13: {  	[smem:$0x3FAC] =	sst s0;
	s0 =	simm.s32 @!p1 $0x0  }
0x14: {  	s2 =	sld [smem:$0x3F90];
	s0 =	simm.s32 @p1 $0x1  }
0x15: {  	[smem:$0x3FAD] =	sst s0;
	s0 =	simm.s32 @!p2 $0x0  }
0x16: {  	s3 =	sld [smem:$0x3FDB];
	s0 =	simm.s32 @p2 $0x1  }
0x17: {  	s4 =	simm.s32 $0x1BF5;
	[smem:$0x3FAF] =	sst s0  }
0x18: {  	s0 =	sld [smem:$0x3F92];
	_ =	swait.ge [sflag:s4], $0x0  }
0x19: {  	s7 =	sld [smem:$0x3F93]  }
0x1a: {  	s8 =	sadd.s32 $0xFFFFE003, lr  }
0x1b: {  	s9 =	sadd.s32 $0xFFFFFEF7, lr;
	s5 =	simm.s32 $0xFFFFFFFF;
	p2 =	slt.u32 s8, $0xFFFFF086  }
0x1c: {  	p1 =	slt.u32 s9, $0xF7A;
	s5 =	simm.s32 @!p2 $0x0  }
0x1d: {  	s5 =	simm.s32 @p1 $0x1;
	p0 =	seq.s32 s7, s2  }
0x1e: {  	s7 =	smul.u32 @!p0 $0xF7A, s2;
	p2 =	seq.s32 @!p0 s5, $0x0  }
0x1f: {  	s9 =	smul.u32 $0xF7A, s1;
	s8 =	simm.s32 @!p0 $0x1BF5;
	p2 =	por !p2, p0  }
0x20: {  	[sflag:s8] =	ssyncset.s32 @!p0 $0xFFFFF086;
	s6 =	sadd.s32 @!p0 s3, s7;
	s7 =	simm.s32 @!p0 $0x108  }
0x21: {  	s3 =	sadd.s32 s3, s9;
	s6 =	sadd.s32 @!p0 $0x88, s6;
	s7 =	simm.s32 @p2 $0x1082  }
0x22: {  	[simem:s7], [sflag:s8] =	dma.local @!p0 [hbm:s6], $0xF7A  }
0x23: {  	s9 =	sor.u32 $0xD0000000, s2;
	s6 =	simm.s32 $0x108;
	_ =	swait.ge @!p0 [sflag:s8], $0x0  }
0x24: {  	s3 =	sadd.s32 $0x88, s3;
	s6 =	simm.s32 @!p1 $0x1082;
	[sflag:s4] =	ssyncset.s32 $0xFFFFF086  }
0x25: {  	[simem:s6], [sflag:s4] =	dma.local [hbm:s3], $0xF7A  }
0x26: {  	[smem:$0x3F93] =	sst s1;
	(tag) =	ssettag s2;
	_ =	strace s9  }
0x27: {  	s1 =	sld [smem:$0x3FA3]  }
0x28: {  	s2 =	sld [smem:$0x3FA4]  }
0x29: {  	s4 =	sld [smem:$0x3FA6]  }
0x2a: {  	p0 =	seq.s32 s5, $0x0;
	s5 =	sld [smem:$0x3FA7]  }
0x2b: {  	s6 =	sld [smem:$0x3FA8]  }
0x2c: {  	s7 =	sld [smem:$0x3FA9]  }
0x2d: {  	s3 =	simm.s32 $0x108;
	s8 =	sld [smem:$0x3FAA]  }
0x2e: {  	s3 =	simm.s32 @!p0 $0x1082;
	s9 =	sld [smem:$0x3FAB]  }
0x2f: {  	lr =	sadd.s32 s0, s3;
	s0 =	sld [smem:$0x3FA2]  }
0x30: {  	s3 =	sld [smem:$0x3FA5]  }
0x31: {  	[smem:$0x3FAE] =	sst s10  }
0x32: {  	s10 =	sld [smem:$0x3FAC];
	_ =	sdelay $0x3  }
0x33: {  	p0 =	seq.s32 s10, $0x1;
	s10 =	sld [smem:$0x3FAE];
	_ =	sdelay $0x3  }
0x34: {  	[smem:$0x3FAE] =	sst s10  }
0x35: {  	s10 =	sld [smem:$0x3FAD];
	_ =	sdelay $0x3  }
0x36: {  	p1 =	seq.s32 s10, $0x1;
	s10 =	sld [smem:$0x3FAE];
	_ =	sdelay $0x3  }
0x37: {  	[smem:$0x3FAE] =	sst s10  }
0x38: {  	s10 =	sld [smem:$0x3FAF]  }
0x39: {  	_ = 	snop;
	(pc) =	sbr.ind lr, $3  }
0x3a: {  	_ = 	snop  }
0x3b: {  	_ = 	snop  }
0x3c: {  	p2 =	seq.s32 s10, $0x1;
	s10 =	sld [smem:$0x3FAE]  }
0x3d: {  	_ =	shalt  }
0x3e: {  	_ =	shalt  }
0x3f: {  	_ =	shalt  }
0x40: {  	_ =	shalt  }
0x41: {  	_ =	shalt  }
0x42: {  	_ =	shalt  }
0x43: {  	_ =	shalt  }
0x44: {  	_ =	shalt  }
0x45: {  	_ =	shalt  }
0x46: {  	_ =	shalt  }
0x47: {  	_ =	shalt  }
0x48: {  	_ =	shalt  }
0x49: {  	_ =	shalt  }
0x4a: {  	_ =	shalt  }
0x4b: {  	_ =	shalt  }
0x4c: {  	_ =	shalt  }
0x4d: {  	_ =	shalt  }
0x4e: {  	_ =	shalt  }
0x4f: {  	_ =	shalt  }
0x50: {  	_ =	shalt  }
0x51: {  	_ =	shalt  }
0x52: {  	_ =	shalt  }
0x53: {  	_ =	shalt  }
0x54: {  	_ =	shalt  }
0x55: {  	_ =	shalt  }
0x56: {  	_ =	shalt  }
0x57: {  	_ =	shalt  }
0x58: {  	_ =	shalt  }
0x59: {  	_ =	shalt  }
0x5a: {  	_ =	shalt  }
0x5b: {  	_ =	shalt  }
0x5c: {  	_ =	shalt  }
0x5d: {  	_ =	shalt  }
0x5e: {  	_ =	shalt  }
0x5f: {  	_ =	shalt  }
0x60: {  	_ =	shalt  }
0x61: {  	_ =	shalt  }
0x62: {  	_ =	shalt  }
0x63: {  	_ =	shalt  }
0x64: {  	_ =	shalt  }
0x65: {  	_ =	shalt  }
0x66: {  	_ =	shalt  }
0x67: {  	_ =	shalt  }
0x68: {  	_ =	shalt  }
0x69: {  	_ =	shalt  }
0x6a: {  	_ =	shalt  }
0x6b: {  	_ =	shalt  }
0x6c: {  	_ =	shalt  }
0x6d: {  	_ =	shalt  }
0x6e: {  	_ =	shalt  }
0x6f: {  	_ =	shalt  }
0x70: {  	_ =	shalt  }
0x71: {  	_ =	shalt  }
0x72: {  	_ =	shalt  }
0x73: {  	_ =	shalt  }
0x74: {  	_ =	shalt  }
0x75: {  	_ =	shalt  }
0x76: {  	_ =	shalt  }
0x77: {  	_ =	shalt  }
0x78: {  	_ =	shalt  }
0x79: {  	_ =	shalt  }
0x7a: {  	_ =	shalt  }
0x7b: {  	_ =	shalt  }
0x7c: {  	_ =	shalt  }
0x7d: {  	_ =	shalt  }
0x7e: {  	_ =	shalt  }
0x7f: {  	_ =	shalt  }
0x80: {  	_ =	shalt  }
0x81: {  	_ =	shalt  }
0x82: {  	_ =	shalt  }
0x83: {  	_ =	shalt  }
0x84: {  	_ =	shalt  }
0x85: {  	_ =	shalt  }
0x86: {  	_ =	shalt  }
0x87: {  	_ =	shalt  }
.Lfunc_end0:
.L_simem_size_0:
called_computation.1_lowered:
.L_overlay_start_0:
0x88: {  	s2 =	sld [smem:$0x3FD9]  }
0x89: {  	s3 =	sld [smem:$0x3FFE];
	_ =	sdelay $0x1  }
0x8a: {  	s1 =	srdreg.scid  }
0x8b: {  	s0 =	sand.u32 $0x1, s1  }
0x8c: {  	s17 =	sshll.u32 s0, $0xA;
	s2 =	sadd.s32 s3, s2  }
0x8d: {  	s2 =	sadd.s32 s2, s17  }
0x8e: {  	[smem:$0x3FBA] =	sst s2  }
0x8f: {  	_ = 	snop  }
0x90: {  	s2 =	sld [smem:$0x3FD0];
	(tm) =	ssettm $0x1  }
0x91: {  	s18 =	sld [smem:$0x3FFB];
	_ =	sdelay $0x3  }
0x92: {  	_ =	strace s18  }
0x93: {  	s3 =	sld [smem:$0x3FFC];
	_ =	sdelay $0x3  }
0x94: {  	_ =	strace s3  }
0x95: {  	s3 =	sld [smem:$0x3FFD];
	_ =	sdelay $0x3  }
0x96: {  	_ =	strace s3  }
0x97: {  	_ =	strace $0x8FFFFFFF  }
0x98: {  	s19 =	sld [smem:$0x3FDB];
	_ =	sdelay $0x1  }
0x99: {  	s4 =	simm.s32 $_scs_section_size  }
0x9a: {  	s5 =	simm.s32 $_size__tile_overlayer_lowered;
	s6 =	simm.s32 $_tile_overlayer_lowered  }
0x9b: {  	s22 =	simm.s32 $0x1BFF;
	s21 =	sshll.u32 s6, $0x1;
	s3 =	sadd.s32 s4, s19  }
0x9c: {  	s7 =	simm.s32 $0x0;
	s20 =	sshll.u32 s5, $0x1;
	s5 =	sadd.s32 s21, s3  }
0x9d: {  	[timem:s7], [sflag:s22] =	dma.local [hbm:s5], s20  }
0x9e: {  	_ =	swait.ge [sflag:s22], s20  }
0x9f: {  	s4 =	ssub.s32 $0x0, s20;
	[sflag:s22] =	ssyncset.done $0x0  }
0xa0: {  	[sflag:s22] =	ssyncadd.s32 s4;
	_ =	sdelay $0x1  }
0xa1: {  	s23 =	simm.s32 $0x1B8B  }
0xa2: {  	_ =	swait.ge [sflag:s23], $0x1  }
0xa3: {  	[sflag:s23] =	ssyncset.done $0x0  }
0xa4: {  	s25 =	simm.s32 $0x1B8E;
	s24 =	sld [smem:$0x3FFE];
	[sflag:s23] =	ssyncadd.s32 $0xFFFFFFFF  }
0xa5: {  	s26 =	simm.s32 $execute0_lowered;
	[smem:$0x3FD2] =	sst s25  }
0xa6: {  	s5 =	sshll.u32 s26, $0x1;
	_ =	strace $0x80000049;
	[dreg:$0x1] =	wrdreg $0xFFFFFFFF  }
0xa7: {  	s28 =	simm.s32 $_size_execute0_lowered;
	s3 =	sadd.s32 s3, s5;
	[dreg:$0x0] =	wrdreg $0x0  }
0xa8: {  	s5 =	sshll.u32 s28, $0x1;
	[dreg:$0x2] =	wrdreg s3  }
0xa9: {  	[dreg:$0x3] =	wrdreg s5  }
0xaa: {  	[dreg:$0x4] =	wrdreg $0xC0  }
0xab: {  	_ =	task [dreg:s7], $0x5FFFF  }
0xac: {  	[dreg:$0x1] =	wrdreg $0xFFFFFFFF  }
0xad: {  	[dreg:$0x0] =	wrdreg $0x60  }
0xae: {  	[dreg:$0x2] =	wrdreg s24  }
0xaf: {  	[dreg:$0x3] =	wrdreg s2  }
0xb0: {  	[dreg:$0x4] =	wrdreg $0xA8000  }
0xb1: {  	[dreg:$0x5] =	wrdreg $0x9  }
0xb2: {  	_ =	task.clear_ibuf [dreg:s7], $0x6FFFF;
	_ =	strace $0x90000049  }
0xb3: {  	s29 =	simm.s32 $0x9;
	_ =	strace $0x8000004B  }
0xb4: {  	_ =	swait.ge [sflag:s29], $0x1  }
0xb5: {  	[sflag:s29] =	ssyncadd.s32 $0xFFFFFFFF  }
0xb6: {  	_ =	strace $0x9000004B  }
0xb7: {  	_ =	sfence  }
0xb8: {  	s30 =	sld [smem:$0x0];
	_ =	sdelay $0x2  }
0xb9: {  	s31 =	sshll.u32 s1, $0xD;
	s1 =	sshrl.u32 s1, $0x2  }
0xba: {  	s3 =	sand.u32 $0x4000, s31;
	s1 =	sadd.s32 s1, s30  }
0xbb: {  	s0 =	sor.u32 s3, s0;
	s1 =	sshll.u32 s1, $0x11  }
0xbc: {  	s0 =	sor.u32 s1, s0  }
0xbd: {  	s0 =	sadd.s32 $0x8F2B, s0  }
0xbe: {  	[sflag:s0] =	ssyncadd.remote.s32 $0x1  }
0xbf: {  	_ =	sfence.sel $0xFFFF  }
0xc0: {  	[dreg:$0x0] =	wrdreg $0xFFFFFFFF;
	(pc) =	sbr.abs _section_cstart, $3  }
0xc1: {  	[dreg:$0x1] =	wrdreg $0xFFFFFFFF  }
0xc2: {  	_ =	task.clear_ibuf [dreg:s7], $0x2FFFF;
	_ =	strace $0x9FFFFFFF  }
0xc3: {  	(tm) =	ssettm $0x7FFFFFFF  }
tec
execute0_lowered:
.L_overlay_start_1:
0x0: {  	(tag) =	ssettag $0x1  }
0x1: {  	s5 =	rddreg [dreg:$0x0]  }
0x2: {  	s8 =	rddreg [dreg:$0x1]  }
0x3: {  	s1 =	rddreg [dreg:$0x2]  }
0x4: {  	s3 =	simm.s32 $0x0;
	s2 =	srdreg.scid;
	s16 =	simm.s32 $0x1400  }
0x5: {  	s17 =	simm.s32 $0x6800;
	s18 =	simm.s32 $0x3;
	s19 =	simm.s32 $0x1  }
0x6: {  	s20 =	simm.s32 $0x2;
	s21 =	simm.s32 $0x80;
	s22 =	simm.s32 $0x2800  }
0x7: {  	s23 =	simm.s32 $0x1380;
	s24 =	simm.s32 $0x2700;
	s25 =	simm.s32 $0x2780  }
0x8: {  	s26 =	simm.s32 $0x0;
	[smem:$0x7FF] =	sst s3;
	s6 =	sand.u32 $0x1, s2  }
0x9: {  	s2 =	stileid.u32;
	s4 =	sadd.s32 $0x60200, s5;
	s7 =	smul.u32 $0x140000, s6  }
0xa: {  	s11 =	sadd.s32 $0x6200, s5;
	s9 =	smul.u32 $0x14000, s2;
	s10 =	sshll.u32 s6, $0x4  }
0xb: {  	s6 =	ssub.s32 $0x2, s6;
	s12 =	smul.u32 $0x50000, s2;
	s10 =	sor.u32 s2, s10  }
0xc: {  	s29 =	sshrl.u32 s6, $0x1;
	s7 =	sadd.s32 s9, s7;
	s28 =	smul.u32 $0x2800, s10  }
0xd: {  	_ =	strace $0x8000004A;
	s14 =	ssub.s32 s6, s29;
	s7 =	sshrl.u32 s7, $0x3  }
0xe: {  	s31 =	sshrl.u32 s12, $0x2;
	s13 =	sadd.s32 s7, s5;
	s30 =	sshrl.u32 s28, $0x3  }
0xf: {  	s7 =	sadd.s32 s31, s1;
	s5 =	sadd.s32 s8, s30;
	s9 =	sadd.s32 $0x280, s30  }
0x10: {  	s6 =	sadd.s32 s11, s30;
	s10 =	sadd.s32 $0x88200, s13;
	s12 =	sadd.s32 $0x4000, s7  }
0x11: {  	s13 =	sadd.s32 $0x8000, s7;
	s15 =	sadd.s32 $0x10000, s7;
	s8 =	sadd.s32 s8, s9  }
0x12: {  	v0 =	vimm.f32 $0.0e+00;
	s9 =	sadd.s32 s11, s9;
	s11 =	smax.u32 s14, $0x1;
	s14 =	sadd.s32 $0xC000, s7  }
.LBB2_1:
0x13: {  	[tilespmem:s3], [sflag:$0x1] =	stream.linear.gather [hbm4b:s5+s3], $0x1400, $0x38;
	[tilespmem:$0x1E800] =	vst v63  }
0x14: {  	s28 =	sand.u32 $0xFE00, s3  }
0x15: {  	s29 =	sand.u32 $0x70, s3;
	s30 =	sshrl.u32 s28, $0x2  }
0x16: {  	[tilespmem:s16], [sflag:$0x2] =	stream.linear.gather [hbm4b:s6+s3], $0x1400, $0x38;
	[tilespmem:$0x1E800] =	vst v63  }
0x17: {  	s28 =	simm.s32 $0x40;
	s30 =	sor.u32 s29, s30;
	s29 =	simm.s32 $0x0  }
.LBB2_2:
0x18: {  	p0 =	sne.s32 s28, $0xFFC0  }
0x19: {  	[tilespmem:s30+$0x6800] =	vst v0;
	s29 =	sadd.s32 $0x10, s29;
	s30 =	smov.u32 s28;
	s28 =	sadd.s32 $0x40, s28  }
.Ltmp0:
0x1a: {  	(pc) =	sbr.rel @p0 .LBB2_2-.Ltmp0, $4  }
0x1b: {  	_ = 	snop  }
0x1c: {  	s30 =	sand.u32 $0xFE00, s30  }
0x1d: {  	s31 =	sand.u32 $0x70, s29;
	s30 =	sshrl.u32 s30, $0x2  }
0x1e: {  	s30 =	sor.u32 s31, s30  }
0x1f: {  	[tilespmem:s30+$0x6800] =	vst v0  }
0x20: {  	[spmem:s7] =	stream.linear.scatter [tilespmem:s17], [sflag:$0x3], $0x4000, $0x38;
	[tilespmem:$0x1E800] =	vst v63  }
0x21: {  	_ =	swait.ge [sflag:s18], $0x4000  }
0x22: {  	[sflag:s18] =	ssyncset.done $0x0  }
0x23: {  	[sflag:s18] =	ssyncadd.s32 $0xFFFFC000  }
0x24: {  	[spmem:s12] =	stream.linear.scatter [tilespmem:s17], [sflag:$0x3], $0x4000, $0x38;
	[tilespmem:$0x1E800] =	vst v63  }
0x25: {  	_ =	swait.ge [sflag:s18], $0x4000  }
0x26: {  	[sflag:s18] =	ssyncset.done $0x0  }
0x27: {  	[sflag:s18] =	ssyncadd.s32 $0xFFFFC000  }
0x28: {  	[spmem:s13] =	stream.linear.scatter [tilespmem:s17], [sflag:$0x3], $0x4000, $0x38;
	[tilespmem:$0x1E800] =	vst v63  }
0x29: {  	_ =	swait.ge [sflag:s18], $0x4000  }
0x2a: {  	[sflag:s18] =	ssyncset.done $0x0  }
0x2b: {  	[sflag:s18] =	ssyncadd.s32 $0xFFFFC000  }
0x2c: {  	[spmem:s14] =	stream.linear.scatter [tilespmem:s17], [sflag:$0x3], $0x4000, $0x38;
	[tilespmem:$0x1E800] =	vst v63  }
0x2d: {  	_ =	swait.ge [sflag:s18], $0x4000  }
0x2e: {  	[sflag:s18] =	ssyncset.done $0x0  }
0x2f: {  	[sflag:s18] =	ssyncadd.s32 $0xFFFFC000  }
0x30: {  	[spmem:s15] =	stream.linear.scatter [tilespmem:s17], [sflag:$0x3], $0x4000, $0x38;
	[tilespmem:$0x1E800] =	vst v63  }
0x31: {  	_ =	swait.ge [sflag:s18], $0x4000  }
0x32: {  	[sflag:s18] =	ssyncset.done $0x0  }
0x33: {  	[sflag:s18] =	ssyncadd.s32 $0xFFFFC000  }
0x34: {  	_ =	swait.ge [sflag:s19], $0x1400  }
0x35: {  	[sflag:s19] =	ssyncset.done $0x0  }
0x36: {  	[sflag:s19] =	ssyncadd.s32 $0xFFFFEC00  }
0x37: {  	_ =	swait.ge [sflag:s20], $0x1400  }
0x38: {  	[sflag:s20] =	ssyncset.done $0x0  }
0x39: {  	s28 =	simm.s32 $0x0;
	[sflag:s20] =	ssyncadd.s32 $0xFFFFEC00  }
0x3a: {  	[tilespmem:s22], [sflag:$0x1] =	stream.indirect.gather [hbm4b:s4+s21], $0x80, s28, s21, $0xb8;
	[tilespmem:$0x1E800] =	vst v63  }
0x3b: {  	s28 =	simm.s32 $0x80;
	[bflag:$0x0] =	sbarrier.arrive $0xFFFF  }
0x3c: {  	[tilespmem:s17], [sflag:$0x2] =	stream.indirect.gather [hbm4b:s4+s21], $0x80, s28, s21, $0xb8;
	[tilespmem:$0x1E800] =	vst v63  }
0x3d: {  	_ =	swait.ge [sflag:s19], $0x4000  }
0x3e: {  	[sflag:s19] =	ssyncset.done $0x0  }
0x3f: {  	s28 =	simm.s32 $0x1400;
	[sflag:s19] =	ssyncadd.s32 $0xFFFFC000  }
0x40: {  	[spmem:s1] =	stream.indirect.scatter.add.f32 [tilespmem:s22], [sflag:$0x3], $0x80, s28, s21, $0xb8;
	[tilespmem:$0x1E800] =	vst v63  }
0x41: {  	_ =	swait.ge [sflag:s18], $0x4000  }
0x42: {  	[sflag:s18] =	ssyncset.done $0x0  }
0x43: {  	s28 =	simm.s32 $0x100;
	[sflag:s18] =	ssyncadd.s32 $0xFFFFC000  }
0x44: {  	[tilespmem:s22], [sflag:$0x1] =	stream.indirect.gather [hbm4b:s4+s21], $0x80, s28, s21, $0xb8;
	[tilespmem:$0x1E800] =	vst v63  }
0x45: {  	_ =	swait.ge [sflag:s20], $0x4000  }
0x46: {  	[sflag:s20] =	ssyncset.done $0x0  }
0x47: {  	s28 =	simm.s32 $0x1480;
	[sflag:s20] =	ssyncadd.s32 $0xFFFFC000  }
0x48: {  	[spmem:s1] =	stream.indirect.scatter.add.f32 [tilespmem:s17], [sflag:$0x3], $0x80, s28, s21, $0xb8;
	[tilespmem:$0x1E800] =	vst v63  }
0x49: {  	_ =	swait.ge [sflag:s18], $0x4000  }
0x4a: {  	s29 =	simm.s32 $0x800;
	s28 =	simm.s32 $0x100;
	[sflag:s18] =	ssyncset.done $0x0  }
.LBB2_4:
0x4b: {  	s30 =	sadd.s32 $0x80, s28  }
0x4c: {  	[sflag:s18] =	ssyncadd.s32 $0xFFFFC000;
	s31 =	smov.u32 s29;
	s0 =	sadd.s32 $0x400, s29  }
0x4d: {  	[tilespmem:s17], [sflag:$0x2] =	stream.indirect.gather [hbm4b:s4+s21], $0x80, s30, s21, $0xb8;
	[tilespmem:$0x1E800] =	vst v63  }
0x4e: {  	p0 =	sne.s32 s29, $0x4800;
	_ =	swait.ge [sflag:s19], $0x4000  }
0x4f: {  	[sflag:s19] =	ssyncset.done $0x0  }
0x50: {  	s29 =	sadd.s32 $0x1400, s28;
	[sflag:s19] =	ssyncadd.s32 $0xFFFFC000  }
0x51: {  	[spmem:s1] =	stream.indirect.scatter.add.f32 [tilespmem:s22], [sflag:$0x3], $0x80, s29, s21, $0xb8;
	[tilespmem:$0x1E800] =	vst v63  }
0x52: {  	_ =	swait.ge [sflag:s18], $0x4000  }
0x53: {  	[sflag:s18] =	ssyncset.done $0x0  }
0x54: {  	s29 =	sadd.s32 $0x100, s28;
	[sflag:s18] =	ssyncadd.s32 $0xFFFFC000  }
0x55: {  	[tilespmem:s22], [sflag:$0x1] =	stream.indirect.gather [hbm4b:s4+s21], $0x80, s29, s21, $0xb8;
	[tilespmem:$0x1E800] =	vst v63  }
0x56: {  	_ =	swait.ge [sflag:s20], $0x4000  }
.Ltmp1:
0x57: {  	[sflag:s20] =	ssyncset.done $0x0;
	(pc) =	sbr.rel @p0 .LBB2_4-.Ltmp1, $4  }
0x58: {  	s28 =	sadd.s32 $0x1480, s28;
	[sflag:s20] =	ssyncadd.s32 $0xFFFFC000  }
0x59: {  	[spmem:s1] =	stream.indirect.scatter.add.f32 [tilespmem:s17], [sflag:$0x3], $0x80, s28, s21, $0xb8;
	[tilespmem:$0x1E800] =	vst v63  }
0x5a: {  	_ =	swait.ge [sflag:s18], $0x4000  }
0x5b: {  	s29 =	smov.u32 s0;
	s28 =	sshra.s32 s31, $0x2;
	[sflag:s18] =	ssyncset.done $0x0  }
0x5c: {  	s0 =	sadd.s32 $0x80, s28;
	[sflag:s18] =	ssyncadd.s32 $0xFFFFC000  }
0x5d: {  	[tilespmem:s17], [sflag:$0x2] =	stream.indirect.gather [hbm4b:s4+s21], $0x80, s0, s21, $0xb8;
	[tilespmem:$0x1E800] =	vst v63  }
0x5e: {  	_ =	swait.ge [sflag:s19], $0x4000  }
0x5f: {  	[sflag:s19] =	ssyncset.done $0x0  }
0x60: {  	s30 =	sadd.s32 $0x1400, s28;
	[sflag:s19] =	ssyncadd.s32 $0xFFFFC000  }
0x61: {  	[spmem:s1] =	stream.indirect.scatter.add.f32 [tilespmem:s22], [sflag:$0x3], $0x80, s30, s21, $0xb8;
	[tilespmem:$0x1E800] =	vst v63  }
0x62: {  	_ =	swait.ge [sflag:s18], $0x4000  }
0x63: {  	[sflag:s18] =	ssyncset.done $0x0  }
0x64: {  	s31 =	sadd.s32 $0x100, s28;
	[sflag:s18] =	ssyncadd.s32 $0xFFFFC000  }
0x65: {  	[tilespmem:s22], [sflag:$0x1] =	stream.indirect.gather [hbm4b:s4+s21], $0x80, s31, s21, $0xb8;
	[tilespmem:$0x1E800] =	vst v63  }
0x66: {  	_ =	swait.ge [sflag:s20], $0x4000  }
0x67: {  	[sflag:s20] =	ssyncset.done $0x0  }
0x68: {  	s30 =	sadd.s32 $0x1480, s28;
	[sflag:s20] =	ssyncadd.s32 $0xFFFFC000  }
0x69: {  	[spmem:s1] =	stream.indirect.scatter.add.f32 [tilespmem:s17], [sflag:$0x3], $0x80, s30, s21, $0xb8;
	[tilespmem:$0x1E800] =	vst v63  }
0x6a: {  	_ =	swait.ge [sflag:s18], $0x4000  }
0x6b: {  	[sflag:s18] =	ssyncset.done $0x0  }
0x6c: {  	[sflag:s18] =	ssyncadd.s32 $0xFFFFC000  }
0x6d: {  	[tilespmem:s17], [sflag:$0x2] =	stream.indirect.gather [hbm4b:s4+s21], $0x80, s23, s21, $0xb8;
	[tilespmem:$0x1E800] =	vst v63  }
0x6e: {  	_ =	swait.ge [sflag:s19], $0x4000  }
0x6f: {  	[sflag:s19] =	ssyncset.done $0x0  }
0x70: {  	[sflag:s19] =	ssyncadd.s32 $0xFFFFC000  }
0x71: {  	[spmem:s1] =	stream.indirect.scatter.add.f32 [tilespmem:s22], [sflag:$0x3], $0x80, s24, s21, $0xb8;
	[tilespmem:$0x1E800] =	vst v63  }
0x72: {  	_ =	swait.ge [sflag:s18], $0x4000  }
0x73: {  	[sflag:s18] =	ssyncset.done $0x0  }
0x74: {  	[sflag:s18] =	ssyncadd.s32 $0xFFFFC000  }
0x75: {  	[tilespmem:s22], [sflag:$0x1] =	stream.indirect.gather [hbm4b:s4+s21], $0x80, s23, s21, $0xb8;
	[tilespmem:$0x1E800] =	vst v63  }
0x76: {  	_ =	swait.ge [sflag:s20], $0x4000  }
0x77: {  	[sflag:s20] =	ssyncset.done $0x0  }
0x78: {  	[sflag:s20] =	ssyncadd.s32 $0xFFFFC000  }
0x79: {  	[spmem:s1] =	stream.indirect.scatter.add.f32 [tilespmem:s17], [sflag:$0x3], $0x80, s25, s21, $0xb8;
	[tilespmem:$0x1E800] =	vst v63  }
0x7a: {  	_ =	swait.ge [sflag:s18], $0x4000  }
0x7b: {  	[sflag:s18] =	ssyncset.done $0x0  }
0x7c: {  	[sflag:s18] =	ssyncadd.s32 $0xFFFFC000  }
0x7d: {  	_ =	swait.ge [sflag:s19], $0x4000  }
0x7e: {  	[sflag:s19] =	ssyncset.done $0x0  }
0x7f: {  	s31 =	simm.s32 $0x0;
	[sflag:s19] =	ssyncadd.s32 $0xFFFFC000  }
0x80: {  	[tilespmem:s31], [sflag:$0x3] =	stream.linear.gather [hbm4b:s8+s31], $0x1400, $0x38;
	[tilespmem:$0x1E800] =	vst v63  }
0x81: {  	_ =	swait.ge [sflag:s18], $0x1400  }
0x82: {  	[sflag:s18] =	ssyncset.done $0x0  }
0x83: {  	[sflag:s18] =	ssyncadd.s32 $0xFFFFEC00  }
0x84: {  	[tilespmem:s16], [sflag:$0x3] =	stream.linear.gather [hbm4b:s9+s31], $0x1400, $0x38;
	[tilespmem:$0x1E800] =	vst v63  }
0x85: {  	_ =	swait.ge [sflag:s18], $0x1400  }
0x86: {  	[sflag:s18] =	ssyncset.done $0x0  }
0x87: {  	[sflag:s18] =	ssyncadd.s32 $0xFFFFEC00  }
0x88: {  	[tilespmem:s22], [sflag:$0x1] =	stream.indirect.gather [hbm4b:s4+s21], $0x80, s31, s21, $0xb8;
	[tilespmem:$0x1E800] =	vst v63  }
0x89: {  	s30 =	simm.s32 $0x80  }
0x8a: {  	[tilespmem:s17], [sflag:$0x2] =	stream.indirect.gather [hbm4b:s4+s21], $0x80, s30, s21, $0xb8;
	[tilespmem:$0x1E800] =	vst v63  }
0x8b: {  	_ =	swait.ge [sflag:s19], $0x4000  }
0x8c: {  	[sflag:s19] =	ssyncset.done $0x0  }
0x8d: {  	s31 =	simm.s32 $0x1400;
	[sflag:s19] =	ssyncadd.s32 $0xFFFFC000  }
0x8e: {  	[spmem:s1] =	stream.indirect.scatter.add.f32 [tilespmem:s22], [sflag:$0x3], $0x80, s31, s21, $0xb8;
	[tilespmem:$0x1E800] =	vst v63  }
0x8f: {  	_ =	swait.ge [sflag:s18], $0x4000  }
0x90: {  	[sflag:s18] =	ssyncset.done $0x0  }
0x91: {  	s30 =	simm.s32 $0x100;
	[sflag:s18] =	ssyncadd.s32 $0xFFFFC000  }
0x92: {  	[tilespmem:s22], [sflag:$0x1] =	stream.indirect.gather [hbm4b:s4+s21], $0x80, s30, s21, $0xb8;
	[tilespmem:$0x1E800] =	vst v63  }
0x93: {  	_ =	swait.ge [sflag:s20], $0x4000  }
0x94: {  	[sflag:s20] =	ssyncset.done $0x0  }
0x95: {  	s31 =	simm.s32 $0x1480;
	[sflag:s20] =	ssyncadd.s32 $0xFFFFC000  }
0x96: {  	[spmem:s1] =	stream.indirect.scatter.add.f32 [tilespmem:s17], [sflag:$0x3], $0x80, s31, s21, $0xb8;
	[tilespmem:$0x1E800] =	vst v63  }
0x97: {  	_ =	swait.ge [sflag:s18], $0x4000  }
0x98: {  	s29 =	simm.s32 $0x800;
	s28 =	simm.s32 $0x100;
	[sflag:s18] =	ssyncset.done $0x0  }
.LBB2_6:
0x99: {  	s0 =	sadd.s32 $0x80, s28  }
0x9a: {  	[sflag:s18] =	ssyncadd.s32 $0xFFFFC000;
	s30 =	smov.u32 s29;
	s31 =	sadd.s32 $0x400, s29  }
0x9b: {  	[tilespmem:s17], [sflag:$0x2] =	stream.indirect.gather [hbm4b:s4+s21], $0x80, s0, s21, $0xb8;
	[tilespmem:$0x1E800] =	vst v63  }
0x9c: {  	p0 =	sne.s32 s29, $0x4800;
	_ =	swait.ge [sflag:s19], $0x4000  }
0x9d: {  	[sflag:s19] =	ssyncset.done $0x0  }
0x9e: {  	s0 =	sadd.s32 $0x1400, s28;
	[sflag:s19] =	ssyncadd.s32 $0xFFFFC000  }
0x9f: {  	[spmem:s1] =	stream.indirect.scatter.add.f32 [tilespmem:s22], [sflag:$0x3], $0x80, s0, s21, $0xb8;
	[tilespmem:$0x1E800] =	vst v63  }
0xa0: {  	_ =	swait.ge [sflag:s18], $0x4000  }
0xa1: {  	[sflag:s18] =	ssyncset.done $0x0  }
0xa2: {  	s0 =	sadd.s32 $0x100, s28;
	[sflag:s18] =	ssyncadd.s32 $0xFFFFC000  }
0xa3: {  	[tilespmem:s22], [sflag:$0x1] =	stream.indirect.gather [hbm4b:s4+s21], $0x80, s0, s21, $0xb8;
	[tilespmem:$0x1E800] =	vst v63  }
0xa4: {  	_ =	swait.ge [sflag:s20], $0x4000  }
.Ltmp2:
0xa5: {  	[sflag:s20] =	ssyncset.done $0x0;
	(pc) =	sbr.rel @p0 .LBB2_6-.Ltmp2, $4  }
0xa6: {  	s0 =	sadd.s32 $0x1480, s28;
	[sflag:s20] =	ssyncadd.s32 $0xFFFFC000  }
0xa7: {  	[spmem:s1] =	stream.indirect.scatter.add.f32 [tilespmem:s17], [sflag:$0x3], $0x80, s0, s21, $0xb8;
	[tilespmem:$0x1E800] =	vst v63  }
0xa8: {  	_ =	swait.ge [sflag:s18], $0x4000  }
0xa9: {  	s29 =	smov.u32 s31;
	s28 =	sshra.s32 s30, $0x2;
	[sflag:s18] =	ssyncset.done $0x0  }
0xaa: {  	s0 =	sadd.s32 $0x80, s28;
	[sflag:s18] =	ssyncadd.s32 $0xFFFFC000  }
0xab: {  	[tilespmem:s17], [sflag:$0x2] =	stream.indirect.gather [hbm4b:s4+s21], $0x80, s0, s21, $0xb8;
	[tilespmem:$0x1E800] =	vst v63  }
0xac: {  	_ =	swait.ge [sflag:s19], $0x4000  }
0xad: {  	[sflag:s19] =	ssyncset.done $0x0  }
0xae: {  	s30 =	sadd.s32 $0x1400, s28;
	[sflag:s19] =	ssyncadd.s32 $0xFFFFC000  }
0xaf: {  	[spmem:s1] =	stream.indirect.scatter.add.f32 [tilespmem:s22], [sflag:$0x3], $0x80, s30, s21, $0xb8;
	[tilespmem:$0x1E800] =	vst v63  }
0xb0: {  	_ =	swait.ge [sflag:s18], $0x4000  }
0xb1: {  	[sflag:s18] =	ssyncset.done $0x0  }
0xb2: {  	s31 =	sadd.s32 $0x100, s28;
	[sflag:s18] =	ssyncadd.s32 $0xFFFFC000  }
0xb3: {  	[tilespmem:s22], [sflag:$0x1] =	stream.indirect.gather [hbm4b:s4+s21], $0x80, s31, s21, $0xb8;
	[tilespmem:$0x1E800] =	vst v63  }
0xb4: {  	_ =	swait.ge [sflag:s20], $0x4000  }
0xb5: {  	[sflag:s20] =	ssyncset.done $0x0  }
0xb6: {  	s29 =	sadd.s32 $0x1480, s28;
	[sflag:s20] =	ssyncadd.s32 $0xFFFFC000  }
0xb7: {  	[spmem:s1] =	stream.indirect.scatter.add.f32 [tilespmem:s17], [sflag:$0x3], $0x80, s29, s21, $0xb8;
	[tilespmem:$0x1E800] =	vst v63  }
0xb8: {  	_ =	swait.ge [sflag:s18], $0x4000  }
0xb9: {  	[sflag:s18] =	ssyncset.done $0x0  }
0xba: {  	[sflag:s18] =	ssyncadd.s32 $0xFFFFC000  }
0xbb: {  	[tilespmem:s17], [sflag:$0x2] =	stream.indirect.gather [hbm4b:s4+s21], $0x80, s23, s21, $0xb8;
	[tilespmem:$0x1E800] =	vst v63  }
0xbc: {  	_ =	swait.ge [sflag:s19], $0x4000  }
0xbd: {  	[sflag:s19] =	ssyncset.done $0x0  }
0xbe: {  	[sflag:s19] =	ssyncadd.s32 $0xFFFFC000  }
0xbf: {  	[spmem:s1] =	stream.indirect.scatter.add.f32 [tilespmem:s22], [sflag:$0x3], $0x80, s24, s21, $0xb8;
	[tilespmem:$0x1E800] =	vst v63  }
0xc0: {  	_ =	swait.ge [sflag:s18], $0x4000  }
0xc1: {  	[sflag:s18] =	ssyncset.done $0x0  }
0xc2: {  	[sflag:s18] =	ssyncadd.s32 $0xFFFFC000  }
0xc3: {  	[tilespmem:s22], [sflag:$0x1] =	stream.indirect.gather [hbm4b:s4+s21], $0x80, s23, s21, $0xb8;
	[tilespmem:$0x1E800] =	vst v63  }
0xc4: {  	_ =	swait.ge [sflag:s20], $0x4000  }
0xc5: {  	[sflag:s20] =	ssyncset.done $0x0  }
0xc6: {  	[sflag:s20] =	ssyncadd.s32 $0xFFFFC000  }
0xc7: {  	[spmem:s1] =	stream.indirect.scatter.add.f32 [tilespmem:s17], [sflag:$0x3], $0x80, s25, s21, $0xb8;
	[tilespmem:$0x1E800] =	vst v63  }
0xc8: {  	_ =	swait.ge [sflag:s18], $0x4000  }
0xc9: {  	[sflag:s18] =	ssyncset.done $0x0  }
0xca: {  	[sflag:s18] =	ssyncadd.s32 $0xFFFFC000  }
0xcb: {  	_ =	swait.ge [sflag:s19], $0x4000  }
0xcc: {  	s26 =	sadd.s32 $0x1, s26;
	s30 =	sshll.u32 s2, $0x6;
	[sflag:s19] =	ssyncset.done $0x0  }
0xcd: {  	p0 =	sne.s32 s26, s11;
	s0 =	sor.u32 $0x1C03, s30;
	[sflag:s19] =	ssyncadd.s32 $0xFFFFC000  }
.Ltmp3:
0xce: {  	s31 =	sshrl.u32 s7, $0x3;
	[bflag:$0x0] =	sbarrier.arrive $0xFFFF;
	(pc) =	sbr.rel @p0 .LBB2_1-.Ltmp3, $4  }
0xcf: {  	[hbm:s10], [sflag:s0] =	dma.local [spmem:s31], $0x2800  }
0xd0: {  	_ =	swait.ge [sflag:s18], $0x2800  }
0xd1: {  	[sflag:s18] =	ssyncset.done $0x0  }
0xd2: {  	[sflag:s18] =	ssyncadd.s32 $0xFFFFD800  }
0xd3: {  	_ =	sfence.sel $0x180000  }
0xd4: {  	[bflag:$0x0] =	sbarrier.arrive $0xFFFF  }
0xd5: {  	_ =	strace $0x9000004A  }
0xd6: {  	[bflag:$0x2] =	sbarrier.arrive $0xFFFF  }
0xd7: {  	p0 =	sne.s32 s2, $0x0;
	s0 =	rddreg [dreg:$0x3]  }
0xd8: {  	s0 =	sadd.s32 @!p0 $0x100000, s0  }
0xd9: {  	[sflag:s0] =	ssyncadd.tile.s32 @!p0 $0x1;
	_ =	shalt  }
.Lfunc_end2:
_tile_overlayer_lowered:
.L_overlay_start_2:
0xda: {  	(tag) =	ssettag $0x2  }
0xdb: {  	s0 =	rddreg [dreg:$0x0];
	s2 =	stileid.u32  }
0xdc: {  	s1 =	rddreg [dreg:$0x1];
	p0 =	sne.s32 s2, $0x0  }
0xdd: {  	s3 =	rddreg [dreg:$0x2];
	[bflag:$0x3] =	sbarrier.arrive $0xFFFF;
	s2 =	simm.s32 @!p0 $0x1C03  }
0xde: {  	[timem:s3], [sflag:s2] =	dma.local @!p0 [hbm:s0], s1  }
0xdf: {  	s0 =	simm.s32 @!p0 $0x3  }
0xe0: {  	_ =	swait.ge @!p0 [sflag:s0], s1  }
0xe1: {  	s1 =	ssub.s32 @!p0 $0x0, s1;
	[sflag:s0] =	ssyncset.done @!p0 $0x0  }
0xe2: {  	[sflag:s0] =	ssyncadd.s32 @!p0 s1  }
0xe3: {  	[bflag:$0x3] =	sbarrier.arrive $0xFFFF  }
0xe4: {  	_ =	shalt  }

// kernel: kernel.22.cloned.1.call-start
scs
__scs_entry_jumppad:
0x0: {  	(pc) =	sbr.rel $0x88, $3  }
0x1: {  	(tag) =	ssettag $0x0;
	lr =	simm.s32 $0x1  }
0x2: {  	[smem:$0x3F93] =	sst lr;
	_ =	strace $0xD0000000  }
0x3: {  	_ = 	snop  }
0x4: {  	_ = 	snop  }
0x5: {  	_ = 	snop  }
0x6: {  	_ = 	snop  }
0x7: {  	_ = 	snop  }
__scs_overlays_trampoline_lowered:
0x8: {  	[smem:$0x3FA2] =	sst s0  }
0x9: {  	[smem:$0x3FA3] =	sst s1  }
0xa: {  	[smem:$0x3FA4] =	sst s2  }
0xb: {  	[smem:$0x3FA5] =	sst s3  }
0xc: {  	[smem:$0x3FA6] =	sst s4  }
0xd: {  	[smem:$0x3FA7] =	sst s5  }
0xe: {  	[smem:$0x3FA8] =	sst s6  }
0xf: {  	[smem:$0x3FA9] =	sst s7  }
0x10: {  	[smem:$0x3FAA] =	sst s8  }
0x11: {  	[smem:$0x3FAB] =	sst s9;
	s0 =	simm.s32 @!p0 $0x0  }
0x12: {  	s1 =	sld [smem:$0x3F91];
	s0 =	simm.s32 @p0 $0x1  }
0x13: {  	[smem:$0x3FAC] =	sst s0;
	s0 =	simm.s32 @!p1 $0x0  }
0x14: {  	s2 =	sld [smem:$0x3F90];
	s0 =	simm.s32 @p1 $0x1  }
0x15: {  	[smem:$0x3FAD] =	sst s0;
	s0 =	simm.s32 @!p2 $0x0  }
0x16: {  	s3 =	sld [smem:$0x3FDB];
	s0 =	simm.s32 @p2 $0x1  }
0x17: {  	s4 =	simm.s32 $0x1BF5;
	[smem:$0x3FAF] =	sst s0  }
0x18: {  	s0 =	sld [smem:$0x3F92];
	_ =	swait.ge [sflag:s4], $0x0  }
0x19: {  	s7 =	sld [smem:$0x3F93]  }
0x1a: {  	s8 =	sadd.s32 $0xFFFFE003, lr  }
0x1b: {  	s9 =	sadd.s32 $0xFFFFFEF7, lr;
	s5 =	simm.s32 $0xFFFFFFFF;
	p2 =	slt.u32 s8, $0xFFFFF086  }
0x1c: {  	p1 =	slt.u32 s9, $0xF7A;
	s5 =	simm.s32 @!p2 $0x0  }
0x1d: {  	s5 =	simm.s32 @p1 $0x1;
	p0 =	seq.s32 s7, s2  }
0x1e: {  	s7 =	smul.u32 @!p0 $0xF7A, s2;
	p2 =	seq.s32 @!p0 s5, $0x0  }
0x1f: {  	s9 =	smul.u32 $0xF7A, s1;
	s8 =	simm.s32 @!p0 $0x1BF5;
	p2 =	por !p2, p0  }
0x20: {  	[sflag:s8] =	ssyncset.s32 @!p0 $0xFFFFF086;
	s6 =	sadd.s32 @!p0 s3, s7;
	s7 =	simm.s32 @!p0 $0x108  }
0x21: {  	s3 =	sadd.s32 s3, s9;
	s6 =	sadd.s32 @!p0 $0x88, s6;
	s7 =	simm.s32 @p2 $0x1082  }
0x22: {  	[simem:s7], [sflag:s8] =	dma.local @!p0 [hbm:s6], $0xF7A  }
0x23: {  	s9 =	sor.u32 $0xD0000000, s2;
	s6 =	simm.s32 $0x108;
	_ =	swait.ge @!p0 [sflag:s8], $0x0  }
0x24: {  	s3 =	sadd.s32 $0x88, s3;
	s6 =	simm.s32 @!p1 $0x1082;
	[sflag:s4] =	ssyncset.s32 $0xFFFFF086  }
0x25: {  	[simem:s6], [sflag:s4] =	dma.local [hbm:s3], $0xF7A  }
0x26: {  	[smem:$0x3F93] =	sst s1;
	(tag) =	ssettag s2;
	_ =	strace s9  }
0x27: {  	s1 =	sld [smem:$0x3FA3]  }
0x28: {  	s2 =	sld [smem:$0x3FA4]  }
0x29: {  	s4 =	sld [smem:$0x3FA6]  }
0x2a: {  	p0 =	seq.s32 s5, $0x0;
	s5 =	sld [smem:$0x3FA7]  }
0x2b: {  	s6 =	sld [smem:$0x3FA8]  }
0x2c: {  	s7 =	sld [smem:$0x3FA9]  }
0x2d: {  	s3 =	simm.s32 $0x108;
	s8 =	sld [smem:$0x3FAA]  }
0x2e: {  	s3 =	simm.s32 @!p0 $0x1082;
	s9 =	sld [smem:$0x3FAB]  }
0x2f: {  	lr =	sadd.s32 s0, s3;
	s0 =	sld [smem:$0x3FA2]  }
0x30: {  	s3 =	sld [smem:$0x3FA5]  }
0x31: {  	[smem:$0x3FAE] =	sst s10  }
0x32: {  	s10 =	sld [smem:$0x3FAC];
	_ =	sdelay $0x3  }
0x33: {  	p0 =	seq.s32 s10, $0x1;
	s10 =	sld [smem:$0x3FAE];
	_ =	sdelay $0x3  }
0x34: {  	[smem:$0x3FAE] =	sst s10  }
0x35: {  	s10 =	sld [smem:$0x3FAD];
	_ =	sdelay $0x3  }
0x36: {  	p1 =	seq.s32 s10, $0x1;
	s10 =	sld [smem:$0x3FAE];
	_ =	sdelay $0x3  }
0x37: {  	[smem:$0x3FAE] =	sst s10  }
0x38: {  	s10 =	sld [smem:$0x3FAF]  }
0x39: {  	_ = 	snop;
	(pc) =	sbr.ind lr, $3  }
0x3a: {  	_ = 	snop  }
0x3b: {  	_ = 	snop  }
0x3c: {  	p2 =	seq.s32 s10, $0x1;
	s10 =	sld [smem:$0x3FAE]  }
0x3d: {  	_ =	shalt  }
0x3e: {  	_ =	shalt  }
0x3f: {  	_ =	shalt  }
0x40: {  	_ =	shalt  }
0x41: {  	_ =	shalt  }
0x42: {  	_ =	shalt  }
0x43: {  	_ =	shalt  }
0x44: {  	_ =	shalt  }
0x45: {  	_ =	shalt  }
0x46: {  	_ =	shalt  }
0x47: {  	_ =	shalt  }
0x48: {  	_ =	shalt  }
0x49: {  	_ =	shalt  }
0x4a: {  	_ =	shalt  }
0x4b: {  	_ =	shalt  }
0x4c: {  	_ =	shalt  }
0x4d: {  	_ =	shalt  }
0x4e: {  	_ =	shalt  }
0x4f: {  	_ =	shalt  }
0x50: {  	_ =	shalt  }
0x51: {  	_ =	shalt  }
0x52: {  	_ =	shalt  }
0x53: {  	_ =	shalt  }
0x54: {  	_ =	shalt  }
0x55: {  	_ =	shalt  }
0x56: {  	_ =	shalt  }
0x57: {  	_ =	shalt  }
0x58: {  	_ =	shalt  }
0x59: {  	_ =	shalt  }
0x5a: {  	_ =	shalt  }
0x5b: {  	_ =	shalt  }
0x5c: {  	_ =	shalt  }
0x5d: {  	_ =	shalt  }
0x5e: {  	_ =	shalt  }
0x5f: {  	_ =	shalt  }
0x60: {  	_ =	shalt  }
0x61: {  	_ =	shalt  }
0x62: {  	_ =	shalt  }
0x63: {  	_ =	shalt  }
0x64: {  	_ =	shalt  }
0x65: {  	_ =	shalt  }
0x66: {  	_ =	shalt  }
0x67: {  	_ =	shalt  }
0x68: {  	_ =	shalt  }
0x69: {  	_ =	shalt  }
0x6a: {  	_ =	shalt  }
0x6b: {  	_ =	shalt  }
0x6c: {  	_ =	shalt  }
0x6d: {  	_ =	shalt  }
0x6e: {  	_ =	shalt  }
0x6f: {  	_ =	shalt  }
0x70: {  	_ =	shalt  }
0x71: {  	_ =	shalt  }
0x72: {  	_ =	shalt  }
0x73: {  	_ =	shalt  }
0x74: {  	_ =	shalt  }
0x75: {  	_ =	shalt  }
0x76: {  	_ =	shalt  }
0x77: {  	_ =	shalt  }
0x78: {  	_ =	shalt  }
0x79: {  	_ =	shalt  }
0x7a: {  	_ =	shalt  }
0x7b: {  	_ =	shalt  }
0x7c: {  	_ =	shalt  }
0x7d: {  	_ =	shalt  }
0x7e: {  	_ =	shalt  }
0x7f: {  	_ =	shalt  }
0x80: {  	_ =	shalt  }
0x81: {  	_ =	shalt  }
0x82: {  	_ =	shalt  }
0x83: {  	_ =	shalt  }
0x84: {  	_ =	shalt  }
0x85: {  	_ =	shalt  }
0x86: {  	_ =	shalt  }
0x87: {  	_ =	shalt  }
.Lfunc_end0:
.L_simem_size_0:
called_computation.2_lowered:
.L_overlay_start_0:
0x88: {  	s2 =	sld [smem:$0x3FD9]  }
0x89: {  	s3 =	sld [smem:$0x3FFE];
	_ =	sdelay $0x1  }
0x8a: {  	s1 =	srdreg.scid  }
0x8b: {  	s0 =	sand.u32 $0x1, s1  }
0x8c: {  	s17 =	sshll.u32 s0, $0xA;
	s2 =	sadd.s32 s3, s2  }
0x8d: {  	s2 =	sadd.s32 s2, s17  }
0x8e: {  	[smem:$0x3FBA] =	sst s2  }
0x8f: {  	_ = 	snop  }
0x90: {  	s2 =	sld [smem:$0x3FD0];
	(tm) =	ssettm $0x1  }
0x91: {  	s18 =	sld [smem:$0x3FFB];
	_ =	sdelay $0x3  }
0x92: {  	_ =	strace s18  }
0x93: {  	s3 =	sld [smem:$0x3FFC];
	_ =	sdelay $0x3  }
0x94: {  	_ =	strace s3  }
0x95: {  	s3 =	sld [smem:$0x3FFD];
	_ =	sdelay $0x3  }
0x96: {  	_ =	strace s3  }
0x97: {  	_ =	strace $0x8FFFFFFF  }
0x98: {  	s19 =	sld [smem:$0x3FDB];
	_ =	sdelay $0x1  }
0x99: {  	s4 =	simm.s32 $_scs_section_size  }
0x9a: {  	s5 =	simm.s32 $_size__tile_overlayer_lowered;
	s6 =	simm.s32 $_tile_overlayer_lowered  }
0x9b: {  	s22 =	simm.s32 $0x1BFF;
	s21 =	sshll.u32 s6, $0x1;
	s3 =	sadd.s32 s4, s19  }
0x9c: {  	s7 =	simm.s32 $0x0;
	s20 =	sshll.u32 s5, $0x1;
	s5 =	sadd.s32 s21, s3  }
0x9d: {  	[timem:s7], [sflag:s22] =	dma.local [hbm:s5], s20  }
0x9e: {  	_ =	swait.ge [sflag:s22], s20  }
0x9f: {  	s4 =	ssub.s32 $0x0, s20;
	[sflag:s22] =	ssyncset.done $0x0  }
0xa0: {  	[sflag:s22] =	ssyncadd.s32 s4;
	_ =	sdelay $0x1  }
0xa1: {  	s23 =	simm.s32 $0x1B8B  }
0xa2: {  	_ =	swait.ge [sflag:s23], $0x1  }
0xa3: {  	[sflag:s23] =	ssyncset.done $0x0  }
0xa4: {  	s25 =	simm.s32 $0x1B8E;
	s24 =	sld [smem:$0x3FFE];
	[sflag:s23] =	ssyncadd.s32 $0xFFFFFFFF  }
0xa5: {  	s26 =	simm.s32 $execute0_lowered;
	[smem:$0x3FD2] =	sst s25  }
0xa6: {  	s5 =	sshll.u32 s26, $0x1;
	_ =	strace $0x8000004C;
	[dreg:$0x1] =	wrdreg $0xFFFFFFFF  }
0xa7: {  	s28 =	simm.s32 $_size_execute0_lowered;
	s3 =	sadd.s32 s3, s5;
	[dreg:$0x0] =	wrdreg $0x0  }
0xa8: {  	s5 =	sshll.u32 s28, $0x1;
	[dreg:$0x2] =	wrdreg s3  }
0xa9: {  	[dreg:$0x3] =	wrdreg s5  }
0xaa: {  	[dreg:$0x4] =	wrdreg $0xC0  }
0xab: {  	_ =	task [dreg:s7], $0x5FFFF  }
0xac: {  	[dreg:$0x1] =	wrdreg $0xFFFFFFFF  }
0xad: {  	[dreg:$0x0] =	wrdreg $0x60  }
0xae: {  	[dreg:$0x2] =	wrdreg s24  }
0xaf: {  	[dreg:$0x3] =	wrdreg s2  }
0xb0: {  	[dreg:$0x4] =	wrdreg $0xA8000  }
0xb1: {  	[dreg:$0x5] =	wrdreg $0x9  }
0xb2: {  	_ =	task.clear_ibuf [dreg:s7], $0x6FFFF;
	_ =	strace $0x9000004C  }
0xb3: {  	s29 =	simm.s32 $0x9;
	_ =	strace $0x8000004E  }
0xb4: {  	_ =	swait.ge [sflag:s29], $0x1  }
0xb5: {  	[sflag:s29] =	ssyncadd.s32 $0xFFFFFFFF  }
0xb6: {  	_ =	strace $0x9000004E  }
0xb7: {  	_ =	sfence  }
0xb8: {  	s30 =	sld [smem:$0x0];
	_ =	sdelay $0x2  }
0xb9: {  	s31 =	sshll.u32 s1, $0xD;
	s1 =	sshrl.u32 s1, $0x2  }
0xba: {  	s3 =	sand.u32 $0x4000, s31;
	s1 =	sadd.s32 s1, s30  }
0xbb: {  	s0 =	sor.u32 s3, s0;
	s1 =	sshll.u32 s1, $0x11  }
0xbc: {  	s0 =	sor.u32 s1, s0  }
0xbd: {  	s0 =	sadd.s32 $0x8F2B, s0  }
0xbe: {  	[sflag:s0] =	ssyncadd.remote.s32 $0x1  }
0xbf: {  	_ =	sfence.sel $0xFFFF  }
0xc0: {  	[dreg:$0x0] =	wrdreg $0xFFFFFFFF;
	(pc) =	sbr.abs _section_cstart, $3  }
0xc1: {  	[dreg:$0x1] =	wrdreg $0xFFFFFFFF  }
0xc2: {  	_ =	task.clear_ibuf [dreg:s7], $0x2FFFF;
	_ =	strace $0x9FFFFFFF  }
0xc3: {  	(tm) =	ssettm $0x7FFFFFFF  }
tec
execute0_lowered:
.L_overlay_start_1:
0x0: {  	(tag) =	ssettag $0x1  }
0x1: {  	s5 =	rddreg [dreg:$0x0]  }
0x2: {  	s8 =	rddreg [dreg:$0x1]  }
0x3: {  	s1 =	rddreg [dreg:$0x2]  }
0x4: {  	s3 =	simm.s32 $0x0;
	s2 =	srdreg.scid;
	s16 =	simm.s32 $0x1400  }
0x5: {  	s17 =	simm.s32 $0x6800;
	s18 =	simm.s32 $0x3;
	s19 =	simm.s32 $0x1  }
0x6: {  	s20 =	simm.s32 $0x2;
	s21 =	simm.s32 $0x80;
	s22 =	simm.s32 $0x2800  }
0x7: {  	s23 =	simm.s32 $0x1380;
	s24 =	simm.s32 $0x2700;
	s25 =	simm.s32 $0x2780  }
0x8: {  	s26 =	simm.s32 $0x0;
	[smem:$0x7FF] =	sst s3;
	s6 =	sand.u32 $0x1, s2  }
0x9: {  	s2 =	stileid.u32;
	s4 =	sadd.s32 $0x60200, s5;
	s7 =	smul.u32 $0x140000, s6  }
0xa: {  	s11 =	sadd.s32 $0x6200, s5;
	s9 =	smul.u32 $0x14000, s2;
	s10 =	sshll.u32 s6, $0x4  }
0xb: {  	s6 =	ssub.s32 $0x2, s6;
	s12 =	smul.u32 $0x50000, s2;
	s10 =	sor.u32 s2, s10  }
0xc: {  	s29 =	sshrl.u32 s6, $0x1;
	s7 =	sadd.s32 s9, s7;
	s28 =	smul.u32 $0x2800, s10  }
0xd: {  	_ =	strace $0x8000004D;
	s14 =	ssub.s32 s6, s29;
	s7 =	sshrl.u32 s7, $0x3  }
0xe: {  	s31 =	sshrl.u32 s12, $0x2;
	s13 =	sadd.s32 s7, s5;
	s30 =	sshrl.u32 s28, $0x3  }
0xf: {  	s7 =	sadd.s32 s31, s1;
	s5 =	sadd.s32 s8, s30;
	s9 =	sadd.s32 $0x280, s30  }
0x10: {  	s6 =	sadd.s32 s11, s30;
	s10 =	sadd.s32 $0x88200, s13;
	s12 =	sadd.s32 $0x4000, s7  }
0x11: {  	s13 =	sadd.s32 $0x8000, s7;
	s15 =	sadd.s32 $0x10000, s7;
	s8 =	sadd.s32 s8, s9  }
0x12: {  	v0 =	vimm.f32 $0.0e+00;
	s9 =	sadd.s32 s11, s9;
	s11 =	smax.u32 s14, $0x1;
	s14 =	sadd.s32 $0xC000, s7  }
.LBB2_1:
0x13: {  	[tilespmem:s3], [sflag:$0x1] =	stream.linear.gather [hbm4b:s5+s3], $0x1400, $0x38;
	[tilespmem:$0x1E800] =	vst v63  }
0x14: {  	s28 =	sand.u32 $0xFE00, s3  }
0x15: {  	s29 =	sand.u32 $0x70, s3;
	s30 =	sshrl.u32 s28, $0x2  }
0x16: {  	[tilespmem:s16], [sflag:$0x2] =	stream.linear.gather [hbm4b:s6+s3], $0x1400, $0x38;
	[tilespmem:$0x1E800] =	vst v63  }
0x17: {  	s28 =	simm.s32 $0x40;
	s30 =	sor.u32 s29, s30;
	s29 =	simm.s32 $0x0  }
.LBB2_2:
0x18: {  	p0 =	sne.s32 s28, $0xFFC0  }
0x19: {  	[tilespmem:s30+$0x6800] =	vst v0;
	s29 =	sadd.s32 $0x10, s29;
	s30 =	smov.u32 s28;
	s28 =	sadd.s32 $0x40, s28  }
.Ltmp0:
0x1a: {  	(pc) =	sbr.rel @p0 .LBB2_2-.Ltmp0, $4  }
0x1b: {  	_ = 	snop  }
0x1c: {  	s30 =	sand.u32 $0xFE00, s30  }
0x1d: {  	s31 =	sand.u32 $0x70, s29;
	s30 =	sshrl.u32 s30, $0x2  }
0x1e: {  	s30 =	sor.u32 s31, s30  }
0x1f: {  	[tilespmem:s30+$0x6800] =	vst v0  }
0x20: {  	[spmem:s7] =	stream.linear.scatter [tilespmem:s17], [sflag:$0x3], $0x4000, $0x38;
	[tilespmem:$0x1E800] =	vst v63  }
0x21: {  	_ =	swait.ge [sflag:s18], $0x4000  }
0x22: {  	[sflag:s18] =	ssyncset.done $0x0  }
0x23: {  	[sflag:s18] =	ssyncadd.s32 $0xFFFFC000  }
0x24: {  	[spmem:s12] =	stream.linear.scatter [tilespmem:s17], [sflag:$0x3], $0x4000, $0x38;
	[tilespmem:$0x1E800] =	vst v63  }
0x25: {  	_ =	swait.ge [sflag:s18], $0x4000  }
0x26: {  	[sflag:s18] =	ssyncset.done $0x0  }
0x27: {  	[sflag:s18] =	ssyncadd.s32 $0xFFFFC000  }
0x28: {  	[spmem:s13] =	stream.linear.scatter [tilespmem:s17], [sflag:$0x3], $0x4000, $0x38;
	[tilespmem:$0x1E800] =	vst v63  }
0x29: {  	_ =	swait.ge [sflag:s18], $0x4000  }
0x2a: {  	[sflag:s18] =	ssyncset.done $0x0  }
0x2b: {  	[sflag:s18] =	ssyncadd.s32 $0xFFFFC000  }
0x2c: {  	[spmem:s14] =	stream.linear.scatter [tilespmem:s17], [sflag:$0x3], $0x4000, $0x38;
	[tilespmem:$0x1E800] =	vst v63  }
0x2d: {  	_ =	swait.ge [sflag:s18], $0x4000  }
0x2e: {  	[sflag:s18] =	ssyncset.done $0x0  }
0x2f: {  	[sflag:s18] =	ssyncadd.s32 $0xFFFFC000  }
0x30: {  	[spmem:s15] =	stream.linear.scatter [tilespmem:s17], [sflag:$0x3], $0x4000, $0x38;
	[tilespmem:$0x1E800] =	vst v63  }
0x31: {  	_ =	swait.ge [sflag:s18], $0x4000  }
0x32: {  	[sflag:s18] =	ssyncset.done $0x0  }
0x33: {  	[sflag:s18] =	ssyncadd.s32 $0xFFFFC000  }
0x34: {  	_ =	swait.ge [sflag:s19], $0x1400  }
0x35: {  	[sflag:s19] =	ssyncset.done $0x0  }
0x36: {  	[sflag:s19] =	ssyncadd.s32 $0xFFFFEC00  }
0x37: {  	_ =	swait.ge [sflag:s20], $0x1400  }
0x38: {  	[sflag:s20] =	ssyncset.done $0x0  }
0x39: {  	s28 =	simm.s32 $0x0;
	[sflag:s20] =	ssyncadd.s32 $0xFFFFEC00  }
0x3a: {  	[tilespmem:s22], [sflag:$0x1] =	stream.indirect.gather [hbm4b:s4+s21], $0x80, s28, s21, $0xb8;
	[tilespmem:$0x1E800] =	vst v63  }
0x3b: {  	s28 =	simm.s32 $0x80;
	[bflag:$0x0] =	sbarrier.arrive $0xFFFF  }
0x3c: {  	[tilespmem:s17], [sflag:$0x2] =	stream.indirect.gather [hbm4b:s4+s21], $0x80, s28, s21, $0xb8;
	[tilespmem:$0x1E800] =	vst v63  }
0x3d: {  	_ =	swait.ge [sflag:s19], $0x4000  }
0x3e: {  	[sflag:s19] =	ssyncset.done $0x0  }
0x3f: {  	s28 =	simm.s32 $0x1400;
	[sflag:s19] =	ssyncadd.s32 $0xFFFFC000  }
0x40: {  	[spmem:s1] =	stream.indirect.scatter.add.f32 [tilespmem:s22], [sflag:$0x3], $0x80, s28, s21, $0xb8;
	[tilespmem:$0x1E800] =	vst v63  }
0x41: {  	_ =	swait.ge [sflag:s18], $0x4000  }
0x42: {  	[sflag:s18] =	ssyncset.done $0x0  }
0x43: {  	s28 =	simm.s32 $0x100;
	[sflag:s18] =	ssyncadd.s32 $0xFFFFC000  }
0x44: {  	[tilespmem:s22], [sflag:$0x1] =	stream.indirect.gather [hbm4b:s4+s21], $0x80, s28, s21, $0xb8;
	[tilespmem:$0x1E800] =	vst v63  }
0x45: {  	_ =	swait.ge [sflag:s20], $0x4000  }
0x46: {  	[sflag:s20] =	ssyncset.done $0x0  }
0x47: {  	s28 =	simm.s32 $0x1480;
	[sflag:s20] =	ssyncadd.s32 $0xFFFFC000  }
0x48: {  	[spmem:s1] =	stream.indirect.scatter.add.f32 [tilespmem:s17], [sflag:$0x3], $0x80, s28, s21, $0xb8;
	[tilespmem:$0x1E800] =	vst v63  }
0x49: {  	_ =	swait.ge [sflag:s18], $0x4000  }
0x4a: {  	s29 =	simm.s32 $0x800;
	s28 =	simm.s32 $0x100;
	[sflag:s18] =	ssyncset.done $0x0  }
.LBB2_4:
0x4b: {  	s30 =	sadd.s32 $0x80, s28  }
0x4c: {  	[sflag:s18] =	ssyncadd.s32 $0xFFFFC000;
	s31 =	smov.u32 s29;
	s0 =	sadd.s32 $0x400, s29  }
0x4d: {  	[tilespmem:s17], [sflag:$0x2] =	stream.indirect.gather [hbm4b:s4+s21], $0x80, s30, s21, $0xb8;
	[tilespmem:$0x1E800] =	vst v63  }
0x4e: {  	p0 =	sne.s32 s29, $0x4800;
	_ =	swait.ge [sflag:s19], $0x4000  }
0x4f: {  	[sflag:s19] =	ssyncset.done $0x0  }
0x50: {  	s29 =	sadd.s32 $0x1400, s28;
	[sflag:s19] =	ssyncadd.s32 $0xFFFFC000  }
0x51: {  	[spmem:s1] =	stream.indirect.scatter.add.f32 [tilespmem:s22], [sflag:$0x3], $0x80, s29, s21, $0xb8;
	[tilespmem:$0x1E800] =	vst v63  }
0x52: {  	_ =	swait.ge [sflag:s18], $0x4000  }
0x53: {  	[sflag:s18] =	ssyncset.done $0x0  }
0x54: {  	s29 =	sadd.s32 $0x100, s28;
	[sflag:s18] =	ssyncadd.s32 $0xFFFFC000  }
0x55: {  	[tilespmem:s22], [sflag:$0x1] =	stream.indirect.gather [hbm4b:s4+s21], $0x80, s29, s21, $0xb8;
	[tilespmem:$0x1E800] =	vst v63  }
0x56: {  	_ =	swait.ge [sflag:s20], $0x4000  }
.Ltmp1:
0x57: {  	[sflag:s20] =	ssyncset.done $0x0;
	(pc) =	sbr.rel @p0 .LBB2_4-.Ltmp1, $4  }
0x58: {  	s28 =	sadd.s32 $0x1480, s28;
	[sflag:s20] =	ssyncadd.s32 $0xFFFFC000  }
0x59: {  	[spmem:s1] =	stream.indirect.scatter.add.f32 [tilespmem:s17], [sflag:$0x3], $0x80, s28, s21, $0xb8;
	[tilespmem:$0x1E800] =	vst v63  }
0x5a: {  	_ =	swait.ge [sflag:s18], $0x4000  }
0x5b: {  	s29 =	smov.u32 s0;
	s28 =	sshra.s32 s31, $0x2;
	[sflag:s18] =	ssyncset.done $0x0  }
0x5c: {  	s0 =	sadd.s32 $0x80, s28;
	[sflag:s18] =	ssyncadd.s32 $0xFFFFC000  }
0x5d: {  	[tilespmem:s17], [sflag:$0x2] =	stream.indirect.gather [hbm4b:s4+s21], $0x80, s0, s21, $0xb8;
	[tilespmem:$0x1E800] =	vst v63  }
0x5e: {  	_ =	swait.ge [sflag:s19], $0x4000  }
0x5f: {  	[sflag:s19] =	ssyncset.done $0x0  }
0x60: {  	s30 =	sadd.s32 $0x1400, s28;
	[sflag:s19] =	ssyncadd.s32 $0xFFFFC000  }
0x61: {  	[spmem:s1] =	stream.indirect.scatter.add.f32 [tilespmem:s22], [sflag:$0x3], $0x80, s30, s21, $0xb8;
	[tilespmem:$0x1E800] =	vst v63  }
0x62: {  	_ =	swait.ge [sflag:s18], $0x4000  }
0x63: {  	[sflag:s18] =	ssyncset.done $0x0  }
0x64: {  	s31 =	sadd.s32 $0x100, s28;
	[sflag:s18] =	ssyncadd.s32 $0xFFFFC000  }
0x65: {  	[tilespmem:s22], [sflag:$0x1] =	stream.indirect.gather [hbm4b:s4+s21], $0x80, s31, s21, $0xb8;
	[tilespmem:$0x1E800] =	vst v63  }
0x66: {  	_ =	swait.ge [sflag:s20], $0x4000  }
0x67: {  	[sflag:s20] =	ssyncset.done $0x0  }
0x68: {  	s30 =	sadd.s32 $0x1480, s28;
	[sflag:s20] =	ssyncadd.s32 $0xFFFFC000  }
0x69: {  	[spmem:s1] =	stream.indirect.scatter.add.f32 [tilespmem:s17], [sflag:$0x3], $0x80, s30, s21, $0xb8;
	[tilespmem:$0x1E800] =	vst v63  }
0x6a: {  	_ =	swait.ge [sflag:s18], $0x4000  }
0x6b: {  	[sflag:s18] =	ssyncset.done $0x0  }
0x6c: {  	[sflag:s18] =	ssyncadd.s32 $0xFFFFC000  }
0x6d: {  	[tilespmem:s17], [sflag:$0x2] =	stream.indirect.gather [hbm4b:s4+s21], $0x80, s23, s21, $0xb8;
	[tilespmem:$0x1E800] =	vst v63  }
0x6e: {  	_ =	swait.ge [sflag:s19], $0x4000  }
0x6f: {  	[sflag:s19] =	ssyncset.done $0x0  }
0x70: {  	[sflag:s19] =	ssyncadd.s32 $0xFFFFC000  }
0x71: {  	[spmem:s1] =	stream.indirect.scatter.add.f32 [tilespmem:s22], [sflag:$0x3], $0x80, s24, s21, $0xb8;
	[tilespmem:$0x1E800] =	vst v63  }
0x72: {  	_ =	swait.ge [sflag:s18], $0x4000  }
0x73: {  	[sflag:s18] =	ssyncset.done $0x0  }
0x74: {  	[sflag:s18] =	ssyncadd.s32 $0xFFFFC000  }
0x75: {  	[tilespmem:s22], [sflag:$0x1] =	stream.indirect.gather [hbm4b:s4+s21], $0x80, s23, s21, $0xb8;
	[tilespmem:$0x1E800] =	vst v63  }
0x76: {  	_ =	swait.ge [sflag:s20], $0x4000  }
0x77: {  	[sflag:s20] =	ssyncset.done $0x0  }
0x78: {  	[sflag:s20] =	ssyncadd.s32 $0xFFFFC000  }
0x79: {  	[spmem:s1] =	stream.indirect.scatter.add.f32 [tilespmem:s17], [sflag:$0x3], $0x80, s25, s21, $0xb8;
	[tilespmem:$0x1E800] =	vst v63  }
0x7a: {  	_ =	swait.ge [sflag:s18], $0x4000  }
0x7b: {  	[sflag:s18] =	ssyncset.done $0x0  }
0x7c: {  	[sflag:s18] =	ssyncadd.s32 $0xFFFFC000  }
0x7d: {  	_ =	swait.ge [sflag:s19], $0x4000  }
0x7e: {  	[sflag:s19] =	ssyncset.done $0x0  }
0x7f: {  	s31 =	simm.s32 $0x0;
	[sflag:s19] =	ssyncadd.s32 $0xFFFFC000  }
0x80: {  	[tilespmem:s31], [sflag:$0x3] =	stream.linear.gather [hbm4b:s8+s31], $0x1400, $0x38;
	[tilespmem:$0x1E800] =	vst v63  }
0x81: {  	_ =	swait.ge [sflag:s18], $0x1400  }
0x82: {  	[sflag:s18] =	ssyncset.done $0x0  }
0x83: {  	[sflag:s18] =	ssyncadd.s32 $0xFFFFEC00  }
0x84: {  	[tilespmem:s16], [sflag:$0x3] =	stream.linear.gather [hbm4b:s9+s31], $0x1400, $0x38;
	[tilespmem:$0x1E800] =	vst v63  }
0x85: {  	_ =	swait.ge [sflag:s18], $0x1400  }
0x86: {  	[sflag:s18] =	ssyncset.done $0x0  }
0x87: {  	[sflag:s18] =	ssyncadd.s32 $0xFFFFEC00  }
0x88: {  	[tilespmem:s22], [sflag:$0x1] =	stream.indirect.gather [hbm4b:s4+s21], $0x80, s31, s21, $0xb8;
	[tilespmem:$0x1E800] =	vst v63  }
0x89: {  	s30 =	simm.s32 $0x80  }
0x8a: {  	[tilespmem:s17], [sflag:$0x2] =	stream.indirect.gather [hbm4b:s4+s21], $0x80, s30, s21, $0xb8;
	[tilespmem:$0x1E800] =	vst v63  }
0x8b: {  	_ =	swait.ge [sflag:s19], $0x4000  }
0x8c: {  	[sflag:s19] =	ssyncset.done $0x0  }
0x8d: {  	s31 =	simm.s32 $0x1400;
	[sflag:s19] =	ssyncadd.s32 $0xFFFFC000  }
0x8e: {  	[spmem:s1] =	stream.indirect.scatter.add.f32 [tilespmem:s22], [sflag:$0x3], $0x80, s31, s21, $0xb8;
	[tilespmem:$0x1E800] =	vst v63  }
0x8f: {  	_ =	swait.ge [sflag:s18], $0x4000  }
0x90: {  	[sflag:s18] =	ssyncset.done $0x0  }
0x91: {  	s30 =	simm.s32 $0x100;
	[sflag:s18] =	ssyncadd.s32 $0xFFFFC000  }
0x92: {  	[tilespmem:s22], [sflag:$0x1] =	stream.indirect.gather [hbm4b:s4+s21], $0x80, s30, s21, $0xb8;
	[tilespmem:$0x1E800] =	vst v63  }
0x93: {  	_ =	swait.ge [sflag:s20], $0x4000  }
0x94: {  	[sflag:s20] =	ssyncset.done $0x0  }
0x95: {  	s31 =	simm.s32 $0x1480;
	[sflag:s20] =	ssyncadd.s32 $0xFFFFC000  }
0x96: {  	[spmem:s1] =	stream.indirect.scatter.add.f32 [tilespmem:s17], [sflag:$0x3], $0x80, s31, s21, $0xb8;
	[tilespmem:$0x1E800] =	vst v63  }
0x97: {  	_ =	swait.ge [sflag:s18], $0x4000  }
0x98: {  	s29 =	simm.s32 $0x800;
	s28 =	simm.s32 $0x100;
	[sflag:s18] =	ssyncset.done $0x0  }
.LBB2_6:
0x99: {  	s0 =	sadd.s32 $0x80, s28  }
0x9a: {  	[sflag:s18] =	ssyncadd.s32 $0xFFFFC000;
	s30 =	smov.u32 s29;
	s31 =	sadd.s32 $0x400, s29  }
0x9b: {  	[tilespmem:s17], [sflag:$0x2] =	stream.indirect.gather [hbm4b:s4+s21], $0x80, s0, s21, $0xb8;
	[tilespmem:$0x1E800] =	vst v63  }
0x9c: {  	p0 =	sne.s32 s29, $0x4800;
	_ =	swait.ge [sflag:s19], $0x4000  }
0x9d: {  	[sflag:s19] =	ssyncset.done $0x0  }
0x9e: {  	s0 =	sadd.s32 $0x1400, s28;
	[sflag:s19] =	ssyncadd.s32 $0xFFFFC000  }
0x9f: {  	[spmem:s1] =	stream.indirect.scatter.add.f32 [tilespmem:s22], [sflag:$0x3], $0x80, s0, s21, $0xb8;
	[tilespmem:$0x1E800] =	vst v63  }
0xa0: {  	_ =	swait.ge [sflag:s18], $0x4000  }
0xa1: {  	[sflag:s18] =	ssyncset.done $0x0  }
0xa2: {  	s0 =	sadd.s32 $0x100, s28;
	[sflag:s18] =	ssyncadd.s32 $0xFFFFC000  }
0xa3: {  	[tilespmem:s22], [sflag:$0x1] =	stream.indirect.gather [hbm4b:s4+s21], $0x80, s0, s21, $0xb8;
	[tilespmem:$0x1E800] =	vst v63  }
0xa4: {  	_ =	swait.ge [sflag:s20], $0x4000  }
.Ltmp2:
0xa5: {  	[sflag:s20] =	ssyncset.done $0x0;
	(pc) =	sbr.rel @p0 .LBB2_6-.Ltmp2, $4  }
0xa6: {  	s0 =	sadd.s32 $0x1480, s28;
	[sflag:s20] =	ssyncadd.s32 $0xFFFFC000  }
0xa7: {  	[spmem:s1] =	stream.indirect.scatter.add.f32 [tilespmem:s17], [sflag:$0x3], $0x80, s0, s21, $0xb8;
	[tilespmem:$0x1E800] =	vst v63  }
0xa8: {  	_ =	swait.ge [sflag:s18], $0x4000  }
0xa9: {  	s29 =	smov.u32 s31;
	s28 =	sshra.s32 s30, $0x2;
	[sflag:s18] =	ssyncset.done $0x0  }
0xaa: {  	s0 =	sadd.s32 $0x80, s28;
	[sflag:s18] =	ssyncadd.s32 $0xFFFFC000  }
0xab: {  	[tilespmem:s17], [sflag:$0x2] =	stream.indirect.gather [hbm4b:s4+s21], $0x80, s0, s21, $0xb8;
	[tilespmem:$0x1E800] =	vst v63  }
0xac: {  	_ =	swait.ge [sflag:s19], $0x4000  }
0xad: {  	[sflag:s19] =	ssyncset.done $0x0  }
0xae: {  	s30 =	sadd.s32 $0x1400, s28;
	[sflag:s19] =	ssyncadd.s32 $0xFFFFC000  }
0xaf: {  	[spmem:s1] =	stream.indirect.scatter.add.f32 [tilespmem:s22], [sflag:$0x3], $0x80, s30, s21, $0xb8;
	[tilespmem:$0x1E800] =	vst v63  }
0xb0: {  	_ =	swait.ge [sflag:s18], $0x4000  }
0xb1: {  	[sflag:s18] =	ssyncset.done $0x0  }
0xb2: {  	s31 =	sadd.s32 $0x100, s28;
	[sflag:s18] =	ssyncadd.s32 $0xFFFFC000  }
0xb3: {  	[tilespmem:s22], [sflag:$0x1] =	stream.indirect.gather [hbm4b:s4+s21], $0x80, s31, s21, $0xb8;
	[tilespmem:$0x1E800] =	vst v63  }
0xb4: {  	_ =	swait.ge [sflag:s20], $0x4000  }
0xb5: {  	[sflag:s20] =	ssyncset.done $0x0  }
0xb6: {  	s29 =	sadd.s32 $0x1480, s28;
	[sflag:s20] =	ssyncadd.s32 $0xFFFFC000  }
0xb7: {  	[spmem:s1] =	stream.indirect.scatter.add.f32 [tilespmem:s17], [sflag:$0x3], $0x80, s29, s21, $0xb8;
	[tilespmem:$0x1E800] =	vst v63  }
0xb8: {  	_ =	swait.ge [sflag:s18], $0x4000  }
0xb9: {  	[sflag:s18] =	ssyncset.done $0x0  }
0xba: {  	[sflag:s18] =	ssyncadd.s32 $0xFFFFC000  }
0xbb: {  	[tilespmem:s17], [sflag:$0x2] =	stream.indirect.gather [hbm4b:s4+s21], $0x80, s23, s21, $0xb8;
	[tilespmem:$0x1E800] =	vst v63  }
0xbc: {  	_ =	swait.ge [sflag:s19], $0x4000  }
0xbd: {  	[sflag:s19] =	ssyncset.done $0x0  }
0xbe: {  	[sflag:s19] =	ssyncadd.s32 $0xFFFFC000  }
0xbf: {  	[spmem:s1] =	stream.indirect.scatter.add.f32 [tilespmem:s22], [sflag:$0x3], $0x80, s24, s21, $0xb8;
	[tilespmem:$0x1E800] =	vst v63  }
0xc0: {  	_ =	swait.ge [sflag:s18], $0x4000  }
0xc1: {  	[sflag:s18] =	ssyncset.done $0x0  }
0xc2: {  	[sflag:s18] =	ssyncadd.s32 $0xFFFFC000  }
0xc3: {  	[tilespmem:s22], [sflag:$0x1] =	stream.indirect.gather [hbm4b:s4+s21], $0x80, s23, s21, $0xb8;
	[tilespmem:$0x1E800] =	vst v63  }
0xc4: {  	_ =	swait.ge [sflag:s20], $0x4000  }
0xc5: {  	[sflag:s20] =	ssyncset.done $0x0  }
0xc6: {  	[sflag:s20] =	ssyncadd.s32 $0xFFFFC000  }
0xc7: {  	[spmem:s1] =	stream.indirect.scatter.add.f32 [tilespmem:s17], [sflag:$0x3], $0x80, s25, s21, $0xb8;
	[tilespmem:$0x1E800] =	vst v63  }
0xc8: {  	_ =	swait.ge [sflag:s18], $0x4000  }
0xc9: {  	[sflag:s18] =	ssyncset.done $0x0  }
0xca: {  	[sflag:s18] =	ssyncadd.s32 $0xFFFFC000  }
0xcb: {  	_ =	swait.ge [sflag:s19], $0x4000  }
0xcc: {  	s26 =	sadd.s32 $0x1, s26;
	s30 =	sshll.u32 s2, $0x6;
	[sflag:s19] =	ssyncset.done $0x0  }
0xcd: {  	p0 =	sne.s32 s26, s11;
	s0 =	sor.u32 $0x1C03, s30;
	[sflag:s19] =	ssyncadd.s32 $0xFFFFC000  }
.Ltmp3:
0xce: {  	s31 =	sshrl.u32 s7, $0x3;
	[bflag:$0x0] =	sbarrier.arrive $0xFFFF;
	(pc) =	sbr.rel @p0 .LBB2_1-.Ltmp3, $4  }
0xcf: {  	[hbm:s10], [sflag:s0] =	dma.local [spmem:s31], $0x2800  }
0xd0: {  	_ =	swait.ge [sflag:s18], $0x2800  }
0xd1: {  	[sflag:s18] =	ssyncset.done $0x0  }
0xd2: {  	[sflag:s18] =	ssyncadd.s32 $0xFFFFD800  }
0xd3: {  	_ =	sfence.sel $0x180000  }
0xd4: {  	[bflag:$0x0] =	sbarrier.arrive $0xFFFF  }
0xd5: {  	_ =	strace $0x9000004D  }
0xd6: {  	[bflag:$0x2] =	sbarrier.arrive $0xFFFF  }
0xd7: {  	p0 =	sne.s32 s2, $0x0;
	s0 =	rddreg [dreg:$0x3]  }
0xd8: {  	s0 =	sadd.s32 @!p0 $0x100000, s0  }
0xd9: {  	[sflag:s0] =	ssyncadd.tile.s32 @!p0 $0x1;
	_ =	shalt  }
.Lfunc_end2:
_tile_overlayer_lowered:
.L_overlay_start_2:
0xda: {  	(tag) =	ssettag $0x2  }
0xdb: {  	s0 =	rddreg [dreg:$0x0];
	s2 =	stileid.u32  }
0xdc: {  	s1 =	rddreg [dreg:$0x1];
	p0 =	sne.s32 s2, $0x0  }
0xdd: {  	s3 =	rddreg [dreg:$0x2];
	[bflag:$0x3] =	sbarrier.arrive $0xFFFF;
	s2 =	simm.s32 @!p0 $0x1C03  }
0xde: {  	[timem:s3], [sflag:s2] =	dma.local @!p0 [hbm:s0], s1  }
0xdf: {  	s0 =	simm.s32 @!p0 $0x3  }
0xe0: {  	_ =	swait.ge @!p0 [sflag:s0], s1  }
0xe1: {  	s1 =	ssub.s32 @!p0 $0x0, s1;
	[sflag:s0] =	ssyncset.done @!p0 $0x0  }
0xe2: {  	[sflag:s0] =	ssyncadd.s32 @!p0 s1  }
0xe3: {  	[bflag:$0x3] =	sbarrier.arrive $0xFFFF  }
0xe4: {  	_ =	shalt  }

// kernel: kernel.25.cloned.1.call-start
scs
__scs_entry_jumppad:
0x0: {  	(pc) =	sbr.rel $0x88, $3  }
0x1: {  	(tag) =	ssettag $0x0;
	lr =	simm.s32 $0x1  }
0x2: {  	[smem:$0x3F93] =	sst lr;
	_ =	strace $0xD0000000  }
0x3: {  	_ = 	snop  }
0x4: {  	_ = 	snop  }
0x5: {  	_ = 	snop  }
0x6: {  	_ = 	snop  }
0x7: {  	_ = 	snop  }
__scs_overlays_trampoline_lowered:
0x8: {  	[smem:$0x3FA2] =	sst s0  }
0x9: {  	[smem:$0x3FA3] =	sst s1  }
0xa: {  	[smem:$0x3FA4] =	sst s2  }
0xb: {  	[smem:$0x3FA5] =	sst s3  }
0xc: {  	[smem:$0x3FA6] =	sst s4  }
0xd: {  	[smem:$0x3FA7] =	sst s5  }
0xe: {  	[smem:$0x3FA8] =	sst s6  }
0xf: {  	[smem:$0x3FA9] =	sst s7  }
0x10: {  	[smem:$0x3FAA] =	sst s8  }
0x11: {  	[smem:$0x3FAB] =	sst s9;
	s0 =	simm.s32 @!p0 $0x0  }
0x12: {  	s1 =	sld [smem:$0x3F91];
	s0 =	simm.s32 @p0 $0x1  }
0x13: {  	[smem:$0x3FAC] =	sst s0;
	s0 =	simm.s32 @!p1 $0x0  }
0x14: {  	s2 =	sld [smem:$0x3F90];
	s0 =	simm.s32 @p1 $0x1  }
0x15: {  	[smem:$0x3FAD] =	sst s0;
	s0 =	simm.s32 @!p2 $0x0  }
0x16: {  	s3 =	sld [smem:$0x3FDB];
	s0 =	simm.s32 @p2 $0x1  }
0x17: {  	s4 =	simm.s32 $0x1BF5;
	[smem:$0x3FAF] =	sst s0  }
0x18: {  	s0 =	sld [smem:$0x3F92];
	_ =	swait.ge [sflag:s4], $0x0  }
0x19: {  	s7 =	sld [smem:$0x3F93]  }
0x1a: {  	s8 =	sadd.s32 $0xFFFFE003, lr  }
0x1b: {  	s9 =	sadd.s32 $0xFFFFFEF7, lr;
	s5 =	simm.s32 $0xFFFFFFFF;
	p2 =	slt.u32 s8, $0xFFFFF086  }
0x1c: {  	p1 =	slt.u32 s9, $0xF7A;
	s5 =	simm.s32 @!p2 $0x0  }
0x1d: {  	s5 =	simm.s32 @p1 $0x1;
	p0 =	seq.s32 s7, s2  }
0x1e: {  	s7 =	smul.u32 @!p0 $0xF7A, s2;
	p2 =	seq.s32 @!p0 s5, $0x0  }
0x1f: {  	s9 =	smul.u32 $0xF7A, s1;
	s8 =	simm.s32 @!p0 $0x1BF5;
	p2 =	por !p2, p0  }
0x20: {  	[sflag:s8] =	ssyncset.s32 @!p0 $0xFFFFF086;
	s6 =	sadd.s32 @!p0 s3, s7;
	s7 =	simm.s32 @!p0 $0x108  }
0x21: {  	s3 =	sadd.s32 s3, s9;
	s6 =	sadd.s32 @!p0 $0x88, s6;
	s7 =	simm.s32 @p2 $0x1082  }
0x22: {  	[simem:s7], [sflag:s8] =	dma.local @!p0 [hbm:s6], $0xF7A  }
0x23: {  	s9 =	sor.u32 $0xD0000000, s2;
	s6 =	simm.s32 $0x108;
	_ =	swait.ge @!p0 [sflag:s8], $0x0  }
0x24: {  	s3 =	sadd.s32 $0x88, s3;
	s6 =	simm.s32 @!p1 $0x1082;
	[sflag:s4] =	ssyncset.s32 $0xFFFFF086  }
0x25: {  	[simem:s6], [sflag:s4] =	dma.local [hbm:s3], $0xF7A  }
0x26: {  	[smem:$0x3F93] =	sst s1;
	(tag) =	ssettag s2;
	_ =	strace s9  }
0x27: {  	s1 =	sld [smem:$0x3FA3]  }
0x28: {  	s2 =	sld [smem:$0x3FA4]  }
0x29: {  	s4 =	sld [smem:$0x3FA6]  }
0x2a: {  	p0 =	seq.s32 s5, $0x0;
	s5 =	sld [smem:$0x3FA7]  }
0x2b: {  	s6 =	sld [smem:$0x3FA8]  }
0x2c: {  	s7 =	sld [smem:$0x3FA9]  }
0x2d: {  	s3 =	simm.s32 $0x108;
	s8 =	sld [smem:$0x3FAA]  }
0x2e: {  	s3 =	simm.s32 @!p0 $0x1082;
	s9 =	sld [smem:$0x3FAB]  }
0x2f: {  	lr =	sadd.s32 s0, s3;
	s0 =	sld [smem:$0x3FA2]  }
0x30: {  	s3 =	sld [smem:$0x3FA5]  }
0x31: {  	[smem:$0x3FAE] =	sst s10  }
0x32: {  	s10 =	sld [smem:$0x3FAC];
	_ =	sdelay $0x3  }
0x33: {  	p0 =	seq.s32 s10, $0x1;
	s10 =	sld [smem:$0x3FAE];
	_ =	sdelay $0x3  }
0x34: {  	[smem:$0x3FAE] =	sst s10  }
0x35: {  	s10 =	sld [smem:$0x3FAD];
	_ =	sdelay $0x3  }
0x36: {  	p1 =	seq.s32 s10, $0x1;
	s10 =	sld [smem:$0x3FAE];
	_ =	sdelay $0x3  }
0x37: {  	[smem:$0x3FAE] =	sst s10  }
0x38: {  	s10 =	sld [smem:$0x3FAF]  }
0x39: {  	_ = 	snop;
	(pc) =	sbr.ind lr, $3  }
0x3a: {  	_ = 	snop  }
0x3b: {  	_ = 	snop  }
0x3c: {  	p2 =	seq.s32 s10, $0x1;
	s10 =	sld [smem:$0x3FAE]  }
0x3d: {  	_ =	shalt  }
0x3e: {  	_ =	shalt  }
0x3f: {  	_ =	shalt  }
0x40: {  	_ =	shalt  }
0x41: {  	_ =	shalt  }
0x42: {  	_ =	shalt  }
0x43: {  	_ =	shalt  }
0x44: {  	_ =	shalt  }
0x45: {  	_ =	shalt  }
0x46: {  	_ =	shalt  }
0x47: {  	_ =	shalt  }
0x48: {  	_ =	shalt  }
0x49: {  	_ =	shalt  }
0x4a: {  	_ =	shalt  }
0x4b: {  	_ =	shalt  }
0x4c: {  	_ =	shalt  }
0x4d: {  	_ =	shalt  }
0x4e: {  	_ =	shalt  }
0x4f: {  	_ =	shalt  }
0x50: {  	_ =	shalt  }
0x51: {  	_ =	shalt  }
0x52: {  	_ =	shalt  }
0x53: {  	_ =	shalt  }
0x54: {  	_ =	shalt  }
0x55: {  	_ =	shalt  }
0x56: {  	_ =	shalt  }
0x57: {  	_ =	shalt  }
0x58: {  	_ =	shalt  }
0x59: {  	_ =	shalt  }
0x5a: {  	_ =	shalt  }
0x5b: {  	_ =	shalt  }
0x5c: {  	_ =	shalt  }
0x5d: {  	_ =	shalt  }
0x5e: {  	_ =	shalt  }
0x5f: {  	_ =	shalt  }
0x60: {  	_ =	shalt  }
0x61: {  	_ =	shalt  }
0x62: {  	_ =	shalt  }
0x63: {  	_ =	shalt  }
0x64: {  	_ =	shalt  }
0x65: {  	_ =	shalt  }
0x66: {  	_ =	shalt  }
0x67: {  	_ =	shalt  }
0x68: {  	_ =	shalt  }
0x69: {  	_ =	shalt  }
0x6a: {  	_ =	shalt  }
0x6b: {  	_ =	shalt  }
0x6c: {  	_ =	shalt  }
0x6d: {  	_ =	shalt  }
0x6e: {  	_ =	shalt  }
0x6f: {  	_ =	shalt  }
0x70: {  	_ =	shalt  }
0x71: {  	_ =	shalt  }
0x72: {  	_ =	shalt  }
0x73: {  	_ =	shalt  }
0x74: {  	_ =	shalt  }
0x75: {  	_ =	shalt  }
0x76: {  	_ =	shalt  }
0x77: {  	_ =	shalt  }
0x78: {  	_ =	shalt  }
0x79: {  	_ =	shalt  }
0x7a: {  	_ =	shalt  }
0x7b: {  	_ =	shalt  }
0x7c: {  	_ =	shalt  }
0x7d: {  	_ =	shalt  }
0x7e: {  	_ =	shalt  }
0x7f: {  	_ =	shalt  }
0x80: {  	_ =	shalt  }
0x81: {  	_ =	shalt  }
0x82: {  	_ =	shalt  }
0x83: {  	_ =	shalt  }
0x84: {  	_ =	shalt  }
0x85: {  	_ =	shalt  }
0x86: {  	_ =	shalt  }
0x87: {  	_ =	shalt  }
.Lfunc_end0:
.L_simem_size_0:
called_computation.3_lowered:
.L_overlay_start_0:
0x88: {  	s2 =	sld [smem:$0x3FD9]  }
0x89: {  	s3 =	sld [smem:$0x3FFE];
	_ =	sdelay $0x1  }
0x8a: {  	s1 =	srdreg.scid  }
0x8b: {  	s0 =	sand.u32 $0x1, s1  }
0x8c: {  	s17 =	sshll.u32 s0, $0xA;
	s2 =	sadd.s32 s3, s2  }
0x8d: {  	s2 =	sadd.s32 s2, s17  }
0x8e: {  	[smem:$0x3FBA] =	sst s2  }
0x8f: {  	_ = 	snop  }
0x90: {  	s2 =	sld [smem:$0x3FD0];
	(tm) =	ssettm $0x1  }
0x91: {  	s18 =	sld [smem:$0x3FFB];
	_ =	sdelay $0x3  }
0x92: {  	_ =	strace s18  }
0x93: {  	s3 =	sld [smem:$0x3FFC];
	_ =	sdelay $0x3  }
0x94: {  	_ =	strace s3  }
0x95: {  	s3 =	sld [smem:$0x3FFD];
	_ =	sdelay $0x3  }
0x96: {  	_ =	strace s3  }
0x97: {  	_ =	strace $0x8FFFFFFF  }
0x98: {  	s19 =	sld [smem:$0x3FDB];
	_ =	sdelay $0x1  }
0x99: {  	s4 =	simm.s32 $_scs_section_size  }
0x9a: {  	s5 =	simm.s32 $_size__tile_overlayer_lowered;
	s6 =	simm.s32 $_tile_overlayer_lowered  }
0x9b: {  	s22 =	simm.s32 $0x1BFF;
	s21 =	sshll.u32 s6, $0x1;
	s3 =	sadd.s32 s4, s19  }
0x9c: {  	s7 =	simm.s32 $0x0;
	s20 =	sshll.u32 s5, $0x1;
	s5 =	sadd.s32 s21, s3  }
0x9d: {  	[timem:s7], [sflag:s22] =	dma.local [hbm:s5], s20  }
0x9e: {  	_ =	swait.ge [sflag:s22], s20  }
0x9f: {  	s4 =	ssub.s32 $0x0, s20;
	[sflag:s22] =	ssyncset.done $0x0  }
0xa0: {  	[sflag:s22] =	ssyncadd.s32 s4;
	_ =	sdelay $0x1  }
0xa1: {  	s23 =	simm.s32 $0x1B8B  }
0xa2: {  	_ =	swait.ge [sflag:s23], $0x1  }
0xa3: {  	[sflag:s23] =	ssyncset.done $0x0  }
0xa4: {  	s25 =	simm.s32 $0x1B8E;
	s24 =	sld [smem:$0x3FFE];
	[sflag:s23] =	ssyncadd.s32 $0xFFFFFFFF  }
0xa5: {  	s26 =	simm.s32 $execute0_lowered;
	[smem:$0x3FD2] =	sst s25  }
0xa6: {  	s5 =	sshll.u32 s26, $0x1;
	_ =	strace $0x8000004F;
	[dreg:$0x1] =	wrdreg $0xFFFFFFFF  }
0xa7: {  	s28 =	simm.s32 $_size_execute0_lowered;
	s3 =	sadd.s32 s3, s5;
	[dreg:$0x0] =	wrdreg $0x0  }
0xa8: {  	s5 =	sshll.u32 s28, $0x1;
	[dreg:$0x2] =	wrdreg s3  }
0xa9: {  	[dreg:$0x3] =	wrdreg s5  }
0xaa: {  	[dreg:$0x4] =	wrdreg $0xC0  }
0xab: {  	_ =	task [dreg:s7], $0x5FFFF  }
0xac: {  	[dreg:$0x1] =	wrdreg $0xFFFFFFFF  }
0xad: {  	[dreg:$0x0] =	wrdreg $0x60  }
0xae: {  	[dreg:$0x2] =	wrdreg s24  }
0xaf: {  	[dreg:$0x3] =	wrdreg s2  }
0xb0: {  	[dreg:$0x4] =	wrdreg $0xA8000  }
0xb1: {  	[dreg:$0x5] =	wrdreg $0x9  }
0xb2: {  	_ =	task.clear_ibuf [dreg:s7], $0x6FFFF;
	_ =	strace $0x9000004F  }
0xb3: {  	s29 =	simm.s32 $0x9;
	_ =	strace $0x80000051  }
0xb4: {  	_ =	swait.ge [sflag:s29], $0x1  }
0xb5: {  	[sflag:s29] =	ssyncadd.s32 $0xFFFFFFFF  }
0xb6: {  	_ =	strace $0x90000051  }
0xb7: {  	_ =	sfence  }
0xb8: {  	s30 =	sld [smem:$0x0];
	_ =	sdelay $0x2  }
0xb9: {  	s31 =	sshll.u32 s1, $0xD;
	s1 =	sshrl.u32 s1, $0x2  }
0xba: {  	s3 =	sand.u32 $0x4000, s31;
	s1 =	sadd.s32 s1, s30  }
0xbb: {  	s0 =	sor.u32 s3, s0;
	s1 =	sshll.u32 s1, $0x11  }
0xbc: {  	s0 =	sor.u32 s1, s0  }
0xbd: {  	s0 =	sadd.s32 $0x8F2B, s0  }
0xbe: {  	[sflag:s0] =	ssyncadd.remote.s32 $0x1  }
0xbf: {  	_ =	sfence.sel $0xFFFF  }
0xc0: {  	[dreg:$0x0] =	wrdreg $0xFFFFFFFF;
	(pc) =	sbr.abs _section_cstart, $3  }
0xc1: {  	[dreg:$0x1] =	wrdreg $0xFFFFFFFF  }
0xc2: {  	_ =	task.clear_ibuf [dreg:s7], $0x2FFFF;
	_ =	strace $0x9FFFFFFF  }
0xc3: {  	(tm) =	ssettm $0x7FFFFFFF  }
tec
execute0_lowered:
.L_overlay_start_1:
0x0: {  	(tag) =	ssettag $0x1  }
0x1: {  	s5 =	rddreg [dreg:$0x0]  }
0x2: {  	s8 =	rddreg [dreg:$0x1]  }
0x3: {  	s1 =	rddreg [dreg:$0x2]  }
0x4: {  	s3 =	simm.s32 $0x0;
	s2 =	srdreg.scid;
	s16 =	simm.s32 $0x1400  }
0x5: {  	s17 =	simm.s32 $0x6800;
	s18 =	simm.s32 $0x3;
	s19 =	simm.s32 $0x1  }
0x6: {  	s20 =	simm.s32 $0x2;
	s21 =	simm.s32 $0x80;
	s22 =	simm.s32 $0x2800  }
0x7: {  	s23 =	simm.s32 $0x1380;
	s24 =	simm.s32 $0x2700;
	s25 =	simm.s32 $0x2780  }
0x8: {  	s26 =	simm.s32 $0x0;
	[smem:$0x7FF] =	sst s3;
	s6 =	sand.u32 $0x1, s2  }
0x9: {  	s2 =	stileid.u32;
	s4 =	sadd.s32 $0x60200, s5;
	s7 =	smul.u32 $0x140000, s6  }
0xa: {  	s11 =	sadd.s32 $0x6200, s5;
	s9 =	smul.u32 $0x14000, s2;
	s10 =	sshll.u32 s6, $0x4  }
0xb: {  	s6 =	ssub.s32 $0x2, s6;
	s12 =	smul.u32 $0x50000, s2;
	s10 =	sor.u32 s2, s10  }
0xc: {  	s29 =	sshrl.u32 s6, $0x1;
	s7 =	sadd.s32 s9, s7;
	s28 =	smul.u32 $0x2800, s10  }
0xd: {  	_ =	strace $0x80000050;
	s14 =	ssub.s32 s6, s29;
	s7 =	sshrl.u32 s7, $0x3  }
0xe: {  	s31 =	sshrl.u32 s12, $0x2;
	s13 =	sadd.s32 s7, s5;
	s30 =	sshrl.u32 s28, $0x3  }
0xf: {  	s7 =	sadd.s32 s31, s1;
	s5 =	sadd.s32 s8, s30;
	s9 =	sadd.s32 $0x280, s30  }
0x10: {  	s6 =	sadd.s32 s11, s30;
	s10 =	sadd.s32 $0x88200, s13;
	s12 =	sadd.s32 $0x4000, s7  }
0x11: {  	s13 =	sadd.s32 $0x8000, s7;
	s15 =	sadd.s32 $0x10000, s7;
	s8 =	sadd.s32 s8, s9  }
0x12: {  	v0 =	vimm.f32 $0.0e+00;
	s9 =	sadd.s32 s11, s9;
	s11 =	smax.u32 s14, $0x1;
	s14 =	sadd.s32 $0xC000, s7  }
.LBB2_1:
0x13: {  	[tilespmem:s3], [sflag:$0x1] =	stream.linear.gather [hbm4b:s5+s3], $0x1400, $0x38;
	[tilespmem:$0x1E800] =	vst v63  }
0x14: {  	s28 =	sand.u32 $0xFE00, s3  }
0x15: {  	s29 =	sand.u32 $0x70, s3;
	s30 =	sshrl.u32 s28, $0x2  }
0x16: {  	[tilespmem:s16], [sflag:$0x2] =	stream.linear.gather [hbm4b:s6+s3], $0x1400, $0x38;
	[tilespmem:$0x1E800] =	vst v63  }
0x17: {  	s28 =	simm.s32 $0x40;
	s30 =	sor.u32 s29, s30;
	s29 =	simm.s32 $0x0  }
.LBB2_2:
0x18: {  	p0 =	sne.s32 s28, $0xFFC0  }
0x19: {  	[tilespmem:s30+$0x6800] =	vst v0;
	s29 =	sadd.s32 $0x10, s29;
	s30 =	smov.u32 s28;
	s28 =	sadd.s32 $0x40, s28  }
.Ltmp0:
0x1a: {  	(pc) =	sbr.rel @p0 .LBB2_2-.Ltmp0, $4  }
0x1b: {  	_ = 	snop  }
0x1c: {  	s30 =	sand.u32 $0xFE00, s30  }
0x1d: {  	s31 =	sand.u32 $0x70, s29;
	s30 =	sshrl.u32 s30, $0x2  }
0x1e: {  	s30 =	sor.u32 s31, s30  }
0x1f: {  	[tilespmem:s30+$0x6800] =	vst v0  }
0x20: {  	[spmem:s7] =	stream.linear.scatter [tilespmem:s17], [sflag:$0x3], $0x4000, $0x38;
	[tilespmem:$0x1E800] =	vst v63  }
0x21: {  	_ =	swait.ge [sflag:s18], $0x4000  }
0x22: {  	[sflag:s18] =	ssyncset.done $0x0  }
0x23: {  	[sflag:s18] =	ssyncadd.s32 $0xFFFFC000  }
0x24: {  	[spmem:s12] =	stream.linear.scatter [tilespmem:s17], [sflag:$0x3], $0x4000, $0x38;
	[tilespmem:$0x1E800] =	vst v63  }
0x25: {  	_ =	swait.ge [sflag:s18], $0x4000  }
0x26: {  	[sflag:s18] =	ssyncset.done $0x0  }
0x27: {  	[sflag:s18] =	ssyncadd.s32 $0xFFFFC000  }
0x28: {  	[spmem:s13] =	stream.linear.scatter [tilespmem:s17], [sflag:$0x3], $0x4000, $0x38;
	[tilespmem:$0x1E800] =	vst v63  }
0x29: {  	_ =	swait.ge [sflag:s18], $0x4000  }
0x2a: {  	[sflag:s18] =	ssyncset.done $0x0  }
0x2b: {  	[sflag:s18] =	ssyncadd.s32 $0xFFFFC000  }
0x2c: {  	[spmem:s14] =	stream.linear.scatter [tilespmem:s17], [sflag:$0x3], $0x4000, $0x38;
	[tilespmem:$0x1E800] =	vst v63  }
0x2d: {  	_ =	swait.ge [sflag:s18], $0x4000  }
0x2e: {  	[sflag:s18] =	ssyncset.done $0x0  }
0x2f: {  	[sflag:s18] =	ssyncadd.s32 $0xFFFFC000  }
0x30: {  	[spmem:s15] =	stream.linear.scatter [tilespmem:s17], [sflag:$0x3], $0x4000, $0x38;
	[tilespmem:$0x1E800] =	vst v63  }
0x31: {  	_ =	swait.ge [sflag:s18], $0x4000  }
0x32: {  	[sflag:s18] =	ssyncset.done $0x0  }
0x33: {  	[sflag:s18] =	ssyncadd.s32 $0xFFFFC000  }
0x34: {  	_ =	swait.ge [sflag:s19], $0x1400  }
0x35: {  	[sflag:s19] =	ssyncset.done $0x0  }
0x36: {  	[sflag:s19] =	ssyncadd.s32 $0xFFFFEC00  }
0x37: {  	_ =	swait.ge [sflag:s20], $0x1400  }
0x38: {  	[sflag:s20] =	ssyncset.done $0x0  }
0x39: {  	s28 =	simm.s32 $0x0;
	[sflag:s20] =	ssyncadd.s32 $0xFFFFEC00  }
0x3a: {  	[tilespmem:s22], [sflag:$0x1] =	stream.indirect.gather [hbm4b:s4+s21], $0x80, s28, s21, $0xb8;
	[tilespmem:$0x1E800] =	vst v63  }
0x3b: {  	s28 =	simm.s32 $0x80;
	[bflag:$0x0] =	sbarrier.arrive $0xFFFF  }
0x3c: {  	[tilespmem:s17], [sflag:$0x2] =	stream.indirect.gather [hbm4b:s4+s21], $0x80, s28, s21, $0xb8;
	[tilespmem:$0x1E800] =	vst v63  }
0x3d: {  	_ =	swait.ge [sflag:s19], $0x4000  }
0x3e: {  	[sflag:s19] =	ssyncset.done $0x0  }
0x3f: {  	s28 =	simm.s32 $0x1400;
	[sflag:s19] =	ssyncadd.s32 $0xFFFFC000  }
0x40: {  	[spmem:s1] =	stream.indirect.scatter.add.f32 [tilespmem:s22], [sflag:$0x3], $0x80, s28, s21, $0xb8;
	[tilespmem:$0x1E800] =	vst v63  }
0x41: {  	_ =	swait.ge [sflag:s18], $0x4000  }
0x42: {  	[sflag:s18] =	ssyncset.done $0x0  }
0x43: {  	s28 =	simm.s32 $0x100;
	[sflag:s18] =	ssyncadd.s32 $0xFFFFC000  }
0x44: {  	[tilespmem:s22], [sflag:$0x1] =	stream.indirect.gather [hbm4b:s4+s21], $0x80, s28, s21, $0xb8;
	[tilespmem:$0x1E800] =	vst v63  }
0x45: {  	_ =	swait.ge [sflag:s20], $0x4000  }
0x46: {  	[sflag:s20] =	ssyncset.done $0x0  }
0x47: {  	s28 =	simm.s32 $0x1480;
	[sflag:s20] =	ssyncadd.s32 $0xFFFFC000  }
0x48: {  	[spmem:s1] =	stream.indirect.scatter.add.f32 [tilespmem:s17], [sflag:$0x3], $0x80, s28, s21, $0xb8;
	[tilespmem:$0x1E800] =	vst v63  }
0x49: {  	_ =	swait.ge [sflag:s18], $0x4000  }
0x4a: {  	s29 =	simm.s32 $0x800;
	s28 =	simm.s32 $0x100;
	[sflag:s18] =	ssyncset.done $0x0  }
.LBB2_4:
0x4b: {  	s30 =	sadd.s32 $0x80, s28  }
0x4c: {  	[sflag:s18] =	ssyncadd.s32 $0xFFFFC000;
	s31 =	smov.u32 s29;
	s0 =	sadd.s32 $0x400, s29  }
0x4d: {  	[tilespmem:s17], [sflag:$0x2] =	stream.indirect.gather [hbm4b:s4+s21], $0x80, s30, s21, $0xb8;
	[tilespmem:$0x1E800] =	vst v63  }
0x4e: {  	p0 =	sne.s32 s29, $0x4800;
	_ =	swait.ge [sflag:s19], $0x4000  }
0x4f: {  	[sflag:s19] =	ssyncset.done $0x0  }
0x50: {  	s29 =	sadd.s32 $0x1400, s28;
	[sflag:s19] =	ssyncadd.s32 $0xFFFFC000  }
0x51: {  	[spmem:s1] =	stream.indirect.scatter.add.f32 [tilespmem:s22], [sflag:$0x3], $0x80, s29, s21, $0xb8;
	[tilespmem:$0x1E800] =	vst v63  }
0x52: {  	_ =	swait.ge [sflag:s18], $0x4000  }
0x53: {  	[sflag:s18] =	ssyncset.done $0x0  }
0x54: {  	s29 =	sadd.s32 $0x100, s28;
	[sflag:s18] =	ssyncadd.s32 $0xFFFFC000  }
0x55: {  	[tilespmem:s22], [sflag:$0x1] =	stream.indirect.gather [hbm4b:s4+s21], $0x80, s29, s21, $0xb8;
	[tilespmem:$0x1E800] =	vst v63  }
0x56: {  	_ =	swait.ge [sflag:s20], $0x4000  }
.Ltmp1:
0x57: {  	[sflag:s20] =	ssyncset.done $0x0;
	(pc) =	sbr.rel @p0 .LBB2_4-.Ltmp1, $4  }
0x58: {  	s28 =	sadd.s32 $0x1480, s28;
	[sflag:s20] =	ssyncadd.s32 $0xFFFFC000  }
0x59: {  	[spmem:s1] =	stream.indirect.scatter.add.f32 [tilespmem:s17], [sflag:$0x3], $0x80, s28, s21, $0xb8;
	[tilespmem:$0x1E800] =	vst v63  }
0x5a: {  	_ =	swait.ge [sflag:s18], $0x4000  }
0x5b: {  	s29 =	smov.u32 s0;
	s28 =	sshra.s32 s31, $0x2;
	[sflag:s18] =	ssyncset.done $0x0  }
0x5c: {  	s0 =	sadd.s32 $0x80, s28;
	[sflag:s18] =	ssyncadd.s32 $0xFFFFC000  }
0x5d: {  	[tilespmem:s17], [sflag:$0x2] =	stream.indirect.gather [hbm4b:s4+s21], $0x80, s0, s21, $0xb8;
	[tilespmem:$0x1E800] =	vst v63  }
0x5e: {  	_ =	swait.ge [sflag:s19], $0x4000  }
0x5f: {  	[sflag:s19] =	ssyncset.done $0x0  }
0x60: {  	s30 =	sadd.s32 $0x1400, s28;
	[sflag:s19] =	ssyncadd.s32 $0xFFFFC000  }
0x61: {  	[spmem:s1] =	stream.indirect.scatter.add.f32 [tilespmem:s22], [sflag:$0x3], $0x80, s30, s21, $0xb8;
	[tilespmem:$0x1E800] =	vst v63  }
0x62: {  	_ =	swait.ge [sflag:s18], $0x4000  }
0x63: {  	[sflag:s18] =	ssyncset.done $0x0  }
0x64: {  	s31 =	sadd.s32 $0x100, s28;
	[sflag:s18] =	ssyncadd.s32 $0xFFFFC000  }
0x65: {  	[tilespmem:s22], [sflag:$0x1] =	stream.indirect.gather [hbm4b:s4+s21], $0x80, s31, s21, $0xb8;
	[tilespmem:$0x1E800] =	vst v63  }
0x66: {  	_ =	swait.ge [sflag:s20], $0x4000  }
0x67: {  	[sflag:s20] =	ssyncset.done $0x0  }
0x68: {  	s30 =	sadd.s32 $0x1480, s28;
	[sflag:s20] =	ssyncadd.s32 $0xFFFFC000  }
0x69: {  	[spmem:s1] =	stream.indirect.scatter.add.f32 [tilespmem:s17], [sflag:$0x3], $0x80, s30, s21, $0xb8;
	[tilespmem:$0x1E800] =	vst v63  }
0x6a: {  	_ =	swait.ge [sflag:s18], $0x4000  }
0x6b: {  	[sflag:s18] =	ssyncset.done $0x0  }
0x6c: {  	[sflag:s18] =	ssyncadd.s32 $0xFFFFC000  }
0x6d: {  	[tilespmem:s17], [sflag:$0x2] =	stream.indirect.gather [hbm4b:s4+s21], $0x80, s23, s21, $0xb8;
	[tilespmem:$0x1E800] =	vst v63  }
0x6e: {  	_ =	swait.ge [sflag:s19], $0x4000  }
0x6f: {  	[sflag:s19] =	ssyncset.done $0x0  }
0x70: {  	[sflag:s19] =	ssyncadd.s32 $0xFFFFC000  }
0x71: {  	[spmem:s1] =	stream.indirect.scatter.add.f32 [tilespmem:s22], [sflag:$0x3], $0x80, s24, s21, $0xb8;
	[tilespmem:$0x1E800] =	vst v63  }
0x72: {  	_ =	swait.ge [sflag:s18], $0x4000  }
0x73: {  	[sflag:s18] =	ssyncset.done $0x0  }
0x74: {  	[sflag:s18] =	ssyncadd.s32 $0xFFFFC000  }
0x75: {  	[tilespmem:s22], [sflag:$0x1] =	stream.indirect.gather [hbm4b:s4+s21], $0x80, s23, s21, $0xb8;
	[tilespmem:$0x1E800] =	vst v63  }
0x76: {  	_ =	swait.ge [sflag:s20], $0x4000  }
0x77: {  	[sflag:s20] =	ssyncset.done $0x0  }
0x78: {  	[sflag:s20] =	ssyncadd.s32 $0xFFFFC000  }
0x79: {  	[spmem:s1] =	stream.indirect.scatter.add.f32 [tilespmem:s17], [sflag:$0x3], $0x80, s25, s21, $0xb8;
	[tilespmem:$0x1E800] =	vst v63  }
0x7a: {  	_ =	swait.ge [sflag:s18], $0x4000  }
0x7b: {  	[sflag:s18] =	ssyncset.done $0x0  }
0x7c: {  	[sflag:s18] =	ssyncadd.s32 $0xFFFFC000  }
0x7d: {  	_ =	swait.ge [sflag:s19], $0x4000  }
0x7e: {  	[sflag:s19] =	ssyncset.done $0x0  }
0x7f: {  	s31 =	simm.s32 $0x0;
	[sflag:s19] =	ssyncadd.s32 $0xFFFFC000  }
0x80: {  	[tilespmem:s31], [sflag:$0x3] =	stream.linear.gather [hbm4b:s8+s31], $0x1400, $0x38;
	[tilespmem:$0x1E800] =	vst v63  }
0x81: {  	_ =	swait.ge [sflag:s18], $0x1400  }
0x82: {  	[sflag:s18] =	ssyncset.done $0x0  }
0x83: {  	[sflag:s18] =	ssyncadd.s32 $0xFFFFEC00  }
0x84: {  	[tilespmem:s16], [sflag:$0x3] =	stream.linear.gather [hbm4b:s9+s31], $0x1400, $0x38;
	[tilespmem:$0x1E800] =	vst v63  }
0x85: {  	_ =	swait.ge [sflag:s18], $0x1400  }
0x86: {  	[sflag:s18] =	ssyncset.done $0x0  }
0x87: {  	[sflag:s18] =	ssyncadd.s32 $0xFFFFEC00  }
0x88: {  	[tilespmem:s22], [sflag:$0x1] =	stream.indirect.gather [hbm4b:s4+s21], $0x80, s31, s21, $0xb8;
	[tilespmem:$0x1E800] =	vst v63  }
0x89: {  	s30 =	simm.s32 $0x80  }
0x8a: {  	[tilespmem:s17], [sflag:$0x2] =	stream.indirect.gather [hbm4b:s4+s21], $0x80, s30, s21, $0xb8;
	[tilespmem:$0x1E800] =	vst v63  }
0x8b: {  	_ =	swait.ge [sflag:s19], $0x4000  }
0x8c: {  	[sflag:s19] =	ssyncset.done $0x0  }
0x8d: {  	s31 =	simm.s32 $0x1400;
	[sflag:s19] =	ssyncadd.s32 $0xFFFFC000  }
0x8e: {  	[spmem:s1] =	stream.indirect.scatter.add.f32 [tilespmem:s22], [sflag:$0x3], $0x80, s31, s21, $0xb8;
	[tilespmem:$0x1E800] =	vst v63  }
0x8f: {  	_ =	swait.ge [sflag:s18], $0x4000  }
0x90: {  	[sflag:s18] =	ssyncset.done $0x0  }
0x91: {  	s30 =	simm.s32 $0x100;
	[sflag:s18] =	ssyncadd.s32 $0xFFFFC000  }
0x92: {  	[tilespmem:s22], [sflag:$0x1] =	stream.indirect.gather [hbm4b:s4+s21], $0x80, s30, s21, $0xb8;
	[tilespmem:$0x1E800] =	vst v63  }
0x93: {  	_ =	swait.ge [sflag:s20], $0x4000  }
0x94: {  	[sflag:s20] =	ssyncset.done $0x0  }
0x95: {  	s31 =	simm.s32 $0x1480;
	[sflag:s20] =	ssyncadd.s32 $0xFFFFC000  }
0x96: {  	[spmem:s1] =	stream.indirect.scatter.add.f32 [tilespmem:s17], [sflag:$0x3], $0x80, s31, s21, $0xb8;
	[tilespmem:$0x1E800] =	vst v63  }
0x97: {  	_ =	swait.ge [sflag:s18], $0x4000  }
0x98: {  	s29 =	simm.s32 $0x800;
	s28 =	simm.s32 $0x100;
	[sflag:s18] =	ssyncset.done $0x0  }
.LBB2_6:
0x99: {  	s0 =	sadd.s32 $0x80, s28  }
0x9a: {  	[sflag:s18] =	ssyncadd.s32 $0xFFFFC000;
	s30 =	smov.u32 s29;
	s31 =	sadd.s32 $0x400, s29  }
0x9b: {  	[tilespmem:s17], [sflag:$0x2] =	stream.indirect.gather [hbm4b:s4+s21], $0x80, s0, s21, $0xb8;
	[tilespmem:$0x1E800] =	vst v63  }
0x9c: {  	p0 =	sne.s32 s29, $0x4800;
	_ =	swait.ge [sflag:s19], $0x4000  }
0x9d: {  	[sflag:s19] =	ssyncset.done $0x0  }
0x9e: {  	s0 =	sadd.s32 $0x1400, s28;
	[sflag:s19] =	ssyncadd.s32 $0xFFFFC000  }
0x9f: {  	[spmem:s1] =	stream.indirect.scatter.add.f32 [tilespmem:s22], [sflag:$0x3], $0x80, s0, s21, $0xb8;
	[tilespmem:$0x1E800] =	vst v63  }
0xa0: {  	_ =	swait.ge [sflag:s18], $0x4000  }
0xa1: {  	[sflag:s18] =	ssyncset.done $0x0  }
0xa2: {  	s0 =	sadd.s32 $0x100, s28;
	[sflag:s18] =	ssyncadd.s32 $0xFFFFC000  }
0xa3: {  	[tilespmem:s22], [sflag:$0x1] =	stream.indirect.gather [hbm4b:s4+s21], $0x80, s0, s21, $0xb8;
	[tilespmem:$0x1E800] =	vst v63  }
0xa4: {  	_ =	swait.ge [sflag:s20], $0x4000  }
.Ltmp2:
0xa5: {  	[sflag:s20] =	ssyncset.done $0x0;
	(pc) =	sbr.rel @p0 .LBB2_6-.Ltmp2, $4  }
0xa6: {  	s0 =	sadd.s32 $0x1480, s28;
	[sflag:s20] =	ssyncadd.s32 $0xFFFFC000  }
0xa7: {  	[spmem:s1] =	stream.indirect.scatter.add.f32 [tilespmem:s17], [sflag:$0x3], $0x80, s0, s21, $0xb8;
	[tilespmem:$0x1E800] =	vst v63  }
0xa8: {  	_ =	swait.ge [sflag:s18], $0x4000  }
0xa9: {  	s29 =	smov.u32 s31;
	s28 =	sshra.s32 s30, $0x2;
	[sflag:s18] =	ssyncset.done $0x0  }
0xaa: {  	s0 =	sadd.s32 $0x80, s28;
	[sflag:s18] =	ssyncadd.s32 $0xFFFFC000  }
0xab: {  	[tilespmem:s17], [sflag:$0x2] =	stream.indirect.gather [hbm4b:s4+s21], $0x80, s0, s21, $0xb8;
	[tilespmem:$0x1E800] =	vst v63  }
0xac: {  	_ =	swait.ge [sflag:s19], $0x4000  }
0xad: {  	[sflag:s19] =	ssyncset.done $0x0  }
0xae: {  	s30 =	sadd.s32 $0x1400, s28;
	[sflag:s19] =	ssyncadd.s32 $0xFFFFC000  }
0xaf: {  	[spmem:s1] =	stream.indirect.scatter.add.f32 [tilespmem:s22], [sflag:$0x3], $0x80, s30, s21, $0xb8;
	[tilespmem:$0x1E800] =	vst v63  }
0xb0: {  	_ =	swait.ge [sflag:s18], $0x4000  }
0xb1: {  	[sflag:s18] =	ssyncset.done $0x0  }
0xb2: {  	s31 =	sadd.s32 $0x100, s28;
	[sflag:s18] =	ssyncadd.s32 $0xFFFFC000  }
0xb3: {  	[tilespmem:s22], [sflag:$0x1] =	stream.indirect.gather [hbm4b:s4+s21], $0x80, s31, s21, $0xb8;
	[tilespmem:$0x1E800] =	vst v63  }
0xb4: {  	_ =	swait.ge [sflag:s20], $0x4000  }
0xb5: {  	[sflag:s20] =	ssyncset.done $0x0  }
0xb6: {  	s29 =	sadd.s32 $0x1480, s28;
	[sflag:s20] =	ssyncadd.s32 $0xFFFFC000  }
0xb7: {  	[spmem:s1] =	stream.indirect.scatter.add.f32 [tilespmem:s17], [sflag:$0x3], $0x80, s29, s21, $0xb8;
	[tilespmem:$0x1E800] =	vst v63  }
0xb8: {  	_ =	swait.ge [sflag:s18], $0x4000  }
0xb9: {  	[sflag:s18] =	ssyncset.done $0x0  }
0xba: {  	[sflag:s18] =	ssyncadd.s32 $0xFFFFC000  }
0xbb: {  	[tilespmem:s17], [sflag:$0x2] =	stream.indirect.gather [hbm4b:s4+s21], $0x80, s23, s21, $0xb8;
	[tilespmem:$0x1E800] =	vst v63  }
0xbc: {  	_ =	swait.ge [sflag:s19], $0x4000  }
0xbd: {  	[sflag:s19] =	ssyncset.done $0x0  }
0xbe: {  	[sflag:s19] =	ssyncadd.s32 $0xFFFFC000  }
0xbf: {  	[spmem:s1] =	stream.indirect.scatter.add.f32 [tilespmem:s22], [sflag:$0x3], $0x80, s24, s21, $0xb8;
	[tilespmem:$0x1E800] =	vst v63  }
0xc0: {  	_ =	swait.ge [sflag:s18], $0x4000  }
0xc1: {  	[sflag:s18] =	ssyncset.done $0x0  }
0xc2: {  	[sflag:s18] =	ssyncadd.s32 $0xFFFFC000  }
0xc3: {  	[tilespmem:s22], [sflag:$0x1] =	stream.indirect.gather [hbm4b:s4+s21], $0x80, s23, s21, $0xb8;
	[tilespmem:$0x1E800] =	vst v63  }
0xc4: {  	_ =	swait.ge [sflag:s20], $0x4000  }
0xc5: {  	[sflag:s20] =	ssyncset.done $0x0  }
0xc6: {  	[sflag:s20] =	ssyncadd.s32 $0xFFFFC000  }
0xc7: {  	[spmem:s1] =	stream.indirect.scatter.add.f32 [tilespmem:s17], [sflag:$0x3], $0x80, s25, s21, $0xb8;
	[tilespmem:$0x1E800] =	vst v63  }
0xc8: {  	_ =	swait.ge [sflag:s18], $0x4000  }
0xc9: {  	[sflag:s18] =	ssyncset.done $0x0  }
0xca: {  	[sflag:s18] =	ssyncadd.s32 $0xFFFFC000  }
0xcb: {  	_ =	swait.ge [sflag:s19], $0x4000  }
0xcc: {  	s26 =	sadd.s32 $0x1, s26;
	s30 =	sshll.u32 s2, $0x6;
	[sflag:s19] =	ssyncset.done $0x0  }
0xcd: {  	p0 =	sne.s32 s26, s11;
	s0 =	sor.u32 $0x1C03, s30;
	[sflag:s19] =	ssyncadd.s32 $0xFFFFC000  }
.Ltmp3:
0xce: {  	s31 =	sshrl.u32 s7, $0x3;
	[bflag:$0x0] =	sbarrier.arrive $0xFFFF;
	(pc) =	sbr.rel @p0 .LBB2_1-.Ltmp3, $4  }
0xcf: {  	[hbm:s10], [sflag:s0] =	dma.local [spmem:s31], $0x2800  }
0xd0: {  	_ =	swait.ge [sflag:s18], $0x2800  }
0xd1: {  	[sflag:s18] =	ssyncset.done $0x0  }
0xd2: {  	[sflag:s18] =	ssyncadd.s32 $0xFFFFD800  }
0xd3: {  	_ =	sfence.sel $0x180000  }
0xd4: {  	[bflag:$0x0] =	sbarrier.arrive $0xFFFF  }
0xd5: {  	_ =	strace $0x90000050  }
0xd6: {  	[bflag:$0x2] =	sbarrier.arrive $0xFFFF  }
0xd7: {  	p0 =	sne.s32 s2, $0x0;
	s0 =	rddreg [dreg:$0x3]  }
0xd8: {  	s0 =	sadd.s32 @!p0 $0x100000, s0  }
0xd9: {  	[sflag:s0] =	ssyncadd.tile.s32 @!p0 $0x1;
	_ =	shalt  }
.Lfunc_end2:
_tile_overlayer_lowered:
.L_overlay_start_2:
0xda: {  	(tag) =	ssettag $0x2  }
0xdb: {  	s0 =	rddreg [dreg:$0x0];
	s2 =	stileid.u32  }
0xdc: {  	s1 =	rddreg [dreg:$0x1];
	p0 =	sne.s32 s2, $0x0  }
0xdd: {  	s3 =	rddreg [dreg:$0x2];
	[bflag:$0x3] =	sbarrier.arrive $0xFFFF;
	s2 =	simm.s32 @!p0 $0x1C03  }
0xde: {  	[timem:s3], [sflag:s2] =	dma.local @!p0 [hbm:s0], s1  }
0xdf: {  	s0 =	simm.s32 @!p0 $0x3  }
0xe0: {  	_ =	swait.ge @!p0 [sflag:s0], s1  }
0xe1: {  	s1 =	ssub.s32 @!p0 $0x0, s1;
	[sflag:s0] =	ssyncset.done @!p0 $0x0  }
0xe2: {  	[sflag:s0] =	ssyncadd.s32 @!p0 s1  }
0xe3: {  	[bflag:$0x3] =	sbarrier.arrive $0xFFFF  }
0xe4: {  	_ =	shalt  }

// kernel: kernel.28.cloned.1.call-start
scs
__scs_entry_jumppad:
0x0: {  	(pc) =	sbr.rel $0x88, $3  }
0x1: {  	(tag) =	ssettag $0x0;
	lr =	simm.s32 $0x1  }
0x2: {  	[smem:$0x3F93] =	sst lr;
	_ =	strace $0xD0000000  }
0x3: {  	_ = 	snop  }
0x4: {  	_ = 	snop  }
0x5: {  	_ = 	snop  }
0x6: {  	_ = 	snop  }
0x7: {  	_ = 	snop  }
__scs_overlays_trampoline_lowered:
0x8: {  	[smem:$0x3FA2] =	sst s0  }
0x9: {  	[smem:$0x3FA3] =	sst s1  }
0xa: {  	[smem:$0x3FA4] =	sst s2  }
0xb: {  	[smem:$0x3FA5] =	sst s3  }
0xc: {  	[smem:$0x3FA6] =	sst s4  }
0xd: {  	[smem:$0x3FA7] =	sst s5  }
0xe: {  	[smem:$0x3FA8] =	sst s6  }
0xf: {  	[smem:$0x3FA9] =	sst s7  }
0x10: {  	[smem:$0x3FAA] =	sst s8  }
0x11: {  	[smem:$0x3FAB] =	sst s9;
	s0 =	simm.s32 @!p0 $0x0  }
0x12: {  	s1 =	sld [smem:$0x3F91];
	s0 =	simm.s32 @p0 $0x1  }
0x13: {  	[smem:$0x3FAC] =	sst s0;
	s0 =	simm.s32 @!p1 $0x0  }
0x14: {  	s2 =	sld [smem:$0x3F90];
	s0 =	simm.s32 @p1 $0x1  }
0x15: {  	[smem:$0x3FAD] =	sst s0;
	s0 =	simm.s32 @!p2 $0x0  }
0x16: {  	s3 =	sld [smem:$0x3FDB];
	s0 =	simm.s32 @p2 $0x1  }
0x17: {  	s4 =	simm.s32 $0x1BF5;
	[smem:$0x3FAF] =	sst s0  }
0x18: {  	s0 =	sld [smem:$0x3F92];
	_ =	swait.ge [sflag:s4], $0x0  }
0x19: {  	s7 =	sld [smem:$0x3F93]  }
0x1a: {  	s8 =	sadd.s32 $0xFFFFE003, lr  }
0x1b: {  	s9 =	sadd.s32 $0xFFFFFEF7, lr;
	s5 =	simm.s32 $0xFFFFFFFF;
	p2 =	slt.u32 s8, $0xFFFFF086  }
0x1c: {  	p1 =	slt.u32 s9, $0xF7A;
	s5 =	simm.s32 @!p2 $0x0  }
0x1d: {  	s5 =	simm.s32 @p1 $0x1;
	p0 =	seq.s32 s7, s2  }
0x1e: {  	s7 =	smul.u32 @!p0 $0xF7A, s2;
	p2 =	seq.s32 @!p0 s5, $0x0  }
0x1f: {  	s9 =	smul.u32 $0xF7A, s1;
	s8 =	simm.s32 @!p0 $0x1BF5;
	p2 =	por !p2, p0  }
0x20: {  	[sflag:s8] =	ssyncset.s32 @!p0 $0xFFFFF086;
	s6 =	sadd.s32 @!p0 s3, s7;
	s7 =	simm.s32 @!p0 $0x108  }
0x21: {  	s3 =	sadd.s32 s3, s9;
	s6 =	sadd.s32 @!p0 $0x88, s6;
	s7 =	simm.s32 @p2 $0x1082  }
0x22: {  	[simem:s7], [sflag:s8] =	dma.local @!p0 [hbm:s6], $0xF7A  }
0x23: {  	s9 =	sor.u32 $0xD0000000, s2;
	s6 =	simm.s32 $0x108;
	_ =	swait.ge @!p0 [sflag:s8], $0x0  }
0x24: {  	s3 =	sadd.s32 $0x88, s3;
	s6 =	simm.s32 @!p1 $0x1082;
	[sflag:s4] =	ssyncset.s32 $0xFFFFF086  }
0x25: {  	[simem:s6], [sflag:s4] =	dma.local [hbm:s3], $0xF7A  }
0x26: {  	[smem:$0x3F93] =	sst s1;
	(tag) =	ssettag s2;
	_ =	strace s9  }
0x27: {  	s1 =	sld [smem:$0x3FA3]  }
0x28: {  	s2 =	sld [smem:$0x3FA4]  }
0x29: {  	s4 =	sld [smem:$0x3FA6]  }
0x2a: {  	p0 =	seq.s32 s5, $0x0;
	s5 =	sld [smem:$0x3FA7]  }
0x2b: {  	s6 =	sld [smem:$0x3FA8]  }
0x2c: {  	s7 =	sld [smem:$0x3FA9]  }
0x2d: {  	s3 =	simm.s32 $0x108;
	s8 =	sld [smem:$0x3FAA]  }
0x2e: {  	s3 =	simm.s32 @!p0 $0x1082;
	s9 =	sld [smem:$0x3FAB]  }
0x2f: {  	lr =	sadd.s32 s0, s3;
	s0 =	sld [smem:$0x3FA2]  }
0x30: {  	s3 =	sld [smem:$0x3FA5]  }
0x31: {  	[smem:$0x3FAE] =	sst s10  }
0x32: {  	s10 =	sld [smem:$0x3FAC];
	_ =	sdelay $0x3  }
0x33: {  	p0 =	seq.s32 s10, $0x1;
	s10 =	sld [smem:$0x3FAE];
	_ =	sdelay $0x3  }
0x34: {  	[smem:$0x3FAE] =	sst s10  }
0x35: {  	s10 =	sld [smem:$0x3FAD];
	_ =	sdelay $0x3  }
0x36: {  	p1 =	seq.s32 s10, $0x1;
	s10 =	sld [smem:$0x3FAE];
	_ =	sdelay $0x3  }
0x37: {  	[smem:$0x3FAE] =	sst s10  }
0x38: {  	s10 =	sld [smem:$0x3FAF]  }
0x39: {  	_ = 	snop;
	(pc) =	sbr.ind lr, $3  }
0x3a: {  	_ = 	snop  }
0x3b: {  	_ = 	snop  }
0x3c: {  	p2 =	seq.s32 s10, $0x1;
	s10 =	sld [smem:$0x3FAE]  }
0x3d: {  	_ =	shalt  }
0x3e: {  	_ =	shalt  }
0x3f: {  	_ =	shalt  }
0x40: {  	_ =	shalt  }
0x41: {  	_ =	shalt  }
0x42: {  	_ =	shalt  }
0x43: {  	_ =	shalt  }
0x44: {  	_ =	shalt  }
0x45: {  	_ =	shalt  }
0x46: {  	_ =	shalt  }
0x47: {  	_ =	shalt  }
0x48: {  	_ =	shalt  }
0x49: {  	_ =	shalt  }
0x4a: {  	_ =	shalt  }
0x4b: {  	_ =	shalt  }
0x4c: {  	_ =	shalt  }
0x4d: {  	_ =	shalt  }
0x4e: {  	_ =	shalt  }
0x4f: {  	_ =	shalt  }
0x50: {  	_ =	shalt  }
0x51: {  	_ =	shalt  }
0x52: {  	_ =	shalt  }
0x53: {  	_ =	shalt  }
0x54: {  	_ =	shalt  }
0x55: {  	_ =	shalt  }
0x56: {  	_ =	shalt  }
0x57: {  	_ =	shalt  }
0x58: {  	_ =	shalt  }
0x59: {  	_ =	shalt  }
0x5a: {  	_ =	shalt  }
0x5b: {  	_ =	shalt  }
0x5c: {  	_ =	shalt  }
0x5d: {  	_ =	shalt  }
0x5e: {  	_ =	shalt  }
0x5f: {  	_ =	shalt  }
0x60: {  	_ =	shalt  }
0x61: {  	_ =	shalt  }
0x62: {  	_ =	shalt  }
0x63: {  	_ =	shalt  }
0x64: {  	_ =	shalt  }
0x65: {  	_ =	shalt  }
0x66: {  	_ =	shalt  }
0x67: {  	_ =	shalt  }
0x68: {  	_ =	shalt  }
0x69: {  	_ =	shalt  }
0x6a: {  	_ =	shalt  }
0x6b: {  	_ =	shalt  }
0x6c: {  	_ =	shalt  }
0x6d: {  	_ =	shalt  }
0x6e: {  	_ =	shalt  }
0x6f: {  	_ =	shalt  }
0x70: {  	_ =	shalt  }
0x71: {  	_ =	shalt  }
0x72: {  	_ =	shalt  }
0x73: {  	_ =	shalt  }
0x74: {  	_ =	shalt  }
0x75: {  	_ =	shalt  }
0x76: {  	_ =	shalt  }
0x77: {  	_ =	shalt  }
0x78: {  	_ =	shalt  }
0x79: {  	_ =	shalt  }
0x7a: {  	_ =	shalt  }
0x7b: {  	_ =	shalt  }
0x7c: {  	_ =	shalt  }
0x7d: {  	_ =	shalt  }
0x7e: {  	_ =	shalt  }
0x7f: {  	_ =	shalt  }
0x80: {  	_ =	shalt  }
0x81: {  	_ =	shalt  }
0x82: {  	_ =	shalt  }
0x83: {  	_ =	shalt  }
0x84: {  	_ =	shalt  }
0x85: {  	_ =	shalt  }
0x86: {  	_ =	shalt  }
0x87: {  	_ =	shalt  }
.Lfunc_end0:
.L_simem_size_0:
called_computation.4_lowered:
.L_overlay_start_0:
0x88: {  	s2 =	sld [smem:$0x3FD9]  }
0x89: {  	s3 =	sld [smem:$0x3FFE];
	_ =	sdelay $0x1  }
0x8a: {  	s1 =	srdreg.scid  }
0x8b: {  	s0 =	sand.u32 $0x1, s1  }
0x8c: {  	s17 =	sshll.u32 s0, $0xA;
	s2 =	sadd.s32 s3, s2  }
0x8d: {  	s2 =	sadd.s32 s2, s17  }
0x8e: {  	[smem:$0x3FBA] =	sst s2  }
0x8f: {  	_ = 	snop  }
0x90: {  	s2 =	sld [smem:$0x3FD0];
	(tm) =	ssettm $0x1  }
0x91: {  	s18 =	sld [smem:$0x3FFB];
	_ =	sdelay $0x3  }
0x92: {  	_ =	strace s18  }
0x93: {  	s3 =	sld [smem:$0x3FFC];
	_ =	sdelay $0x3  }
0x94: {  	_ =	strace s3  }
0x95: {  	s3 =	sld [smem:$0x3FFD];
	_ =	sdelay $0x3  }
0x96: {  	_ =	strace s3  }
0x97: {  	_ =	strace $0x8FFFFFFF  }
0x98: {  	s19 =	sld [smem:$0x3FDB];
	_ =	sdelay $0x1  }
0x99: {  	s4 =	simm.s32 $_scs_section_size  }
0x9a: {  	s5 =	simm.s32 $_size__tile_overlayer_lowered;
	s6 =	simm.s32 $_tile_overlayer_lowered  }
0x9b: {  	s22 =	simm.s32 $0x1BFF;
	s21 =	sshll.u32 s6, $0x1;
	s3 =	sadd.s32 s4, s19  }
0x9c: {  	s7 =	simm.s32 $0x0;
	s20 =	sshll.u32 s5, $0x1;
	s5 =	sadd.s32 s21, s3  }
0x9d: {  	[timem:s7], [sflag:s22] =	dma.local [hbm:s5], s20  }
0x9e: {  	_ =	swait.ge [sflag:s22], s20  }
0x9f: {  	s4 =	ssub.s32 $0x0, s20;
	[sflag:s22] =	ssyncset.done $0x0  }
0xa0: {  	[sflag:s22] =	ssyncadd.s32 s4;
	_ =	sdelay $0x1  }
0xa1: {  	s23 =	simm.s32 $0x1B8B  }
0xa2: {  	_ =	swait.ge [sflag:s23], $0x1  }
0xa3: {  	[sflag:s23] =	ssyncset.done $0x0  }
0xa4: {  	s25 =	simm.s32 $0x1B8E;
	s24 =	sld [smem:$0x3FFE];
	[sflag:s23] =	ssyncadd.s32 $0xFFFFFFFF  }
0xa5: {  	s26 =	simm.s32 $execute0_lowered;
	[smem:$0x3FD2] =	sst s25  }
0xa6: {  	s5 =	sshll.u32 s26, $0x1;
	_ =	strace $0x80000052;
	[dreg:$0x1] =	wrdreg $0xFFFFFFFF  }
0xa7: {  	s28 =	simm.s32 $_size_execute0_lowered;
	s3 =	sadd.s32 s3, s5;
	[dreg:$0x0] =	wrdreg $0x0  }
0xa8: {  	s5 =	sshll.u32 s28, $0x1;
	[dreg:$0x2] =	wrdreg s3  }
0xa9: {  	[dreg:$0x3] =	wrdreg s5  }
0xaa: {  	[dreg:$0x4] =	wrdreg $0xC0  }
0xab: {  	_ =	task [dreg:s7], $0x5FFFF  }
0xac: {  	[dreg:$0x1] =	wrdreg $0xFFFFFFFF  }
0xad: {  	[dreg:$0x0] =	wrdreg $0x60  }
0xae: {  	[dreg:$0x2] =	wrdreg s24  }
0xaf: {  	[dreg:$0x3] =	wrdreg s2  }
0xb0: {  	[dreg:$0x4] =	wrdreg $0xA8000  }
0xb1: {  	[dreg:$0x5] =	wrdreg $0x9  }
0xb2: {  	_ =	task.clear_ibuf [dreg:s7], $0x6FFFF;
	_ =	strace $0x90000052  }
0xb3: {  	s29 =	simm.s32 $0x9;
	_ =	strace $0x80000054  }
0xb4: {  	_ =	swait.ge [sflag:s29], $0x1  }
0xb5: {  	[sflag:s29] =	ssyncadd.s32 $0xFFFFFFFF  }
0xb6: {  	_ =	strace $0x90000054  }
0xb7: {  	_ =	sfence  }
0xb8: {  	s30 =	sld [smem:$0x0];
	_ =	sdelay $0x2  }
0xb9: {  	s31 =	sshll.u32 s1, $0xD;
	s1 =	sshrl.u32 s1, $0x2  }
0xba: {  	s3 =	sand.u32 $0x4000, s31;
	s1 =	sadd.s32 s1, s30  }
0xbb: {  	s0 =	sor.u32 s3, s0;
	s1 =	sshll.u32 s1, $0x11  }
0xbc: {  	s0 =	sor.u32 s1, s0  }
0xbd: {  	s0 =	sadd.s32 $0x8F2B, s0  }
0xbe: {  	[sflag:s0] =	ssyncadd.remote.s32 $0x1  }
0xbf: {  	_ =	sfence.sel $0xFFFF  }
0xc0: {  	[dreg:$0x0] =	wrdreg $0xFFFFFFFF;
	(pc) =	sbr.abs _section_cstart, $3  }
0xc1: {  	[dreg:$0x1] =	wrdreg $0xFFFFFFFF  }
0xc2: {  	_ =	task.clear_ibuf [dreg:s7], $0x2FFFF;
	_ =	strace $0x9FFFFFFF  }
0xc3: {  	(tm) =	ssettm $0x7FFFFFFF  }
tec
execute0_lowered:
.L_overlay_start_1:
0x0: {  	(tag) =	ssettag $0x1  }
0x1: {  	s5 =	rddreg [dreg:$0x0]  }
0x2: {  	s8 =	rddreg [dreg:$0x1]  }
0x3: {  	s1 =	rddreg [dreg:$0x2]  }
0x4: {  	s3 =	simm.s32 $0x0;
	s2 =	srdreg.scid;
	s16 =	simm.s32 $0x1400  }
0x5: {  	s17 =	simm.s32 $0x6800;
	s18 =	simm.s32 $0x3;
	s19 =	simm.s32 $0x1  }
0x6: {  	s20 =	simm.s32 $0x2;
	s21 =	simm.s32 $0x80;
	s22 =	simm.s32 $0x2800  }
0x7: {  	s23 =	simm.s32 $0x1380;
	s24 =	simm.s32 $0x2700;
	s25 =	simm.s32 $0x2780  }
0x8: {  	s26 =	simm.s32 $0x0;
	[smem:$0x7FF] =	sst s3;
	s6 =	sand.u32 $0x1, s2  }
0x9: {  	s2 =	stileid.u32;
	s4 =	sadd.s32 $0x60200, s5;
	s7 =	smul.u32 $0x140000, s6  }
0xa: {  	s11 =	sadd.s32 $0x6200, s5;
	s9 =	smul.u32 $0x14000, s2;
	s10 =	sshll.u32 s6, $0x4  }
0xb: {  	s6 =	ssub.s32 $0x2, s6;
	s12 =	smul.u32 $0x50000, s2;
	s10 =	sor.u32 s2, s10  }
0xc: {  	s29 =	sshrl.u32 s6, $0x1;
	s7 =	sadd.s32 s9, s7;
	s28 =	smul.u32 $0x2800, s10  }
0xd: {  	_ =	strace $0x80000053;
	s14 =	ssub.s32 s6, s29;
	s7 =	sshrl.u32 s7, $0x3  }
0xe: {  	s31 =	sshrl.u32 s12, $0x2;
	s13 =	sadd.s32 s7, s5;
	s30 =	sshrl.u32 s28, $0x3  }
0xf: {  	s7 =	sadd.s32 s31, s1;
	s5 =	sadd.s32 s8, s30;
	s9 =	sadd.s32 $0x280, s30  }
0x10: {  	s6 =	sadd.s32 s11, s30;
	s10 =	sadd.s32 $0x88200, s13;
	s12 =	sadd.s32 $0x4000, s7  }
0x11: {  	s13 =	sadd.s32 $0x8000, s7;
	s15 =	sadd.s32 $0x10000, s7;
	s8 =	sadd.s32 s8, s9  }
0x12: {  	v0 =	vimm.f32 $0.0e+00;
	s9 =	sadd.s32 s11, s9;
	s11 =	smax.u32 s14, $0x1;
	s14 =	sadd.s32 $0xC000, s7  }
.LBB2_1:
0x13: {  	[tilespmem:s3], [sflag:$0x1] =	stream.linear.gather [hbm4b:s5+s3], $0x1400, $0x38;
	[tilespmem:$0x1E800] =	vst v63  }
0x14: {  	s28 =	sand.u32 $0xFE00, s3  }
0x15: {  	s29 =	sand.u32 $0x70, s3;
	s30 =	sshrl.u32 s28, $0x2  }
0x16: {  	[tilespmem:s16], [sflag:$0x2] =	stream.linear.gather [hbm4b:s6+s3], $0x1400, $0x38;
	[tilespmem:$0x1E800] =	vst v63  }
0x17: {  	s28 =	simm.s32 $0x40;
	s30 =	sor.u32 s29, s30;
	s29 =	simm.s32 $0x0  }
.LBB2_2:
0x18: {  	p0 =	sne.s32 s28, $0xFFC0  }
0x19: {  	[tilespmem:s30+$0x6800] =	vst v0;
	s29 =	sadd.s32 $0x10, s29;
	s30 =	smov.u32 s28;
	s28 =	sadd.s32 $0x40, s28  }
.Ltmp0:
0x1a: {  	(pc) =	sbr.rel @p0 .LBB2_2-.Ltmp0, $4  }
0x1b: {  	_ = 	snop  }
0x1c: {  	s30 =	sand.u32 $0xFE00, s30  }
0x1d: {  	s31 =	sand.u32 $0x70, s29;
	s30 =	sshrl.u32 s30, $0x2  }
0x1e: {  	s30 =	sor.u32 s31, s30  }
0x1f: {  	[tilespmem:s30+$0x6800] =	vst v0  }
0x20: {  	[spmem:s7] =	stream.linear.scatter [tilespmem:s17], [sflag:$0x3], $0x4000, $0x38;
	[tilespmem:$0x1E800] =	vst v63  }
0x21: {  	_ =	swait.ge [sflag:s18], $0x4000  }
0x22: {  	[sflag:s18] =	ssyncset.done $0x0  }
0x23: {  	[sflag:s18] =	ssyncadd.s32 $0xFFFFC000  }
0x24: {  	[spmem:s12] =	stream.linear.scatter [tilespmem:s17], [sflag:$0x3], $0x4000, $0x38;
	[tilespmem:$0x1E800] =	vst v63  }
0x25: {  	_ =	swait.ge [sflag:s18], $0x4000  }
0x26: {  	[sflag:s18] =	ssyncset.done $0x0  }
0x27: {  	[sflag:s18] =	ssyncadd.s32 $0xFFFFC000  }
0x28: {  	[spmem:s13] =	stream.linear.scatter [tilespmem:s17], [sflag:$0x3], $0x4000, $0x38;
	[tilespmem:$0x1E800] =	vst v63  }
0x29: {  	_ =	swait.ge [sflag:s18], $0x4000  }
0x2a: {  	[sflag:s18] =	ssyncset.done $0x0  }
0x2b: {  	[sflag:s18] =	ssyncadd.s32 $0xFFFFC000  }
0x2c: {  	[spmem:s14] =	stream.linear.scatter [tilespmem:s17], [sflag:$0x3], $0x4000, $0x38;
	[tilespmem:$0x1E800] =	vst v63  }
0x2d: {  	_ =	swait.ge [sflag:s18], $0x4000  }
0x2e: {  	[sflag:s18] =	ssyncset.done $0x0  }
0x2f: {  	[sflag:s18] =	ssyncadd.s32 $0xFFFFC000  }
0x30: {  	[spmem:s15] =	stream.linear.scatter [tilespmem:s17], [sflag:$0x3], $0x4000, $0x38;
	[tilespmem:$0x1E800] =	vst v63  }
0x31: {  	_ =	swait.ge [sflag:s18], $0x4000  }
0x32: {  	[sflag:s18] =	ssyncset.done $0x0  }
0x33: {  	[sflag:s18] =	ssyncadd.s32 $0xFFFFC000  }
0x34: {  	_ =	swait.ge [sflag:s19], $0x1400  }
0x35: {  	[sflag:s19] =	ssyncset.done $0x0  }
0x36: {  	[sflag:s19] =	ssyncadd.s32 $0xFFFFEC00  }
0x37: {  	_ =	swait.ge [sflag:s20], $0x1400  }
0x38: {  	[sflag:s20] =	ssyncset.done $0x0  }
0x39: {  	s28 =	simm.s32 $0x0;
	[sflag:s20] =	ssyncadd.s32 $0xFFFFEC00  }
0x3a: {  	[tilespmem:s22], [sflag:$0x1] =	stream.indirect.gather [hbm4b:s4+s21], $0x80, s28, s21, $0xb8;
	[tilespmem:$0x1E800] =	vst v63  }
0x3b: {  	s28 =	simm.s32 $0x80;
	[bflag:$0x0] =	sbarrier.arrive $0xFFFF  }
0x3c: {  	[tilespmem:s17], [sflag:$0x2] =	stream.indirect.gather [hbm4b:s4+s21], $0x80, s28, s21, $0xb8;
	[tilespmem:$0x1E800] =	vst v63  }
0x3d: {  	_ =	swait.ge [sflag:s19], $0x4000  }
0x3e: {  	[sflag:s19] =	ssyncset.done $0x0  }
0x3f: {  	s28 =	simm.s32 $0x1400;
	[sflag:s19] =	ssyncadd.s32 $0xFFFFC000  }
0x40: {  	[spmem:s1] =	stream.indirect.scatter.add.f32 [tilespmem:s22], [sflag:$0x3], $0x80, s28, s21, $0xb8;
	[tilespmem:$0x1E800] =	vst v63  }
0x41: {  	_ =	swait.ge [sflag:s18], $0x4000  }
0x42: {  	[sflag:s18] =	ssyncset.done $0x0  }
0x43: {  	s28 =	simm.s32 $0x100;
	[sflag:s18] =	ssyncadd.s32 $0xFFFFC000  }
0x44: {  	[tilespmem:s22], [sflag:$0x1] =	stream.indirect.gather [hbm4b:s4+s21], $0x80, s28, s21, $0xb8;
	[tilespmem:$0x1E800] =	vst v63  }
0x45: {  	_ =	swait.ge [sflag:s20], $0x4000  }
0x46: {  	[sflag:s20] =	ssyncset.done $0x0  }
0x47: {  	s28 =	simm.s32 $0x1480;
	[sflag:s20] =	ssyncadd.s32 $0xFFFFC000  }
0x48: {  	[spmem:s1] =	stream.indirect.scatter.add.f32 [tilespmem:s17], [sflag:$0x3], $0x80, s28, s21, $0xb8;
	[tilespmem:$0x1E800] =	vst v63  }
0x49: {  	_ =	swait.ge [sflag:s18], $0x4000  }
0x4a: {  	s29 =	simm.s32 $0x800;
	s28 =	simm.s32 $0x100;
	[sflag:s18] =	ssyncset.done $0x0  }
.LBB2_4:
0x4b: {  	s30 =	sadd.s32 $0x80, s28  }
0x4c: {  	[sflag:s18] =	ssyncadd.s32 $0xFFFFC000;
	s31 =	smov.u32 s29;
	s0 =	sadd.s32 $0x400, s29  }
0x4d: {  	[tilespmem:s17], [sflag:$0x2] =	stream.indirect.gather [hbm4b:s4+s21], $0x80, s30, s21, $0xb8;
	[tilespmem:$0x1E800] =	vst v63  }
0x4e: {  	p0 =	sne.s32 s29, $0x4800;
	_ =	swait.ge [sflag:s19], $0x4000  }
0x4f: {  	[sflag:s19] =	ssyncset.done $0x0  }
0x50: {  	s29 =	sadd.s32 $0x1400, s28;
	[sflag:s19] =	ssyncadd.s32 $0xFFFFC000  }
0x51: {  	[spmem:s1] =	stream.indirect.scatter.add.f32 [tilespmem:s22], [sflag:$0x3], $0x80, s29, s21, $0xb8;
	[tilespmem:$0x1E800] =	vst v63  }
0x52: {  	_ =	swait.ge [sflag:s18], $0x4000  }
0x53: {  	[sflag:s18] =	ssyncset.done $0x0  }
0x54: {  	s29 =	sadd.s32 $0x100, s28;
	[sflag:s18] =	ssyncadd.s32 $0xFFFFC000  }
0x55: {  	[tilespmem:s22], [sflag:$0x1] =	stream.indirect.gather [hbm4b:s4+s21], $0x80, s29, s21, $0xb8;
	[tilespmem:$0x1E800] =	vst v63  }
0x56: {  	_ =	swait.ge [sflag:s20], $0x4000  }
.Ltmp1:
0x57: {  	[sflag:s20] =	ssyncset.done $0x0;
	(pc) =	sbr.rel @p0 .LBB2_4-.Ltmp1, $4  }
0x58: {  	s28 =	sadd.s32 $0x1480, s28;
	[sflag:s20] =	ssyncadd.s32 $0xFFFFC000  }
0x59: {  	[spmem:s1] =	stream.indirect.scatter.add.f32 [tilespmem:s17], [sflag:$0x3], $0x80, s28, s21, $0xb8;
	[tilespmem:$0x1E800] =	vst v63  }
0x5a: {  	_ =	swait.ge [sflag:s18], $0x4000  }
0x5b: {  	s29 =	smov.u32 s0;
	s28 =	sshra.s32 s31, $0x2;
	[sflag:s18] =	ssyncset.done $0x0  }
0x5c: {  	s0 =	sadd.s32 $0x80, s28;
	[sflag:s18] =	ssyncadd.s32 $0xFFFFC000  }
0x5d: {  	[tilespmem:s17], [sflag:$0x2] =	stream.indirect.gather [hbm4b:s4+s21], $0x80, s0, s21, $0xb8;
	[tilespmem:$0x1E800] =	vst v63  }
0x5e: {  	_ =	swait.ge [sflag:s19], $0x4000  }
0x5f: {  	[sflag:s19] =	ssyncset.done $0x0  }
0x60: {  	s30 =	sadd.s32 $0x1400, s28;
	[sflag:s19] =	ssyncadd.s32 $0xFFFFC000  }
0x61: {  	[spmem:s1] =	stream.indirect.scatter.add.f32 [tilespmem:s22], [sflag:$0x3], $0x80, s30, s21, $0xb8;
	[tilespmem:$0x1E800] =	vst v63  }
0x62: {  	_ =	swait.ge [sflag:s18], $0x4000  }
0x63: {  	[sflag:s18] =	ssyncset.done $0x0  }
0x64: {  	s31 =	sadd.s32 $0x100, s28;
	[sflag:s18] =	ssyncadd.s32 $0xFFFFC000  }
0x65: {  	[tilespmem:s22], [sflag:$0x1] =	stream.indirect.gather [hbm4b:s4+s21], $0x80, s31, s21, $0xb8;
	[tilespmem:$0x1E800] =	vst v63  }
0x66: {  	_ =	swait.ge [sflag:s20], $0x4000  }
0x67: {  	[sflag:s20] =	ssyncset.done $0x0  }
0x68: {  	s30 =	sadd.s32 $0x1480, s28;
	[sflag:s20] =	ssyncadd.s32 $0xFFFFC000  }
0x69: {  	[spmem:s1] =	stream.indirect.scatter.add.f32 [tilespmem:s17], [sflag:$0x3], $0x80, s30, s21, $0xb8;
	[tilespmem:$0x1E800] =	vst v63  }
0x6a: {  	_ =	swait.ge [sflag:s18], $0x4000  }
0x6b: {  	[sflag:s18] =	ssyncset.done $0x0  }
0x6c: {  	[sflag:s18] =	ssyncadd.s32 $0xFFFFC000  }
0x6d: {  	[tilespmem:s17], [sflag:$0x2] =	stream.indirect.gather [hbm4b:s4+s21], $0x80, s23, s21, $0xb8;
	[tilespmem:$0x1E800] =	vst v63  }
0x6e: {  	_ =	swait.ge [sflag:s19], $0x4000  }
0x6f: {  	[sflag:s19] =	ssyncset.done $0x0  }
0x70: {  	[sflag:s19] =	ssyncadd.s32 $0xFFFFC000  }
0x71: {  	[spmem:s1] =	stream.indirect.scatter.add.f32 [tilespmem:s22], [sflag:$0x3], $0x80, s24, s21, $0xb8;
	[tilespmem:$0x1E800] =	vst v63  }
0x72: {  	_ =	swait.ge [sflag:s18], $0x4000  }
0x73: {  	[sflag:s18] =	ssyncset.done $0x0  }
0x74: {  	[sflag:s18] =	ssyncadd.s32 $0xFFFFC000  }
0x75: {  	[tilespmem:s22], [sflag:$0x1] =	stream.indirect.gather [hbm4b:s4+s21], $0x80, s23, s21, $0xb8;
	[tilespmem:$0x1E800] =	vst v63  }
0x76: {  	_ =	swait.ge [sflag:s20], $0x4000  }
0x77: {  	[sflag:s20] =	ssyncset.done $0x0  }
0x78: {  	[sflag:s20] =	ssyncadd.s32 $0xFFFFC000  }
0x79: {  	[spmem:s1] =	stream.indirect.scatter.add.f32 [tilespmem:s17], [sflag:$0x3], $0x80, s25, s21, $0xb8;
	[tilespmem:$0x1E800] =	vst v63  }
0x7a: {  	_ =	swait.ge [sflag:s18], $0x4000  }
0x7b: {  	[sflag:s18] =	ssyncset.done $0x0  }
0x7c: {  	[sflag:s18] =	ssyncadd.s32 $0xFFFFC000  }
0x7d: {  	_ =	swait.ge [sflag:s19], $0x4000  }
0x7e: {  	[sflag:s19] =	ssyncset.done $0x0  }
0x7f: {  	s31 =	simm.s32 $0x0;
	[sflag:s19] =	ssyncadd.s32 $0xFFFFC000  }
0x80: {  	[tilespmem:s31], [sflag:$0x3] =	stream.linear.gather [hbm4b:s8+s31], $0x1400, $0x38;
	[tilespmem:$0x1E800] =	vst v63  }
0x81: {  	_ =	swait.ge [sflag:s18], $0x1400  }
0x82: {  	[sflag:s18] =	ssyncset.done $0x0  }
0x83: {  	[sflag:s18] =	ssyncadd.s32 $0xFFFFEC00  }
0x84: {  	[tilespmem:s16], [sflag:$0x3] =	stream.linear.gather [hbm4b:s9+s31], $0x1400, $0x38;
	[tilespmem:$0x1E800] =	vst v63  }
0x85: {  	_ =	swait.ge [sflag:s18], $0x1400  }
0x86: {  	[sflag:s18] =	ssyncset.done $0x0  }
0x87: {  	[sflag:s18] =	ssyncadd.s32 $0xFFFFEC00  }
0x88: {  	[tilespmem:s22], [sflag:$0x1] =	stream.indirect.gather [hbm4b:s4+s21], $0x80, s31, s21, $0xb8;
	[tilespmem:$0x1E800] =	vst v63  }
0x89: {  	s30 =	simm.s32 $0x80  }
0x8a: {  	[tilespmem:s17], [sflag:$0x2] =	stream.indirect.gather [hbm4b:s4+s21], $0x80, s30, s21, $0xb8;
	[tilespmem:$0x1E800] =	vst v63  }
0x8b: {  	_ =	swait.ge [sflag:s19], $0x4000  }
0x8c: {  	[sflag:s19] =	ssyncset.done $0x0  }
0x8d: {  	s31 =	simm.s32 $0x1400;
	[sflag:s19] =	ssyncadd.s32 $0xFFFFC000  }
0x8e: {  	[spmem:s1] =	stream.indirect.scatter.add.f32 [tilespmem:s22], [sflag:$0x3], $0x80, s31, s21, $0xb8;
	[tilespmem:$0x1E800] =	vst v63  }
0x8f: {  	_ =	swait.ge [sflag:s18], $0x4000  }
0x90: {  	[sflag:s18] =	ssyncset.done $0x0  }
0x91: {  	s30 =	simm.s32 $0x100;
	[sflag:s18] =	ssyncadd.s32 $0xFFFFC000  }
0x92: {  	[tilespmem:s22], [sflag:$0x1] =	stream.indirect.gather [hbm4b:s4+s21], $0x80, s30, s21, $0xb8;
	[tilespmem:$0x1E800] =	vst v63  }
0x93: {  	_ =	swait.ge [sflag:s20], $0x4000  }
0x94: {  	[sflag:s20] =	ssyncset.done $0x0  }
0x95: {  	s31 =	simm.s32 $0x1480;
	[sflag:s20] =	ssyncadd.s32 $0xFFFFC000  }
0x96: {  	[spmem:s1] =	stream.indirect.scatter.add.f32 [tilespmem:s17], [sflag:$0x3], $0x80, s31, s21, $0xb8;
	[tilespmem:$0x1E800] =	vst v63  }
0x97: {  	_ =	swait.ge [sflag:s18], $0x4000  }
0x98: {  	s29 =	simm.s32 $0x800;
	s28 =	simm.s32 $0x100;
	[sflag:s18] =	ssyncset.done $0x0  }
.LBB2_6:
0x99: {  	s0 =	sadd.s32 $0x80, s28  }
0x9a: {  	[sflag:s18] =	ssyncadd.s32 $0xFFFFC000;
	s30 =	smov.u32 s29;
	s31 =	sadd.s32 $0x400, s29  }
0x9b: {  	[tilespmem:s17], [sflag:$0x2] =	stream.indirect.gather [hbm4b:s4+s21], $0x80, s0, s21, $0xb8;
	[tilespmem:$0x1E800] =	vst v63  }
0x9c: {  	p0 =	sne.s32 s29, $0x4800;
	_ =	swait.ge [sflag:s19], $0x4000  }
0x9d: {  	[sflag:s19] =	ssyncset.done $0x0  }
0x9e: {  	s0 =	sadd.s32 $0x1400, s28;
	[sflag:s19] =	ssyncadd.s32 $0xFFFFC000  }
0x9f: {  	[spmem:s1] =	stream.indirect.scatter.add.f32 [tilespmem:s22], [sflag:$0x3], $0x80, s0, s21, $0xb8;
	[tilespmem:$0x1E800] =	vst v63  }
0xa0: {  	_ =	swait.ge [sflag:s18], $0x4000  }
0xa1: {  	[sflag:s18] =	ssyncset.done $0x0  }
0xa2: {  	s0 =	sadd.s32 $0x100, s28;
	[sflag:s18] =	ssyncadd.s32 $0xFFFFC000  }
0xa3: {  	[tilespmem:s22], [sflag:$0x1] =	stream.indirect.gather [hbm4b:s4+s21], $0x80, s0, s21, $0xb8;
	[tilespmem:$0x1E800] =	vst v63  }
0xa4: {  	_ =	swait.ge [sflag:s20], $0x4000  }
.Ltmp2:
0xa5: {  	[sflag:s20] =	ssyncset.done $0x0;
	(pc) =	sbr.rel @p0 .LBB2_6-.Ltmp2, $4  }
0xa6: {  	s0 =	sadd.s32 $0x1480, s28;
	[sflag:s20] =	ssyncadd.s32 $0xFFFFC000  }
0xa7: {  	[spmem:s1] =	stream.indirect.scatter.add.f32 [tilespmem:s17], [sflag:$0x3], $0x80, s0, s21, $0xb8;
	[tilespmem:$0x1E800] =	vst v63  }
0xa8: {  	_ =	swait.ge [sflag:s18], $0x4000  }
0xa9: {  	s29 =	smov.u32 s31;
	s28 =	sshra.s32 s30, $0x2;
	[sflag:s18] =	ssyncset.done $0x0  }
0xaa: {  	s0 =	sadd.s32 $0x80, s28;
	[sflag:s18] =	ssyncadd.s32 $0xFFFFC000  }
0xab: {  	[tilespmem:s17], [sflag:$0x2] =	stream.indirect.gather [hbm4b:s4+s21], $0x80, s0, s21, $0xb8;
	[tilespmem:$0x1E800] =	vst v63  }
0xac: {  	_ =	swait.ge [sflag:s19], $0x4000  }
0xad: {  	[sflag:s19] =	ssyncset.done $0x0  }
0xae: {  	s30 =	sadd.s32 $0x1400, s28;
	[sflag:s19] =	ssyncadd.s32 $0xFFFFC000  }
0xaf: {  	[spmem:s1] =	stream.indirect.scatter.add.f32 [tilespmem:s22], [sflag:$0x3], $0x80, s30, s21, $0xb8;
	[tilespmem:$0x1E800] =	vst v63  }
0xb0: {  	_ =	swait.ge [sflag:s18], $0x4000  }
0xb1: {  	[sflag:s18] =	ssyncset.done $0x0  }
0xb2: {  	s31 =	sadd.s32 $0x100, s28;
	[sflag:s18] =	ssyncadd.s32 $0xFFFFC000  }
0xb3: {  	[tilespmem:s22], [sflag:$0x1] =	stream.indirect.gather [hbm4b:s4+s21], $0x80, s31, s21, $0xb8;
	[tilespmem:$0x1E800] =	vst v63  }
0xb4: {  	_ =	swait.ge [sflag:s20], $0x4000  }
0xb5: {  	[sflag:s20] =	ssyncset.done $0x0  }
0xb6: {  	s29 =	sadd.s32 $0x1480, s28;
	[sflag:s20] =	ssyncadd.s32 $0xFFFFC000  }
0xb7: {  	[spmem:s1] =	stream.indirect.scatter.add.f32 [tilespmem:s17], [sflag:$0x3], $0x80, s29, s21, $0xb8;
	[tilespmem:$0x1E800] =	vst v63  }
0xb8: {  	_ =	swait.ge [sflag:s18], $0x4000  }
0xb9: {  	[sflag:s18] =	ssyncset.done $0x0  }
0xba: {  	[sflag:s18] =	ssyncadd.s32 $0xFFFFC000  }
0xbb: {  	[tilespmem:s17], [sflag:$0x2] =	stream.indirect.gather [hbm4b:s4+s21], $0x80, s23, s21, $0xb8;
	[tilespmem:$0x1E800] =	vst v63  }
0xbc: {  	_ =	swait.ge [sflag:s19], $0x4000  }
0xbd: {  	[sflag:s19] =	ssyncset.done $0x0  }
0xbe: {  	[sflag:s19] =	ssyncadd.s32 $0xFFFFC000  }
0xbf: {  	[spmem:s1] =	stream.indirect.scatter.add.f32 [tilespmem:s22], [sflag:$0x3], $0x80, s24, s21, $0xb8;
	[tilespmem:$0x1E800] =	vst v63  }
0xc0: {  	_ =	swait.ge [sflag:s18], $0x4000  }
0xc1: {  	[sflag:s18] =	ssyncset.done $0x0  }
0xc2: {  	[sflag:s18] =	ssyncadd.s32 $0xFFFFC000  }
0xc3: {  	[tilespmem:s22], [sflag:$0x1] =	stream.indirect.gather [hbm4b:s4+s21], $0x80, s23, s21, $0xb8;
	[tilespmem:$0x1E800] =	vst v63  }
0xc4: {  	_ =	swait.ge [sflag:s20], $0x4000  }
0xc5: {  	[sflag:s20] =	ssyncset.done $0x0  }
0xc6: {  	[sflag:s20] =	ssyncadd.s32 $0xFFFFC000  }
0xc7: {  	[spmem:s1] =	stream.indirect.scatter.add.f32 [tilespmem:s17], [sflag:$0x3], $0x80, s25, s21, $0xb8;
	[tilespmem:$0x1E800] =	vst v63  }
0xc8: {  	_ =	swait.ge [sflag:s18], $0x4000  }
0xc9: {  	[sflag:s18] =	ssyncset.done $0x0  }
0xca: {  	[sflag:s18] =	ssyncadd.s32 $0xFFFFC000  }
0xcb: {  	_ =	swait.ge [sflag:s19], $0x4000  }
0xcc: {  	s26 =	sadd.s32 $0x1, s26;
	s30 =	sshll.u32 s2, $0x6;
	[sflag:s19] =	ssyncset.done $0x0  }
0xcd: {  	p0 =	sne.s32 s26, s11;
	s0 =	sor.u32 $0x1C03, s30;
	[sflag:s19] =	ssyncadd.s32 $0xFFFFC000  }
.Ltmp3:
0xce: {  	s31 =	sshrl.u32 s7, $0x3;
	[bflag:$0x0] =	sbarrier.arrive $0xFFFF;
	(pc) =	sbr.rel @p0 .LBB2_1-.Ltmp3, $4  }
0xcf: {  	[hbm:s10], [sflag:s0] =	dma.local [spmem:s31], $0x2800  }
0xd0: {  	_ =	swait.ge [sflag:s18], $0x2800  }
0xd1: {  	[sflag:s18] =	ssyncset.done $0x0  }
0xd2: {  	[sflag:s18] =	ssyncadd.s32 $0xFFFFD800  }
0xd3: {  	_ =	sfence.sel $0x180000  }
0xd4: {  	[bflag:$0x0] =	sbarrier.arrive $0xFFFF  }
0xd5: {  	_ =	strace $0x90000053  }
0xd6: {  	[bflag:$0x2] =	sbarrier.arrive $0xFFFF  }
0xd7: {  	p0 =	sne.s32 s2, $0x0;
	s0 =	rddreg [dreg:$0x3]  }
0xd8: {  	s0 =	sadd.s32 @!p0 $0x100000, s0  }
0xd9: {  	[sflag:s0] =	ssyncadd.tile.s32 @!p0 $0x1;
	_ =	shalt  }
.Lfunc_end2:
_tile_overlayer_lowered:
.L_overlay_start_2:
0xda: {  	(tag) =	ssettag $0x2  }
0xdb: {  	s0 =	rddreg [dreg:$0x0];
	s2 =	stileid.u32  }
0xdc: {  	s1 =	rddreg [dreg:$0x1];
	p0 =	sne.s32 s2, $0x0  }
0xdd: {  	s3 =	rddreg [dreg:$0x2];
	[bflag:$0x3] =	sbarrier.arrive $0xFFFF;
	s2 =	simm.s32 @!p0 $0x1C03  }
0xde: {  	[timem:s3], [sflag:s2] =	dma.local @!p0 [hbm:s0], s1  }
0xdf: {  	s0 =	simm.s32 @!p0 $0x3  }
0xe0: {  	_ =	swait.ge @!p0 [sflag:s0], s1  }
0xe1: {  	s1 =	ssub.s32 @!p0 $0x0, s1;
	[sflag:s0] =	ssyncset.done @!p0 $0x0  }
0xe2: {  	[sflag:s0] =	ssyncadd.s32 @!p0 s1  }
0xe3: {  	[bflag:$0x3] =	sbarrier.arrive $0xFFFF  }
0xe4: {  	_ =	shalt  }

// kernel: kernel.31.cloned.1.call-start
scs
__scs_entry_jumppad:
0x0: {  	(pc) =	sbr.rel $0x88, $3  }
0x1: {  	(tag) =	ssettag $0x0;
	lr =	simm.s32 $0x1  }
0x2: {  	[smem:$0x3F93] =	sst lr;
	_ =	strace $0xD0000000  }
0x3: {  	_ = 	snop  }
0x4: {  	_ = 	snop  }
0x5: {  	_ = 	snop  }
0x6: {  	_ = 	snop  }
0x7: {  	_ = 	snop  }
__scs_overlays_trampoline_lowered:
0x8: {  	[smem:$0x3FA2] =	sst s0  }
0x9: {  	[smem:$0x3FA3] =	sst s1  }
0xa: {  	[smem:$0x3FA4] =	sst s2  }
0xb: {  	[smem:$0x3FA5] =	sst s3  }
0xc: {  	[smem:$0x3FA6] =	sst s4  }
0xd: {  	[smem:$0x3FA7] =	sst s5  }
0xe: {  	[smem:$0x3FA8] =	sst s6  }
0xf: {  	[smem:$0x3FA9] =	sst s7  }
0x10: {  	[smem:$0x3FAA] =	sst s8  }
0x11: {  	[smem:$0x3FAB] =	sst s9;
	s0 =	simm.s32 @!p0 $0x0  }
0x12: {  	s1 =	sld [smem:$0x3F91];
	s0 =	simm.s32 @p0 $0x1  }
0x13: {  	[smem:$0x3FAC] =	sst s0;
	s0 =	simm.s32 @!p1 $0x0  }
0x14: {  	s2 =	sld [smem:$0x3F90];
	s0 =	simm.s32 @p1 $0x1  }
0x15: {  	[smem:$0x3FAD] =	sst s0;
	s0 =	simm.s32 @!p2 $0x0  }
0x16: {  	s3 =	sld [smem:$0x3FDB];
	s0 =	simm.s32 @p2 $0x1  }
0x17: {  	s4 =	simm.s32 $0x1BF5;
	[smem:$0x3FAF] =	sst s0  }
0x18: {  	s0 =	sld [smem:$0x3F92];
	_ =	swait.ge [sflag:s4], $0x0  }
0x19: {  	s7 =	sld [smem:$0x3F93]  }
0x1a: {  	s8 =	sadd.s32 $0xFFFFE003, lr  }
0x1b: {  	s9 =	sadd.s32 $0xFFFFFEF7, lr;
	s5 =	simm.s32 $0xFFFFFFFF;
	p2 =	slt.u32 s8, $0xFFFFF086  }
0x1c: {  	p1 =	slt.u32 s9, $0xF7A;
	s5 =	simm.s32 @!p2 $0x0  }
0x1d: {  	s5 =	simm.s32 @p1 $0x1;
	p0 =	seq.s32 s7, s2  }
0x1e: {  	s7 =	smul.u32 @!p0 $0xF7A, s2;
	p2 =	seq.s32 @!p0 s5, $0x0  }
0x1f: {  	s9 =	smul.u32 $0xF7A, s1;
	s8 =	simm.s32 @!p0 $0x1BF5;
	p2 =	por !p2, p0  }
0x20: {  	[sflag:s8] =	ssyncset.s32 @!p0 $0xFFFFF086;
	s6 =	sadd.s32 @!p0 s3, s7;
	s7 =	simm.s32 @!p0 $0x108  }
0x21: {  	s3 =	sadd.s32 s3, s9;
	s6 =	sadd.s32 @!p0 $0x88, s6;
	s7 =	simm.s32 @p2 $0x1082  }
0x22: {  	[simem:s7], [sflag:s8] =	dma.local @!p0 [hbm:s6], $0xF7A  }
0x23: {  	s9 =	sor.u32 $0xD0000000, s2;
	s6 =	simm.s32 $0x108;
	_ =	swait.ge @!p0 [sflag:s8], $0x0  }
0x24: {  	s3 =	sadd.s32 $0x88, s3;
	s6 =	simm.s32 @!p1 $0x1082;
	[sflag:s4] =	ssyncset.s32 $0xFFFFF086  }
0x25: {  	[simem:s6], [sflag:s4] =	dma.local [hbm:s3], $0xF7A  }
0x26: {  	[smem:$0x3F93] =	sst s1;
	(tag) =	ssettag s2;
	_ =	strace s9  }
0x27: {  	s1 =	sld [smem:$0x3FA3]  }
0x28: {  	s2 =	sld [smem:$0x3FA4]  }
0x29: {  	s4 =	sld [smem:$0x3FA6]  }
0x2a: {  	p0 =	seq.s32 s5, $0x0;
	s5 =	sld [smem:$0x3FA7]  }
0x2b: {  	s6 =	sld [smem:$0x3FA8]  }
0x2c: {  	s7 =	sld [smem:$0x3FA9]  }
0x2d: {  	s3 =	simm.s32 $0x108;
	s8 =	sld [smem:$0x3FAA]  }
0x2e: {  	s3 =	simm.s32 @!p0 $0x1082;
	s9 =	sld [smem:$0x3FAB]  }
0x2f: {  	lr =	sadd.s32 s0, s3;
	s0 =	sld [smem:$0x3FA2]  }
0x30: {  	s3 =	sld [smem:$0x3FA5]  }
0x31: {  	[smem:$0x3FAE] =	sst s10  }
0x32: {  	s10 =	sld [smem:$0x3FAC];
	_ =	sdelay $0x3  }
0x33: {  	p0 =	seq.s32 s10, $0x1;
	s10 =	sld [smem:$0x3FAE];
	_ =	sdelay $0x3  }
0x34: {  	[smem:$0x3FAE] =	sst s10  }
0x35: {  	s10 =	sld [smem:$0x3FAD];
	_ =	sdelay $0x3  }
0x36: {  	p1 =	seq.s32 s10, $0x1;
	s10 =	sld [smem:$0x3FAE];
	_ =	sdelay $0x3  }
0x37: {  	[smem:$0x3FAE] =	sst s10  }
0x38: {  	s10 =	sld [smem:$0x3FAF]  }
0x39: {  	_ = 	snop;
	(pc) =	sbr.ind lr, $3  }
0x3a: {  	_ = 	snop  }
0x3b: {  	_ = 	snop  }
0x3c: {  	p2 =	seq.s32 s10, $0x1;
	s10 =	sld [smem:$0x3FAE]  }
0x3d: {  	_ =	shalt  }
0x3e: {  	_ =	shalt  }
0x3f: {  	_ =	shalt  }
0x40: {  	_ =	shalt  }
0x41: {  	_ =	shalt  }
0x42: {  	_ =	shalt  }
0x43: {  	_ =	shalt  }
0x44: {  	_ =	shalt  }
0x45: {  	_ =	shalt  }
0x46: {  	_ =	shalt  }
0x47: {  	_ =	shalt  }
0x48: {  	_ =	shalt  }
0x49: {  	_ =	shalt  }
0x4a: {  	_ =	shalt  }
0x4b: {  	_ =	shalt  }
0x4c: {  	_ =	shalt  }
0x4d: {  	_ =	shalt  }
0x4e: {  	_ =	shalt  }
0x4f: {  	_ =	shalt  }
0x50: {  	_ =	shalt  }
0x51: {  	_ =	shalt  }
0x52: {  	_ =	shalt  }
0x53: {  	_ =	shalt  }
0x54: {  	_ =	shalt  }
0x55: {  	_ =	shalt  }
0x56: {  	_ =	shalt  }
0x57: {  	_ =	shalt  }
0x58: {  	_ =	shalt  }
0x59: {  	_ =	shalt  }
0x5a: {  	_ =	shalt  }
0x5b: {  	_ =	shalt  }
0x5c: {  	_ =	shalt  }
0x5d: {  	_ =	shalt  }
0x5e: {  	_ =	shalt  }
0x5f: {  	_ =	shalt  }
0x60: {  	_ =	shalt  }
0x61: {  	_ =	shalt  }
0x62: {  	_ =	shalt  }
0x63: {  	_ =	shalt  }
0x64: {  	_ =	shalt  }
0x65: {  	_ =	shalt  }
0x66: {  	_ =	shalt  }
0x67: {  	_ =	shalt  }
0x68: {  	_ =	shalt  }
0x69: {  	_ =	shalt  }
0x6a: {  	_ =	shalt  }
0x6b: {  	_ =	shalt  }
0x6c: {  	_ =	shalt  }
0x6d: {  	_ =	shalt  }
0x6e: {  	_ =	shalt  }
0x6f: {  	_ =	shalt  }
0x70: {  	_ =	shalt  }
0x71: {  	_ =	shalt  }
0x72: {  	_ =	shalt  }
0x73: {  	_ =	shalt  }
0x74: {  	_ =	shalt  }
0x75: {  	_ =	shalt  }
0x76: {  	_ =	shalt  }
0x77: {  	_ =	shalt  }
0x78: {  	_ =	shalt  }
0x79: {  	_ =	shalt  }
0x7a: {  	_ =	shalt  }
0x7b: {  	_ =	shalt  }
0x7c: {  	_ =	shalt  }
0x7d: {  	_ =	shalt  }
0x7e: {  	_ =	shalt  }
0x7f: {  	_ =	shalt  }
0x80: {  	_ =	shalt  }
0x81: {  	_ =	shalt  }
0x82: {  	_ =	shalt  }
0x83: {  	_ =	shalt  }
0x84: {  	_ =	shalt  }
0x85: {  	_ =	shalt  }
0x86: {  	_ =	shalt  }
0x87: {  	_ =	shalt  }
.Lfunc_end0:
.L_simem_size_0:
called_computation.5_lowered:
.L_overlay_start_0:
0x88: {  	s2 =	sld [smem:$0x3FD9]  }
0x89: {  	s3 =	sld [smem:$0x3FFE];
	_ =	sdelay $0x1  }
0x8a: {  	s1 =	srdreg.scid  }
0x8b: {  	s0 =	sand.u32 $0x1, s1  }
0x8c: {  	s17 =	sshll.u32 s0, $0xA;
	s2 =	sadd.s32 s3, s2  }
0x8d: {  	s2 =	sadd.s32 s2, s17  }
0x8e: {  	[smem:$0x3FBA] =	sst s2  }
0x8f: {  	_ = 	snop  }
0x90: {  	s2 =	sld [smem:$0x3FD0];
	(tm) =	ssettm $0x1  }
0x91: {  	s18 =	sld [smem:$0x3FFB];
	_ =	sdelay $0x3  }
0x92: {  	_ =	strace s18  }
0x93: {  	s3 =	sld [smem:$0x3FFC];
	_ =	sdelay $0x3  }
0x94: {  	_ =	strace s3  }
0x95: {  	s3 =	sld [smem:$0x3FFD];
	_ =	sdelay $0x3  }
0x96: {  	_ =	strace s3  }
0x97: {  	_ =	strace $0x8FFFFFFF  }
0x98: {  	s19 =	sld [smem:$0x3FDB];
	_ =	sdelay $0x1  }
0x99: {  	s4 =	simm.s32 $_scs_section_size  }
0x9a: {  	s5 =	simm.s32 $_size__tile_overlayer_lowered;
	s6 =	simm.s32 $_tile_overlayer_lowered  }
0x9b: {  	s22 =	simm.s32 $0x1BFF;
	s21 =	sshll.u32 s6, $0x1;
	s3 =	sadd.s32 s4, s19  }
0x9c: {  	s7 =	simm.s32 $0x0;
	s20 =	sshll.u32 s5, $0x1;
	s5 =	sadd.s32 s21, s3  }
0x9d: {  	[timem:s7], [sflag:s22] =	dma.local [hbm:s5], s20  }
0x9e: {  	_ =	swait.ge [sflag:s22], s20  }
0x9f: {  	s4 =	ssub.s32 $0x0, s20;
	[sflag:s22] =	ssyncset.done $0x0  }
0xa0: {  	[sflag:s22] =	ssyncadd.s32 s4;
	_ =	sdelay $0x1  }
0xa1: {  	s23 =	simm.s32 $0x1B8B  }
0xa2: {  	_ =	swait.ge [sflag:s23], $0x1  }
0xa3: {  	[sflag:s23] =	ssyncset.done $0x0  }
0xa4: {  	s25 =	simm.s32 $0x1B8E;
	s24 =	sld [smem:$0x3FFE];
	[sflag:s23] =	ssyncadd.s32 $0xFFFFFFFF  }
0xa5: {  	s26 =	simm.s32 $execute0_lowered;
	[smem:$0x3FD2] =	sst s25  }
0xa6: {  	s5 =	sshll.u32 s26, $0x1;
	_ =	strace $0x80000055;
	[dreg:$0x1] =	wrdreg $0xFFFFFFFF  }
0xa7: {  	s28 =	simm.s32 $_size_execute0_lowered;
	s3 =	sadd.s32 s3, s5;
	[dreg:$0x0] =	wrdreg $0x0  }
0xa8: {  	s5 =	sshll.u32 s28, $0x1;
	[dreg:$0x2] =	wrdreg s3  }
0xa9: {  	[dreg:$0x3] =	wrdreg s5  }
0xaa: {  	[dreg:$0x4] =	wrdreg $0xC0  }
0xab: {  	_ =	task [dreg:s7], $0x5FFFF  }
0xac: {  	[dreg:$0x1] =	wrdreg $0xFFFFFFFF  }
0xad: {  	[dreg:$0x0] =	wrdreg $0x60  }
0xae: {  	[dreg:$0x2] =	wrdreg s24  }
0xaf: {  	[dreg:$0x3] =	wrdreg s2  }
0xb0: {  	[dreg:$0x4] =	wrdreg $0xA8000  }
0xb1: {  	[dreg:$0x5] =	wrdreg $0x9  }
0xb2: {  	_ =	task.clear_ibuf [dreg:s7], $0x6FFFF;
	_ =	strace $0x90000055  }
0xb3: {  	s29 =	simm.s32 $0x9;
	_ =	strace $0x80000057  }
0xb4: {  	_ =	swait.ge [sflag:s29], $0x1  }
0xb5: {  	[sflag:s29] =	ssyncadd.s32 $0xFFFFFFFF  }
0xb6: {  	_ =	strace $0x90000057  }
0xb7: {  	_ =	sfence  }
0xb8: {  	s30 =	sld [smem:$0x0];
	_ =	sdelay $0x2  }
0xb9: {  	s31 =	sshll.u32 s1, $0xD;
	s1 =	sshrl.u32 s1, $0x2  }
0xba: {  	s3 =	sand.u32 $0x4000, s31;
	s1 =	sadd.s32 s1, s30  }
0xbb: {  	s0 =	sor.u32 s3, s0;
	s1 =	sshll.u32 s1, $0x11  }
0xbc: {  	s0 =	sor.u32 s1, s0  }
0xbd: {  	s0 =	sadd.s32 $0x8F2B, s0  }
0xbe: {  	[sflag:s0] =	ssyncadd.remote.s32 $0x1  }
0xbf: {  	_ =	sfence.sel $0xFFFF  }
0xc0: {  	[dreg:$0x0] =	wrdreg $0xFFFFFFFF;
	(pc) =	sbr.abs _section_cstart, $3  }
0xc1: {  	[dreg:$0x1] =	wrdreg $0xFFFFFFFF  }
0xc2: {  	_ =	task.clear_ibuf [dreg:s7], $0x2FFFF;
	_ =	strace $0x9FFFFFFF  }
0xc3: {  	(tm) =	ssettm $0x7FFFFFFF  }
tec
execute0_lowered:
.L_overlay_start_1:
0x0: {  	(tag) =	ssettag $0x1  }
0x1: {  	s5 =	rddreg [dreg:$0x0]  }
0x2: {  	s8 =	rddreg [dreg:$0x1]  }
0x3: {  	s1 =	rddreg [dreg:$0x2]  }
0x4: {  	s3 =	simm.s32 $0x0;
	s2 =	srdreg.scid;
	s16 =	simm.s32 $0x1400  }
0x5: {  	s17 =	simm.s32 $0x6800;
	s18 =	simm.s32 $0x3;
	s19 =	simm.s32 $0x1  }
0x6: {  	s20 =	simm.s32 $0x2;
	s21 =	simm.s32 $0x80;
	s22 =	simm.s32 $0x2800  }
0x7: {  	s23 =	simm.s32 $0x1380;
	s24 =	simm.s32 $0x2700;
	s25 =	simm.s32 $0x2780  }
0x8: {  	s26 =	simm.s32 $0x0;
	[smem:$0x7FF] =	sst s3;
	s6 =	sand.u32 $0x1, s2  }
0x9: {  	s2 =	stileid.u32;
	s4 =	sadd.s32 $0x60200, s5;
	s7 =	smul.u32 $0x140000, s6  }
0xa: {  	s11 =	sadd.s32 $0x6200, s5;
	s9 =	smul.u32 $0x14000, s2;
	s10 =	sshll.u32 s6, $0x4  }
0xb: {  	s6 =	ssub.s32 $0x2, s6;
	s12 =	smul.u32 $0x50000, s2;
	s10 =	sor.u32 s2, s10  }
0xc: {  	s29 =	sshrl.u32 s6, $0x1;
	s7 =	sadd.s32 s9, s7;
	s28 =	smul.u32 $0x2800, s10  }
0xd: {  	_ =	strace $0x80000056;
	s14 =	ssub.s32 s6, s29;
	s7 =	sshrl.u32 s7, $0x3  }
0xe: {  	s31 =	sshrl.u32 s12, $0x2;
	s13 =	sadd.s32 s7, s5;
	s30 =	sshrl.u32 s28, $0x3  }
0xf: {  	s7 =	sadd.s32 s31, s1;
	s5 =	sadd.s32 s8, s30;
	s9 =	sadd.s32 $0x280, s30  }
0x10: {  	s6 =	sadd.s32 s11, s30;
	s10 =	sadd.s32 $0x88200, s13;
	s12 =	sadd.s32 $0x4000, s7  }
0x11: {  	s13 =	sadd.s32 $0x8000, s7;
	s15 =	sadd.s32 $0x10000, s7;
	s8 =	sadd.s32 s8, s9  }
0x12: {  	v0 =	vimm.f32 $0.0e+00;
	s9 =	sadd.s32 s11, s9;
	s11 =	smax.u32 s14, $0x1;
	s14 =	sadd.s32 $0xC000, s7  }
.LBB2_1:
0x13: {  	[tilespmem:s3], [sflag:$0x1] =	stream.linear.gather [hbm4b:s5+s3], $0x1400, $0x38;
	[tilespmem:$0x1E800] =	vst v63  }
0x14: {  	s28 =	sand.u32 $0xFE00, s3  }
0x15: {  	s29 =	sand.u32 $0x70, s3;
	s30 =	sshrl.u32 s28, $0x2  }
0x16: {  	[tilespmem:s16], [sflag:$0x2] =	stream.linear.gather [hbm4b:s6+s3], $0x1400, $0x38;
	[tilespmem:$0x1E800] =	vst v63  }
0x17: {  	s28 =	simm.s32 $0x40;
	s30 =	sor.u32 s29, s30;
	s29 =	simm.s32 $0x0  }
.LBB2_2:
0x18: {  	p0 =	sne.s32 s28, $0xFFC0  }
0x19: {  	[tilespmem:s30+$0x6800] =	vst v0;
	s29 =	sadd.s32 $0x10, s29;
	s30 =	smov.u32 s28;
	s28 =	sadd.s32 $0x40, s28  }
.Ltmp0:
0x1a: {  	(pc) =	sbr.rel @p0 .LBB2_2-.Ltmp0, $4  }
0x1b: {  	_ = 	snop  }
0x1c: {  	s30 =	sand.u32 $0xFE00, s30  }
0x1d: {  	s31 =	sand.u32 $0x70, s29;
	s30 =	sshrl.u32 s30, $0x2  }
0x1e: {  	s30 =	sor.u32 s31, s30  }
0x1f: {  	[tilespmem:s30+$0x6800] =	vst v0  }
0x20: {  	[spmem:s7] =	stream.linear.scatter [tilespmem:s17], [sflag:$0x3], $0x4000, $0x38;
	[tilespmem:$0x1E800] =	vst v63  }
0x21: {  	_ =	swait.ge [sflag:s18], $0x4000  }
0x22: {  	[sflag:s18] =	ssyncset.done $0x0  }
0x23: {  	[sflag:s18] =	ssyncadd.s32 $0xFFFFC000  }
0x24: {  	[spmem:s12] =	stream.linear.scatter [tilespmem:s17], [sflag:$0x3], $0x4000, $0x38;
	[tilespmem:$0x1E800] =	vst v63  }
0x25: {  	_ =	swait.ge [sflag:s18], $0x4000  }
0x26: {  	[sflag:s18] =	ssyncset.done $0x0  }
0x27: {  	[sflag:s18] =	ssyncadd.s32 $0xFFFFC000  }
0x28: {  	[spmem:s13] =	stream.linear.scatter [tilespmem:s17], [sflag:$0x3], $0x4000, $0x38;
	[tilespmem:$0x1E800] =	vst v63  }
0x29: {  	_ =	swait.ge [sflag:s18], $0x4000  }
0x2a: {  	[sflag:s18] =	ssyncset.done $0x0  }
0x2b: {  	[sflag:s18] =	ssyncadd.s32 $0xFFFFC000  }
0x2c: {  	[spmem:s14] =	stream.linear.scatter [tilespmem:s17], [sflag:$0x3], $0x4000, $0x38;
	[tilespmem:$0x1E800] =	vst v63  }
0x2d: {  	_ =	swait.ge [sflag:s18], $0x4000  }
0x2e: {  	[sflag:s18] =	ssyncset.done $0x0  }
0x2f: {  	[sflag:s18] =	ssyncadd.s32 $0xFFFFC000  }
0x30: {  	[spmem:s15] =	stream.linear.scatter [tilespmem:s17], [sflag:$0x3], $0x4000, $0x38;
	[tilespmem:$0x1E800] =	vst v63  }
0x31: {  	_ =	swait.ge [sflag:s18], $0x4000  }
0x32: {  	[sflag:s18] =	ssyncset.done $0x0  }
0x33: {  	[sflag:s18] =	ssyncadd.s32 $0xFFFFC000  }
0x34: {  	_ =	swait.ge [sflag:s19], $0x1400  }
0x35: {  	[sflag:s19] =	ssyncset.done $0x0  }
0x36: {  	[sflag:s19] =	ssyncadd.s32 $0xFFFFEC00  }
0x37: {  	_ =	swait.ge [sflag:s20], $0x1400  }
0x38: {  	[sflag:s20] =	ssyncset.done $0x0  }
0x39: {  	s28 =	simm.s32 $0x0;
	[sflag:s20] =	ssyncadd.s32 $0xFFFFEC00  }
0x3a: {  	[tilespmem:s22], [sflag:$0x1] =	stream.indirect.gather [hbm4b:s4+s21], $0x80, s28, s21, $0xb8;
	[tilespmem:$0x1E800] =	vst v63  }
0x3b: {  	s28 =	simm.s32 $0x80;
	[bflag:$0x0] =	sbarrier.arrive $0xFFFF  }
0x3c: {  	[tilespmem:s17], [sflag:$0x2] =	stream.indirect.gather [hbm4b:s4+s21], $0x80, s28, s21, $0xb8;
	[tilespmem:$0x1E800] =	vst v63  }
0x3d: {  	_ =	swait.ge [sflag:s19], $0x4000  }
0x3e: {  	[sflag:s19] =	ssyncset.done $0x0  }
0x3f: {  	s28 =	simm.s32 $0x1400;
	[sflag:s19] =	ssyncadd.s32 $0xFFFFC000  }
0x40: {  	[spmem:s1] =	stream.indirect.scatter.add.f32 [tilespmem:s22], [sflag:$0x3], $0x80, s28, s21, $0xb8;
	[tilespmem:$0x1E800] =	vst v63  }
0x41: {  	_ =	swait.ge [sflag:s18], $0x4000  }
0x42: {  	[sflag:s18] =	ssyncset.done $0x0  }
0x43: {  	s28 =	simm.s32 $0x100;
	[sflag:s18] =	ssyncadd.s32 $0xFFFFC000  }
0x44: {  	[tilespmem:s22], [sflag:$0x1] =	stream.indirect.gather [hbm4b:s4+s21], $0x80, s28, s21, $0xb8;
	[tilespmem:$0x1E800] =	vst v63  }
0x45: {  	_ =	swait.ge [sflag:s20], $0x4000  }
0x46: {  	[sflag:s20] =	ssyncset.done $0x0  }
0x47: {  	s28 =	simm.s32 $0x1480;
	[sflag:s20] =	ssyncadd.s32 $0xFFFFC000  }
0x48: {  	[spmem:s1] =	stream.indirect.scatter.add.f32 [tilespmem:s17], [sflag:$0x3], $0x80, s28, s21, $0xb8;
	[tilespmem:$0x1E800] =	vst v63  }
0x49: {  	_ =	swait.ge [sflag:s18], $0x4000  }
0x4a: {  	s29 =	simm.s32 $0x800;
	s28 =	simm.s32 $0x100;
	[sflag:s18] =	ssyncset.done $0x0  }
.LBB2_4:
0x4b: {  	s30 =	sadd.s32 $0x80, s28  }
0x4c: {  	[sflag:s18] =	ssyncadd.s32 $0xFFFFC000;
	s31 =	smov.u32 s29;
	s0 =	sadd.s32 $0x400, s29  }
0x4d: {  	[tilespmem:s17], [sflag:$0x2] =	stream.indirect.gather [hbm4b:s4+s21], $0x80, s30, s21, $0xb8;
	[tilespmem:$0x1E800] =	vst v63  }
0x4e: {  	p0 =	sne.s32 s29, $0x4800;
	_ =	swait.ge [sflag:s19], $0x4000  }
0x4f: {  	[sflag:s19] =	ssyncset.done $0x0  }
0x50: {  	s29 =	sadd.s32 $0x1400, s28;
	[sflag:s19] =	ssyncadd.s32 $0xFFFFC000  }
0x51: {  	[spmem:s1] =	stream.indirect.scatter.add.f32 [tilespmem:s22], [sflag:$0x3], $0x80, s29, s21, $0xb8;
	[tilespmem:$0x1E800] =	vst v63  }
0x52: {  	_ =	swait.ge [sflag:s18], $0x4000  }
0x53: {  	[sflag:s18] =	ssyncset.done $0x0  }
0x54: {  	s29 =	sadd.s32 $0x100, s28;
	[sflag:s18] =	ssyncadd.s32 $0xFFFFC000  }
0x55: {  	[tilespmem:s22], [sflag:$0x1] =	stream.indirect.gather [hbm4b:s4+s21], $0x80, s29, s21, $0xb8;
	[tilespmem:$0x1E800] =	vst v63  }
0x56: {  	_ =	swait.ge [sflag:s20], $0x4000  }
.Ltmp1:
0x57: {  	[sflag:s20] =	ssyncset.done $0x0;
	(pc) =	sbr.rel @p0 .LBB2_4-.Ltmp1, $4  }
0x58: {  	s28 =	sadd.s32 $0x1480, s28;
	[sflag:s20] =	ssyncadd.s32 $0xFFFFC000  }
0x59: {  	[spmem:s1] =	stream.indirect.scatter.add.f32 [tilespmem:s17], [sflag:$0x3], $0x80, s28, s21, $0xb8;
	[tilespmem:$0x1E800] =	vst v63  }
0x5a: {  	_ =	swait.ge [sflag:s18], $0x4000  }
0x5b: {  	s29 =	smov.u32 s0;
	s28 =	sshra.s32 s31, $0x2;
	[sflag:s18] =	ssyncset.done $0x0  }
0x5c: {  	s0 =	sadd.s32 $0x80, s28;
	[sflag:s18] =	ssyncadd.s32 $0xFFFFC000  }
0x5d: {  	[tilespmem:s17], [sflag:$0x2] =	stream.indirect.gather [hbm4b:s4+s21], $0x80, s0, s21, $0xb8;
	[tilespmem:$0x1E800] =	vst v63  }
0x5e: {  	_ =	swait.ge [sflag:s19], $0x4000  }
0x5f: {  	[sflag:s19] =	ssyncset.done $0x0  }
0x60: {  	s30 =	sadd.s32 $0x1400, s28;
	[sflag:s19] =	ssyncadd.s32 $0xFFFFC000  }
0x61: {  	[spmem:s1] =	stream.indirect.scatter.add.f32 [tilespmem:s22], [sflag:$0x3], $0x80, s30, s21, $0xb8;
	[tilespmem:$0x1E800] =	vst v63  }
0x62: {  	_ =	swait.ge [sflag:s18], $0x4000  }
0x63: {  	[sflag:s18] =	ssyncset.done $0x0  }
0x64: {  	s31 =	sadd.s32 $0x100, s28;
	[sflag:s18] =	ssyncadd.s32 $0xFFFFC000  }
0x65: {  	[tilespmem:s22], [sflag:$0x1] =	stream.indirect.gather [hbm4b:s4+s21], $0x80, s31, s21, $0xb8;
	[tilespmem:$0x1E800] =	vst v63  }
0x66: {  	_ =	swait.ge [sflag:s20], $0x4000  }
0x67: {  	[sflag:s20] =	ssyncset.done $0x0  }
0x68: {  	s30 =	sadd.s32 $0x1480, s28;
	[sflag:s20] =	ssyncadd.s32 $0xFFFFC000  }
0x69: {  	[spmem:s1] =	stream.indirect.scatter.add.f32 [tilespmem:s17], [sflag:$0x3], $0x80, s30, s21, $0xb8;
	[tilespmem:$0x1E800] =	vst v63  }
0x6a: {  	_ =	swait.ge [sflag:s18], $0x4000  }
0x6b: {  	[sflag:s18] =	ssyncset.done $0x0  }
0x6c: {  	[sflag:s18] =	ssyncadd.s32 $0xFFFFC000  }
0x6d: {  	[tilespmem:s17], [sflag:$0x2] =	stream.indirect.gather [hbm4b:s4+s21], $0x80, s23, s21, $0xb8;
	[tilespmem:$0x1E800] =	vst v63  }
0x6e: {  	_ =	swait.ge [sflag:s19], $0x4000  }
0x6f: {  	[sflag:s19] =	ssyncset.done $0x0  }
0x70: {  	[sflag:s19] =	ssyncadd.s32 $0xFFFFC000  }
0x71: {  	[spmem:s1] =	stream.indirect.scatter.add.f32 [tilespmem:s22], [sflag:$0x3], $0x80, s24, s21, $0xb8;
	[tilespmem:$0x1E800] =	vst v63  }
0x72: {  	_ =	swait.ge [sflag:s18], $0x4000  }
0x73: {  	[sflag:s18] =	ssyncset.done $0x0  }
0x74: {  	[sflag:s18] =	ssyncadd.s32 $0xFFFFC000  }
0x75: {  	[tilespmem:s22], [sflag:$0x1] =	stream.indirect.gather [hbm4b:s4+s21], $0x80, s23, s21, $0xb8;
	[tilespmem:$0x1E800] =	vst v63  }
0x76: {  	_ =	swait.ge [sflag:s20], $0x4000  }
0x77: {  	[sflag:s20] =	ssyncset.done $0x0  }
0x78: {  	[sflag:s20] =	ssyncadd.s32 $0xFFFFC000  }
0x79: {  	[spmem:s1] =	stream.indirect.scatter.add.f32 [tilespmem:s17], [sflag:$0x3], $0x80, s25, s21, $0xb8;
	[tilespmem:$0x1E800] =	vst v63  }
0x7a: {  	_ =	swait.ge [sflag:s18], $0x4000  }
0x7b: {  	[sflag:s18] =	ssyncset.done $0x0  }
0x7c: {  	[sflag:s18] =	ssyncadd.s32 $0xFFFFC000  }
0x7d: {  	_ =	swait.ge [sflag:s19], $0x4000  }
0x7e: {  	[sflag:s19] =	ssyncset.done $0x0  }
0x7f: {  	s31 =	simm.s32 $0x0;
	[sflag:s19] =	ssyncadd.s32 $0xFFFFC000  }
0x80: {  	[tilespmem:s31], [sflag:$0x3] =	stream.linear.gather [hbm4b:s8+s31], $0x1400, $0x38;
	[tilespmem:$0x1E800] =	vst v63  }
0x81: {  	_ =	swait.ge [sflag:s18], $0x1400  }
0x82: {  	[sflag:s18] =	ssyncset.done $0x0  }
0x83: {  	[sflag:s18] =	ssyncadd.s32 $0xFFFFEC00  }
0x84: {  	[tilespmem:s16], [sflag:$0x3] =	stream.linear.gather [hbm4b:s9+s31], $0x1400, $0x38;
	[tilespmem:$0x1E800] =	vst v63  }
0x85: {  	_ =	swait.ge [sflag:s18], $0x1400  }
0x86: {  	[sflag:s18] =	ssyncset.done $0x0  }
0x87: {  	[sflag:s18] =	ssyncadd.s32 $0xFFFFEC00  }
0x88: {  	[tilespmem:s22], [sflag:$0x1] =	stream.indirect.gather [hbm4b:s4+s21], $0x80, s31, s21, $0xb8;
	[tilespmem:$0x1E800] =	vst v63  }
0x89: {  	s30 =	simm.s32 $0x80  }
0x8a: {  	[tilespmem:s17], [sflag:$0x2] =	stream.indirect.gather [hbm4b:s4+s21], $0x80, s30, s21, $0xb8;
	[tilespmem:$0x1E800] =	vst v63  }
0x8b: {  	_ =	swait.ge [sflag:s19], $0x4000  }
0x8c: {  	[sflag:s19] =	ssyncset.done $0x0  }
0x8d: {  	s31 =	simm.s32 $0x1400;
	[sflag:s19] =	ssyncadd.s32 $0xFFFFC000  }
0x8e: {  	[spmem:s1] =	stream.indirect.scatter.add.f32 [tilespmem:s22], [sflag:$0x3], $0x80, s31, s21, $0xb8;
	[tilespmem:$0x1E800] =	vst v63  }
0x8f: {  	_ =	swait.ge [sflag:s18], $0x4000  }
0x90: {  	[sflag:s18] =	ssyncset.done $0x0  }
0x91: {  	s30 =	simm.s32 $0x100;
	[sflag:s18] =	ssyncadd.s32 $0xFFFFC000  }
0x92: {  	[tilespmem:s22], [sflag:$0x1] =	stream.indirect.gather [hbm4b:s4+s21], $0x80, s30, s21, $0xb8;
	[tilespmem:$0x1E800] =	vst v63  }
0x93: {  	_ =	swait.ge [sflag:s20], $0x4000  }
0x94: {  	[sflag:s20] =	ssyncset.done $0x0  }
0x95: {  	s31 =	simm.s32 $0x1480;
	[sflag:s20] =	ssyncadd.s32 $0xFFFFC000  }
0x96: {  	[spmem:s1] =	stream.indirect.scatter.add.f32 [tilespmem:s17], [sflag:$0x3], $0x80, s31, s21, $0xb8;
	[tilespmem:$0x1E800] =	vst v63  }
0x97: {  	_ =	swait.ge [sflag:s18], $0x4000  }
0x98: {  	s29 =	simm.s32 $0x800;
	s28 =	simm.s32 $0x100;
	[sflag:s18] =	ssyncset.done $0x0  }
.LBB2_6:
0x99: {  	s0 =	sadd.s32 $0x80, s28  }
0x9a: {  	[sflag:s18] =	ssyncadd.s32 $0xFFFFC000;
	s30 =	smov.u32 s29;
	s31 =	sadd.s32 $0x400, s29  }
0x9b: {  	[tilespmem:s17], [sflag:$0x2] =	stream.indirect.gather [hbm4b:s4+s21], $0x80, s0, s21, $0xb8;
	[tilespmem:$0x1E800] =	vst v63  }
0x9c: {  	p0 =	sne.s32 s29, $0x4800;
	_ =	swait.ge [sflag:s19], $0x4000  }
0x9d: {  	[sflag:s19] =	ssyncset.done $0x0  }
0x9e: {  	s0 =	sadd.s32 $0x1400, s28;
	[sflag:s19] =	ssyncadd.s32 $0xFFFFC000  }
0x9f: {  	[spmem:s1] =	stream.indirect.scatter.add.f32 [tilespmem:s22], [sflag:$0x3], $0x80, s0, s21, $0xb8;
	[tilespmem:$0x1E800] =	vst v63  }
0xa0: {  	_ =	swait.ge [sflag:s18], $0x4000  }
0xa1: {  	[sflag:s18] =	ssyncset.done $0x0  }
0xa2: {  	s0 =	sadd.s32 $0x100, s28;
	[sflag:s18] =	ssyncadd.s32 $0xFFFFC000  }
0xa3: {  	[tilespmem:s22], [sflag:$0x1] =	stream.indirect.gather [hbm4b:s4+s21], $0x80, s0, s21, $0xb8;
	[tilespmem:$0x1E800] =	vst v63  }
0xa4: {  	_ =	swait.ge [sflag:s20], $0x4000  }
.Ltmp2:
0xa5: {  	[sflag:s20] =	ssyncset.done $0x0;
	(pc) =	sbr.rel @p0 .LBB2_6-.Ltmp2, $4  }
0xa6: {  	s0 =	sadd.s32 $0x1480, s28;
	[sflag:s20] =	ssyncadd.s32 $0xFFFFC000  }
0xa7: {  	[spmem:s1] =	stream.indirect.scatter.add.f32 [tilespmem:s17], [sflag:$0x3], $0x80, s0, s21, $0xb8;
	[tilespmem:$0x1E800] =	vst v63  }
0xa8: {  	_ =	swait.ge [sflag:s18], $0x4000  }
0xa9: {  	s29 =	smov.u32 s31;
	s28 =	sshra.s32 s30, $0x2;
	[sflag:s18] =	ssyncset.done $0x0  }
0xaa: {  	s0 =	sadd.s32 $0x80, s28;
	[sflag:s18] =	ssyncadd.s32 $0xFFFFC000  }
0xab: {  	[tilespmem:s17], [sflag:$0x2] =	stream.indirect.gather [hbm4b:s4+s21], $0x80, s0, s21, $0xb8;
	[tilespmem:$0x1E800] =	vst v63  }
0xac: {  	_ =	swait.ge [sflag:s19], $0x4000  }
0xad: {  	[sflag:s19] =	ssyncset.done $0x0  }
0xae: {  	s30 =	sadd.s32 $0x1400, s28;
	[sflag:s19] =	ssyncadd.s32 $0xFFFFC000  }
0xaf: {  	[spmem:s1] =	stream.indirect.scatter.add.f32 [tilespmem:s22], [sflag:$0x3], $0x80, s30, s21, $0xb8;
	[tilespmem:$0x1E800] =	vst v63  }
0xb0: {  	_ =	swait.ge [sflag:s18], $0x4000  }
0xb1: {  	[sflag:s18] =	ssyncset.done $0x0  }
0xb2: {  	s31 =	sadd.s32 $0x100, s28;
	[sflag:s18] =	ssyncadd.s32 $0xFFFFC000  }
0xb3: {  	[tilespmem:s22], [sflag:$0x1] =	stream.indirect.gather [hbm4b:s4+s21], $0x80, s31, s21, $0xb8;
	[tilespmem:$0x1E800] =	vst v63  }
0xb4: {  	_ =	swait.ge [sflag:s20], $0x4000  }
0xb5: {  	[sflag:s20] =	ssyncset.done $0x0  }
0xb6: {  	s29 =	sadd.s32 $0x1480, s28;
	[sflag:s20] =	ssyncadd.s32 $0xFFFFC000  }
0xb7: {  	[spmem:s1] =	stream.indirect.scatter.add.f32 [tilespmem:s17], [sflag:$0x3], $0x80, s29, s21, $0xb8;
	[tilespmem:$0x1E800] =	vst v63  }
0xb8: {  	_ =	swait.ge [sflag:s18], $0x4000  }
0xb9: {  	[sflag:s18] =	ssyncset.done $0x0  }
0xba: {  	[sflag:s18] =	ssyncadd.s32 $0xFFFFC000  }
0xbb: {  	[tilespmem:s17], [sflag:$0x2] =	stream.indirect.gather [hbm4b:s4+s21], $0x80, s23, s21, $0xb8;
	[tilespmem:$0x1E800] =	vst v63  }
0xbc: {  	_ =	swait.ge [sflag:s19], $0x4000  }
0xbd: {  	[sflag:s19] =	ssyncset.done $0x0  }
0xbe: {  	[sflag:s19] =	ssyncadd.s32 $0xFFFFC000  }
0xbf: {  	[spmem:s1] =	stream.indirect.scatter.add.f32 [tilespmem:s22], [sflag:$0x3], $0x80, s24, s21, $0xb8;
	[tilespmem:$0x1E800] =	vst v63  }
0xc0: {  	_ =	swait.ge [sflag:s18], $0x4000  }
0xc1: {  	[sflag:s18] =	ssyncset.done $0x0  }
0xc2: {  	[sflag:s18] =	ssyncadd.s32 $0xFFFFC000  }
0xc3: {  	[tilespmem:s22], [sflag:$0x1] =	stream.indirect.gather [hbm4b:s4+s21], $0x80, s23, s21, $0xb8;
	[tilespmem:$0x1E800] =	vst v63  }
0xc4: {  	_ =	swait.ge [sflag:s20], $0x4000  }
0xc5: {  	[sflag:s20] =	ssyncset.done $0x0  }
0xc6: {  	[sflag:s20] =	ssyncadd.s32 $0xFFFFC000  }
0xc7: {  	[spmem:s1] =	stream.indirect.scatter.add.f32 [tilespmem:s17], [sflag:$0x3], $0x80, s25, s21, $0xb8;
	[tilespmem:$0x1E800] =	vst v63  }
0xc8: {  	_ =	swait.ge [sflag:s18], $0x4000  }
0xc9: {  	[sflag:s18] =	ssyncset.done $0x0  }
0xca: {  	[sflag:s18] =	ssyncadd.s32 $0xFFFFC000  }
0xcb: {  	_ =	swait.ge [sflag:s19], $0x4000  }
0xcc: {  	s26 =	sadd.s32 $0x1, s26;
	s30 =	sshll.u32 s2, $0x6;
	[sflag:s19] =	ssyncset.done $0x0  }
0xcd: {  	p0 =	sne.s32 s26, s11;
	s0 =	sor.u32 $0x1C03, s30;
	[sflag:s19] =	ssyncadd.s32 $0xFFFFC000  }
.Ltmp3:
0xce: {  	s31 =	sshrl.u32 s7, $0x3;
	[bflag:$0x0] =	sbarrier.arrive $0xFFFF;
	(pc) =	sbr.rel @p0 .LBB2_1-.Ltmp3, $4  }
0xcf: {  	[hbm:s10], [sflag:s0] =	dma.local [spmem:s31], $0x2800  }
0xd0: {  	_ =	swait.ge [sflag:s18], $0x2800  }
0xd1: {  	[sflag:s18] =	ssyncset.done $0x0  }
0xd2: {  	[sflag:s18] =	ssyncadd.s32 $0xFFFFD800  }
0xd3: {  	_ =	sfence.sel $0x180000  }
0xd4: {  	[bflag:$0x0] =	sbarrier.arrive $0xFFFF  }
0xd5: {  	_ =	strace $0x90000056  }
0xd6: {  	[bflag:$0x2] =	sbarrier.arrive $0xFFFF  }
0xd7: {  	p0 =	sne.s32 s2, $0x0;
	s0 =	rddreg [dreg:$0x3]  }
0xd8: {  	s0 =	sadd.s32 @!p0 $0x100000, s0  }
0xd9: {  	[sflag:s0] =	ssyncadd.tile.s32 @!p0 $0x1;
	_ =	shalt  }
.Lfunc_end2:
_tile_overlayer_lowered:
.L_overlay_start_2:
0xda: {  	(tag) =	ssettag $0x2  }
0xdb: {  	s0 =	rddreg [dreg:$0x0];
	s2 =	stileid.u32  }
0xdc: {  	s1 =	rddreg [dreg:$0x1];
	p0 =	sne.s32 s2, $0x0  }
0xdd: {  	s3 =	rddreg [dreg:$0x2];
	[bflag:$0x3] =	sbarrier.arrive $0xFFFF;
	s2 =	simm.s32 @!p0 $0x1C03  }
0xde: {  	[timem:s3], [sflag:s2] =	dma.local @!p0 [hbm:s0], s1  }
0xdf: {  	s0 =	simm.s32 @!p0 $0x3  }
0xe0: {  	_ =	swait.ge @!p0 [sflag:s0], s1  }
0xe1: {  	s1 =	ssub.s32 @!p0 $0x0, s1;
	[sflag:s0] =	ssyncset.done @!p0 $0x0  }
0xe2: {  	[sflag:s0] =	ssyncadd.s32 @!p0 s1  }
0xe3: {  	[bflag:$0x3] =	sbarrier.arrive $0xFFFF  }
0xe4: {  	_ =	shalt  }

// kernel: kernel.34.cloned.1.call-start
scs
__scs_entry_jumppad:
0x0: {  	(pc) =	sbr.rel $0x88, $3  }
0x1: {  	(tag) =	ssettag $0x0;
	lr =	simm.s32 $0x1  }
0x2: {  	[smem:$0x3F93] =	sst lr;
	_ =	strace $0xD0000000  }
0x3: {  	_ = 	snop  }
0x4: {  	_ = 	snop  }
0x5: {  	_ = 	snop  }
0x6: {  	_ = 	snop  }
0x7: {  	_ = 	snop  }
__scs_overlays_trampoline_lowered:
0x8: {  	[smem:$0x3FA2] =	sst s0  }
0x9: {  	[smem:$0x3FA3] =	sst s1  }
0xa: {  	[smem:$0x3FA4] =	sst s2  }
0xb: {  	[smem:$0x3FA5] =	sst s3  }
0xc: {  	[smem:$0x3FA6] =	sst s4  }
0xd: {  	[smem:$0x3FA7] =	sst s5  }
0xe: {  	[smem:$0x3FA8] =	sst s6  }
0xf: {  	[smem:$0x3FA9] =	sst s7  }
0x10: {  	[smem:$0x3FAA] =	sst s8  }
0x11: {  	[smem:$0x3FAB] =	sst s9;
	s0 =	simm.s32 @!p0 $0x0  }
0x12: {  	s1 =	sld [smem:$0x3F91];
	s0 =	simm.s32 @p0 $0x1  }
0x13: {  	[smem:$0x3FAC] =	sst s0;
	s0 =	simm.s32 @!p1 $0x0  }
0x14: {  	s2 =	sld [smem:$0x3F90];
	s0 =	simm.s32 @p1 $0x1  }
0x15: {  	[smem:$0x3FAD] =	sst s0;
	s0 =	simm.s32 @!p2 $0x0  }
0x16: {  	s3 =	sld [smem:$0x3FDB];
	s0 =	simm.s32 @p2 $0x1  }
0x17: {  	s4 =	simm.s32 $0x1BF5;
	[smem:$0x3FAF] =	sst s0  }
0x18: {  	s0 =	sld [smem:$0x3F92];
	_ =	swait.ge [sflag:s4], $0x0  }
0x19: {  	s7 =	sld [smem:$0x3F93]  }
0x1a: {  	s8 =	sadd.s32 $0xFFFFE003, lr  }
0x1b: {  	s9 =	sadd.s32 $0xFFFFFEF7, lr;
	s5 =	simm.s32 $0xFFFFFFFF;
	p2 =	slt.u32 s8, $0xFFFFF086  }
0x1c: {  	p1 =	slt.u32 s9, $0xF7A;
	s5 =	simm.s32 @!p2 $0x0  }
0x1d: {  	s5 =	simm.s32 @p1 $0x1;
	p0 =	seq.s32 s7, s2  }
0x1e: {  	s7 =	smul.u32 @!p0 $0xF7A, s2;
	p2 =	seq.s32 @!p0 s5, $0x0  }
0x1f: {  	s9 =	smul.u32 $0xF7A, s1;
	s8 =	simm.s32 @!p0 $0x1BF5;
	p2 =	por !p2, p0  }
0x20: {  	[sflag:s8] =	ssyncset.s32 @!p0 $0xFFFFF086;
	s6 =	sadd.s32 @!p0 s3, s7;
	s7 =	simm.s32 @!p0 $0x108  }
0x21: {  	s3 =	sadd.s32 s3, s9;
	s6 =	sadd.s32 @!p0 $0x88, s6;
	s7 =	simm.s32 @p2 $0x1082  }
0x22: {  	[simem:s7], [sflag:s8] =	dma.local @!p0 [hbm:s6], $0xF7A  }
0x23: {  	s9 =	sor.u32 $0xD0000000, s2;
	s6 =	simm.s32 $0x108;
	_ =	swait.ge @!p0 [sflag:s8], $0x0  }
0x24: {  	s3 =	sadd.s32 $0x88, s3;
	s6 =	simm.s32 @!p1 $0x1082;
	[sflag:s4] =	ssyncset.s32 $0xFFFFF086  }
0x25: {  	[simem:s6], [sflag:s4] =	dma.local [hbm:s3], $0xF7A  }
0x26: {  	[smem:$0x3F93] =	sst s1;
	(tag) =	ssettag s2;
	_ =	strace s9  }
0x27: {  	s1 =	sld [smem:$0x3FA3]  }
0x28: {  	s2 =	sld [smem:$0x3FA4]  }
0x29: {  	s4 =	sld [smem:$0x3FA6]  }
0x2a: {  	p0 =	seq.s32 s5, $0x0;
	s5 =	sld [smem:$0x3FA7]  }
0x2b: {  	s6 =	sld [smem:$0x3FA8]  }
0x2c: {  	s7 =	sld [smem:$0x3FA9]  }
0x2d: {  	s3 =	simm.s32 $0x108;
	s8 =	sld [smem:$0x3FAA]  }
0x2e: {  	s3 =	simm.s32 @!p0 $0x1082;
	s9 =	sld [smem:$0x3FAB]  }
0x2f: {  	lr =	sadd.s32 s0, s3;
	s0 =	sld [smem:$0x3FA2]  }
0x30: {  	s3 =	sld [smem:$0x3FA5]  }
0x31: {  	[smem:$0x3FAE] =	sst s10  }
0x32: {  	s10 =	sld [smem:$0x3FAC];
	_ =	sdelay $0x3  }
0x33: {  	p0 =	seq.s32 s10, $0x1;
	s10 =	sld [smem:$0x3FAE];
	_ =	sdelay $0x3  }
0x34: {  	[smem:$0x3FAE] =	sst s10  }
0x35: {  	s10 =	sld [smem:$0x3FAD];
	_ =	sdelay $0x3  }
0x36: {  	p1 =	seq.s32 s10, $0x1;
	s10 =	sld [smem:$0x3FAE];
	_ =	sdelay $0x3  }
0x37: {  	[smem:$0x3FAE] =	sst s10  }
0x38: {  	s10 =	sld [smem:$0x3FAF]  }
0x39: {  	_ = 	snop;
	(pc) =	sbr.ind lr, $3  }
0x3a: {  	_ = 	snop  }
0x3b: {  	_ = 	snop  }
0x3c: {  	p2 =	seq.s32 s10, $0x1;
	s10 =	sld [smem:$0x3FAE]  }
0x3d: {  	_ =	shalt  }
0x3e: {  	_ =	shalt  }
0x3f: {  	_ =	shalt  }
0x40: {  	_ =	shalt  }
0x41: {  	_ =	shalt  }
0x42: {  	_ =	shalt  }
0x43: {  	_ =	shalt  }
0x44: {  	_ =	shalt  }
0x45: {  	_ =	shalt  }
0x46: {  	_ =	shalt  }
0x47: {  	_ =	shalt  }
0x48: {  	_ =	shalt  }
0x49: {  	_ =	shalt  }
0x4a: {  	_ =	shalt  }
0x4b: {  	_ =	shalt  }
0x4c: {  	_ =	shalt  }
0x4d: {  	_ =	shalt  }
0x4e: {  	_ =	shalt  }
0x4f: {  	_ =	shalt  }
0x50: {  	_ =	shalt  }
0x51: {  	_ =	shalt  }
0x52: {  	_ =	shalt  }
0x53: {  	_ =	shalt  }
0x54: {  	_ =	shalt  }
0x55: {  	_ =	shalt  }
0x56: {  	_ =	shalt  }
0x57: {  	_ =	shalt  }
0x58: {  	_ =	shalt  }
0x59: {  	_ =	shalt  }
0x5a: {  	_ =	shalt  }
0x5b: {  	_ =	shalt  }
0x5c: {  	_ =	shalt  }
0x5d: {  	_ =	shalt  }
0x5e: {  	_ =	shalt  }
0x5f: {  	_ =	shalt  }
0x60: {  	_ =	shalt  }
0x61: {  	_ =	shalt  }
0x62: {  	_ =	shalt  }
0x63: {  	_ =	shalt  }
0x64: {  	_ =	shalt  }
0x65: {  	_ =	shalt  }
0x66: {  	_ =	shalt  }
0x67: {  	_ =	shalt  }
0x68: {  	_ =	shalt  }
0x69: {  	_ =	shalt  }
0x6a: {  	_ =	shalt  }
0x6b: {  	_ =	shalt  }
0x6c: {  	_ =	shalt  }
0x6d: {  	_ =	shalt  }
0x6e: {  	_ =	shalt  }
0x6f: {  	_ =	shalt  }
0x70: {  	_ =	shalt  }
0x71: {  	_ =	shalt  }
0x72: {  	_ =	shalt  }
0x73: {  	_ =	shalt  }
0x74: {  	_ =	shalt  }
0x75: {  	_ =	shalt  }
0x76: {  	_ =	shalt  }
0x77: {  	_ =	shalt  }
0x78: {  	_ =	shalt  }
0x79: {  	_ =	shalt  }
0x7a: {  	_ =	shalt  }
0x7b: {  	_ =	shalt  }
0x7c: {  	_ =	shalt  }
0x7d: {  	_ =	shalt  }
0x7e: {  	_ =	shalt  }
0x7f: {  	_ =	shalt  }
0x80: {  	_ =	shalt  }
0x81: {  	_ =	shalt  }
0x82: {  	_ =	shalt  }
0x83: {  	_ =	shalt  }
0x84: {  	_ =	shalt  }
0x85: {  	_ =	shalt  }
0x86: {  	_ =	shalt  }
0x87: {  	_ =	shalt  }
.Lfunc_end0:
.L_simem_size_0:
called_computation.6_lowered:
.L_overlay_start_0:
0x88: {  	s2 =	sld [smem:$0x3FD9]  }
0x89: {  	s3 =	sld [smem:$0x3FFE];
	_ =	sdelay $0x1  }
0x8a: {  	s1 =	srdreg.scid  }
0x8b: {  	s0 =	sand.u32 $0x1, s1  }
0x8c: {  	s17 =	sshll.u32 s0, $0xA;
	s2 =	sadd.s32 s3, s2  }
0x8d: {  	s2 =	sadd.s32 s2, s17  }
0x8e: {  	[smem:$0x3FBA] =	sst s2  }
0x8f: {  	_ = 	snop  }
0x90: {  	s2 =	sld [smem:$0x3FD0];
	(tm) =	ssettm $0x1  }
0x91: {  	s18 =	sld [smem:$0x3FFB];
	_ =	sdelay $0x3  }
0x92: {  	_ =	strace s18  }
0x93: {  	s3 =	sld [smem:$0x3FFC];
	_ =	sdelay $0x3  }
0x94: {  	_ =	strace s3  }
0x95: {  	s3 =	sld [smem:$0x3FFD];
	_ =	sdelay $0x3  }
0x96: {  	_ =	strace s3  }
0x97: {  	_ =	strace $0x8FFFFFFF  }
0x98: {  	s19 =	sld [smem:$0x3FDB];
	_ =	sdelay $0x1  }
0x99: {  	s4 =	simm.s32 $_scs_section_size  }
0x9a: {  	s5 =	simm.s32 $_size__tile_overlayer_lowered;
	s6 =	simm.s32 $_tile_overlayer_lowered  }
0x9b: {  	s22 =	simm.s32 $0x1BFF;
	s21 =	sshll.u32 s6, $0x1;
	s3 =	sadd.s32 s4, s19  }
0x9c: {  	s7 =	simm.s32 $0x0;
	s20 =	sshll.u32 s5, $0x1;
	s5 =	sadd.s32 s21, s3  }
0x9d: {  	[timem:s7], [sflag:s22] =	dma.local [hbm:s5], s20  }
0x9e: {  	_ =	swait.ge [sflag:s22], s20  }
0x9f: {  	s4 =	ssub.s32 $0x0, s20;
	[sflag:s22] =	ssyncset.done $0x0  }
0xa0: {  	[sflag:s22] =	ssyncadd.s32 s4;
	_ =	sdelay $0x1  }
0xa1: {  	s23 =	simm.s32 $0x1B8B  }
0xa2: {  	_ =	swait.ge [sflag:s23], $0x1  }
0xa3: {  	[sflag:s23] =	ssyncset.done $0x0  }
0xa4: {  	s25 =	simm.s32 $0x1B8E;
	s24 =	sld [smem:$0x3FFE];
	[sflag:s23] =	ssyncadd.s32 $0xFFFFFFFF  }
0xa5: {  	s26 =	simm.s32 $execute0_lowered;
	[smem:$0x3FD2] =	sst s25  }
0xa6: {  	s5 =	sshll.u32 s26, $0x1;
	_ =	strace $0x80000058;
	[dreg:$0x1] =	wrdreg $0xFFFFFFFF  }
0xa7: {  	s28 =	simm.s32 $_size_execute0_lowered;
	s3 =	sadd.s32 s3, s5;
	[dreg:$0x0] =	wrdreg $0x0  }
0xa8: {  	s5 =	sshll.u32 s28, $0x1;
	[dreg:$0x2] =	wrdreg s3  }
0xa9: {  	[dreg:$0x3] =	wrdreg s5  }
0xaa: {  	[dreg:$0x4] =	wrdreg $0xC0  }
0xab: {  	_ =	task [dreg:s7], $0x5FFFF  }
0xac: {  	[dreg:$0x1] =	wrdreg $0xFFFFFFFF  }
0xad: {  	[dreg:$0x0] =	wrdreg $0x60  }
0xae: {  	[dreg:$0x2] =	wrdreg s24  }
0xaf: {  	[dreg:$0x3] =	wrdreg s2  }
0xb0: {  	[dreg:$0x4] =	wrdreg $0xA8000  }
0xb1: {  	[dreg:$0x5] =	wrdreg $0x9  }
0xb2: {  	_ =	task.clear_ibuf [dreg:s7], $0x6FFFF;
	_ =	strace $0x90000058  }
0xb3: {  	s29 =	simm.s32 $0x9;
	_ =	strace $0x8000005A  }
0xb4: {  	_ =	swait.ge [sflag:s29], $0x1  }
0xb5: {  	[sflag:s29] =	ssyncadd.s32 $0xFFFFFFFF  }
0xb6: {  	_ =	strace $0x9000005A  }
0xb7: {  	_ =	sfence  }
0xb8: {  	s30 =	sld [smem:$0x0];
	_ =	sdelay $0x2  }
0xb9: {  	s31 =	sshll.u32 s1, $0xD;
	s1 =	sshrl.u32 s1, $0x2  }
0xba: {  	s3 =	sand.u32 $0x4000, s31;
	s1 =	sadd.s32 s1, s30  }
0xbb: {  	s0 =	sor.u32 s3, s0;
	s1 =	sshll.u32 s1, $0x11  }
0xbc: {  	s0 =	sor.u32 s1, s0  }
0xbd: {  	s0 =	sadd.s32 $0x8F2B, s0  }
0xbe: {  	[sflag:s0] =	ssyncadd.remote.s32 $0x1  }
0xbf: {  	_ =	sfence.sel $0xFFFF  }
0xc0: {  	[dreg:$0x0] =	wrdreg $0xFFFFFFFF;
	(pc) =	sbr.abs _section_cstart, $3  }
0xc1: {  	[dreg:$0x1] =	wrdreg $0xFFFFFFFF  }
0xc2: {  	_ =	task.clear_ibuf [dreg:s7], $0x2FFFF;
	_ =	strace $0x9FFFFFFF  }
0xc3: {  	(tm) =	ssettm $0x7FFFFFFF  }
tec
execute0_lowered:
.L_overlay_start_1:
0x0: {  	(tag) =	ssettag $0x1  }
0x1: {  	s5 =	rddreg [dreg:$0x0]  }
0x2: {  	s8 =	rddreg [dreg:$0x1]  }
0x3: {  	s1 =	rddreg [dreg:$0x2]  }
0x4: {  	s3 =	simm.s32 $0x0;
	s2 =	srdreg.scid;
	s16 =	simm.s32 $0x1400  }
0x5: {  	s17 =	simm.s32 $0x6800;
	s18 =	simm.s32 $0x3;
	s19 =	simm.s32 $0x1  }
0x6: {  	s20 =	simm.s32 $0x2;
	s21 =	simm.s32 $0x80;
	s22 =	simm.s32 $0x2800  }
0x7: {  	s23 =	simm.s32 $0x1380;
	s24 =	simm.s32 $0x2700;
	s25 =	simm.s32 $0x2780  }
0x8: {  	s26 =	simm.s32 $0x0;
	[smem:$0x7FF] =	sst s3;
	s6 =	sand.u32 $0x1, s2  }
0x9: {  	s2 =	stileid.u32;
	s4 =	sadd.s32 $0x60200, s5;
	s7 =	smul.u32 $0x140000, s6  }
0xa: {  	s11 =	sadd.s32 $0x6200, s5;
	s9 =	smul.u32 $0x14000, s2;
	s10 =	sshll.u32 s6, $0x4  }
0xb: {  	s6 =	ssub.s32 $0x2, s6;
	s12 =	smul.u32 $0x50000, s2;
	s10 =	sor.u32 s2, s10  }
0xc: {  	s29 =	sshrl.u32 s6, $0x1;
	s7 =	sadd.s32 s9, s7;
	s28 =	smul.u32 $0x2800, s10  }
0xd: {  	_ =	strace $0x80000059;
	s14 =	ssub.s32 s6, s29;
	s7 =	sshrl.u32 s7, $0x3  }
0xe: {  	s31 =	sshrl.u32 s12, $0x2;
	s13 =	sadd.s32 s7, s5;
	s30 =	sshrl.u32 s28, $0x3  }
0xf: {  	s7 =	sadd.s32 s31, s1;
	s5 =	sadd.s32 s8, s30;
	s9 =	sadd.s32 $0x280, s30  }
0x10: {  	s6 =	sadd.s32 s11, s30;
	s10 =	sadd.s32 $0x88200, s13;
	s12 =	sadd.s32 $0x4000, s7  }
0x11: {  	s13 =	sadd.s32 $0x8000, s7;
	s15 =	sadd.s32 $0x10000, s7;
	s8 =	sadd.s32 s8, s9  }
0x12: {  	v0 =	vimm.f32 $0.0e+00;
	s9 =	sadd.s32 s11, s9;
	s11 =	smax.u32 s14, $0x1;
	s14 =	sadd.s32 $0xC000, s7  }
.LBB2_1:
0x13: {  	[tilespmem:s3], [sflag:$0x1] =	stream.linear.gather [hbm4b:s5+s3], $0x1400, $0x38;
	[tilespmem:$0x1E800] =	vst v63  }
0x14: {  	s28 =	sand.u32 $0xFE00, s3  }
0x15: {  	s29 =	sand.u32 $0x70, s3;
	s30 =	sshrl.u32 s28, $0x2  }
0x16: {  	[tilespmem:s16], [sflag:$0x2] =	stream.linear.gather [hbm4b:s6+s3], $0x1400, $0x38;
	[tilespmem:$0x1E800] =	vst v63  }
0x17: {  	s28 =	simm.s32 $0x40;
	s30 =	sor.u32 s29, s30;
	s29 =	simm.s32 $0x0  }
.LBB2_2:
0x18: {  	p0 =	sne.s32 s28, $0xFFC0  }
0x19: {  	[tilespmem:s30+$0x6800] =	vst v0;
	s29 =	sadd.s32 $0x10, s29;
	s30 =	smov.u32 s28;
	s28 =	sadd.s32 $0x40, s28  }
.Ltmp0:
0x1a: {  	(pc) =	sbr.rel @p0 .LBB2_2-.Ltmp0, $4  }
0x1b: {  	_ = 	snop  }
0x1c: {  	s30 =	sand.u32 $0xFE00, s30  }
0x1d: {  	s31 =	sand.u32 $0x70, s29;
	s30 =	sshrl.u32 s30, $0x2  }
0x1e: {  	s30 =	sor.u32 s31, s30  }
0x1f: {  	[tilespmem:s30+$0x6800] =	vst v0  }
0x20: {  	[spmem:s7] =	stream.linear.scatter [tilespmem:s17], [sflag:$0x3], $0x4000, $0x38;
	[tilespmem:$0x1E800] =	vst v63  }
0x21: {  	_ =	swait.ge [sflag:s18], $0x4000  }
0x22: {  	[sflag:s18] =	ssyncset.done $0x0  }
0x23: {  	[sflag:s18] =	ssyncadd.s32 $0xFFFFC000  }
0x24: {  	[spmem:s12] =	stream.linear.scatter [tilespmem:s17], [sflag:$0x3], $0x4000, $0x38;
	[tilespmem:$0x1E800] =	vst v63  }
0x25: {  	_ =	swait.ge [sflag:s18], $0x4000  }
0x26: {  	[sflag:s18] =	ssyncset.done $0x0  }
0x27: {  	[sflag:s18] =	ssyncadd.s32 $0xFFFFC000  }
0x28: {  	[spmem:s13] =	stream.linear.scatter [tilespmem:s17], [sflag:$0x3], $0x4000, $0x38;
	[tilespmem:$0x1E800] =	vst v63  }
0x29: {  	_ =	swait.ge [sflag:s18], $0x4000  }
0x2a: {  	[sflag:s18] =	ssyncset.done $0x0  }
0x2b: {  	[sflag:s18] =	ssyncadd.s32 $0xFFFFC000  }
0x2c: {  	[spmem:s14] =	stream.linear.scatter [tilespmem:s17], [sflag:$0x3], $0x4000, $0x38;
	[tilespmem:$0x1E800] =	vst v63  }
0x2d: {  	_ =	swait.ge [sflag:s18], $0x4000  }
0x2e: {  	[sflag:s18] =	ssyncset.done $0x0  }
0x2f: {  	[sflag:s18] =	ssyncadd.s32 $0xFFFFC000  }
0x30: {  	[spmem:s15] =	stream.linear.scatter [tilespmem:s17], [sflag:$0x3], $0x4000, $0x38;
	[tilespmem:$0x1E800] =	vst v63  }
0x31: {  	_ =	swait.ge [sflag:s18], $0x4000  }
0x32: {  	[sflag:s18] =	ssyncset.done $0x0  }
0x33: {  	[sflag:s18] =	ssyncadd.s32 $0xFFFFC000  }
0x34: {  	_ =	swait.ge [sflag:s19], $0x1400  }
0x35: {  	[sflag:s19] =	ssyncset.done $0x0  }
0x36: {  	[sflag:s19] =	ssyncadd.s32 $0xFFFFEC00  }
0x37: {  	_ =	swait.ge [sflag:s20], $0x1400  }
0x38: {  	[sflag:s20] =	ssyncset.done $0x0  }
0x39: {  	s28 =	simm.s32 $0x0;
	[sflag:s20] =	ssyncadd.s32 $0xFFFFEC00  }
0x3a: {  	[tilespmem:s22], [sflag:$0x1] =	stream.indirect.gather [hbm4b:s4+s21], $0x80, s28, s21, $0xb8;
	[tilespmem:$0x1E800] =	vst v63  }
0x3b: {  	s28 =	simm.s32 $0x80;
	[bflag:$0x0] =	sbarrier.arrive $0xFFFF  }
0x3c: {  	[tilespmem:s17], [sflag:$0x2] =	stream.indirect.gather [hbm4b:s4+s21], $0x80, s28, s21, $0xb8;
	[tilespmem:$0x1E800] =	vst v63  }
0x3d: {  	_ =	swait.ge [sflag:s19], $0x4000  }
0x3e: {  	[sflag:s19] =	ssyncset.done $0x0  }
0x3f: {  	s28 =	simm.s32 $0x1400;
	[sflag:s19] =	ssyncadd.s32 $0xFFFFC000  }
0x40: {  	[spmem:s1] =	stream.indirect.scatter.add.f32 [tilespmem:s22], [sflag:$0x3], $0x80, s28, s21, $0xb8;
	[tilespmem:$0x1E800] =	vst v63  }
0x41: {  	_ =	swait.ge [sflag:s18], $0x4000  }
0x42: {  	[sflag:s18] =	ssyncset.done $0x0  }
0x43: {  	s28 =	simm.s32 $0x100;
	[sflag:s18] =	ssyncadd.s32 $0xFFFFC000  }
0x44: {  	[tilespmem:s22], [sflag:$0x1] =	stream.indirect.gather [hbm4b:s4+s21], $0x80, s28, s21, $0xb8;
	[tilespmem:$0x1E800] =	vst v63  }
0x45: {  	_ =	swait.ge [sflag:s20], $0x4000  }
0x46: {  	[sflag:s20] =	ssyncset.done $0x0  }
0x47: {  	s28 =	simm.s32 $0x1480;
	[sflag:s20] =	ssyncadd.s32 $0xFFFFC000  }
0x48: {  	[spmem:s1] =	stream.indirect.scatter.add.f32 [tilespmem:s17], [sflag:$0x3], $0x80, s28, s21, $0xb8;
	[tilespmem:$0x1E800] =	vst v63  }
0x49: {  	_ =	swait.ge [sflag:s18], $0x4000  }
0x4a: {  	s29 =	simm.s32 $0x800;
	s28 =	simm.s32 $0x100;
	[sflag:s18] =	ssyncset.done $0x0  }
.LBB2_4:
0x4b: {  	s30 =	sadd.s32 $0x80, s28  }
0x4c: {  	[sflag:s18] =	ssyncadd.s32 $0xFFFFC000;
	s31 =	smov.u32 s29;
	s0 =	sadd.s32 $0x400, s29  }
0x4d: {  	[tilespmem:s17], [sflag:$0x2] =	stream.indirect.gather [hbm4b:s4+s21], $0x80, s30, s21, $0xb8;
	[tilespmem:$0x1E800] =	vst v63  }
0x4e: {  	p0 =	sne.s32 s29, $0x4800;
	_ =	swait.ge [sflag:s19], $0x4000  }
0x4f: {  	[sflag:s19] =	ssyncset.done $0x0  }
0x50: {  	s29 =	sadd.s32 $0x1400, s28;
	[sflag:s19] =	ssyncadd.s32 $0xFFFFC000  }
0x51: {  	[spmem:s1] =	stream.indirect.scatter.add.f32 [tilespmem:s22], [sflag:$0x3], $0x80, s29, s21, $0xb8;
	[tilespmem:$0x1E800] =	vst v63  }
0x52: {  	_ =	swait.ge [sflag:s18], $0x4000  }
0x53: {  	[sflag:s18] =	ssyncset.done $0x0  }
0x54: {  	s29 =	sadd.s32 $0x100, s28;
	[sflag:s18] =	ssyncadd.s32 $0xFFFFC000  }
0x55: {  	[tilespmem:s22], [sflag:$0x1] =	stream.indirect.gather [hbm4b:s4+s21], $0x80, s29, s21, $0xb8;
	[tilespmem:$0x1E800] =	vst v63  }
0x56: {  	_ =	swait.ge [sflag:s20], $0x4000  }
.Ltmp1:
0x57: {  	[sflag:s20] =	ssyncset.done $0x0;
	(pc) =	sbr.rel @p0 .LBB2_4-.Ltmp1, $4  }
0x58: {  	s28 =	sadd.s32 $0x1480, s28;
	[sflag:s20] =	ssyncadd.s32 $0xFFFFC000  }
0x59: {  	[spmem:s1] =	stream.indirect.scatter.add.f32 [tilespmem:s17], [sflag:$0x3], $0x80, s28, s21, $0xb8;
	[tilespmem:$0x1E800] =	vst v63  }
0x5a: {  	_ =	swait.ge [sflag:s18], $0x4000  }
0x5b: {  	s29 =	smov.u32 s0;
	s28 =	sshra.s32 s31, $0x2;
	[sflag:s18] =	ssyncset.done $0x0  }
0x5c: {  	s0 =	sadd.s32 $0x80, s28;
	[sflag:s18] =	ssyncadd.s32 $0xFFFFC000  }
0x5d: {  	[tilespmem:s17], [sflag:$0x2] =	stream.indirect.gather [hbm4b:s4+s21], $0x80, s0, s21, $0xb8;
	[tilespmem:$0x1E800] =	vst v63  }
0x5e: {  	_ =	swait.ge [sflag:s19], $0x4000  }
0x5f: {  	[sflag:s19] =	ssyncset.done $0x0  }
0x60: {  	s30 =	sadd.s32 $0x1400, s28;
	[sflag:s19] =	ssyncadd.s32 $0xFFFFC000  }
0x61: {  	[spmem:s1] =	stream.indirect.scatter.add.f32 [tilespmem:s22], [sflag:$0x3], $0x80, s30, s21, $0xb8;
	[tilespmem:$0x1E800] =	vst v63  }
0x62: {  	_ =	swait.ge [sflag:s18], $0x4000  }
0x63: {  	[sflag:s18] =	ssyncset.done $0x0  }
0x64: {  	s31 =	sadd.s32 $0x100, s28;
	[sflag:s18] =	ssyncadd.s32 $0xFFFFC000  }
0x65: {  	[tilespmem:s22], [sflag:$0x1] =	stream.indirect.gather [hbm4b:s4+s21], $0x80, s31, s21, $0xb8;
	[tilespmem:$0x1E800] =	vst v63  }
0x66: {  	_ =	swait.ge [sflag:s20], $0x4000  }
0x67: {  	[sflag:s20] =	ssyncset.done $0x0  }
0x68: {  	s30 =	sadd.s32 $0x1480, s28;
	[sflag:s20] =	ssyncadd.s32 $0xFFFFC000  }
0x69: {  	[spmem:s1] =	stream.indirect.scatter.add.f32 [tilespmem:s17], [sflag:$0x3], $0x80, s30, s21, $0xb8;
	[tilespmem:$0x1E800] =	vst v63  }
0x6a: {  	_ =	swait.ge [sflag:s18], $0x4000  }
0x6b: {  	[sflag:s18] =	ssyncset.done $0x0  }
0x6c: {  	[sflag:s18] =	ssyncadd.s32 $0xFFFFC000  }
0x6d: {  	[tilespmem:s17], [sflag:$0x2] =	stream.indirect.gather [hbm4b:s4+s21], $0x80, s23, s21, $0xb8;
	[tilespmem:$0x1E800] =	vst v63  }
0x6e: {  	_ =	swait.ge [sflag:s19], $0x4000  }
0x6f: {  	[sflag:s19] =	ssyncset.done $0x0  }
0x70: {  	[sflag:s19] =	ssyncadd.s32 $0xFFFFC000  }
0x71: {  	[spmem:s1] =	stream.indirect.scatter.add.f32 [tilespmem:s22], [sflag:$0x3], $0x80, s24, s21, $0xb8;
	[tilespmem:$0x1E800] =	vst v63  }
0x72: {  	_ =	swait.ge [sflag:s18], $0x4000  }
0x73: {  	[sflag:s18] =	ssyncset.done $0x0  }
0x74: {  	[sflag:s18] =	ssyncadd.s32 $0xFFFFC000  }
0x75: {  	[tilespmem:s22], [sflag:$0x1] =	stream.indirect.gather [hbm4b:s4+s21], $0x80, s23, s21, $0xb8;
	[tilespmem:$0x1E800] =	vst v63  }
0x76: {  	_ =	swait.ge [sflag:s20], $0x4000  }
0x77: {  	[sflag:s20] =	ssyncset.done $0x0  }
0x78: {  	[sflag:s20] =	ssyncadd.s32 $0xFFFFC000  }
0x79: {  	[spmem:s1] =	stream.indirect.scatter.add.f32 [tilespmem:s17], [sflag:$0x3], $0x80, s25, s21, $0xb8;
	[tilespmem:$0x1E800] =	vst v63  }
0x7a: {  	_ =	swait.ge [sflag:s18], $0x4000  }
0x7b: {  	[sflag:s18] =	ssyncset.done $0x0  }
0x7c: {  	[sflag:s18] =	ssyncadd.s32 $0xFFFFC000  }
0x7d: {  	_ =	swait.ge [sflag:s19], $0x4000  }
0x7e: {  	[sflag:s19] =	ssyncset.done $0x0  }
0x7f: {  	s31 =	simm.s32 $0x0;
	[sflag:s19] =	ssyncadd.s32 $0xFFFFC000  }
0x80: {  	[tilespmem:s31], [sflag:$0x3] =	stream.linear.gather [hbm4b:s8+s31], $0x1400, $0x38;
	[tilespmem:$0x1E800] =	vst v63  }
0x81: {  	_ =	swait.ge [sflag:s18], $0x1400  }
0x82: {  	[sflag:s18] =	ssyncset.done $0x0  }
0x83: {  	[sflag:s18] =	ssyncadd.s32 $0xFFFFEC00  }
0x84: {  	[tilespmem:s16], [sflag:$0x3] =	stream.linear.gather [hbm4b:s9+s31], $0x1400, $0x38;
	[tilespmem:$0x1E800] =	vst v63  }
0x85: {  	_ =	swait.ge [sflag:s18], $0x1400  }
0x86: {  	[sflag:s18] =	ssyncset.done $0x0  }
0x87: {  	[sflag:s18] =	ssyncadd.s32 $0xFFFFEC00  }
0x88: {  	[tilespmem:s22], [sflag:$0x1] =	stream.indirect.gather [hbm4b:s4+s21], $0x80, s31, s21, $0xb8;
	[tilespmem:$0x1E800] =	vst v63  }
0x89: {  	s30 =	simm.s32 $0x80  }
0x8a: {  	[tilespmem:s17], [sflag:$0x2] =	stream.indirect.gather [hbm4b:s4+s21], $0x80, s30, s21, $0xb8;
	[tilespmem:$0x1E800] =	vst v63  }
0x8b: {  	_ =	swait.ge [sflag:s19], $0x4000  }
0x8c: {  	[sflag:s19] =	ssyncset.done $0x0  }
0x8d: {  	s31 =	simm.s32 $0x1400;
	[sflag:s19] =	ssyncadd.s32 $0xFFFFC000  }
0x8e: {  	[spmem:s1] =	stream.indirect.scatter.add.f32 [tilespmem:s22], [sflag:$0x3], $0x80, s31, s21, $0xb8;
	[tilespmem:$0x1E800] =	vst v63  }
0x8f: {  	_ =	swait.ge [sflag:s18], $0x4000  }
0x90: {  	[sflag:s18] =	ssyncset.done $0x0  }
0x91: {  	s30 =	simm.s32 $0x100;
	[sflag:s18] =	ssyncadd.s32 $0xFFFFC000  }
0x92: {  	[tilespmem:s22], [sflag:$0x1] =	stream.indirect.gather [hbm4b:s4+s21], $0x80, s30, s21, $0xb8;
	[tilespmem:$0x1E800] =	vst v63  }
0x93: {  	_ =	swait.ge [sflag:s20], $0x4000  }
0x94: {  	[sflag:s20] =	ssyncset.done $0x0  }
0x95: {  	s31 =	simm.s32 $0x1480;
	[sflag:s20] =	ssyncadd.s32 $0xFFFFC000  }
0x96: {  	[spmem:s1] =	stream.indirect.scatter.add.f32 [tilespmem:s17], [sflag:$0x3], $0x80, s31, s21, $0xb8;
	[tilespmem:$0x1E800] =	vst v63  }
0x97: {  	_ =	swait.ge [sflag:s18], $0x4000  }
0x98: {  	s29 =	simm.s32 $0x800;
	s28 =	simm.s32 $0x100;
	[sflag:s18] =	ssyncset.done $0x0  }
.LBB2_6:
0x99: {  	s0 =	sadd.s32 $0x80, s28  }
0x9a: {  	[sflag:s18] =	ssyncadd.s32 $0xFFFFC000;
	s30 =	smov.u32 s29;
	s31 =	sadd.s32 $0x400, s29  }
0x9b: {  	[tilespmem:s17], [sflag:$0x2] =	stream.indirect.gather [hbm4b:s4+s21], $0x80, s0, s21, $0xb8;
	[tilespmem:$0x1E800] =	vst v63  }
0x9c: {  	p0 =	sne.s32 s29, $0x4800;
	_ =	swait.ge [sflag:s19], $0x4000  }
0x9d: {  	[sflag:s19] =	ssyncset.done $0x0  }
0x9e: {  	s0 =	sadd.s32 $0x1400, s28;
	[sflag:s19] =	ssyncadd.s32 $0xFFFFC000  }
0x9f: {  	[spmem:s1] =	stream.indirect.scatter.add.f32 [tilespmem:s22], [sflag:$0x3], $0x80, s0, s21, $0xb8;
	[tilespmem:$0x1E800] =	vst v63  }
0xa0: {  	_ =	swait.ge [sflag:s18], $0x4000  }
0xa1: {  	[sflag:s18] =	ssyncset.done $0x0  }
0xa2: {  	s0 =	sadd.s32 $0x100, s28;
	[sflag:s18] =	ssyncadd.s32 $0xFFFFC000  }
0xa3: {  	[tilespmem:s22], [sflag:$0x1] =	stream.indirect.gather [hbm4b:s4+s21], $0x80, s0, s21, $0xb8;
	[tilespmem:$0x1E800] =	vst v63  }
0xa4: {  	_ =	swait.ge [sflag:s20], $0x4000  }
.Ltmp2:
0xa5: {  	[sflag:s20] =	ssyncset.done $0x0;
	(pc) =	sbr.rel @p0 .LBB2_6-.Ltmp2, $4  }
0xa6: {  	s0 =	sadd.s32 $0x1480, s28;
	[sflag:s20] =	ssyncadd.s32 $0xFFFFC000  }
0xa7: {  	[spmem:s1] =	stream.indirect.scatter.add.f32 [tilespmem:s17], [sflag:$0x3], $0x80, s0, s21, $0xb8;
	[tilespmem:$0x1E800] =	vst v63  }
0xa8: {  	_ =	swait.ge [sflag:s18], $0x4000  }
0xa9: {  	s29 =	smov.u32 s31;
	s28 =	sshra.s32 s30, $0x2;
	[sflag:s18] =	ssyncset.done $0x0  }
0xaa: {  	s0 =	sadd.s32 $0x80, s28;
	[sflag:s18] =	ssyncadd.s32 $0xFFFFC000  }
0xab: {  	[tilespmem:s17], [sflag:$0x2] =	stream.indirect.gather [hbm4b:s4+s21], $0x80, s0, s21, $0xb8;
	[tilespmem:$0x1E800] =	vst v63  }
0xac: {  	_ =	swait.ge [sflag:s19], $0x4000  }
0xad: {  	[sflag:s19] =	ssyncset.done $0x0  }
0xae: {  	s30 =	sadd.s32 $0x1400, s28;
	[sflag:s19] =	ssyncadd.s32 $0xFFFFC000  }
0xaf: {  	[spmem:s1] =	stream.indirect.scatter.add.f32 [tilespmem:s22], [sflag:$0x3], $0x80, s30, s21, $0xb8;
	[tilespmem:$0x1E800] =	vst v63  }
0xb0: {  	_ =	swait.ge [sflag:s18], $0x4000  }
0xb1: {  	[sflag:s18] =	ssyncset.done $0x0  }
0xb2: {  	s31 =	sadd.s32 $0x100, s28;
	[sflag:s18] =	ssyncadd.s32 $0xFFFFC000  }
0xb3: {  	[tilespmem:s22], [sflag:$0x1] =	stream.indirect.gather [hbm4b:s4+s21], $0x80, s31, s21, $0xb8;
	[tilespmem:$0x1E800] =	vst v63  }
0xb4: {  	_ =	swait.ge [sflag:s20], $0x4000  }
0xb5: {  	[sflag:s20] =	ssyncset.done $0x0  }
0xb6: {  	s29 =	sadd.s32 $0x1480, s28;
	[sflag:s20] =	ssyncadd.s32 $0xFFFFC000  }
0xb7: {  	[spmem:s1] =	stream.indirect.scatter.add.f32 [tilespmem:s17], [sflag:$0x3], $0x80, s29, s21, $0xb8;
	[tilespmem:$0x1E800] =	vst v63  }
0xb8: {  	_ =	swait.ge [sflag:s18], $0x4000  }
0xb9: {  	[sflag:s18] =	ssyncset.done $0x0  }
0xba: {  	[sflag:s18] =	ssyncadd.s32 $0xFFFFC000  }
0xbb: {  	[tilespmem:s17], [sflag:$0x2] =	stream.indirect.gather [hbm4b:s4+s21], $0x80, s23, s21, $0xb8;
	[tilespmem:$0x1E800] =	vst v63  }
0xbc: {  	_ =	swait.ge [sflag:s19], $0x4000  }
0xbd: {  	[sflag:s19] =	ssyncset.done $0x0  }
0xbe: {  	[sflag:s19] =	ssyncadd.s32 $0xFFFFC000  }
0xbf: {  	[spmem:s1] =	stream.indirect.scatter.add.f32 [tilespmem:s22], [sflag:$0x3], $0x80, s24, s21, $0xb8;
	[tilespmem:$0x1E800] =	vst v63  }
0xc0: {  	_ =	swait.ge [sflag:s18], $0x4000  }
0xc1: {  	[sflag:s18] =	ssyncset.done $0x0  }
0xc2: {  	[sflag:s18] =	ssyncadd.s32 $0xFFFFC000  }
0xc3: {  	[tilespmem:s22], [sflag:$0x1] =	stream.indirect.gather [hbm4b:s4+s21], $0x80, s23, s21, $0xb8;
	[tilespmem:$0x1E800] =	vst v63  }
0xc4: {  	_ =	swait.ge [sflag:s20], $0x4000  }
0xc5: {  	[sflag:s20] =	ssyncset.done $0x0  }
0xc6: {  	[sflag:s20] =	ssyncadd.s32 $0xFFFFC000  }
0xc7: {  	[spmem:s1] =	stream.indirect.scatter.add.f32 [tilespmem:s17], [sflag:$0x3], $0x80, s25, s21, $0xb8;
	[tilespmem:$0x1E800] =	vst v63  }
0xc8: {  	_ =	swait.ge [sflag:s18], $0x4000  }
0xc9: {  	[sflag:s18] =	ssyncset.done $0x0  }
0xca: {  	[sflag:s18] =	ssyncadd.s32 $0xFFFFC000  }
0xcb: {  	_ =	swait.ge [sflag:s19], $0x4000  }
0xcc: {  	s26 =	sadd.s32 $0x1, s26;
	s30 =	sshll.u32 s2, $0x6;
	[sflag:s19] =	ssyncset.done $0x0  }
0xcd: {  	p0 =	sne.s32 s26, s11;
	s0 =	sor.u32 $0x1C03, s30;
	[sflag:s19] =	ssyncadd.s32 $0xFFFFC000  }
.Ltmp3:
0xce: {  	s31 =	sshrl.u32 s7, $0x3;
	[bflag:$0x0] =	sbarrier.arrive $0xFFFF;
	(pc) =	sbr.rel @p0 .LBB2_1-.Ltmp3, $4  }
0xcf: {  	[hbm:s10], [sflag:s0] =	dma.local [spmem:s31], $0x2800  }
0xd0: {  	_ =	swait.ge [sflag:s18], $0x2800  }
0xd1: {  	[sflag:s18] =	ssyncset.done $0x0  }
0xd2: {  	[sflag:s18] =	ssyncadd.s32 $0xFFFFD800  }
0xd3: {  	_ =	sfence.sel $0x180000  }
0xd4: {  	[bflag:$0x0] =	sbarrier.arrive $0xFFFF  }
0xd5: {  	_ =	strace $0x90000059  }
0xd6: {  	[bflag:$0x2] =	sbarrier.arrive $0xFFFF  }
0xd7: {  	p0 =	sne.s32 s2, $0x0;
	s0 =	rddreg [dreg:$0x3]  }
0xd8: {  	s0 =	sadd.s32 @!p0 $0x100000, s0  }
0xd9: {  	[sflag:s0] =	ssyncadd.tile.s32 @!p0 $0x1;
	_ =	shalt  }
.Lfunc_end2:
_tile_overlayer_lowered:
.L_overlay_start_2:
0xda: {  	(tag) =	ssettag $0x2  }
0xdb: {  	s0 =	rddreg [dreg:$0x0];
	s2 =	stileid.u32  }
0xdc: {  	s1 =	rddreg [dreg:$0x1];
	p0 =	sne.s32 s2, $0x0  }
0xdd: {  	s3 =	rddreg [dreg:$0x2];
	[bflag:$0x3] =	sbarrier.arrive $0xFFFF;
	s2 =	simm.s32 @!p0 $0x1C03  }
0xde: {  	[timem:s3], [sflag:s2] =	dma.local @!p0 [hbm:s0], s1  }
0xdf: {  	s0 =	simm.s32 @!p0 $0x3  }
0xe0: {  	_ =	swait.ge @!p0 [sflag:s0], s1  }
0xe1: {  	s1 =	ssub.s32 @!p0 $0x0, s1;
	[sflag:s0] =	ssyncset.done @!p0 $0x0  }
0xe2: {  	[sflag:s0] =	ssyncadd.s32 @!p0 s1  }
0xe3: {  	[bflag:$0x3] =	sbarrier.arrive $0xFFFF  }
0xe4: {  	_ =	shalt  }

</sc_bundles>
